<compile_context>
chip_gen: v7x
topology: tpu7x:2x2x1
jax: 0.10.2.dev20260603
libtpu: 0.0.44.dev20260713+nightly
codegen_flags: <defaults>
</compile_context>

<pallas_src>
import functools

import jax
import jax.numpy as jnp
from jax import lax
from jax.experimental import pallas as pl
from jax.experimental.pallas import tpu as pltpu
from jax.experimental.pallas import tpu_sc as plsc

_VTILE = 8192


def _mix_body(tT_ref, w_ref, o_ref):
    g = o_ref.shape[0]
    parts = [
        lax.dot_general(
            tT_ref[:, q * g:(q + 1) * g], w_ref[...],
            dimension_numbers=(((0,), (0,)), ((), ())),
            preferred_element_type=jnp.float32)
        for q in range(8)
    ]
    o_ref[...] = jnp.concatenate(parts, axis=1)


def _precompute_table(table_T, w):
    NE, V = table_T.shape
    E = w.shape[1]
    grid = (V + _VTILE - 1) // _VTILE
    return pl.pallas_call(
        _mix_body,
        grid=(grid,),
        in_specs=[pl.BlockSpec((NE, _VTILE), lambda i: (0, i)),
                  pl.BlockSpec((NE, E), lambda i: (0, 0))],
        out_specs=pl.BlockSpec((_VTILE // 8, 128), lambda i: (i, 0)),
        out_shape=jax.ShapeDtypeStruct((grid * (_VTILE // 8), 128),
                                       jnp.float32),
    )(table_T, w)


@functools.cache
def _make_sc_gather(V, Bb, Ss, E):
    info = plsc.get_sparse_core_info()
    NC, NS = info.num_cores, info.num_subcores
    NW = NC * NS
    b_per_w = Bb // NW
    CB = 32
    nch = b_per_w // CB
    ct = CB * Ss
    n_per_w = b_per_w * Ss
    mesh = plsc.VectorSubcoreMesh(core_axis_name="c", subcore_axis_name="s")

    TB = Bb // 128
    ET = E // 8

    @functools.partial(
        pl.kernel, mesh=mesh,
        out_type=jax.ShapeDtypeStruct((Ss, ET, TB, 8, 128), jnp.float32),
        scratch_types=[
            pltpu.VMEM((n_per_w,), jnp.int32),
            pltpu.VMEM((ct, E), jnp.float32),
            pltpu.VMEM((ct, E), jnp.float32),
            pltpu.VMEM((Ss, ET, 8, CB + 1), jnp.float32),
            pltpu.VMEM((Ss, ET, 8, CB + 1), jnp.float32),
            pltpu.SemaphoreType.DMA,
            pltpu.SemaphoreType.DMA,
        ],
        compiler_params=pltpu.CompilerParams(
            use_tc_tiling_on_sc=False, needs_layout_passes=False),
    )
    def k(table_hbm, idx_hbm, out_hbm, idx_v, rows_a, rows_b, trans_a,
          trans_b, sem_g, sem_o):
        wid = lax.axis_index("s") * NC + lax.axis_index("c")
        base = wid * n_per_w
        pltpu.sync_copy(idx_hbm.at[pl.ds(base, n_per_w)], idx_v)
        lane = lax.iota(jnp.int32, 16)
        tf = lane // 8
        fi = lane % 8

        bufs = [rows_a, rows_b]
        tbufs = [trans_a, trans_b]
        hg = [None] * nch
        ho = [None, None]
        hg[0] = pltpu.async_copy(
            table_hbm.at[idx_v.at[pl.ds(0, ct)]], bufs[0], sem_g)
        for c in range(nch):
            hg[c].wait()
            if c + 1 < nch:
                hg[c + 1] = pltpu.async_copy(
                    table_hbm.at[idx_v.at[pl.ds((c + 1) * ct, ct)]],
                    bufs[(c + 1) % 2], sem_g)
            if ho[c % 2] is not None:
                ho[c % 2].wait()
            rows_v = bufs[c % 2]
            trans_v = tbufs[c % 2]

            def body(bl, _):
                blv = jnp.full((16,), 0, jnp.int32) + bl
                K = 5
                for s0 in range(0, Ss, K):
                    grp = [rows_v[bl * Ss + s0 + j, :] for j in range(K)]
                    for j, row in enumerate(grp):
                        plsc.store_scatter(
                            trans_v,
                            [jnp.full((16,), s0 + j, jnp.int32), tf, fi,
                             blv], row)
                return 0

            lax.fori_loop(0, CB, body, 0)
            ho[c % 2] = pltpu.async_copy(
                trans_v.at[:, :, :, pl.ds(0, CB)],
                out_hbm.at[:, :, wid, :, pl.ds(c * CB, CB)],
                sem_o)
        for h in ho:
            if h is not None:
                h.wait()

    return k


def kernel(input_ids, state_embeddings, superposition_matrix):
    V, NSt, E = state_embeddings.shape
    Bb, Ss = input_ids.shape
    w = jnp.tile(superposition_matrix * (1.0 / NSt), (NSt, 1))
    table_T = state_embeddings.reshape(V, NSt * E).T
    t2 = _precompute_table(table_T, w)
    table2 = t2.reshape(t2.shape[0] * 8, E)
    v = input_ids.reshape(-1).astype(jnp.int32)
    g = _VTILE // 8
    rem = v % _VTILE
    flat_ids = (v - rem) + (rem % g) * 8 + rem // g
    out5 = _make_sc_gather(V, Bb, Ss, E)(table2, flat_ids)
    return jnp.transpose(out5, (2, 4, 0, 1, 3)).reshape(Bb, Ss, E)

# --- scband reference (transcript-rebuilt; emitter-appended) ---
"""Pipeline reference for scband-quantum-embeddings-10771777978922 (READ-ONLY COPY).

The authoritative reference and input builder live on the scoring server;
editing this copy changes nothing except your own understanding.
"""

import jax, jax.numpy as jnp
import numpy as np

VOCAB = 100000
NUM_STATES = 16
EMBED_DIM = 16
B = 4096
S = 50


def setup_inputs(seed: int = 0) -> dict:
    key = jax.random.key(seed)
    k1, k2, k3 = jax.random.split(key, 3)
    input_ids = jax.random.randint(k1, (B, S), 0, VOCAB)
    state_embeddings = jax.random.normal(k2, (VOCAB, NUM_STATES, EMBED_DIM), dtype=jnp.float32) * 0.1
    sm = jnp.eye(NUM_STATES, dtype=jnp.float32) + jax.random.normal(k3, (NUM_STATES, NUM_STATES), dtype=jnp.float32) * 0.5
    sm = sm / jnp.linalg.norm(sm, axis=1, keepdims=True)
    return {"input_ids": input_ids, "state_embeddings": state_embeddings, "superposition_matrix": sm}


def reference(input_ids, state_embeddings, superposition_matrix):
    # gather: [B, S] -> [B, S, num_states, embed_dim]
    state_embeds = jnp.take(state_embeddings, input_ids, axis=0)
    # _create_superposition (default path: context=None, collapse=False)
    mixed_states = jnp.einsum('bsne,ef->bsnf', state_embeds, superposition_matrix)
    n = mixed_states.shape[2]
    weights = jnp.ones(mixed_states.shape[:-1], dtype=mixed_states.dtype) / n
    superposition = jnp.sum(mixed_states * weights[..., None], axis=2)
    return superposition

if __name__ == "__main__":
    import jax
    _d = setup_inputs()
    print(jax.jit(kernel)(*tuple(_d.values())))

</pallas_src>

<mosaic_0001>
#map = affine_map<(d0, d1) -> (0, 0)>
#map1 = affine_map<(d0, d1) -> (0)>
#map2 = affine_map<(d0, d1) -> (0, 0, 0, 0, 0)>
module attributes {stable_mosaic.version = 14 : i64} {
  func.func @k(%arg0: i32, %arg1: i32, %arg2: memref<106496x16xf32, #tpu.memory_space<hbm>>, %arg3: memref<204800xi32, #tpu.memory_space<hbm>>, %arg4: memref<50x2x32x8x128xf32, #tpu.memory_space<hbm>>, %arg5: memref<6400xi32, #tpu.memory_space<vmem>>, %arg6: memref<1600x16xf32, #tpu.memory_space<vmem>>, %arg7: memref<1600x16xf32, #tpu.memory_space<vmem>>, %arg8: memref<50x2x8x33xf32, #tpu.memory_space<vmem>>, %arg9: memref<50x2x8x33xf32, #tpu.memory_space<vmem>>, %arg10: memref<!tpu.dma_semaphore, #tpu.memory_space<semaphore_mem>>, %arg11: memref<!tpu.dma_semaphore, #tpu.memory_space<semaphore_mem>>) attributes {dimension_semantics = [#tpu.dimension_semantics<core_parallel>, #tpu.dimension_semantics<subcore_parallel>], iteration_bounds = array<i64: 2, 16>, scalar_prefetch = 0 : i64, scratch_operands = 7 : i64, tpu.core_type = #tpu.core_type<sc_vector_subcore>, window_params = [{transform_indices = #map}, {transform_indices = #map1}, {transform_indices = #map2}]} {
    %mul3A = arith.constant 2 : i32
    %mul3A_0 = arith.muli %arg1, %mul3A : i32
    %add3A = arith.addi %mul3A_0, %arg0 : i32
    %mul3A_1 = arith.constant 6400 : i32
    %mul3A_2 = arith.muli %add3A, %mul3A_1 : i32
    "tpu.region"() ({
      %run_scoped3A = tpu.sem_alloc : memref<!tpu.dma_semaphore, #tpu.memory_space<semaphore_mem>>
      %dma_start3A_287 = tpu.memref_slice %arg3[%mul3A_2] : memref<204800xi32, #tpu.memory_space<hbm>> -> memref<6400xi32, #tpu.memory_space<hbm>>
      %dma_start3A_288 = tpu.memref_slice %arg3[%mul3A_2] : memref<204800xi32, #tpu.memory_space<hbm>> -> memref<6400xi32, #tpu.memory_space<hbm>>
      tpu.enqueue_dma source(%dma_start3A_288 : memref<6400xi32, #tpu.memory_space<hbm>>) target(%arg5 : memref<6400xi32, #tpu.memory_space<vmem>>) target_semaphore(%run_scoped3A : memref<!tpu.dma_semaphore, #tpu.memory_space<semaphore_mem>>)
      %dma_wait3A_289 = tpu.memref_slice %arg3[%mul3A_2] : memref<204800xi32, #tpu.memory_space<hbm>> -> memref<6400xi32, #tpu.memory_space<hbm>>
      %dma_wait3A_290 = tpu.memref_slice %arg3[%mul3A_2] : memref<204800xi32, #tpu.memory_space<hbm>> -> memref<6400xi32, #tpu.memory_space<hbm>>
      tpu.wait_dma2 semaphore(%run_scoped3A : memref<!tpu.dma_semaphore, #tpu.memory_space<semaphore_mem>>) src(%dma_wait3A_290 : memref<6400xi32, #tpu.memory_space<hbm>>) dst(%arg5 : memref<6400xi32, #tpu.memory_space<vmem>>)
      tpu.yield
    }) : () -> ()
    %iota3A = tpu.iota {dimensions = array<i32: 0>} : vector<16xi32>
    %jit3A = arith.constant 8 : i32
    %div3A = vector.broadcast %jit3A : i32 to vector<16xi32>
    %div3A_3 = arith.divsi %iota3A, %div3A : vector<16xi32>
    %sign3A = arith.constant 0 : i32
    %sign3A_4 = vector.broadcast %sign3A : i32 to vector<16xi32>
    %sign3A_5 = arith.cmpi sgt, %iota3A, %sign3A_4 : vector<16xi32>
    %sign3A_6 = arith.extui %sign3A_5 : vector<16xi1> to vector<16xi32>
    %sign3A_7 = arith.constant 0 : i32
    %sign3A_8 = vector.broadcast %sign3A_7 : i32 to vector<16xi32>
    %sign3A_9 = arith.cmpi slt, %iota3A, %sign3A_8 : vector<16xi32>
    %sign3A_10 = arith.extui %sign3A_9 : vector<16xi1> to vector<16xi32>
    %sign3A_11 = arith.subi %sign3A_6, %sign3A_10 : vector<16xi32>
    %sign3A_12 = arith.constant 0 : i32
    %sign3A_13 = arith.cmpi sgt, %jit3A, %sign3A_12 : i32
    %sign3A_14 = arith.extui %sign3A_13 : i1 to i32
    %sign3A_15 = arith.constant 0 : i32
    %sign3A_16 = arith.cmpi slt, %jit3A, %sign3A_15 : i32
    %sign3A_17 = arith.extui %sign3A_16 : i1 to i32
    %sign3A_18 = arith.subi %sign3A_14, %sign3A_17 : i32
    %ne3A = vector.broadcast %sign3A_18 : i32 to vector<16xi32>
    %ne3A_19 = arith.cmpi ne, %sign3A_11, %ne3A : vector<16xi32>
    %rem3A = vector.broadcast %jit3A : i32 to vector<16xi32>
    %rem3A_20 = arith.remsi %iota3A, %rem3A : vector<16xi32>
    %ne3A_21 = arith.constant 0 : i32
    %ne3A_22 = vector.broadcast %ne3A_21 : i32 to vector<16xi32>
    %ne3A_23 = arith.cmpi ne, %rem3A_20, %ne3A_22 : vector<16xi32>
    %and3A = arith.andi %ne3A_19, %ne3A_23 : vector<16xi1>
    %sub3A = arith.constant 1 : i32
    %sub3A_24 = vector.broadcast %sub3A : i32 to vector<16xi32>
    %sub3A_25 = arith.subi %div3A_3, %sub3A_24 : vector<16xi32>
    %select_n3A = arith.select %and3A, %sub3A_25, %div3A_3 : vector<16xi1>, vector<16xi32>
    %jit3A_26 = arith.constant 8 : i32
    %eq3A = arith.constant 0 : i32
    %eq3A_27 = arith.cmpi eq, %jit3A_26, %eq3A : i32
    %jit3A_28 = arith.constant 1 : i32
    %select_n3A_29 = arith.select %eq3A_27, %jit3A_28, %jit3A_26 : i32
    %rem3A_30 = vector.broadcast %select_n3A_29 : i32 to vector<16xi32>
    %rem3A_31 = arith.remsi %iota3A, %rem3A_30 : vector<16xi32>
    %ne3A_32 = arith.constant 0 : i32
    %ne3A_33 = vector.broadcast %ne3A_32 : i32 to vector<16xi32>
    %ne3A_34 = arith.cmpi ne, %rem3A_31, %ne3A_33 : vector<16xi32>
    %lt3A = arith.constant 0 : i32
    %lt3A_35 = vector.broadcast %lt3A : i32 to vector<16xi32>
    %lt3A_36 = arith.cmpi slt, %rem3A_31, %lt3A_35 : vector<16xi32>
    %lt3A_37 = arith.constant 0 : i32
    %lt3A_38 = arith.cmpi slt, %select_n3A_29, %lt3A_37 : i32
    %ne3A_39 = vector.broadcast %lt3A_38 : i1 to vector<16xi1>
    %ne3A_40 = vector.broadcast %ne3A_39 : vector<16xi1> to vector<16xi1>
    %ne3A_41 = arith.xori %lt3A_36, %ne3A_40 : vector<16xi1>
    %and3A_42 = arith.andi %ne3A_41, %ne3A_34 : vector<16xi1>
    %add3A_43 = vector.broadcast %select_n3A_29 : i32 to vector<16xi32>
    %add3A_44 = arith.addi %rem3A_31, %add3A_43 : vector<16xi32>
    %select_n3A_45 = arith.select %and3A_42, %add3A_44, %rem3A_31 : vector<16xi1>, vector<16xi32>
    %dma_start3A = arith.constant 0 : i32
    %dma_start3A_46 = tpu.memref_slice %arg5[%dma_start3A] : memref<6400xi32, #tpu.memory_space<vmem>> -> memref<1600xi32, #tpu.memory_space<vmem>>
    %dma_start3A_47 = arith.constant 0 : i32
    %dma_start3A_48 = arith.constant 0 : i32
    %dma_start3A_49 = tpu.memref_slice %arg2[%dma_start3A_47, %dma_start3A_48] : memref<106496x16xf32, #tpu.memory_space<hbm>> -> memref<106496x16xf32, #tpu.memory_space<hbm>>
    tpu.enqueue_indirect_dma source(%dma_start3A_49 : memref<106496x16xf32, #tpu.memory_space<hbm>>) target(%arg6 : memref<1600x16xf32, #tpu.memory_space<vmem>>) offsets(%dma_start3A_46 : memref<1600xi32, #tpu.memory_space<vmem>>) semaphore(%arg10 : memref<!tpu.dma_semaphore, #tpu.memory_space<semaphore_mem>>)
    %dma_wait3A = arith.constant 0 : i32
    %dma_wait3A_50 = tpu.memref_slice %arg5[%dma_wait3A] : memref<6400xi32, #tpu.memory_space<vmem>> -> memref<1600xi32, #tpu.memory_space<vmem>>
    %dma_wait3A_51 = arith.constant 0 : i32
    %dma_wait3A_52 = arith.constant 0 : i32
    %dma_wait3A_53 = tpu.memref_slice %arg2[%dma_wait3A_51, %dma_wait3A_52] : memref<106496x16xf32, #tpu.memory_space<hbm>> -> memref<106496x16xf32, #tpu.memory_space<hbm>>
    tpu.wait_indirect_dma semaphore(%arg10 : memref<!tpu.dma_semaphore, #tpu.memory_space<semaphore_mem>>) src(%dma_wait3A_53 : memref<106496x16xf32, #tpu.memory_space<hbm>>) dst(%arg6 : memref<1600x16xf32, #tpu.memory_space<vmem>>)
    %dma_start3A_54 = arith.constant 1600 : i32
    %dma_start3A_55 = tpu.memref_slice %arg5[%dma_start3A_54] : memref<6400xi32, #tpu.memory_space<vmem>> -> memref<1600xi32, #tpu.memory_space<vmem>>
    %dma_start3A_56 = arith.constant 0 : i32
    %dma_start3A_57 = arith.constant 0 : i32
    %dma_start3A_58 = tpu.memref_slice %arg2[%dma_start3A_56, %dma_start3A_57] : memref<106496x16xf32, #tpu.memory_space<hbm>> -> memref<106496x16xf32, #tpu.memory_space<hbm>>
    tpu.enqueue_indirect_dma source(%dma_start3A_58 : memref<106496x16xf32, #tpu.memory_space<hbm>>) target(%arg7 : memref<1600x16xf32, #tpu.memory_space<vmem>>) offsets(%dma_start3A_55 : memref<1600xi32, #tpu.memory_space<vmem>>) semaphore(%arg10 : memref<!tpu.dma_semaphore, #tpu.memory_space<semaphore_mem>>)
    %scan3A = arith.constant 0 : i32
    %scan3A_59 = arith.constant 0 : i32
    %scan3A_60 = arith.constant 32 : i32
    %scan3A_61 = arith.addi %scan3A_59, %scan3A_60 : i32
    %scan3A_62 = arith.constant 1 : i32
    %scan3A_63 = scf.for %scan3A_287 = %scan3A_59 to %scan3A_61 step %scan3A_62 iter_args(%scan3A_288 = %scan3A) -> (i32)  : i32 {
      %broadcast_in_dim3A = arith.constant 0 : i32
      %broadcast_in_dim3A_289 = vector.broadcast %broadcast_in_dim3A : i32 to vector<16xi32>
      %add3A_290 = vector.broadcast %scan3A_287 : i32 to vector<16xi32>
      %add3A_291 = arith.addi %broadcast_in_dim3A_289, %add3A_290 : vector<16xi32>
      %mul3A_292 = arith.constant 50 : i32
      %mul3A_293 = arith.muli %scan3A_287, %mul3A_292 : i32
      %add3A_294 = arith.constant 0 : i32
      %add3A_295 = arith.addi %mul3A_293, %add3A_294 : i32
      %add3A_296 = arith.constant 0 : i32
      %add3A_297 = arith.addi %add3A_295, %add3A_296 : i32
      %get3A = arith.index_cast %add3A_297 : i32 to index
      %get3A_298 = arith.constant 0 : index
      %get3A_299 = tpu.vector_load %arg6[%get3A, %get3A_298] {strides = array<i32>} : memref<1600x16xf32, #tpu.memory_space<vmem>>, vector<16xf32>,
      %mul3A_300 = arith.constant 50 : i32
      %mul3A_301 = arith.muli %scan3A_287, %mul3A_300 : i32
      %add3A_302 = arith.constant 0 : i32
      %add3A_303 = arith.addi %mul3A_301, %add3A_302 : i32
      %add3A_304 = arith.constant 1 : i32
      %add3A_305 = arith.addi %add3A_303, %add3A_304 : i32
      %get3A_306 = arith.index_cast %add3A_305 : i32 to index
      %get3A_307 = arith.constant 0 : index
      %get3A_308 = tpu.vector_load %arg6[%get3A_306, %get3A_307] {strides = array<i32>} : memref<1600x16xf32, #tpu.memory_space<vmem>>, vector<16xf32>,
      %mul3A_309 = arith.constant 50 : i32
      %mul3A_310 = arith.muli %scan3A_287, %mul3A_309 : i32
      %add3A_311 = arith.constant 0 : i32
      %add3A_312 = arith.addi %mul3A_310, %add3A_311 : i32
      %add3A_313 = arith.constant 2 : i32
      %add3A_314 = arith.addi %add3A_312, %add3A_313 : i32
      %get3A_315 = arith.index_cast %add3A_314 : i32 to index
      %get3A_316 = arith.constant 0 : index
      %get3A_317 = tpu.vector_load %arg6[%get3A_315, %get3A_316] {strides = array<i32>} : memref<1600x16xf32, #tpu.memory_space<vmem>>, vector<16xf32>,
      %mul3A_318 = arith.constant 50 : i32
      %mul3A_319 = arith.muli %scan3A_287, %mul3A_318 : i32
      %add3A_320 = arith.constant 0 : i32
      %add3A_321 = arith.addi %mul3A_319, %add3A_320 : i32
      %add3A_322 = arith.constant 3 : i32
      %add3A_323 = arith.addi %add3A_321, %add3A_322 : i32
      %get3A_324 = arith.index_cast %add3A_323 : i32 to index
      %get3A_325 = arith.constant 0 : index
      %get3A_326 = tpu.vector_load %arg6[%get3A_324, %get3A_325] {strides = array<i32>} : memref<1600x16xf32, #tpu.memory_space<vmem>>, vector<16xf32>,
      %mul3A_327 = arith.constant 50 : i32
      %mul3A_328 = arith.muli %scan3A_287, %mul3A_327 : i32
      %add3A_329 = arith.constant 0 : i32
      %add3A_330 = arith.addi %mul3A_328, %add3A_329 : i32
      %add3A_331 = arith.constant 4 : i32
      %add3A_332 = arith.addi %add3A_330, %add3A_331 : i32
      %get3A_333 = arith.index_cast %add3A_332 : i32 to index
      %get3A_334 = arith.constant 0 : index
      %get3A_335 = tpu.vector_load %arg6[%get3A_333, %get3A_334] {strides = array<i32>} : memref<1600x16xf32, #tpu.memory_space<vmem>>, vector<16xf32>,
      %broadcast_in_dim3A_336 = arith.constant 0 : i32
      %broadcast_in_dim3A_337 = vector.broadcast %broadcast_in_dim3A_336 : i32 to vector<16xi32>
      tpu.vector_store_idx %arg8[%broadcast_in_dim3A_337, %select_n3A, %select_n3A_45, %add3A_291], %get3A_299 : memref<50x2x8x33xf32, #tpu.memory_space<vmem>>[vector<16xi32>, vector<16xi32>, vector<16xi32>, vector<16xi32>], vector<16xf32>,
      %broadcast_in_dim3A_338 = arith.constant 1 : i32
      %broadcast_in_dim3A_339 = vector.broadcast %broadcast_in_dim3A_338 : i32 to vector<16xi32>
      tpu.vector_store_idx %arg8[%broadcast_in_dim3A_339, %select_n3A, %select_n3A_45, %add3A_291], %get3A_308 : memref<50x2x8x33xf32, #tpu.memory_space<vmem>>[vector<16xi32>, vector<16xi32>, vector<16xi32>, vector<16xi32>], vector<16xf32>,
      %broadcast_in_dim3A_340 = arith.constant 2 : i32
      %broadcast_in_dim3A_341 = vector.broadcast %broadcast_in_dim3A_340 : i32 to vector<16xi32>
      tpu.vector_store_idx %arg8[%broadcast_in_dim3A_341, %select_n3A, %select_n3A_45, %add3A_291], %get3A_317 : memref<50x2x8x33xf32, #tpu.memory_space<vmem>>[vector<16xi32>, vector<16xi32>, vector<16xi32>, vector<16xi32>], vector<16xf32>,
      %broadcast_in_dim3A_342 = arith.constant 3 : i32
      %broadcast_in_dim3A_343 = vector.broadcast %broadcast_in_dim3A_342 : i32 to vector<16xi32>
      tpu.vector_store_idx %arg8[%broadcast_in_dim3A_343, %select_n3A, %select_n3A_45, %add3A_291], %get3A_326 : memref<50x2x8x33xf32, #tpu.memory_space<vmem>>[vector<16xi32>, vector<16xi32>, vector<16xi32>, vector<16xi32>], vector<16xf32>,
      %broadcast_in_dim3A_344 = arith.constant 4 : i32
      %broadcast_in_dim3A_345 = vector.broadcast %broadcast_in_dim3A_344 : i32 to vector<16xi32>
      tpu.vector_store_idx %arg8[%broadcast_in_dim3A_345, %select_n3A, %select_n3A_45, %add3A_291], %get3A_335 : memref<50x2x8x33xf32, #tpu.memory_space<vmem>>[vector<16xi32>, vector<16xi32>, vector<16xi32>, vector<16xi32>], vector<16xf32>,
      %mul3A_346 = arith.constant 50 : i32
      %mul3A_347 = arith.muli %scan3A_287, %mul3A_346 : i32
      %add3A_348 = arith.constant 5 : i32
      %add3A_349 = arith.addi %mul3A_347, %add3A_348 : i32
      %add3A_350 = arith.constant 0 : i32
      %add3A_351 = arith.addi %add3A_349, %add3A_350 : i32
      %get3A_352 = arith.index_cast %add3A_351 : i32 to index
      %get3A_353 = arith.constant 0 : index
      %get3A_354 = tpu.vector_load %arg6[%get3A_352, %get3A_353] {strides = array<i32>} : memref<1600x16xf32, #tpu.memory_space<vmem>>, vector<16xf32>,
      %mul3A_355 = arith.constant 50 : i32
      %mul3A_356 = arith.muli %scan3A_287, %mul3A_355 : i32
      %add3A_357 = arith.constant 5 : i32
      %add3A_358 = arith.addi %mul3A_356, %add3A_357 : i32
      %add3A_359 = arith.constant 1 : i32
      %add3A_360 = arith.addi %add3A_358, %add3A_359 : i32
      %get3A_361 = arith.index_cast %add3A_360 : i32 to index
      %get3A_362 = arith.constant 0 : index
      %get3A_363 = tpu.vector_load %arg6[%get3A_361, %get3A_362] {strides = array<i32>} : memref<1600x16xf32, #tpu.memory_space<vmem>>, vector<16xf32>,
      %mul3A_364 = arith.constant 50 : i32
      %mul3A_365 = arith.muli %scan3A_287, %mul3A_364 : i32
      %add3A_366 = arith.constant 5 : i32
      %add3A_367 = arith.addi %mul3A_365, %add3A_366 : i32
      %add3A_368 = arith.constant 2 : i32
      %add3A_369 = arith.addi %add3A_367, %add3A_368 : i32
      %get3A_370 = arith.index_cast %add3A_369 : i32 to index
      %get3A_371 = arith.constant 0 : index
      %get3A_372 = tpu.vector_load %arg6[%get3A_370, %get3A_371] {strides = array<i32>} : memref<1600x16xf32, #tpu.memory_space<vmem>>, vector<16xf32>,
      %mul3A_373 = arith.constant 50 : i32
      %mul3A_374 = arith.muli %scan3A_287, %mul3A_373 : i32
      %add3A_375 = arith.constant 5 : i32
      %add3A_376 = arith.addi %mul3A_374, %add3A_375 : i32
      %add3A_377 = arith.constant 3 : i32
      %add3A_378 = arith.addi %add3A_376, %add3A_377 : i32
      %get3A_379 = arith.index_cast %add3A_378 : i32 to index
      %get3A_380 = arith.constant 0 : index
      %get3A_381 = tpu.vector_load %arg6[%get3A_379, %get3A_380] {strides = array<i32>} : memref<1600x16xf32, #tpu.memory_space<vmem>>, vector<16xf32>,
      %mul3A_382 = arith.constant 50 : i32
      %mul3A_383 = arith.muli %scan3A_287, %mul3A_382 : i32
      %add3A_384 = arith.constant 5 : i32
      %add3A_385 = arith.addi %mul3A_383, %add3A_384 : i32
      %add3A_386 = arith.constant 4 : i32
      %add3A_387 = arith.addi %add3A_385, %add3A_386 : i32
      %get3A_388 = arith.index_cast %add3A_387 : i32 to index
      %get3A_389 = arith.constant 0 : index
      %get3A_390 = tpu.vector_load %arg6[%get3A_388, %get3A_389] {strides = array<i32>} : memref<1600x16xf32, #tpu.memory_space<vmem>>, vector<16xf32>,
      %broadcast_in_dim3A_391 = arith.constant 5 : i32
      %broadcast_in_dim3A_392 = vector.broadcast %broadcast_in_dim3A_391 : i32 to vector<16xi32>
      tpu.vector_store_idx %arg8[%broadcast_in_dim3A_392, %select_n3A, %select_n3A_45, %add3A_291], %get3A_354 : memref<50x2x8x33xf32, #tpu.memory_space<vmem>>[vector<16xi32>, vector<16xi32>, vector<16xi32>, vector<16xi32>], vector<16xf32>,
      %broadcast_in_dim3A_393 = arith.constant 6 : i32
      %broadcast_in_dim3A_394 = vector.broadcast %broadcast_in_dim3A_393 : i32 to vector<16xi32>
      tpu.vector_store_idx %arg8[%broadcast_in_dim3A_394, %select_n3A, %select_n3A_45, %add3A_291], %get3A_363 : memref<50x2x8x33xf32, #tpu.memory_space<vmem>>[vector<16xi32>, vector<16xi32>, vector<16xi32>, vector<16xi32>], vector<16xf32>,
      %broadcast_in_dim3A_395 = arith.constant 7 : i32
      %broadcast_in_dim3A_396 = vector.broadcast %broadcast_in_dim3A_395 : i32 to vector<16xi32>
      tpu.vector_store_idx %arg8[%broadcast_in_dim3A_396, %select_n3A, %select_n3A_45, %add3A_291], %get3A_372 : memref<50x2x8x33xf32, #tpu.memory_space<vmem>>[vector<16xi32>, vector<16xi32>, vector<16xi32>, vector<16xi32>], vector<16xf32>,
      %broadcast_in_dim3A_397 = arith.constant 8 : i32
      %broadcast_in_dim3A_398 = vector.broadcast %broadcast_in_dim3A_397 : i32 to vector<16xi32>
      tpu.vector_store_idx %arg8[%broadcast_in_dim3A_398, %select_n3A, %select_n3A_45, %add3A_291], %get3A_381 : memref<50x2x8x33xf32, #tpu.memory_space<vmem>>[vector<16xi32>, vector<16xi32>, vector<16xi32>, vector<16xi32>], vector<16xf32>,
      %broadcast_in_dim3A_399 = arith.constant 9 : i32
      %broadcast_in_dim3A_400 = vector.broadcast %broadcast_in_dim3A_399 : i32 to vector<16xi32>
      tpu.vector_store_idx %arg8[%broadcast_in_dim3A_400, %select_n3A, %select_n3A_45, %add3A_291], %get3A_390 : memref<50x2x8x33xf32, #tpu.memory_space<vmem>>[vector<16xi32>, vector<16xi32>, vector<16xi32>, vector<16xi32>], vector<16xf32>,
      %mul3A_401 = arith.constant 50 : i32
      %mul3A_402 = arith.muli %scan3A_287, %mul3A_401 : i32
      %add3A_403 = arith.constant 10 : i32
      %add3A_404 = arith.addi %mul3A_402, %add3A_403 : i32
      %add3A_405 = arith.constant 0 : i32
      %add3A_406 = arith.addi %add3A_404, %add3A_405 : i32
      %get3A_407 = arith.index_cast %add3A_406 : i32 to index
      %get3A_408 = arith.constant 0 : index
      %get3A_409 = tpu.vector_load %arg6[%get3A_407, %get3A_408] {strides = array<i32>} : memref<1600x16xf32, #tpu.memory_space<vmem>>, vector<16xf32>,
      %mul3A_410 = arith.constant 50 : i32
      %mul3A_411 = arith.muli %scan3A_287, %mul3A_410 : i32
      %add3A_412 = arith.constant 10 : i32
      %add3A_413 = arith.addi %mul3A_411, %add3A_412 : i32
      %add3A_414 = arith.constant 1 : i32
      %add3A_415 = arith.addi %add3A_413, %add3A_414 : i32
      %get3A_416 = arith.index_cast %add3A_415 : i32 to index
      %get3A_417 = arith.constant 0 : index
      %get3A_418 = tpu.vector_load %arg6[%get3A_416, %get3A_417] {strides = array<i32>} : memref<1600x16xf32, #tpu.memory_space<vmem>>, vector<16xf32>,
      %mul3A_419 = arith.constant 50 : i32
      %mul3A_420 = arith.muli %scan3A_287, %mul3A_419 : i32
      %add3A_421 = arith.constant 10 : i32
      %add3A_422 = arith.addi %mul3A_420, %add3A_421 : i32
      %add3A_423 = arith.constant 2 : i32
      %add3A_424 = arith.addi %add3A_422, %add3A_423 : i32
      %get3A_425 = arith.index_cast %add3A_424 : i32 to index
      %get3A_426 = arith.constant 0 : index
      %get3A_427 = tpu.vector_load %arg6[%get3A_425, %get3A_426] {strides = array<i32>} : memref<1600x16xf32, #tpu.memory_space<vmem>>, vector<16xf32>,
      %mul3A_428 = arith.constant 50 : i32
      %mul3A_429 = arith.muli %scan3A_287, %mul3A_428 : i32
      %add3A_430 = arith.constant 10 : i32
      %add3A_431 = arith.addi %mul3A_429, %add3A_430 : i32
      %add3A_432 = arith.constant 3 : i32
      %add3A_433 = arith.addi %add3A_431, %add3A_432 : i32
      %get3A_434 = arith.index_cast %add3A_433 : i32 to index
      %get3A_435 = arith.constant 0 : index
      %get3A_436 = tpu.vector_load %arg6[%get3A_434, %get3A_435] {strides = array<i32>} : memref<1600x16xf32, #tpu.memory_space<vmem>>, vector<16xf32>,
      %mul3A_437 = arith.constant 50 : i32
      %mul3A_438 = arith.muli %scan3A_287, %mul3A_437 : i32
      %add3A_439 = arith.constant 10 : i32
      %add3A_440 = arith.addi %mul3A_438, %add3A_439 : i32
      %add3A_441 = arith.constant 4 : i32
      %add3A_442 = arith.addi %add3A_440, %add3A_441 : i32
      %get3A_443 = arith.index_cast %add3A_442 : i32 to index
      %get3A_444 = arith.constant 0 : index
      %get3A_445 = tpu.vector_load %arg6[%get3A_443, %get3A_444] {strides = array<i32>} : memref<1600x16xf32, #tpu.memory_space<vmem>>, vector<16xf32>,
      %broadcast_in_dim3A_446 = arith.constant 10 : i32
      %broadcast_in_dim3A_447 = vector.broadcast %broadcast_in_dim3A_446 : i32 to vector<16xi32>
      tpu.vector_store_idx %arg8[%broadcast_in_dim3A_447, %select_n3A, %select_n3A_45, %add3A_291], %get3A_409 : memref<50x2x8x33xf32, #tpu.memory_space<vmem>>[vector<16xi32>, vector<16xi32>, vector<16xi32>, vector<16xi32>], vector<16xf32>,
      %broadcast_in_dim3A_448 = arith.constant 11 : i32
      %broadcast_in_dim3A_449 = vector.broadcast %broadcast_in_dim3A_448 : i32 to vector<16xi32>
      tpu.vector_store_idx %arg8[%broadcast_in_dim3A_449, %select_n3A, %select_n3A_45, %add3A_291], %get3A_418 : memref<50x2x8x33xf32, #tpu.memory_space<vmem>>[vector<16xi32>, vector<16xi32>, vector<16xi32>, vector<16xi32>], vector<16xf32>,
      %broadcast_in_dim3A_450 = arith.constant 12 : i32
      %broadcast_in_dim3A_451 = vector.broadcast %broadcast_in_dim3A_450 : i32 to vector<16xi32>
      tpu.vector_store_idx %arg8[%broadcast_in_dim3A_451, %select_n3A, %select_n3A_45, %add3A_291], %get3A_427 : memref<50x2x8x33xf32, #tpu.memory_space<vmem>>[vector<16xi32>, vector<16xi32>, vector<16xi32>, vector<16xi32>], vector<16xf32>,
      %broadcast_in_dim3A_452 = arith.constant 13 : i32
      %broadcast_in_dim3A_453 = vector.broadcast %broadcast_in_dim3A_452 : i32 to vector<16xi32>
      tpu.vector_store_idx %arg8[%broadcast_in_dim3A_453, %select_n3A, %select_n3A_45, %add3A_291], %get3A_436 : memref<50x2x8x33xf32, #tpu.memory_space<vmem>>[vector<16xi32>, vector<16xi32>, vector<16xi32>, vector<16xi32>], vector<16xf32>,
      %broadcast_in_dim3A_454 = arith.constant 14 : i32
      %broadcast_in_dim3A_455 = vector.broadcast %broadcast_in_dim3A_454 : i32 to vector<16xi32>
      tpu.vector_store_idx %arg8[%broadcast_in_dim3A_455, %select_n3A, %select_n3A_45, %add3A_291], %get3A_445 : memref<50x2x8x33xf32, #tpu.memory_space<vmem>>[vector<16xi32>, vector<16xi32>, vector<16xi32>, vector<16xi32>], vector<16xf32>,
      %mul3A_456 = arith.constant 50 : i32
      %mul3A_457 = arith.muli %scan3A_287, %mul3A_456 : i32
      %add3A_458 = arith.constant 15 : i32
      %add3A_459 = arith.addi %mul3A_457, %add3A_458 : i32
      %add3A_460 = arith.constant 0 : i32
      %add3A_461 = arith.addi %add3A_459, %add3A_460 : i32
      %get3A_462 = arith.index_cast %add3A_461 : i32 to index
      %get3A_463 = arith.constant 0 : index
      %get3A_464 = tpu.vector_load %arg6[%get3A_462, %get3A_463] {strides = array<i32>} : memref<1600x16xf32, #tpu.memory_space<vmem>>, vector<16xf32>,
      %mul3A_465 = arith.constant 50 : i32
      %mul3A_466 = arith.muli %scan3A_287, %mul3A_465 : i32
      %add3A_467 = arith.constant 15 : i32
      %add3A_468 = arith.addi %mul3A_466, %add3A_467 : i32
      %add3A_469 = arith.constant 1 : i32
      %add3A_470 = arith.addi %add3A_468, %add3A_469 : i32
      %get3A_471 = arith.index_cast %add3A_470 : i32 to index
      %get3A_472 = arith.constant 0 : index
      %get3A_473 = tpu.vector_load %arg6[%get3A_471, %get3A_472] {strides = array<i32>} : memref<1600x16xf32, #tpu.memory_space<vmem>>, vector<16xf32>,
      %mul3A_474 = arith.constant 50 : i32
      %mul3A_475 = arith.muli %scan3A_287, %mul3A_474 : i32
      %add3A_476 = arith.constant 15 : i32
      %add3A_477 = arith.addi %mul3A_475, %add3A_476 : i32
      %add3A_478 = arith.constant 2 : i32
      %add3A_479 = arith.addi %add3A_477, %add3A_478 : i32
      %get3A_480 = arith.index_cast %add3A_479 : i32 to index
      %get3A_481 = arith.constant 0 : index
      %get3A_482 = tpu.vector_load %arg6[%get3A_480, %get3A_481] {strides = array<i32>} : memref<1600x16xf32, #tpu.memory_space<vmem>>, vector<16xf32>,
      %mul3A_483 = arith.constant 50 : i32
      %mul3A_484 = arith.muli %scan3A_287, %mul3A_483 : i32
      %add3A_485 = arith.constant 15 : i32
      %add3A_486 = arith.addi %mul3A_484, %add3A_485 : i32
      %add3A_487 = arith.constant 3 : i32
      %add3A_488 = arith.addi %add3A_486, %add3A_487 : i32
      %get3A_489 = arith.index_cast %add3A_488 : i32 to index
      %get3A_490 = arith.constant 0 : index
      %get3A_491 = tpu.vector_load %arg6[%get3A_489, %get3A_490] {strides = array<i32>} : memref<1600x16xf32, #tpu.memory_space<vmem>>, vector<16xf32>,
      %mul3A_492 = arith.constant 50 : i32
      %mul3A_493 = arith.muli %scan3A_287, %mul3A_492 : i32
      %add3A_494 = arith.constant 15 : i32
      %add3A_495 = arith.addi %mul3A_493, %add3A_494 : i32
      %add3A_496 = arith.constant 4 : i32
      %add3A_497 = arith.addi %add3A_495, %add3A_496 : i32
      %get3A_498 = arith.index_cast %add3A_497 : i32 to index
      %get3A_499 = arith.constant 0 : index
      %get3A_500 = tpu.vector_load %arg6[%get3A_498, %get3A_499] {strides = array<i32>} : memref<1600x16xf32, #tpu.memory_space<vmem>>, vector<16xf32>,
      %broadcast_in_dim3A_501 = arith.constant 15 : i32
      %broadcast_in_dim3A_502 = vector.broadcast %broadcast_in_dim3A_501 : i32 to vector<16xi32>
      tpu.vector_store_idx %arg8[%broadcast_in_dim3A_502, %select_n3A, %select_n3A_45, %add3A_291], %get3A_464 : memref<50x2x8x33xf32, #tpu.memory_space<vmem>>[vector<16xi32>, vector<16xi32>, vector<16xi32>, vector<16xi32>], vector<16xf32>,
      %broadcast_in_dim3A_503 = arith.constant 16 : i32
      %broadcast_in_dim3A_504 = vector.broadcast %broadcast_in_dim3A_503 : i32 to vector<16xi32>
      tpu.vector_store_idx %arg8[%broadcast_in_dim3A_504, %select_n3A, %select_n3A_45, %add3A_291], %get3A_473 : memref<50x2x8x33xf32, #tpu.memory_space<vmem>>[vector<16xi32>, vector<16xi32>, vector<16xi32>, vector<16xi32>], vector<16xf32>,
      %broadcast_in_dim3A_505 = arith.constant 17 : i32
      %broadcast_in_dim3A_506 = vector.broadcast %broadcast_in_dim3A_505 : i32 to vector<16xi32>
      tpu.vector_store_idx %arg8[%broadcast_in_dim3A_506, %select_n3A, %select_n3A_45, %add3A_291], %get3A_482 : memref<50x2x8x33xf32, #tpu.memory_space<vmem>>[vector<16xi32>, vector<16xi32>, vector<16xi32>, vector<16xi32>], vector<16xf32>,
      %broadcast_in_dim3A_507 = arith.constant 18 : i32
      %broadcast_in_dim3A_508 = vector.broadcast %broadcast_in_dim3A_507 : i32 to vector<16xi32>
      tpu.vector_store_idx %arg8[%broadcast_in_dim3A_508, %select_n3A, %select_n3A_45, %add3A_291], %get3A_491 : memref<50x2x8x33xf32, #tpu.memory_space<vmem>>[vector<16xi32>, vector<16xi32>, vector<16xi32>, vector<16xi32>], vector<16xf32>,
      %broadcast_in_dim3A_509 = arith.constant 19 : i32
      %broadcast_in_dim3A_510 = vector.broadcast %broadcast_in_dim3A_509 : i32 to vector<16xi32>
      tpu.vector_store_idx %arg8[%broadcast_in_dim3A_510, %select_n3A, %select_n3A_45, %add3A_291], %get3A_500 : memref<50x2x8x33xf32, #tpu.memory_space<vmem>>[vector<16xi32>, vector<16xi32>, vector<16xi32>, vector<16xi32>], vector<16xf32>,
      %mul3A_511 = arith.constant 50 : i32
      %mul3A_512 = arith.muli %scan3A_287, %mul3A_511 : i32
      %add3A_513 = arith.constant 20 : i32
      %add3A_514 = arith.addi %mul3A_512, %add3A_513 : i32
      %add3A_515 = arith.constant 0 : i32
      %add3A_516 = arith.addi %add3A_514, %add3A_515 : i32
      %get3A_517 = arith.index_cast %add3A_516 : i32 to index
      %get3A_518 = arith.constant 0 : index
      %get3A_519 = tpu.vector_load %arg6[%get3A_517, %get3A_518] {strides = array<i32>} : memref<1600x16xf32, #tpu.memory_space<vmem>>, vector<16xf32>,
      %mul3A_520 = arith.constant 50 : i32
      %mul3A_521 = arith.muli %scan3A_287, %mul3A_520 : i32
      %add3A_522 = arith.constant 20 : i32
      %add3A_523 = arith.addi %mul3A_521, %add3A_522 : i32
      %add3A_524 = arith.constant 1 : i32
      %add3A_525 = arith.addi %add3A_523, %add3A_524 : i32
      %get3A_526 = arith.index_cast %add3A_525 : i32 to index
      %get3A_527 = arith.constant 0 : index
      %get3A_528 = tpu.vector_load %arg6[%get3A_526, %get3A_527] {strides = array<i32>} : memref<1600x16xf32, #tpu.memory_space<vmem>>, vector<16xf32>,
      %mul3A_529 = arith.constant 50 : i32
      %mul3A_530 = arith.muli %scan3A_287, %mul3A_529 : i32
      %add3A_531 = arith.constant 20 : i32
      %add3A_532 = arith.addi %mul3A_530, %add3A_531 : i32
      %add3A_533 = arith.constant 2 : i32
      %add3A_534 = arith.addi %add3A_532, %add3A_533 : i32
      %get3A_535 = arith.index_cast %add3A_534 : i32 to index
      %get3A_536 = arith.constant 0 : index
      %get3A_537 = tpu.vector_load %arg6[%get3A_535, %get3A_536] {strides = array<i32>} : memref<1600x16xf32, #tpu.memory_space<vmem>>, vector<16xf32>,
      %mul3A_538 = arith.constant 50 : i32
      %mul3A_539 = arith.muli %scan3A_287, %mul3A_538 : i32
      %add3A_540 = arith.constant 20 : i32
      %add3A_541 = arith.addi %mul3A_539, %add3A_540 : i32
      %add3A_542 = arith.constant 3 : i32
      %add3A_543 = arith.addi %add3A_541, %add3A_542 : i32
      %get3A_544 = arith.index_cast %add3A_543 : i32 to index
      %get3A_545 = arith.constant 0 : index
      %get3A_546 = tpu.vector_load %arg6[%get3A_544, %get3A_545] {strides = array<i32>} : memref<1600x16xf32, #tpu.memory_space<vmem>>, vector<16xf32>,
      %mul3A_547 = arith.constant 50 : i32
      %mul3A_548 = arith.muli %scan3A_287, %mul3A_547 : i32
      %add3A_549 = arith.constant 20 : i32
      %add3A_550 = arith.addi %mul3A_548, %add3A_549 : i32
      %add3A_551 = arith.constant 4 : i32
      %add3A_552 = arith.addi %add3A_550, %add3A_551 : i32
      %get3A_553 = arith.index_cast %add3A_552 : i32 to index
      %get3A_554 = arith.constant 0 : index
      %get3A_555 = tpu.vector_load %arg6[%get3A_553, %get3A_554] {strides = array<i32>} : memref<1600x16xf32, #tpu.memory_space<vmem>>, vector<16xf32>,
      %broadcast_in_dim3A_556 = arith.constant 20 : i32
      %broadcast_in_dim3A_557 = vector.broadcast %broadcast_in_dim3A_556 : i32 to vector<16xi32>
      tpu.vector_store_idx %arg8[%broadcast_in_dim3A_557, %select_n3A, %select_n3A_45, %add3A_291], %get3A_519 : memref<50x2x8x33xf32, #tpu.memory_space<vmem>>[vector<16xi32>, vector<16xi32>, vector<16xi32>, vector<16xi32>], vector<16xf32>,
      %broadcast_in_dim3A_558 = arith.constant 21 : i32
      %broadcast_in_dim3A_559 = vector.broadcast %broadcast_in_dim3A_558 : i32 to vector<16xi32>
      tpu.vector_store_idx %arg8[%broadcast_in_dim3A_559, %select_n3A, %select_n3A_45, %add3A_291], %get3A_528 : memref<50x2x8x33xf32, #tpu.memory_space<vmem>>[vector<16xi32>, vector<16xi32>, vector<16xi32>, vector<16xi32>], vector<16xf32>,
      %broadcast_in_dim3A_560 = arith.constant 22 : i32
      %broadcast_in_dim3A_561 = vector.broadcast %broadcast_in_dim3A_560 : i32 to vector<16xi32>
      tpu.vector_store_idx %arg8[%broadcast_in_dim3A_561, %select_n3A, %select_n3A_45, %add3A_291], %get3A_537 : memref<50x2x8x33xf32, #tpu.memory_space<vmem>>[vector<16xi32>, vector<16xi32>, vector<16xi32>, vector<16xi32>], vector<16xf32>,
      %broadcast_in_dim3A_562 = arith.constant 23 : i32
      %broadcast_in_dim3A_563 = vector.broadcast %broadcast_in_dim3A_562 : i32 to vector<16xi32>
      tpu.vector_store_idx %arg8[%broadcast_in_dim3A_563, %select_n3A, %select_n3A_45, %add3A_291], %get3A_546 : memref<50x2x8x33xf32, #tpu.memory_space<vmem>>[vector<16xi32>, vector<16xi32>, vector<16xi32>, vector<16xi32>], vector<16xf32>,
      %broadcast_in_dim3A_564 = arith.constant 24 : i32
      %broadcast_in_dim3A_565 = vector.broadcast %broadcast_in_dim3A_564 : i32 to vector<16xi32>
      tpu.vector_store_idx %arg8[%broadcast_in_dim3A_565, %select_n3A, %select_n3A_45, %add3A_291], %get3A_555 : memref<50x2x8x33xf32, #tpu.memory_space<vmem>>[vector<16xi32>, vector<16xi32>, vector<16xi32>, vector<16xi32>], vector<16xf32>,
      %mul3A_566 = arith.constant 50 : i32
      %mul3A_567 = arith.muli %scan3A_287, %mul3A_566 : i32
      %add3A_568 = arith.constant 25 : i32
      %add3A_569 = arith.addi %mul3A_567, %add3A_568 : i32
      %add3A_570 = arith.constant 0 : i32
      %add3A_571 = arith.addi %add3A_569, %add3A_570 : i32
      %get3A_572 = arith.index_cast %add3A_571 : i32 to index
      %get3A_573 = arith.constant 0 : index
      %get3A_574 = tpu.vector_load %arg6[%get3A_572, %get3A_573] {strides = array<i32>} : memref<1600x16xf32, #tpu.memory_space<vmem>>, vector<16xf32>,
      %mul3A_575 = arith.constant 50 : i32
      %mul3A_576 = arith.muli %scan3A_287, %mul3A_575 : i32
      %add3A_577 = arith.constant 25 : i32
      %add3A_578 = arith.addi %mul3A_576, %add3A_577 : i32
      %add3A_579 = arith.constant 1 : i32
      %add3A_580 = arith.addi %add3A_578, %add3A_579 : i32
      %get3A_581 = arith.index_cast %add3A_580 : i32 to index
      %get3A_582 = arith.constant 0 : index
      %get3A_583 = tpu.vector_load %arg6[%get3A_581, %get3A_582] {strides = array<i32>} : memref<1600x16xf32, #tpu.memory_space<vmem>>, vector<16xf32>,
      %mul3A_584 = arith.constant 50 : i32
      %mul3A_585 = arith.muli %scan3A_287, %mul3A_584 : i32
      %add3A_586 = arith.constant 25 : i32
      %add3A_587 = arith.addi %mul3A_585, %add3A_586 : i32
      %add3A_588 = arith.constant 2 : i32
      %add3A_589 = arith.addi %add3A_587, %add3A_588 : i32
      %get3A_590 = arith.index_cast %add3A_589 : i32 to index
      %get3A_591 = arith.constant 0 : index
      %get3A_592 = tpu.vector_load %arg6[%get3A_590, %get3A_591] {strides = array<i32>} : memref<1600x16xf32, #tpu.memory_space<vmem>>, vector<16xf32>,
      %mul3A_593 = arith.constant 50 : i32
      %mul3A_594 = arith.muli %scan3A_287, %mul3A_593 : i32
      %add3A_595 = arith.constant 25 : i32
      %add3A_596 = arith.addi %mul3A_594, %add3A_595 : i32
      %add3A_597 = arith.constant 3 : i32
      %add3A_598 = arith.addi %add3A_596, %add3A_597 : i32
      %get3A_599 = arith.index_cast %add3A_598 : i32 to index
      %get3A_600 = arith.constant 0 : index
      %get3A_601 = tpu.vector_load %arg6[%get3A_599, %get3A_600] {strides = array<i32>} : memref<1600x16xf32, #tpu.memory_space<vmem>>, vector<16xf32>,
      %mul3A_602 = arith.constant 50 : i32
      %mul3A_603 = arith.muli %scan3A_287, %mul3A_602 : i32
      %add3A_604 = arith.constant 25 : i32
      %add3A_605 = arith.addi %mul3A_603, %add3A_604 : i32
      %add3A_606 = arith.constant 4 : i32
      %add3A_607 = arith.addi %add3A_605, %add3A_606 : i32
      %get3A_608 = arith.index_cast %add3A_607 : i32 to index
      %get3A_609 = arith.constant 0 : index
      %get3A_610 = tpu.vector_load %arg6[%get3A_608, %get3A_609] {strides = array<i32>} : memref<1600x16xf32, #tpu.memory_space<vmem>>, vector<16xf32>,
      %broadcast_in_dim3A_611 = arith.constant 25 : i32
      %broadcast_in_dim3A_612 = vector.broadcast %broadcast_in_dim3A_611 : i32 to vector<16xi32>
      tpu.vector_store_idx %arg8[%broadcast_in_dim3A_612, %select_n3A, %select_n3A_45, %add3A_291], %get3A_574 : memref<50x2x8x33xf32, #tpu.memory_space<vmem>>[vector<16xi32>, vector<16xi32>, vector<16xi32>, vector<16xi32>], vector<16xf32>,
      %broadcast_in_dim3A_613 = arith.constant 26 : i32
      %broadcast_in_dim3A_614 = vector.broadcast %broadcast_in_dim3A_613 : i32 to vector<16xi32>
      tpu.vector_store_idx %arg8[%broadcast_in_dim3A_614, %select_n3A, %select_n3A_45, %add3A_291], %get3A_583 : memref<50x2x8x33xf32, #tpu.memory_space<vmem>>[vector<16xi32>, vector<16xi32>, vector<16xi32>, vector<16xi32>], vector<16xf32>,
      %broadcast_in_dim3A_615 = arith.constant 27 : i32
      %broadcast_in_dim3A_616 = vector.broadcast %broadcast_in_dim3A_615 : i32 to vector<16xi32>
      tpu.vector_store_idx %arg8[%broadcast_in_dim3A_616, %select_n3A, %select_n3A_45, %add3A_291], %get3A_592 : memref<50x2x8x33xf32, #tpu.memory_space<vmem>>[vector<16xi32>, vector<16xi32>, vector<16xi32>, vector<16xi32>], vector<16xf32>,
      %broadcast_in_dim3A_617 = arith.constant 28 : i32
      %broadcast_in_dim3A_618 = vector.broadcast %broadcast_in_dim3A_617 : i32 to vector<16xi32>
      tpu.vector_store_idx %arg8[%broadcast_in_dim3A_618, %select_n3A, %select_n3A_45, %add3A_291], %get3A_601 : memref<50x2x8x33xf32, #tpu.memory_space<vmem>>[vector<16xi32>, vector<16xi32>, vector<16xi32>, vector<16xi32>], vector<16xf32>,
      %broadcast_in_dim3A_619 = arith.constant 29 : i32
      %broadcast_in_dim3A_620 = vector.broadcast %broadcast_in_dim3A_619 : i32 to vector<16xi32>
      tpu.vector_store_idx %arg8[%broadcast_in_dim3A_620, %select_n3A, %select_n3A_45, %add3A_291], %get3A_610 : memref<50x2x8x33xf32, #tpu.memory_space<vmem>>[vector<16xi32>, vector<16xi32>, vector<16xi32>, vector<16xi32>], vector<16xf32>,
      %mul3A_621 = arith.constant 50 : i32
      %mul3A_622 = arith.muli %scan3A_287, %mul3A_621 : i32
      %add3A_623 = arith.constant 30 : i32
      %add3A_624 = arith.addi %mul3A_622, %add3A_623 : i32
      %add3A_625 = arith.constant 0 : i32
      %add3A_626 = arith.addi %add3A_624, %add3A_625 : i32
      %get3A_627 = arith.index_cast %add3A_626 : i32 to index
      %get3A_628 = arith.constant 0 : index
      %get3A_629 = tpu.vector_load %arg6[%get3A_627, %get3A_628] {strides = array<i32>} : memref<1600x16xf32, #tpu.memory_space<vmem>>, vector<16xf32>,
      %mul3A_630 = arith.constant 50 : i32
      %mul3A_631 = arith.muli %scan3A_287, %mul3A_630 : i32
      %add3A_632 = arith.constant 30 : i32
      %add3A_633 = arith.addi %mul3A_631, %add3A_632 : i32
      %add3A_634 = arith.constant 1 : i32
      %add3A_635 = arith.addi %add3A_633, %add3A_634 : i32
      %get3A_636 = arith.index_cast %add3A_635 : i32 to index
      %get3A_637 = arith.constant 0 : index
      %get3A_638 = tpu.vector_load %arg6[%get3A_636, %get3A_637] {strides = array<i32>} : memref<1600x16xf32, #tpu.memory_space<vmem>>, vector<16xf32>,
      %mul3A_639 = arith.constant 50 : i32
      %mul3A_640 = arith.muli %scan3A_287, %mul3A_639 : i32
      %add3A_641 = arith.constant 30 : i32
      %add3A_642 = arith.addi %mul3A_640, %add3A_641 : i32
      %add3A_643 = arith.constant 2 : i32
      %add3A_644 = arith.addi %add3A_642, %add3A_643 : i32
      %get3A_645 = arith.index_cast %add3A_644 : i32 to index
      %get3A_646 = arith.constant 0 : index
      %get3A_647 = tpu.vector_load %arg6[%get3A_645, %get3A_646] {strides = array<i32>} : memref<1600x16xf32, #tpu.memory_space<vmem>>, vector<16xf32>,
      %mul3A_648 = arith.constant 50 : i32
      %mul3A_649 = arith.muli %scan3A_287, %mul3A_648 : i32
      %add3A_650 = arith.constant 30 : i32
      %add3A_651 = arith.addi %mul3A_649, %add3A_650 : i32
      %add3A_652 = arith.constant 3 : i32
      %add3A_653 = arith.addi %add3A_651, %add3A_652 : i32
      %get3A_654 = arith.index_cast %add3A_653 : i32 to index
      %get3A_655 = arith.constant 0 : index
      %get3A_656 = tpu.vector_load %arg6[%get3A_654, %get3A_655] {strides = array<i32>} : memref<1600x16xf32, #tpu.memory_space<vmem>>, vector<16xf32>,
      %mul3A_657 = arith.constant 50 : i32
      %mul3A_658 = arith.muli %scan3A_287, %mul3A_657 : i32
      %add3A_659 = arith.constant 30 : i32
      %add3A_660 = arith.addi %mul3A_658, %add3A_659 : i32
      %add3A_661 = arith.constant 4 : i32
      %add3A_662 = arith.addi %add3A_660, %add3A_661 : i32
      %get3A_663 = arith.index_cast %add3A_662 : i32 to index
      %get3A_664 = arith.constant 0 : index
      %get3A_665 = tpu.vector_load %arg6[%get3A_663, %get3A_664] {strides = array<i32>} : memref<1600x16xf32, #tpu.memory_space<vmem>>, vector<16xf32>,
      %broadcast_in_dim3A_666 = arith.constant 30 : i32
      %broadcast_in_dim3A_667 = vector.broadcast %broadcast_in_dim3A_666 : i32 to vector<16xi32>
      tpu.vector_store_idx %arg8[%broadcast_in_dim3A_667, %select_n3A, %select_n3A_45, %add3A_291], %get3A_629 : memref<50x2x8x33xf32, #tpu.memory_space<vmem>>[vector<16xi32>, vector<16xi32>, vector<16xi32>, vector<16xi32>], vector<16xf32>,
      %broadcast_in_dim3A_668 = arith.constant 31 : i32
      %broadcast_in_dim3A_669 = vector.broadcast %broadcast_in_dim3A_668 : i32 to vector<16xi32>
      tpu.vector_store_idx %arg8[%broadcast_in_dim3A_669, %select_n3A, %select_n3A_45, %add3A_291], %get3A_638 : memref<50x2x8x33xf32, #tpu.memory_space<vmem>>[vector<16xi32>, vector<16xi32>, vector<16xi32>, vector<16xi32>], vector<16xf32>,
      %broadcast_in_dim3A_670 = arith.constant 32 : i32
      %broadcast_in_dim3A_671 = vector.broadcast %broadcast_in_dim3A_670 : i32 to vector<16xi32>
      tpu.vector_store_idx %arg8[%broadcast_in_dim3A_671, %select_n3A, %select_n3A_45, %add3A_291], %get3A_647 : memref<50x2x8x33xf32, #tpu.memory_space<vmem>>[vector<16xi32>, vector<16xi32>, vector<16xi32>, vector<16xi32>], vector<16xf32>,
      %broadcast_in_dim3A_672 = arith.constant 33 : i32
      %broadcast_in_dim3A_673 = vector.broadcast %broadcast_in_dim3A_672 : i32 to vector<16xi32>
      tpu.vector_store_idx %arg8[%broadcast_in_dim3A_673, %select_n3A, %select_n3A_45, %add3A_291], %get3A_656 : memref<50x2x8x33xf32, #tpu.memory_space<vmem>>[vector<16xi32>, vector<16xi32>, vector<16xi32>, vector<16xi32>], vector<16xf32>,
      %broadcast_in_dim3A_674 = arith.constant 34 : i32
      %broadcast_in_dim3A_675 = vector.broadcast %broadcast_in_dim3A_674 : i32 to vector<16xi32>
      tpu.vector_store_idx %arg8[%broadcast_in_dim3A_675, %select_n3A, %select_n3A_45, %add3A_291], %get3A_665 : memref<50x2x8x33xf32, #tpu.memory_space<vmem>>[vector<16xi32>, vector<16xi32>, vector<16xi32>, vector<16xi32>], vector<16xf32>,
      %mul3A_676 = arith.constant 50 : i32
      %mul3A_677 = arith.muli %scan3A_287, %mul3A_676 : i32
      %add3A_678 = arith.constant 35 : i32
      %add3A_679 = arith.addi %mul3A_677, %add3A_678 : i32
      %add3A_680 = arith.constant 0 : i32
      %add3A_681 = arith.addi %add3A_679, %add3A_680 : i32
      %get3A_682 = arith.index_cast %add3A_681 : i32 to index
      %get3A_683 = arith.constant 0 : index
      %get3A_684 = tpu.vector_load %arg6[%get3A_682, %get3A_683] {strides = array<i32>} : memref<1600x16xf32, #tpu.memory_space<vmem>>, vector<16xf32>,
      %mul3A_685 = arith.constant 50 : i32
      %mul3A_686 = arith.muli %scan3A_287, %mul3A_685 : i32
      %add3A_687 = arith.constant 35 : i32
      %add3A_688 = arith.addi %mul3A_686, %add3A_687 : i32
      %add3A_689 = arith.constant 1 : i32
      %add3A_690 = arith.addi %add3A_688, %add3A_689 : i32
      %get3A_691 = arith.index_cast %add3A_690 : i32 to index
      %get3A_692 = arith.constant 0 : index
      %get3A_693 = tpu.vector_load %arg6[%get3A_691, %get3A_692] {strides = array<i32>} : memref<1600x16xf32, #tpu.memory_space<vmem>>, vector<16xf32>,
      %mul3A_694 = arith.constant 50 : i32
      %mul3A_695 = arith.muli %scan3A_287, %mul3A_694 : i32
      %add3A_696 = arith.constant 35 : i32
      %add3A_697 = arith.addi %mul3A_695, %add3A_696 : i32
      %add3A_698 = arith.constant 2 : i32
      %add3A_699 = arith.addi %add3A_697, %add3A_698 : i32
      %get3A_700 = arith.index_cast %add3A_699 : i32 to index
      %get3A_701 = arith.constant 0 : index
      %get3A_702 = tpu.vector_load %arg6[%get3A_700, %get3A_701] {strides = array<i32>} : memref<1600x16xf32, #tpu.memory_space<vmem>>, vector<16xf32>,
      %mul3A_703 = arith.constant 50 : i32
      %mul3A_704 = arith.muli %scan3A_287, %mul3A_703 : i32
      %add3A_705 = arith.constant 35 : i32
      %add3A_706 = arith.addi %mul3A_704, %add3A_705 : i32
      %add3A_707 = arith.constant 3 : i32
      %add3A_708 = arith.addi %add3A_706, %add3A_707 : i32
      %get3A_709 = arith.index_cast %add3A_708 : i32 to index
      %get3A_710 = arith.constant 0 : index
      %get3A_711 = tpu.vector_load %arg6[%get3A_709, %get3A_710] {strides = array<i32>} : memref<1600x16xf32, #tpu.memory_space<vmem>>, vector<16xf32>,
      %mul3A_712 = arith.constant 50 : i32
      %mul3A_713 = arith.muli %scan3A_287, %mul3A_712 : i32
      %add3A_714 = arith.constant 35 : i32
      %add3A_715 = arith.addi %mul3A_713, %add3A_714 : i32
      %add3A_716 = arith.constant 4 : i32
      %add3A_717 = arith.addi %add3A_715, %add3A_716 : i32
      %get3A_718 = arith.index_cast %add3A_717 : i32 to index
      %get3A_719 = arith.constant 0 : index
      %get3A_720 = tpu.vector_load %arg6[%get3A_718, %get3A_719] {strides = array<i32>} : memref<1600x16xf32, #tpu.memory_space<vmem>>, vector<16xf32>,
      %broadcast_in_dim3A_721 = arith.constant 35 : i32
      %broadcast_in_dim3A_722 = vector.broadcast %broadcast_in_dim3A_721 : i32 to vector<16xi32>
      tpu.vector_store_idx %arg8[%broadcast_in_dim3A_722, %select_n3A, %select_n3A_45, %add3A_291], %get3A_684 : memref<50x2x8x33xf32, #tpu.memory_space<vmem>>[vector<16xi32>, vector<16xi32>, vector<16xi32>, vector<16xi32>], vector<16xf32>,
      %broadcast_in_dim3A_723 = arith.constant 36 : i32
      %broadcast_in_dim3A_724 = vector.broadcast %broadcast_in_dim3A_723 : i32 to vector<16xi32>
      tpu.vector_store_idx %arg8[%broadcast_in_dim3A_724, %select_n3A, %select_n3A_45, %add3A_291], %get3A_693 : memref<50x2x8x33xf32, #tpu.memory_space<vmem>>[vector<16xi32>, vector<16xi32>, vector<16xi32>, vector<16xi32>], vector<16xf32>,
      %broadcast_in_dim3A_725 = arith.constant 37 : i32
      %broadcast_in_dim3A_726 = vector.broadcast %broadcast_in_dim3A_725 : i32 to vector<16xi32>
      tpu.vector_store_idx %arg8[%broadcast_in_dim3A_726, %select_n3A, %select_n3A_45, %add3A_291], %get3A_702 : memref<50x2x8x33xf32, #tpu.memory_space<vmem>>[vector<16xi32>, vector<16xi32>, vector<16xi32>, vector<16xi32>], vector<16xf32>,
      %broadcast_in_dim3A_727 = arith.constant 38 : i32
      %broadcast_in_dim3A_728 = vector.broadcast %broadcast_in_dim3A_727 : i32 to vector<16xi32>
      tpu.vector_store_idx %arg8[%broadcast_in_dim3A_728, %select_n3A, %select_n3A_45, %add3A_291], %get3A_711 : memref<50x2x8x33xf32, #tpu.memory_space<vmem>>[vector<16xi32>, vector<16xi32>, vector<16xi32>, vector<16xi32>], vector<16xf32>,
      %broadcast_in_dim3A_729 = arith.constant 39 : i32
      %broadcast_in_dim3A_730 = vector.broadcast %broadcast_in_dim3A_729 : i32 to vector<16xi32>
      tpu.vector_store_idx %arg8[%broadcast_in_dim3A_730, %select_n3A, %select_n3A_45, %add3A_291], %get3A_720 : memref<50x2x8x33xf32, #tpu.memory_space<vmem>>[vector<16xi32>, vector<16xi32>, vector<16xi32>, vector<16xi32>], vector<16xf32>,
      %mul3A_731 = arith.constant 50 : i32
      %mul3A_732 = arith.muli %scan3A_287, %mul3A_731 : i32
      %add3A_733 = arith.constant 40 : i32
      %add3A_734 = arith.addi %mul3A_732, %add3A_733 : i32
      %add3A_735 = arith.constant 0 : i32
      %add3A_736 = arith.addi %add3A_734, %add3A_735 : i32
      %get3A_737 = arith.index_cast %add3A_736 : i32 to index
      %get3A_738 = arith.constant 0 : index
      %get3A_739 = tpu.vector_load %arg6[%get3A_737, %get3A_738] {strides = array<i32>} : memref<1600x16xf32, #tpu.memory_space<vmem>>, vector<16xf32>,
      %mul3A_740 = arith.constant 50 : i32
      %mul3A_741 = arith.muli %scan3A_287, %mul3A_740 : i32
      %add3A_742 = arith.constant 40 : i32
      %add3A_743 = arith.addi %mul3A_741, %add3A_742 : i32
      %add3A_744 = arith.constant 1 : i32
      %add3A_745 = arith.addi %add3A_743, %add3A_744 : i32
      %get3A_746 = arith.index_cast %add3A_745 : i32 to index
      %get3A_747 = arith.constant 0 : index
      %get3A_748 = tpu.vector_load %arg6[%get3A_746, %get3A_747] {strides = array<i32>} : memref<1600x16xf32, #tpu.memory_space<vmem>>, vector<16xf32>,
      %mul3A_749 = arith.constant 50 : i32
      %mul3A_750 = arith.muli %scan3A_287, %mul3A_749 : i32
      %add3A_751 = arith.constant 40 : i32
      %add3A_752 = arith.addi %mul3A_750, %add3A_751 : i32
      %add3A_753 = arith.constant 2 : i32
      %add3A_754 = arith.addi %add3A_752, %add3A_753 : i32
      %get3A_755 = arith.index_cast %add3A_754 : i32 to index
      %get3A_756 = arith.constant 0 : index
      %get3A_757 = tpu.vector_load %arg6[%get3A_755, %get3A_756] {strides = array<i32>} : memref<1600x16xf32, #tpu.memory_space<vmem>>, vector<16xf32>,
      %mul3A_758 = arith.constant 50 : i32
      %mul3A_759 = arith.muli %scan3A_287, %mul3A_758 : i32
      %add3A_760 = arith.constant 40 : i32
      %add3A_761 = arith.addi %mul3A_759, %add3A_760 : i32
      %add3A_762 = arith.constant 3 : i32
      %add3A_763 = arith.addi %add3A_761, %add3A_762 : i32
      %get3A_764 = arith.index_cast %add3A_763 : i32 to index
      %get3A_765 = arith.constant 0 : index
      %get3A_766 = tpu.vector_load %arg6[%get3A_764, %get3A_765] {strides = array<i32>} : memref<1600x16xf32, #tpu.memory_space<vmem>>, vector<16xf32>,
      %mul3A_767 = arith.constant 50 : i32
      %mul3A_768 = arith.muli %scan3A_287, %mul3A_767 : i32
      %add3A_769 = arith.constant 40 : i32
      %add3A_770 = arith.addi %mul3A_768, %add3A_769 : i32
      %add3A_771 = arith.constant 4 : i32
      %add3A_772 = arith.addi %add3A_770, %add3A_771 : i32
      %get3A_773 = arith.index_cast %add3A_772 : i32 to index
      %get3A_774 = arith.constant 0 : index
      %get3A_775 = tpu.vector_load %arg6[%get3A_773, %get3A_774] {strides = array<i32>} : memref<1600x16xf32, #tpu.memory_space<vmem>>, vector<16xf32>,
      %broadcast_in_dim3A_776 = arith.constant 40 : i32
      %broadcast_in_dim3A_777 = vector.broadcast %broadcast_in_dim3A_776 : i32 to vector<16xi32>
      tpu.vector_store_idx %arg8[%broadcast_in_dim3A_777, %select_n3A, %select_n3A_45, %add3A_291], %get3A_739 : memref<50x2x8x33xf32, #tpu.memory_space<vmem>>[vector<16xi32>, vector<16xi32>, vector<16xi32>, vector<16xi32>], vector<16xf32>,
      %broadcast_in_dim3A_778 = arith.constant 41 : i32
      %broadcast_in_dim3A_779 = vector.broadcast %broadcast_in_dim3A_778 : i32 to vector<16xi32>
      tpu.vector_store_idx %arg8[%broadcast_in_dim3A_779, %select_n3A, %select_n3A_45, %add3A_291], %get3A_748 : memref<50x2x8x33xf32, #tpu.memory_space<vmem>>[vector<16xi32>, vector<16xi32>, vector<16xi32>, vector<16xi32>], vector<16xf32>,
      %broadcast_in_dim3A_780 = arith.constant 42 : i32
      %broadcast_in_dim3A_781 = vector.broadcast %broadcast_in_dim3A_780 : i32 to vector<16xi32>
      tpu.vector_store_idx %arg8[%broadcast_in_dim3A_781, %select_n3A, %select_n3A_45, %add3A_291], %get3A_757 : memref<50x2x8x33xf32, #tpu.memory_space<vmem>>[vector<16xi32>, vector<16xi32>, vector<16xi32>, vector<16xi32>], vector<16xf32>,
      %broadcast_in_dim3A_782 = arith.constant 43 : i32
      %broadcast_in_dim3A_783 = vector.broadcast %broadcast_in_dim3A_782 : i32 to vector<16xi32>
      tpu.vector_store_idx %arg8[%broadcast_in_dim3A_783, %select_n3A, %select_n3A_45, %add3A_291], %get3A_766 : memref<50x2x8x33xf32, #tpu.memory_space<vmem>>[vector<16xi32>, vector<16xi32>, vector<16xi32>, vector<16xi32>], vector<16xf32>,
      %broadcast_in_dim3A_784 = arith.constant 44 : i32
      %broadcast_in_dim3A_785 = vector.broadcast %broadcast_in_dim3A_784 : i32 to vector<16xi32>
      tpu.vector_store_idx %arg8[%broadcast_in_dim3A_785, %select_n3A, %select_n3A_45, %add3A_291], %get3A_775 : memref<50x2x8x33xf32, #tpu.memory_space<vmem>>[vector<16xi32>, vector<16xi32>, vector<16xi32>, vector<16xi32>], vector<16xf32>,
      %mul3A_786 = arith.constant 50 : i32
      %mul3A_787 = arith.muli %scan3A_287, %mul3A_786 : i32
      %add3A_788 = arith.constant 45 : i32
      %add3A_789 = arith.addi %mul3A_787, %add3A_788 : i32
      %add3A_790 = arith.constant 0 : i32
      %add3A_791 = arith.addi %add3A_789, %add3A_790 : i32
      %get3A_792 = arith.index_cast %add3A_791 : i32 to index
      %get3A_793 = arith.constant 0 : index
      %get3A_794 = tpu.vector_load %arg6[%get3A_792, %get3A_793] {strides = array<i32>} : memref<1600x16xf32, #tpu.memory_space<vmem>>, vector<16xf32>,
      %mul3A_795 = arith.constant 50 : i32
      %mul3A_796 = arith.muli %scan3A_287, %mul3A_795 : i32
      %add3A_797 = arith.constant 45 : i32
      %add3A_798 = arith.addi %mul3A_796, %add3A_797 : i32
      %add3A_799 = arith.constant 1 : i32
      %add3A_800 = arith.addi %add3A_798, %add3A_799 : i32
      %get3A_801 = arith.index_cast %add3A_800 : i32 to index
      %get3A_802 = arith.constant 0 : index
      %get3A_803 = tpu.vector_load %arg6[%get3A_801, %get3A_802] {strides = array<i32>} : memref<1600x16xf32, #tpu.memory_space<vmem>>, vector<16xf32>,
      %mul3A_804 = arith.constant 50 : i32
      %mul3A_805 = arith.muli %scan3A_287, %mul3A_804 : i32
      %add3A_806 = arith.constant 45 : i32
      %add3A_807 = arith.addi %mul3A_805, %add3A_806 : i32
      %add3A_808 = arith.constant 2 : i32
      %add3A_809 = arith.addi %add3A_807, %add3A_808 : i32
      %get3A_810 = arith.index_cast %add3A_809 : i32 to index
      %get3A_811 = arith.constant 0 : index
      %get3A_812 = tpu.vector_load %arg6[%get3A_810, %get3A_811] {strides = array<i32>} : memref<1600x16xf32, #tpu.memory_space<vmem>>, vector<16xf32>,
      %mul3A_813 = arith.constant 50 : i32
      %mul3A_814 = arith.muli %scan3A_287, %mul3A_813 : i32
      %add3A_815 = arith.constant 45 : i32
      %add3A_816 = arith.addi %mul3A_814, %add3A_815 : i32
      %add3A_817 = arith.constant 3 : i32
      %add3A_818 = arith.addi %add3A_816, %add3A_817 : i32
      %get3A_819 = arith.index_cast %add3A_818 : i32 to index
      %get3A_820 = arith.constant 0 : index
      %get3A_821 = tpu.vector_load %arg6[%get3A_819, %get3A_820] {strides = array<i32>} : memref<1600x16xf32, #tpu.memory_space<vmem>>, vector<16xf32>,
      %mul3A_822 = arith.constant 50 : i32
      %mul3A_823 = arith.muli %scan3A_287, %mul3A_822 : i32
      %add3A_824 = arith.constant 45 : i32
      %add3A_825 = arith.addi %mul3A_823, %add3A_824 : i32
      %add3A_826 = arith.constant 4 : i32
      %add3A_827 = arith.addi %add3A_825, %add3A_826 : i32
      %get3A_828 = arith.index_cast %add3A_827 : i32 to index
      %get3A_829 = arith.constant 0 : index
      %get3A_830 = tpu.vector_load %arg6[%get3A_828, %get3A_829] {strides = array<i32>} : memref<1600x16xf32, #tpu.memory_space<vmem>>, vector<16xf32>,
      %broadcast_in_dim3A_831 = arith.constant 45 : i32
      %broadcast_in_dim3A_832 = vector.broadcast %broadcast_in_dim3A_831 : i32 to vector<16xi32>
      tpu.vector_store_idx %arg8[%broadcast_in_dim3A_832, %select_n3A, %select_n3A_45, %add3A_291], %get3A_794 : memref<50x2x8x33xf32, #tpu.memory_space<vmem>>[vector<16xi32>, vector<16xi32>, vector<16xi32>, vector<16xi32>], vector<16xf32>,
      %broadcast_in_dim3A_833 = arith.constant 46 : i32
      %broadcast_in_dim3A_834 = vector.broadcast %broadcast_in_dim3A_833 : i32 to vector<16xi32>
      tpu.vector_store_idx %arg8[%broadcast_in_dim3A_834, %select_n3A, %select_n3A_45, %add3A_291], %get3A_803 : memref<50x2x8x33xf32, #tpu.memory_space<vmem>>[vector<16xi32>, vector<16xi32>, vector<16xi32>, vector<16xi32>], vector<16xf32>,
      %broadcast_in_dim3A_835 = arith.constant 47 : i32
      %broadcast_in_dim3A_836 = vector.broadcast %broadcast_in_dim3A_835 : i32 to vector<16xi32>
      tpu.vector_store_idx %arg8[%broadcast_in_dim3A_836, %select_n3A, %select_n3A_45, %add3A_291], %get3A_812 : memref<50x2x8x33xf32, #tpu.memory_space<vmem>>[vector<16xi32>, vector<16xi32>, vector<16xi32>, vector<16xi32>], vector<16xf32>,
      %broadcast_in_dim3A_837 = arith.constant 48 : i32
      %broadcast_in_dim3A_838 = vector.broadcast %broadcast_in_dim3A_837 : i32 to vector<16xi32>
      tpu.vector_store_idx %arg8[%broadcast_in_dim3A_838, %select_n3A, %select_n3A_45, %add3A_291], %get3A_821 : memref<50x2x8x33xf32, #tpu.memory_space<vmem>>[vector<16xi32>, vector<16xi32>, vector<16xi32>, vector<16xi32>], vector<16xf32>,
      %broadcast_in_dim3A_839 = arith.constant 49 : i32
      %broadcast_in_dim3A_840 = vector.broadcast %broadcast_in_dim3A_839 : i32 to vector<16xi32>
      tpu.vector_store_idx %arg8[%broadcast_in_dim3A_840, %select_n3A, %select_n3A_45, %add3A_291], %get3A_830 : memref<50x2x8x33xf32, #tpu.memory_space<vmem>>[vector<16xi32>, vector<16xi32>, vector<16xi32>, vector<16xi32>], vector<16xf32>,
      %scan3A_841 = arith.constant 0 : i32
      scf.yield %scan3A_841 : i32
    }
    %scan3A_64 = arith.constant 32 : i32
    %dma_start3A_65 = arith.constant 0 : i32
    %dma_start3A_66 = arith.constant 0 : i32
    %dma_start3A_67 = arith.constant 0 : i32
    %dma_start3A_68 = arith.constant 0 : i32
    %dma_start3A_69 = tpu.memref_slice %arg8[%dma_start3A_65, %dma_start3A_66, %dma_start3A_67, %dma_start3A_68] : memref<50x2x8x33xf32, #tpu.memory_space<vmem>> -> memref<50x2x8x32xf32, #tpu.memory_space<vmem>>
    %dma_start3A_70 = arith.constant 0 : i32
    %dma_start3A_71 = arith.constant 0 : i32
    %dma_start3A_72 = arith.constant 0 : i32
    %dma_start3A_73 = arith.constant 0 : i32
    %dma_start3A_74 = tpu.memref_slice %arg4[%dma_start3A_70, %dma_start3A_71, %add3A, %dma_start3A_72, %dma_start3A_73] : memref<50x2x32x8x128xf32, #tpu.memory_space<hbm>> -> memref<50x2x1x8x32xf32, #tpu.memory_space<hbm>>
    %dma_start3A_75 = tpu.memref_squeeze %dma_start3A_74 : memref<50x2x1x8x32xf32, #tpu.memory_space<hbm>> -> memref<50x2x8x32xf32, #tpu.memory_space<hbm>>
    %dma_start3A_76 = arith.constant 0 : i32
    %dma_start3A_77 = arith.constant 0 : i32
    %dma_start3A_78 = arith.constant 0 : i32
    %dma_start3A_79 = arith.constant 0 : i32
    %dma_start3A_80 = tpu.memref_slice %arg4[%dma_start3A_76, %dma_start3A_77, %add3A, %dma_start3A_78, %dma_start3A_79] : memref<50x2x32x8x128xf32, #tpu.memory_space<hbm>> -> memref<50x2x1x8x32xf32, #tpu.memory_space<hbm>>
    %dma_start3A_81 = tpu.memref_squeeze %dma_start3A_80 : memref<50x2x1x8x32xf32, #tpu.memory_space<hbm>> -> memref<50x2x8x32xf32, #tpu.memory_space<hbm>>
    %dma_start3A_82 = arith.constant 0 : i32
    %dma_start3A_83 = arith.constant 0 : i32
    %dma_start3A_84 = arith.constant 0 : i32
    %dma_start3A_85 = arith.constant 0 : i32
    %dma_start3A_86 = tpu.memref_slice %arg8[%dma_start3A_82, %dma_start3A_83, %dma_start3A_84, %dma_start3A_85] : memref<50x2x8x33xf32, #tpu.memory_space<vmem>> -> memref<50x2x8x32xf32, #tpu.memory_space<vmem>>
    tpu.enqueue_dma source(%dma_start3A_86 : memref<50x2x8x32xf32, #tpu.memory_space<vmem>>) target(%dma_start3A_81 : memref<50x2x8x32xf32, #tpu.memory_space<hbm>>) target_semaphore(%arg11 : memref<!tpu.dma_semaphore, #tpu.memory_space<semaphore_mem>>)
    %dma_wait3A_87 = arith.constant 1600 : i32
    %dma_wait3A_88 = tpu.memref_slice %arg5[%dma_wait3A_87] : memref<6400xi32, #tpu.memory_space<vmem>> -> memref<1600xi32, #tpu.memory_space<vmem>>
    %dma_wait3A_89 = arith.constant 0 : i32
    %dma_wait3A_90 = arith.constant 0 : i32
    %dma_wait3A_91 = tpu.memref_slice %arg2[%dma_wait3A_89, %dma_wait3A_90] : memref<106496x16xf32, #tpu.memory_space<hbm>> -> memref<106496x16xf32, #tpu.memory_space<hbm>>
    tpu.wait_indirect_dma semaphore(%arg10 : memref<!tpu.dma_semaphore, #tpu.memory_space<semaphore_mem>>) src(%dma_wait3A_91 : memref<106496x16xf32, #tpu.memory_space<hbm>>) dst(%arg7 : memref<1600x16xf32, #tpu.memory_space<vmem>>)
    %dma_start3A_92 = arith.constant 3200 : i32
    %dma_start3A_93 = tpu.memref_slice %arg5[%dma_start3A_92] : memref<6400xi32, #tpu.memory_space<vmem>> -> memref<1600xi32, #tpu.memory_space<vmem>>
    %dma_start3A_94 = arith.constant 0 : i32
    %dma_start3A_95 = arith.constant 0 : i32
    %dma_start3A_96 = tpu.memref_slice %arg2[%dma_start3A_94, %dma_start3A_95] : memref<106496x16xf32, #tpu.memory_space<hbm>> -> memref<106496x16xf32, #tpu.memory_space<hbm>>
    tpu.enqueue_indirect_dma source(%dma_start3A_96 : memref<106496x16xf32, #tpu.memory_space<hbm>>) target(%arg6 : memref<1600x16xf32, #tpu.memory_space<vmem>>) offsets(%dma_start3A_93 : memref<1600xi32, #tpu.memory_space<vmem>>) semaphore(%arg10 : memref<!tpu.dma_semaphore, #tpu.memory_space<semaphore_mem>>)
    %scan3A_97 = arith.constant 0 : i32
    %scan3A_98 = arith.constant 0 : i32
    %scan3A_99 = arith.constant 32 : i32
    %scan3A_100 = arith.addi %scan3A_98, %scan3A_99 : i32
    %scan3A_101 = arith.constant 1 : i32
    %scan3A_102 = scf.for %scan3A_287 = %scan3A_98 to %scan3A_100 step %scan3A_101 iter_args(%scan3A_288 = %scan3A_97) -> (i32)  : i32 {
      %broadcast_in_dim3A = arith.constant 0 : i32
      %broadcast_in_dim3A_289 = vector.broadcast %broadcast_in_dim3A : i32 to vector<16xi32>
      %add3A_290 = vector.broadcast %scan3A_287 : i32 to vector<16xi32>
      %add3A_291 = arith.addi %broadcast_in_dim3A_289, %add3A_290 : vector<16xi32>
      %mul3A_292 = arith.constant 50 : i32
      %mul3A_293 = arith.muli %scan3A_287, %mul3A_292 : i32
      %add3A_294 = arith.constant 0 : i32
      %add3A_295 = arith.addi %mul3A_293, %add3A_294 : i32
      %add3A_296 = arith.constant 0 : i32
      %add3A_297 = arith.addi %add3A_295, %add3A_296 : i32
      %get3A = arith.index_cast %add3A_297 : i32 to index
      %get3A_298 = arith.constant 0 : index
      %get3A_299 = tpu.vector_load %arg7[%get3A, %get3A_298] {strides = array<i32>} : memref<1600x16xf32, #tpu.memory_space<vmem>>, vector<16xf32>,
      %mul3A_300 = arith.constant 50 : i32
      %mul3A_301 = arith.muli %scan3A_287, %mul3A_300 : i32
      %add3A_302 = arith.constant 0 : i32
      %add3A_303 = arith.addi %mul3A_301, %add3A_302 : i32
      %add3A_304 = arith.constant 1 : i32
      %add3A_305 = arith.addi %add3A_303, %add3A_304 : i32
      %get3A_306 = arith.index_cast %add3A_305 : i32 to index
      %get3A_307 = arith.constant 0 : index
      %get3A_308 = tpu.vector_load %arg7[%get3A_306, %get3A_307] {strides = array<i32>} : memref<1600x16xf32, #tpu.memory_space<vmem>>, vector<16xf32>,
      %mul3A_309 = arith.constant 50 : i32
      %mul3A_310 = arith.muli %scan3A_287, %mul3A_309 : i32
      %add3A_311 = arith.constant 0 : i32
      %add3A_312 = arith.addi %mul3A_310, %add3A_311 : i32
      %add3A_313 = arith.constant 2 : i32
      %add3A_314 = arith.addi %add3A_312, %add3A_313 : i32
      %get3A_315 = arith.index_cast %add3A_314 : i32 to index
      %get3A_316 = arith.constant 0 : index
      %get3A_317 = tpu.vector_load %arg7[%get3A_315, %get3A_316] {strides = array<i32>} : memref<1600x16xf32, #tpu.memory_space<vmem>>, vector<16xf32>,
      %mul3A_318 = arith.constant 50 : i32
      %mul3A_319 = arith.muli %scan3A_287, %mul3A_318 : i32
      %add3A_320 = arith.constant 0 : i32
      %add3A_321 = arith.addi %mul3A_319, %add3A_320 : i32
      %add3A_322 = arith.constant 3 : i32
      %add3A_323 = arith.addi %add3A_321, %add3A_322 : i32
      %get3A_324 = arith.index_cast %add3A_323 : i32 to index
      %get3A_325 = arith.constant 0 : index
      %get3A_326 = tpu.vector_load %arg7[%get3A_324, %get3A_325] {strides = array<i32>} : memref<1600x16xf32, #tpu.memory_space<vmem>>, vector<16xf32>,
      %mul3A_327 = arith.constant 50 : i32
      %mul3A_328 = arith.muli %scan3A_287, %mul3A_327 : i32
      %add3A_329 = arith.constant 0 : i32
      %add3A_330 = arith.addi %mul3A_328, %add3A_329 : i32
      %add3A_331 = arith.constant 4 : i32
      %add3A_332 = arith.addi %add3A_330, %add3A_331 : i32
      %get3A_333 = arith.index_cast %add3A_332 : i32 to index
      %get3A_334 = arith.constant 0 : index
      %get3A_335 = tpu.vector_load %arg7[%get3A_333, %get3A_334] {strides = array<i32>} : memref<1600x16xf32, #tpu.memory_space<vmem>>, vector<16xf32>,
      %broadcast_in_dim3A_336 = arith.constant 0 : i32
      %broadcast_in_dim3A_337 = vector.broadcast %broadcast_in_dim3A_336 : i32 to vector<16xi32>
      tpu.vector_store_idx %arg9[%broadcast_in_dim3A_337, %select_n3A, %select_n3A_45, %add3A_291], %get3A_299 : memref<50x2x8x33xf32, #tpu.memory_space<vmem>>[vector<16xi32>, vector<16xi32>, vector<16xi32>, vector<16xi32>], vector<16xf32>,
      %broadcast_in_dim3A_338 = arith.constant 1 : i32
      %broadcast_in_dim3A_339 = vector.broadcast %broadcast_in_dim3A_338 : i32 to vector<16xi32>
      tpu.vector_store_idx %arg9[%broadcast_in_dim3A_339, %select_n3A, %select_n3A_45, %add3A_291], %get3A_308 : memref<50x2x8x33xf32, #tpu.memory_space<vmem>>[vector<16xi32>, vector<16xi32>, vector<16xi32>, vector<16xi32>], vector<16xf32>,
      %broadcast_in_dim3A_340 = arith.constant 2 : i32
      %broadcast_in_dim3A_341 = vector.broadcast %broadcast_in_dim3A_340 : i32 to vector<16xi32>
      tpu.vector_store_idx %arg9[%broadcast_in_dim3A_341, %select_n3A, %select_n3A_45, %add3A_291], %get3A_317 : memref<50x2x8x33xf32, #tpu.memory_space<vmem>>[vector<16xi32>, vector<16xi32>, vector<16xi32>, vector<16xi32>], vector<16xf32>,
      %broadcast_in_dim3A_342 = arith.constant 3 : i32
      %broadcast_in_dim3A_343 = vector.broadcast %broadcast_in_dim3A_342 : i32 to vector<16xi32>
      tpu.vector_store_idx %arg9[%broadcast_in_dim3A_343, %select_n3A, %select_n3A_45, %add3A_291], %get3A_326 : memref<50x2x8x33xf32, #tpu.memory_space<vmem>>[vector<16xi32>, vector<16xi32>, vector<16xi32>, vector<16xi32>], vector<16xf32>,
      %broadcast_in_dim3A_344 = arith.constant 4 : i32
      %broadcast_in_dim3A_345 = vector.broadcast %broadcast_in_dim3A_344 : i32 to vector<16xi32>
      tpu.vector_store_idx %arg9[%broadcast_in_dim3A_345, %select_n3A, %select_n3A_45, %add3A_291], %get3A_335 : memref<50x2x8x33xf32, #tpu.memory_space<vmem>>[vector<16xi32>, vector<16xi32>, vector<16xi32>, vector<16xi32>], vector<16xf32>,
      %mul3A_346 = arith.constant 50 : i32
      %mul3A_347 = arith.muli %scan3A_287, %mul3A_346 : i32
      %add3A_348 = arith.constant 5 : i32
      %add3A_349 = arith.addi %mul3A_347, %add3A_348 : i32
      %add3A_350 = arith.constant 0 : i32
      %add3A_351 = arith.addi %add3A_349, %add3A_350 : i32
      %get3A_352 = arith.index_cast %add3A_351 : i32 to index
      %get3A_353 = arith.constant 0 : index
      %get3A_354 = tpu.vector_load %arg7[%get3A_352, %get3A_353] {strides = array<i32>} : memref<1600x16xf32, #tpu.memory_space<vmem>>, vector<16xf32>,
      %mul3A_355 = arith.constant 50 : i32
      %mul3A_356 = arith.muli %scan3A_287, %mul3A_355 : i32
      %add3A_357 = arith.constant 5 : i32
      %add3A_358 = arith.addi %mul3A_356, %add3A_357 : i32
      %add3A_359 = arith.constant 1 : i32
      %add3A_360 = arith.addi %add3A_358, %add3A_359 : i32
      %get3A_361 = arith.index_cast %add3A_360 : i32 to index
      %get3A_362 = arith.constant 0 : index
      %get3A_363 = tpu.vector_load %arg7[%get3A_361, %get3A_362] {strides = array<i32>} : memref<1600x16xf32, #tpu.memory_space<vmem>>, vector<16xf32>,
      %mul3A_364 = arith.constant 50 : i32
      %mul3A_365 = arith.muli %scan3A_287, %mul3A_364 : i32
      %add3A_366 = arith.constant 5 : i32
      %add3A_367 = arith.addi %mul3A_365, %add3A_366 : i32
      %add3A_368 = arith.constant 2 : i32
      %add3A_369 = arith.addi %add3A_367, %add3A_368 : i32
      %get3A_370 = arith.index_cast %add3A_369 : i32 to index
      %get3A_371 = arith.constant 0 : index
      %get3A_372 = tpu.vector_load %arg7[%get3A_370, %get3A_371] {strides = array<i32>} : memref<1600x16xf32, #tpu.memory_space<vmem>>, vector<16xf32>,
      %mul3A_373 = arith.constant 50 : i32
      %mul3A_374 = arith.muli %scan3A_287, %mul3A_373 : i32
      %add3A_375 = arith.constant 5 : i32
      %add3A_376 = arith.addi %mul3A_374, %add3A_375 : i32
      %add3A_377 = arith.constant 3 : i32
      %add3A_378 = arith.addi %add3A_376, %add3A_377 : i32
      %get3A_379 = arith.index_cast %add3A_378 : i32 to index
      %get3A_380 = arith.constant 0 : index
      %get3A_381 = tpu.vector_load %arg7[%get3A_379, %get3A_380] {strides = array<i32>} : memref<1600x16xf32, #tpu.memory_space<vmem>>, vector<16xf32>,
      %mul3A_382 = arith.constant 50 : i32
      %mul3A_383 = arith.muli %scan3A_287, %mul3A_382 : i32
      %add3A_384 = arith.constant 5 : i32
      %add3A_385 = arith.addi %mul3A_383, %add3A_384 : i32
      %add3A_386 = arith.constant 4 : i32
      %add3A_387 = arith.addi %add3A_385, %add3A_386 : i32
      %get3A_388 = arith.index_cast %add3A_387 : i32 to index
      %get3A_389 = arith.constant 0 : index
      %get3A_390 = tpu.vector_load %arg7[%get3A_388, %get3A_389] {strides = array<i32>} : memref<1600x16xf32, #tpu.memory_space<vmem>>, vector<16xf32>,
      %broadcast_in_dim3A_391 = arith.constant 5 : i32
      %broadcast_in_dim3A_392 = vector.broadcast %broadcast_in_dim3A_391 : i32 to vector<16xi32>
      tpu.vector_store_idx %arg9[%broadcast_in_dim3A_392, %select_n3A, %select_n3A_45, %add3A_291], %get3A_354 : memref<50x2x8x33xf32, #tpu.memory_space<vmem>>[vector<16xi32>, vector<16xi32>, vector<16xi32>, vector<16xi32>], vector<16xf32>,
      %broadcast_in_dim3A_393 = arith.constant 6 : i32
      %broadcast_in_dim3A_394 = vector.broadcast %broadcast_in_dim3A_393 : i32 to vector<16xi32>
      tpu.vector_store_idx %arg9[%broadcast_in_dim3A_394, %select_n3A, %select_n3A_45, %add3A_291], %get3A_363 : memref<50x2x8x33xf32, #tpu.memory_space<vmem>>[vector<16xi32>, vector<16xi32>, vector<16xi32>, vector<16xi32>], vector<16xf32>,
      %broadcast_in_dim3A_395 = arith.constant 7 : i32
      %broadcast_in_dim3A_396 = vector.broadcast %broadcast_in_dim3A_395 : i32 to vector<16xi32>
      tpu.vector_store_idx %arg9[%broadcast_in_dim3A_396, %select_n3A, %select_n3A_45, %add3A_291], %get3A_372 : memref<50x2x8x33xf32, #tpu.memory_space<vmem>>[vector<16xi32>, vector<16xi32>, vector<16xi32>, vector<16xi32>], vector<16xf32>,
      %broadcast_in_dim3A_397 = arith.constant 8 : i32
      %broadcast_in_dim3A_398 = vector.broadcast %broadcast_in_dim3A_397 : i32 to vector<16xi32>
      tpu.vector_store_idx %arg9[%broadcast_in_dim3A_398, %select_n3A, %select_n3A_45, %add3A_291], %get3A_381 : memref<50x2x8x33xf32, #tpu.memory_space<vmem>>[vector<16xi32>, vector<16xi32>, vector<16xi32>, vector<16xi32>], vector<16xf32>,
      %broadcast_in_dim3A_399 = arith.constant 9 : i32
      %broadcast_in_dim3A_400 = vector.broadcast %broadcast_in_dim3A_399 : i32 to vector<16xi32>
      tpu.vector_store_idx %arg9[%broadcast_in_dim3A_400, %select_n3A, %select_n3A_45, %add3A_291], %get3A_390 : memref<50x2x8x33xf32, #tpu.memory_space<vmem>>[vector<16xi32>, vector<16xi32>, vector<16xi32>, vector<16xi32>], vector<16xf32>,
      %mul3A_401 = arith.constant 50 : i32
      %mul3A_402 = arith.muli %scan3A_287, %mul3A_401 : i32
      %add3A_403 = arith.constant 10 : i32
      %add3A_404 = arith.addi %mul3A_402, %add3A_403 : i32
      %add3A_405 = arith.constant 0 : i32
      %add3A_406 = arith.addi %add3A_404, %add3A_405 : i32
      %get3A_407 = arith.index_cast %add3A_406 : i32 to index
      %get3A_408 = arith.constant 0 : index
      %get3A_409 = tpu.vector_load %arg7[%get3A_407, %get3A_408] {strides = array<i32>} : memref<1600x16xf32, #tpu.memory_space<vmem>>, vector<16xf32>,
      %mul3A_410 = arith.constant 50 : i32
      %mul3A_411 = arith.muli %scan3A_287, %mul3A_410 : i32
      %add3A_412 = arith.constant 10 : i32
      %add3A_413 = arith.addi %mul3A_411, %add3A_412 : i32
      %add3A_414 = arith.constant 1 : i32
      %add3A_415 = arith.addi %add3A_413, %add3A_414 : i32
      %get3A_416 = arith.index_cast %add3A_415 : i32 to index
      %get3A_417 = arith.constant 0 : index
      %get3A_418 = tpu.vector_load %arg7[%get3A_416, %get3A_417] {strides = array<i32>} : memref<1600x16xf32, #tpu.memory_space<vmem>>, vector<16xf32>,
      %mul3A_419 = arith.constant 50 : i32
      %mul3A_420 = arith.muli %scan3A_287, %mul3A_419 : i32
      %add3A_421 = arith.constant 10 : i32
      %add3A_422 = arith.addi %mul3A_420, %add3A_421 : i32
      %add3A_423 = arith.constant 2 : i32
      %add3A_424 = arith.addi %add3A_422, %add3A_423 : i32
      %get3A_425 = arith.index_cast %add3A_424 : i32 to index
      %get3A_426 = arith.constant 0 : index
      %get3A_427 = tpu.vector_load %arg7[%get3A_425, %get3A_426] {strides = array<i32>} : memref<1600x16xf32, #tpu.memory_space<vmem>>, vector<16xf32>,
      %mul3A_428 = arith.constant 50 : i32
      %mul3A_429 = arith.muli %scan3A_287, %mul3A_428 : i32
      %add3A_430 = arith.constant 10 : i32
      %add3A_431 = arith.addi %mul3A_429, %add3A_430 : i32
      %add3A_432 = arith.constant 3 : i32
      %add3A_433 = arith.addi %add3A_431, %add3A_432 : i32
      %get3A_434 = arith.index_cast %add3A_433 : i32 to index
      %get3A_435 = arith.constant 0 : index
      %get3A_436 = tpu.vector_load %arg7[%get3A_434, %get3A_435] {strides = array<i32>} : memref<1600x16xf32, #tpu.memory_space<vmem>>, vector<16xf32>,
      %mul3A_437 = arith.constant 50 : i32
      %mul3A_438 = arith.muli %scan3A_287, %mul3A_437 : i32
      %add3A_439 = arith.constant 10 : i32
      %add3A_440 = arith.addi %mul3A_438, %add3A_439 : i32
      %add3A_441 = arith.constant 4 : i32
      %add3A_442 = arith.addi %add3A_440, %add3A_441 : i32
      %get3A_443 = arith.index_cast %add3A_442 : i32 to index
      %get3A_444 = arith.constant 0 : index
      %get3A_445 = tpu.vector_load %arg7[%get3A_443, %get3A_444] {strides = array<i32>} : memref<1600x16xf32, #tpu.memory_space<vmem>>, vector<16xf32>,
      %broadcast_in_dim3A_446 = arith.constant 10 : i32
      %broadcast_in_dim3A_447 = vector.broadcast %broadcast_in_dim3A_446 : i32 to vector<16xi32>
      tpu.vector_store_idx %arg9[%broadcast_in_dim3A_447, %select_n3A, %select_n3A_45, %add3A_291], %get3A_409 : memref<50x2x8x33xf32, #tpu.memory_space<vmem>>[vector<16xi32>, vector<16xi32>, vector<16xi32>, vector<16xi32>], vector<16xf32>,
      %broadcast_in_dim3A_448 = arith.constant 11 : i32
      %broadcast_in_dim3A_449 = vector.broadcast %broadcast_in_dim3A_448 : i32 to vector<16xi32>
      tpu.vector_store_idx %arg9[%broadcast_in_dim3A_449, %select_n3A, %select_n3A_45, %add3A_291], %get3A_418 : memref<50x2x8x33xf32, #tpu.memory_space<vmem>>[vector<16xi32>, vector<16xi32>, vector<16xi32>, vector<16xi32>], vector<16xf32>,
      %broadcast_in_dim3A_450 = arith.constant 12 : i32
      %broadcast_in_dim3A_451 = vector.broadcast %broadcast_in_dim3A_450 : i32 to vector<16xi32>
      tpu.vector_store_idx %arg9[%broadcast_in_dim3A_451, %select_n3A, %select_n3A_45, %add3A_291], %get3A_427 : memref<50x2x8x33xf32, #tpu.memory_space<vmem>>[vector<16xi32>, vector<16xi32>, vector<16xi32>, vector<16xi32>], vector<16xf32>,
      %broadcast_in_dim3A_452 = arith.constant 13 : i32
      %broadcast_in_dim3A_453 = vector.broadcast %broadcast_in_dim3A_452 : i32 to vector<16xi32>
      tpu.vector_store_idx %arg9[%broadcast_in_dim3A_453, %select_n3A, %select_n3A_45, %add3A_291], %get3A_436 : memref<50x2x8x33xf32, #tpu.memory_space<vmem>>[vector<16xi32>, vector<16xi32>, vector<16xi32>, vector<16xi32>], vector<16xf32>,
      %broadcast_in_dim3A_454 = arith.constant 14 : i32
      %broadcast_in_dim3A_455 = vector.broadcast %broadcast_in_dim3A_454 : i32 to vector<16xi32>
      tpu.vector_store_idx %arg9[%broadcast_in_dim3A_455, %select_n3A, %select_n3A_45, %add3A_291], %get3A_445 : memref<50x2x8x33xf32, #tpu.memory_space<vmem>>[vector<16xi32>, vector<16xi32>, vector<16xi32>, vector<16xi32>], vector<16xf32>,
      %mul3A_456 = arith.constant 50 : i32
      %mul3A_457 = arith.muli %scan3A_287, %mul3A_456 : i32
      %add3A_458 = arith.constant 15 : i32
      %add3A_459 = arith.addi %mul3A_457, %add3A_458 : i32
      %add3A_460 = arith.constant 0 : i32
      %add3A_461 = arith.addi %add3A_459, %add3A_460 : i32
      %get3A_462 = arith.index_cast %add3A_461 : i32 to index
      %get3A_463 = arith.constant 0 : index
      %get3A_464 = tpu.vector_load %arg7[%get3A_462, %get3A_463] {strides = array<i32>} : memref<1600x16xf32, #tpu.memory_space<vmem>>, vector<16xf32>,
      %mul3A_465 = arith.constant 50 : i32
      %mul3A_466 = arith.muli %scan3A_287, %mul3A_465 : i32
      %add3A_467 = arith.constant 15 : i32
      %add3A_468 = arith.addi %mul3A_466, %add3A_467 : i32
      %add3A_469 = arith.constant 1 : i32
      %add3A_470 = arith.addi %add3A_468, %add3A_469 : i32
      %get3A_471 = arith.index_cast %add3A_470 : i32 to index
      %get3A_472 = arith.constant 0 : index
      %get3A_473 = tpu.vector_load %arg7[%get3A_471, %get3A_472] {strides = array<i32>} : memref<1600x16xf32, #tpu.memory_space<vmem>>, vector<16xf32>,
      %mul3A_474 = arith.constant 50 : i32
      %mul3A_475 = arith.muli %scan3A_287, %mul3A_474 : i32
      %add3A_476 = arith.constant 15 : i32
      %add3A_477 = arith.addi %mul3A_475, %add3A_476 : i32
      %add3A_478 = arith.constant 2 : i32
      %add3A_479 = arith.addi %add3A_477, %add3A_478 : i32
      %get3A_480 = arith.index_cast %add3A_479 : i32 to index
      %get3A_481 = arith.constant 0 : index
      %get3A_482 = tpu.vector_load %arg7[%get3A_480, %get3A_481] {strides = array<i32>} : memref<1600x16xf32, #tpu.memory_space<vmem>>, vector<16xf32>,
      %mul3A_483 = arith.constant 50 : i32
      %mul3A_484 = arith.muli %scan3A_287, %mul3A_483 : i32
      %add3A_485 = arith.constant 15 : i32
      %add3A_486 = arith.addi %mul3A_484, %add3A_485 : i32
      %add3A_487 = arith.constant 3 : i32
      %add3A_488 = arith.addi %add3A_486, %add3A_487 : i32
      %get3A_489 = arith.index_cast %add3A_488 : i32 to index
      %get3A_490 = arith.constant 0 : index
      %get3A_491 = tpu.vector_load %arg7[%get3A_489, %get3A_490] {strides = array<i32>} : memref<1600x16xf32, #tpu.memory_space<vmem>>, vector<16xf32>,
      %mul3A_492 = arith.constant 50 : i32
      %mul3A_493 = arith.muli %scan3A_287, %mul3A_492 : i32
      %add3A_494 = arith.constant 15 : i32
      %add3A_495 = arith.addi %mul3A_493, %add3A_494 : i32
      %add3A_496 = arith.constant 4 : i32
      %add3A_497 = arith.addi %add3A_495, %add3A_496 : i32
      %get3A_498 = arith.index_cast %add3A_497 : i32 to index
      %get3A_499 = arith.constant 0 : index
      %get3A_500 = tpu.vector_load %arg7[%get3A_498, %get3A_499] {strides = array<i32>} : memref<1600x16xf32, #tpu.memory_space<vmem>>, vector<16xf32>,
      %broadcast_in_dim3A_501 = arith.constant 15 : i32
      %broadcast_in_dim3A_502 = vector.broadcast %broadcast_in_dim3A_501 : i32 to vector<16xi32>
      tpu.vector_store_idx %arg9[%broadcast_in_dim3A_502, %select_n3A, %select_n3A_45, %add3A_291], %get3A_464 : memref<50x2x8x33xf32, #tpu.memory_space<vmem>>[vector<16xi32>, vector<16xi32>, vector<16xi32>, vector<16xi32>], vector<16xf32>,
      %broadcast_in_dim3A_503 = arith.constant 16 : i32
      %broadcast_in_dim3A_504 = vector.broadcast %broadcast_in_dim3A_503 : i32 to vector<16xi32>
      tpu.vector_store_idx %arg9[%broadcast_in_dim3A_504, %select_n3A, %select_n3A_45, %add3A_291], %get3A_473 : memref<50x2x8x33xf32, #tpu.memory_space<vmem>>[vector<16xi32>, vector<16xi32>, vector<16xi32>, vector<16xi32>], vector<16xf32>,
      %broadcast_in_dim3A_505 = arith.constant 17 : i32
      %broadcast_in_dim3A_506 = vector.broadcast %broadcast_in_dim3A_505 : i32 to vector<16xi32>
      tpu.vector_store_idx %arg9[%broadcast_in_dim3A_506, %select_n3A, %select_n3A_45, %add3A_291], %get3A_482 : memref<50x2x8x33xf32, #tpu.memory_space<vmem>>[vector<16xi32>, vector<16xi32>, vector<16xi32>, vector<16xi32>], vector<16xf32>,
      %broadcast_in_dim3A_507 = arith.constant 18 : i32
      %broadcast_in_dim3A_508 = vector.broadcast %broadcast_in_dim3A_507 : i32 to vector<16xi32>
      tpu.vector_store_idx %arg9[%broadcast_in_dim3A_508, %select_n3A, %select_n3A_45, %add3A_291], %get3A_491 : memref<50x2x8x33xf32, #tpu.memory_space<vmem>>[vector<16xi32>, vector<16xi32>, vector<16xi32>, vector<16xi32>], vector<16xf32>,
      %broadcast_in_dim3A_509 = arith.constant 19 : i32
      %broadcast_in_dim3A_510 = vector.broadcast %broadcast_in_dim3A_509 : i32 to vector<16xi32>
      tpu.vector_store_idx %arg9[%broadcast_in_dim3A_510, %select_n3A, %select_n3A_45, %add3A_291], %get3A_500 : memref<50x2x8x33xf32, #tpu.memory_space<vmem>>[vector<16xi32>, vector<16xi32>, vector<16xi32>, vector<16xi32>], vector<16xf32>,
      %mul3A_511 = arith.constant 50 : i32
      %mul3A_512 = arith.muli %scan3A_287, %mul3A_511 : i32
      %add3A_513 = arith.constant 20 : i32
      %add3A_514 = arith.addi %mul3A_512, %add3A_513 : i32
      %add3A_515 = arith.constant 0 : i32
      %add3A_516 = arith.addi %add3A_514, %add3A_515 : i32
      %get3A_517 = arith.index_cast %add3A_516 : i32 to index
      %get3A_518 = arith.constant 0 : index
      %get3A_519 = tpu.vector_load %arg7[%get3A_517, %get3A_518] {strides = array<i32>} : memref<1600x16xf32, #tpu.memory_space<vmem>>, vector<16xf32>,
      %mul3A_520 = arith.constant 50 : i32
      %mul3A_521 = arith.muli %scan3A_287, %mul3A_520 : i32
      %add3A_522 = arith.constant 20 : i32
      %add3A_523 = arith.addi %mul3A_521, %add3A_522 : i32
      %add3A_524 = arith.constant 1 : i32
      %add3A_525 = arith.addi %add3A_523, %add3A_524 : i32
      %get3A_526 = arith.index_cast %add3A_525 : i32 to index
      %get3A_527 = arith.constant 0 : index
      %get3A_528 = tpu.vector_load %arg7[%get3A_526, %get3A_527] {strides = array<i32>} : memref<1600x16xf32, #tpu.memory_space<vmem>>, vector<16xf32>,
      %mul3A_529 = arith.constant 50 : i32
      %mul3A_530 = arith.muli %scan3A_287, %mul3A_529 : i32
      %add3A_531 = arith.constant 20 : i32
      %add3A_532 = arith.addi %mul3A_530, %add3A_531 : i32
      %add3A_533 = arith.constant 2 : i32
      %add3A_534 = arith.addi %add3A_532, %add3A_533 : i32
      %get3A_535 = arith.index_cast %add3A_534 : i32 to index
      %get3A_536 = arith.constant 0 : index
      %get3A_537 = tpu.vector_load %arg7[%get3A_535, %get3A_536] {strides = array<i32>} : memref<1600x16xf32, #tpu.memory_space<vmem>>, vector<16xf32>,
      %mul3A_538 = arith.constant 50 : i32
      %mul3A_539 = arith.muli %scan3A_287, %mul3A_538 : i32
      %add3A_540 = arith.constant 20 : i32
      %add3A_541 = arith.addi %mul3A_539, %add3A_540 : i32
      %add3A_542 = arith.constant 3 : i32
      %add3A_543 = arith.addi %add3A_541, %add3A_542 : i32
      %get3A_544 = arith.index_cast %add3A_543 : i32 to index
      %get3A_545 = arith.constant 0 : index
      %get3A_546 = tpu.vector_load %arg7[%get3A_544, %get3A_545] {strides = array<i32>} : memref<1600x16xf32, #tpu.memory_space<vmem>>, vector<16xf32>,
      %mul3A_547 = arith.constant 50 : i32
      %mul3A_548 = arith.muli %scan3A_287, %mul3A_547 : i32
      %add3A_549 = arith.constant 20 : i32
      %add3A_550 = arith.addi %mul3A_548, %add3A_549 : i32
      %add3A_551 = arith.constant 4 : i32
      %add3A_552 = arith.addi %add3A_550, %add3A_551 : i32
      %get3A_553 = arith.index_cast %add3A_552 : i32 to index
      %get3A_554 = arith.constant 0 : index
      %get3A_555 = tpu.vector_load %arg7[%get3A_553, %get3A_554] {strides = array<i32>} : memref<1600x16xf32, #tpu.memory_space<vmem>>, vector<16xf32>,
      %broadcast_in_dim3A_556 = arith.constant 20 : i32
      %broadcast_in_dim3A_557 = vector.broadcast %broadcast_in_dim3A_556 : i32 to vector<16xi32>
      tpu.vector_store_idx %arg9[%broadcast_in_dim3A_557, %select_n3A, %select_n3A_45, %add3A_291], %get3A_519 : memref<50x2x8x33xf32, #tpu.memory_space<vmem>>[vector<16xi32>, vector<16xi32>, vector<16xi32>, vector<16xi32>], vector<16xf32>,
      %broadcast_in_dim3A_558 = arith.constant 21 : i32
      %broadcast_in_dim3A_559 = vector.broadcast %broadcast_in_dim3A_558 : i32 to vector<16xi32>
      tpu.vector_store_idx %arg9[%broadcast_in_dim3A_559, %select_n3A, %select_n3A_45, %add3A_291], %get3A_528 : memref<50x2x8x33xf32, #tpu.memory_space<vmem>>[vector<16xi32>, vector<16xi32>, vector<16xi32>, vector<16xi32>], vector<16xf32>,
      %broadcast_in_dim3A_560 = arith.constant 22 : i32
      %broadcast_in_dim3A_561 = vector.broadcast %broadcast_in_dim3A_560 : i32 to vector<16xi32>
      tpu.vector_store_idx %arg9[%broadcast_in_dim3A_561, %select_n3A, %select_n3A_45, %add3A_291], %get3A_537 : memref<50x2x8x33xf32, #tpu.memory_space<vmem>>[vector<16xi32>, vector<16xi32>, vector<16xi32>, vector<16xi32>], vector<16xf32>,
      %broadcast_in_dim3A_562 = arith.constant 23 : i32
      %broadcast_in_dim3A_563 = vector.broadcast %broadcast_in_dim3A_562 : i32 to vector<16xi32>
      tpu.vector_store_idx %arg9[%broadcast_in_dim3A_563, %select_n3A, %select_n3A_45, %add3A_291], %get3A_546 : memref<50x2x8x33xf32, #tpu.memory_space<vmem>>[vector<16xi32>, vector<16xi32>, vector<16xi32>, vector<16xi32>], vector<16xf32>,
      %broadcast_in_dim3A_564 = arith.constant 24 : i32
      %broadcast_in_dim3A_565 = vector.broadcast %broadcast_in_dim3A_564 : i32 to vector<16xi32>
      tpu.vector_store_idx %arg9[%broadcast_in_dim3A_565, %select_n3A, %select_n3A_45, %add3A_291], %get3A_555 : memref<50x2x8x33xf32, #tpu.memory_space<vmem>>[vector<16xi32>, vector<16xi32>, vector<16xi32>, vector<16xi32>], vector<16xf32>,
      %mul3A_566 = arith.constant 50 : i32
      %mul3A_567 = arith.muli %scan3A_287, %mul3A_566 : i32
      %add3A_568 = arith.constant 25 : i32
      %add3A_569 = arith.addi %mul3A_567, %add3A_568 : i32
      %add3A_570 = arith.constant 0 : i32
      %add3A_571 = arith.addi %add3A_569, %add3A_570 : i32
      %get3A_572 = arith.index_cast %add3A_571 : i32 to index
      %get3A_573 = arith.constant 0 : index
      %get3A_574 = tpu.vector_load %arg7[%get3A_572, %get3A_573] {strides = array<i32>} : memref<1600x16xf32, #tpu.memory_space<vmem>>, vector<16xf32>,
      %mul3A_575 = arith.constant 50 : i32
      %mul3A_576 = arith.muli %scan3A_287, %mul3A_575 : i32
      %add3A_577 = arith.constant 25 : i32
      %add3A_578 = arith.addi %mul3A_576, %add3A_577 : i32
      %add3A_579 = arith.constant 1 : i32
      %add3A_580 = arith.addi %add3A_578, %add3A_579 : i32
      %get3A_581 = arith.index_cast %add3A_580 : i32 to index
      %get3A_582 = arith.constant 0 : index
      %get3A_583 = tpu.vector_load %arg7[%get3A_581, %get3A_582] {strides = array<i32>} : memref<1600x16xf32, #tpu.memory_space<vmem>>, vector<16xf32>,
      %mul3A_584 = arith.constant 50 : i32
      %mul3A_585 = arith.muli %scan3A_287, %mul3A_584 : i32
      %add3A_586 = arith.constant 25 : i32
      %add3A_587 = arith.addi %mul3A_585, %add3A_586 : i32
      %add3A_588 = arith.constant 2 : i32
      %add3A_589 = arith.addi %add3A_587, %add3A_588 : i32
      %get3A_590 = arith.index_cast %add3A_589 : i32 to index
      %get3A_591 = arith.constant 0 : index
      %get3A_592 = tpu.vector_load %arg7[%get3A_590, %get3A_591] {strides = array<i32>} : memref<1600x16xf32, #tpu.memory_space<vmem>>, vector<16xf32>,
      %mul3A_593 = arith.constant 50 : i32
      %mul3A_594 = arith.muli %scan3A_287, %mul3A_593 : i32
      %add3A_595 = arith.constant 25 : i32
      %add3A_596 = arith.addi %mul3A_594, %add3A_595 : i32
      %add3A_597 = arith.constant 3 : i32
      %add3A_598 = arith.addi %add3A_596, %add3A_597 : i32
      %get3A_599 = arith.index_cast %add3A_598 : i32 to index
      %get3A_600 = arith.constant 0 : index
      %get3A_601 = tpu.vector_load %arg7[%get3A_599, %get3A_600] {strides = array<i32>} : memref<1600x16xf32, #tpu.memory_space<vmem>>, vector<16xf32>,
      %mul3A_602 = arith.constant 50 : i32
      %mul3A_603 = arith.muli %scan3A_287, %mul3A_602 : i32
      %add3A_604 = arith.constant 25 : i32
      %add3A_605 = arith.addi %mul3A_603, %add3A_604 : i32
      %add3A_606 = arith.constant 4 : i32
      %add3A_607 = arith.addi %add3A_605, %add3A_606 : i32
      %get3A_608 = arith.index_cast %add3A_607 : i32 to index
      %get3A_609 = arith.constant 0 : index
      %get3A_610 = tpu.vector_load %arg7[%get3A_608, %get3A_609] {strides = array<i32>} : memref<1600x16xf32, #tpu.memory_space<vmem>>, vector<16xf32>,
      %broadcast_in_dim3A_611 = arith.constant 25 : i32
      %broadcast_in_dim3A_612 = vector.broadcast %broadcast_in_dim3A_611 : i32 to vector<16xi32>
      tpu.vector_store_idx %arg9[%broadcast_in_dim3A_612, %select_n3A, %select_n3A_45, %add3A_291], %get3A_574 : memref<50x2x8x33xf32, #tpu.memory_space<vmem>>[vector<16xi32>, vector<16xi32>, vector<16xi32>, vector<16xi32>], vector<16xf32>,
      %broadcast_in_dim3A_613 = arith.constant 26 : i32
      %broadcast_in_dim3A_614 = vector.broadcast %broadcast_in_dim3A_613 : i32 to vector<16xi32>
      tpu.vector_store_idx %arg9[%broadcast_in_dim3A_614, %select_n3A, %select_n3A_45, %add3A_291], %get3A_583 : memref<50x2x8x33xf32, #tpu.memory_space<vmem>>[vector<16xi32>, vector<16xi32>, vector<16xi32>, vector<16xi32>], vector<16xf32>,
      %broadcast_in_dim3A_615 = arith.constant 27 : i32
      %broadcast_in_dim3A_616 = vector.broadcast %broadcast_in_dim3A_615 : i32 to vector<16xi32>
      tpu.vector_store_idx %arg9[%broadcast_in_dim3A_616, %select_n3A, %select_n3A_45, %add3A_291], %get3A_592 : memref<50x2x8x33xf32, #tpu.memory_space<vmem>>[vector<16xi32>, vector<16xi32>, vector<16xi32>, vector<16xi32>], vector<16xf32>,
      %broadcast_in_dim3A_617 = arith.constant 28 : i32
      %broadcast_in_dim3A_618 = vector.broadcast %broadcast_in_dim3A_617 : i32 to vector<16xi32>
      tpu.vector_store_idx %arg9[%broadcast_in_dim3A_618, %select_n3A, %select_n3A_45, %add3A_291], %get3A_601 : memref<50x2x8x33xf32, #tpu.memory_space<vmem>>[vector<16xi32>, vector<16xi32>, vector<16xi32>, vector<16xi32>], vector<16xf32>,
      %broadcast_in_dim3A_619 = arith.constant 29 : i32
      %broadcast_in_dim3A_620 = vector.broadcast %broadcast_in_dim3A_619 : i32 to vector<16xi32>
      tpu.vector_store_idx %arg9[%broadcast_in_dim3A_620, %select_n3A, %select_n3A_45, %add3A_291], %get3A_610 : memref<50x2x8x33xf32, #tpu.memory_space<vmem>>[vector<16xi32>, vector<16xi32>, vector<16xi32>, vector<16xi32>], vector<16xf32>,
      %mul3A_621 = arith.constant 50 : i32
      %mul3A_622 = arith.muli %scan3A_287, %mul3A_621 : i32
      %add3A_623 = arith.constant 30 : i32
      %add3A_624 = arith.addi %mul3A_622, %add3A_623 : i32
      %add3A_625 = arith.constant 0 : i32
      %add3A_626 = arith.addi %add3A_624, %add3A_625 : i32
      %get3A_627 = arith.index_cast %add3A_626 : i32 to index
      %get3A_628 = arith.constant 0 : index
      %get3A_629 = tpu.vector_load %arg7[%get3A_627, %get3A_628] {strides = array<i32>} : memref<1600x16xf32, #tpu.memory_space<vmem>>, vector<16xf32>,
      %mul3A_630 = arith.constant 50 : i32
      %mul3A_631 = arith.muli %scan3A_287, %mul3A_630 : i32
      %add3A_632 = arith.constant 30 : i32
      %add3A_633 = arith.addi %mul3A_631, %add3A_632 : i32
      %add3A_634 = arith.constant 1 : i32
      %add3A_635 = arith.addi %add3A_633, %add3A_634 : i32
      %get3A_636 = arith.index_cast %add3A_635 : i32 to index
      %get3A_637 = arith.constant 0 : index
      %get3A_638 = tpu.vector_load %arg7[%get3A_636, %get3A_637] {strides = array<i32>} : memref<1600x16xf32, #tpu.memory_space<vmem>>, vector<16xf32>,
      %mul3A_639 = arith.constant 50 : i32
      %mul3A_640 = arith.muli %scan3A_287, %mul3A_639 : i32
      %add3A_641 = arith.constant 30 : i32
      %add3A_642 = arith.addi %mul3A_640, %add3A_641 : i32
      %add3A_643 = arith.constant 2 : i32
      %add3A_644 = arith.addi %add3A_642, %add3A_643 : i32
      %get3A_645 = arith.index_cast %add3A_644 : i32 to index
      %get3A_646 = arith.constant 0 : index
      %get3A_647 = tpu.vector_load %arg7[%get3A_645, %get3A_646] {strides = array<i32>} : memref<1600x16xf32, #tpu.memory_space<vmem>>, vector<16xf32>,
      %mul3A_648 = arith.constant 50 : i32
      %mul3A_649 = arith.muli %scan3A_287, %mul3A_648 : i32
      %add3A_650 = arith.constant 30 : i32
      %add3A_651 = arith.addi %mul3A_649, %add3A_650 : i32
      %add3A_652 = arith.constant 3 : i32
      %add3A_653 = arith.addi %add3A_651, %add3A_652 : i32
      %get3A_654 = arith.index_cast %add3A_653 : i32 to index
      %get3A_655 = arith.constant 0 : index
      %get3A_656 = tpu.vector_load %arg7[%get3A_654, %get3A_655] {strides = array<i32>} : memref<1600x16xf32, #tpu.memory_space<vmem>>, vector<16xf32>,
      %mul3A_657 = arith.constant 50 : i32
      %mul3A_658 = arith.muli %scan3A_287, %mul3A_657 : i32
      %add3A_659 = arith.constant 30 : i32
      %add3A_660 = arith.addi %mul3A_658, %add3A_659 : i32
      %add3A_661 = arith.constant 4 : i32
      %add3A_662 = arith.addi %add3A_660, %add3A_661 : i32
      %get3A_663 = arith.index_cast %add3A_662 : i32 to index
      %get3A_664 = arith.constant 0 : index
      %get3A_665 = tpu.vector_load %arg7[%get3A_663, %get3A_664] {strides = array<i32>} : memref<1600x16xf32, #tpu.memory_space<vmem>>, vector<16xf32>,
      %broadcast_in_dim3A_666 = arith.constant 30 : i32
      %broadcast_in_dim3A_667 = vector.broadcast %broadcast_in_dim3A_666 : i32 to vector<16xi32>
      tpu.vector_store_idx %arg9[%broadcast_in_dim3A_667, %select_n3A, %select_n3A_45, %add3A_291], %get3A_629 : memref<50x2x8x33xf32, #tpu.memory_space<vmem>>[vector<16xi32>, vector<16xi32>, vector<16xi32>, vector<16xi32>], vector<16xf32>,
      %broadcast_in_dim3A_668 = arith.constant 31 : i32
      %broadcast_in_dim3A_669 = vector.broadcast %broadcast_in_dim3A_668 : i32 to vector<16xi32>
      tpu.vector_store_idx %arg9[%broadcast_in_dim3A_669, %select_n3A, %select_n3A_45, %add3A_291], %get3A_638 : memref<50x2x8x33xf32, #tpu.memory_space<vmem>>[vector<16xi32>, vector<16xi32>, vector<16xi32>, vector<16xi32>], vector<16xf32>,
      %broadcast_in_dim3A_670 = arith.constant 32 : i32
      %broadcast_in_dim3A_671 = vector.broadcast %broadcast_in_dim3A_670 : i32 to vector<16xi32>
      tpu.vector_store_idx %arg9[%broadcast_in_dim3A_671, %select_n3A, %select_n3A_45, %add3A_291], %get3A_647 : memref<50x2x8x33xf32, #tpu.memory_space<vmem>>[vector<16xi32>, vector<16xi32>, vector<16xi32>, vector<16xi32>], vector<16xf32>,
      %broadcast_in_dim3A_672 = arith.constant 33 : i32
      %broadcast_in_dim3A_673 = vector.broadcast %broadcast_in_dim3A_672 : i32 to vector<16xi32>
      tpu.vector_store_idx %arg9[%broadcast_in_dim3A_673, %select_n3A, %select_n3A_45, %add3A_291], %get3A_656 : memref<50x2x8x33xf32, #tpu.memory_space<vmem>>[vector<16xi32>, vector<16xi32>, vector<16xi32>, vector<16xi32>], vector<16xf32>,
      %broadcast_in_dim3A_674 = arith.constant 34 : i32
      %broadcast_in_dim3A_675 = vector.broadcast %broadcast_in_dim3A_674 : i32 to vector<16xi32>
      tpu.vector_store_idx %arg9[%broadcast_in_dim3A_675, %select_n3A, %select_n3A_45, %add3A_291], %get3A_665 : memref<50x2x8x33xf32, #tpu.memory_space<vmem>>[vector<16xi32>, vector<16xi32>, vector<16xi32>, vector<16xi32>], vector<16xf32>,
      %mul3A_676 = arith.constant 50 : i32
      %mul3A_677 = arith.muli %scan3A_287, %mul3A_676 : i32
      %add3A_678 = arith.constant 35 : i32
      %add3A_679 = arith.addi %mul3A_677, %add3A_678 : i32
      %add3A_680 = arith.constant 0 : i32
      %add3A_681 = arith.addi %add3A_679, %add3A_680 : i32
      %get3A_682 = arith.index_cast %add3A_681 : i32 to index
      %get3A_683 = arith.constant 0 : index
      %get3A_684 = tpu.vector_load %arg7[%get3A_682, %get3A_683] {strides = array<i32>} : memref<1600x16xf32, #tpu.memory_space<vmem>>, vector<16xf32>,
      %mul3A_685 = arith.constant 50 : i32
      %mul3A_686 = arith.muli %scan3A_287, %mul3A_685 : i32
      %add3A_687 = arith.constant 35 : i32
      %add3A_688 = arith.addi %mul3A_686, %add3A_687 : i32
      %add3A_689 = arith.constant 1 : i32
      %add3A_690 = arith.addi %add3A_688, %add3A_689 : i32
      %get3A_691 = arith.index_cast %add3A_690 : i32 to index
      %get3A_692 = arith.constant 0 : index
      %get3A_693 = tpu.vector_load %arg7[%get3A_691, %get3A_692] {strides = array<i32>} : memref<1600x16xf32, #tpu.memory_space<vmem>>, vector<16xf32>,
      %mul3A_694 = arith.constant 50 : i32
      %mul3A_695 = arith.muli %scan3A_287, %mul3A_694 : i32
      %add3A_696 = arith.constant 35 : i32
      %add3A_697 = arith.addi %mul3A_695, %add3A_696 : i32
      %add3A_698 = arith.constant 2 : i32
      %add3A_699 = arith.addi %add3A_697, %add3A_698 : i32
      %get3A_700 = arith.index_cast %add3A_699 : i32 to index
      %get3A_701 = arith.constant 0 : index
      %get3A_702 = tpu.vector_load %arg7[%get3A_700, %get3A_701] {strides = array<i32>} : memref<1600x16xf32, #tpu.memory_space<vmem>>, vector<16xf32>,
      %mul3A_703 = arith.constant 50 : i32
      %mul3A_704 = arith.muli %scan3A_287, %mul3A_703 : i32
      %add3A_705 = arith.constant 35 : i32
      %add3A_706 = arith.addi %mul3A_704, %add3A_705 : i32
      %add3A_707 = arith.constant 3 : i32
      %add3A_708 = arith.addi %add3A_706, %add3A_707 : i32
      %get3A_709 = arith.index_cast %add3A_708 : i32 to index
      %get3A_710 = arith.constant 0 : index
      %get3A_711 = tpu.vector_load %arg7[%get3A_709, %get3A_710] {strides = array<i32>} : memref<1600x16xf32, #tpu.memory_space<vmem>>, vector<16xf32>,
      %mul3A_712 = arith.constant 50 : i32
      %mul3A_713 = arith.muli %scan3A_287, %mul3A_712 : i32
      %add3A_714 = arith.constant 35 : i32
      %add3A_715 = arith.addi %mul3A_713, %add3A_714 : i32
      %add3A_716 = arith.constant 4 : i32
      %add3A_717 = arith.addi %add3A_715, %add3A_716 : i32
      %get3A_718 = arith.index_cast %add3A_717 : i32 to index
      %get3A_719 = arith.constant 0 : index
      %get3A_720 = tpu.vector_load %arg7[%get3A_718, %get3A_719] {strides = array<i32>} : memref<1600x16xf32, #tpu.memory_space<vmem>>, vector<16xf32>,
      %broadcast_in_dim3A_721 = arith.constant 35 : i32
      %broadcast_in_dim3A_722 = vector.broadcast %broadcast_in_dim3A_721 : i32 to vector<16xi32>
      tpu.vector_store_idx %arg9[%broadcast_in_dim3A_722, %select_n3A, %select_n3A_45, %add3A_291], %get3A_684 : memref<50x2x8x33xf32, #tpu.memory_space<vmem>>[vector<16xi32>, vector<16xi32>, vector<16xi32>, vector<16xi32>], vector<16xf32>,
      %broadcast_in_dim3A_723 = arith.constant 36 : i32
      %broadcast_in_dim3A_724 = vector.broadcast %broadcast_in_dim3A_723 : i32 to vector<16xi32>
      tpu.vector_store_idx %arg9[%broadcast_in_dim3A_724, %select_n3A, %select_n3A_45, %add3A_291], %get3A_693 : memref<50x2x8x33xf32, #tpu.memory_space<vmem>>[vector<16xi32>, vector<16xi32>, vector<16xi32>, vector<16xi32>], vector<16xf32>,
      %broadcast_in_dim3A_725 = arith.constant 37 : i32
      %broadcast_in_dim3A_726 = vector.broadcast %broadcast_in_dim3A_725 : i32 to vector<16xi32>
      tpu.vector_store_idx %arg9[%broadcast_in_dim3A_726, %select_n3A, %select_n3A_45, %add3A_291], %get3A_702 : memref<50x2x8x33xf32, #tpu.memory_space<vmem>>[vector<16xi32>, vector<16xi32>, vector<16xi32>, vector<16xi32>], vector<16xf32>,
      %broadcast_in_dim3A_727 = arith.constant 38 : i32
      %broadcast_in_dim3A_728 = vector.broadcast %broadcast_in_dim3A_727 : i32 to vector<16xi32>
      tpu.vector_store_idx %arg9[%broadcast_in_dim3A_728, %select_n3A, %select_n3A_45, %add3A_291], %get3A_711 : memref<50x2x8x33xf32, #tpu.memory_space<vmem>>[vector<16xi32>, vector<16xi32>, vector<16xi32>, vector<16xi32>], vector<16xf32>,
      %broadcast_in_dim3A_729 = arith.constant 39 : i32
      %broadcast_in_dim3A_730 = vector.broadcast %broadcast_in_dim3A_729 : i32 to vector<16xi32>
      tpu.vector_store_idx %arg9[%broadcast_in_dim3A_730, %select_n3A, %select_n3A_45, %add3A_291], %get3A_720 : memref<50x2x8x33xf32, #tpu.memory_space<vmem>>[vector<16xi32>, vector<16xi32>, vector<16xi32>, vector<16xi32>], vector<16xf32>,
      %mul3A_731 = arith.constant 50 : i32
      %mul3A_732 = arith.muli %scan3A_287, %mul3A_731 : i32
      %add3A_733 = arith.constant 40 : i32
      %add3A_734 = arith.addi %mul3A_732, %add3A_733 : i32
      %add3A_735 = arith.constant 0 : i32
      %add3A_736 = arith.addi %add3A_734, %add3A_735 : i32
      %get3A_737 = arith.index_cast %add3A_736 : i32 to index
      %get3A_738 = arith.constant 0 : index
      %get3A_739 = tpu.vector_load %arg7[%get3A_737, %get3A_738] {strides = array<i32>} : memref<1600x16xf32, #tpu.memory_space<vmem>>, vector<16xf32>,
      %mul3A_740 = arith.constant 50 : i32
      %mul3A_741 = arith.muli %scan3A_287, %mul3A_740 : i32
      %add3A_742 = arith.constant 40 : i32
      %add3A_743 = arith.addi %mul3A_741, %add3A_742 : i32
      %add3A_744 = arith.constant 1 : i32
      %add3A_745 = arith.addi %add3A_743, %add3A_744 : i32
      %get3A_746 = arith.index_cast %add3A_745 : i32 to index
      %get3A_747 = arith.constant 0 : index
      %get3A_748 = tpu.vector_load %arg7[%get3A_746, %get3A_747] {strides = array<i32>} : memref<1600x16xf32, #tpu.memory_space<vmem>>, vector<16xf32>,
      %mul3A_749 = arith.constant 50 : i32
      %mul3A_750 = arith.muli %scan3A_287, %mul3A_749 : i32
      %add3A_751 = arith.constant 40 : i32
      %add3A_752 = arith.addi %mul3A_750, %add3A_751 : i32
      %add3A_753 = arith.constant 2 : i32
      %add3A_754 = arith.addi %add3A_752, %add3A_753 : i32
      %get3A_755 = arith.index_cast %add3A_754 : i32 to index
      %get3A_756 = arith.constant 0 : index
      %get3A_757 = tpu.vector_load %arg7[%get3A_755, %get3A_756] {strides = array<i32>} : memref<1600x16xf32, #tpu.memory_space<vmem>>, vector<16xf32>,
      %mul3A_758 = arith.constant 50 : i32
      %mul3A_759 = arith.muli %scan3A_287, %mul3A_758 : i32
      %add3A_760 = arith.constant 40 : i32
      %add3A_761 = arith.addi %mul3A_759, %add3A_760 : i32
      %add3A_762 = arith.constant 3 : i32
      %add3A_763 = arith.addi %add3A_761, %add3A_762 : i32
      %get3A_764 = arith.index_cast %add3A_763 : i32 to index
      %get3A_765 = arith.constant 0 : index
      %get3A_766 = tpu.vector_load %arg7[%get3A_764, %get3A_765] {strides = array<i32>} : memref<1600x16xf32, #tpu.memory_space<vmem>>, vector<16xf32>,
      %mul3A_767 = arith.constant 50 : i32
      %mul3A_768 = arith.muli %scan3A_287, %mul3A_767 : i32
      %add3A_769 = arith.constant 40 : i32
      %add3A_770 = arith.addi %mul3A_768, %add3A_769 : i32
      %add3A_771 = arith.constant 4 : i32
      %add3A_772 = arith.addi %add3A_770, %add3A_771 : i32
      %get3A_773 = arith.index_cast %add3A_772 : i32 to index
      %get3A_774 = arith.constant 0 : index
      %get3A_775 = tpu.vector_load %arg7[%get3A_773, %get3A_774] {strides = array<i32>} : memref<1600x16xf32, #tpu.memory_space<vmem>>, vector<16xf32>,
      %broadcast_in_dim3A_776 = arith.constant 40 : i32
      %broadcast_in_dim3A_777 = vector.broadcast %broadcast_in_dim3A_776 : i32 to vector<16xi32>
      tpu.vector_store_idx %arg9[%broadcast_in_dim3A_777, %select_n3A, %select_n3A_45, %add3A_291], %get3A_739 : memref<50x2x8x33xf32, #tpu.memory_space<vmem>>[vector<16xi32>, vector<16xi32>, vector<16xi32>, vector<16xi32>], vector<16xf32>,
      %broadcast_in_dim3A_778 = arith.constant 41 : i32
      %broadcast_in_dim3A_779 = vector.broadcast %broadcast_in_dim3A_778 : i32 to vector<16xi32>
      tpu.vector_store_idx %arg9[%broadcast_in_dim3A_779, %select_n3A, %select_n3A_45, %add3A_291], %get3A_748 : memref<50x2x8x33xf32, #tpu.memory_space<vmem>>[vector<16xi32>, vector<16xi32>, vector<16xi32>, vector<16xi32>], vector<16xf32>,
      %broadcast_in_dim3A_780 = arith.constant 42 : i32
      %broadcast_in_dim3A_781 = vector.broadcast %broadcast_in_dim3A_780 : i32 to vector<16xi32>
      tpu.vector_store_idx %arg9[%broadcast_in_dim3A_781, %select_n3A, %select_n3A_45, %add3A_291], %get3A_757 : memref<50x2x8x33xf32, #tpu.memory_space<vmem>>[vector<16xi32>, vector<16xi32>, vector<16xi32>, vector<16xi32>], vector<16xf32>,
      %broadcast_in_dim3A_782 = arith.constant 43 : i32
      %broadcast_in_dim3A_783 = vector.broadcast %broadcast_in_dim3A_782 : i32 to vector<16xi32>
      tpu.vector_store_idx %arg9[%broadcast_in_dim3A_783, %select_n3A, %select_n3A_45, %add3A_291], %get3A_766 : memref<50x2x8x33xf32, #tpu.memory_space<vmem>>[vector<16xi32>, vector<16xi32>, vector<16xi32>, vector<16xi32>], vector<16xf32>,
      %broadcast_in_dim3A_784 = arith.constant 44 : i32
      %broadcast_in_dim3A_785 = vector.broadcast %broadcast_in_dim3A_784 : i32 to vector<16xi32>
      tpu.vector_store_idx %arg9[%broadcast_in_dim3A_785, %select_n3A, %select_n3A_45, %add3A_291], %get3A_775 : memref<50x2x8x33xf32, #tpu.memory_space<vmem>>[vector<16xi32>, vector<16xi32>, vector<16xi32>, vector<16xi32>], vector<16xf32>,
      %mul3A_786 = arith.constant 50 : i32
      %mul3A_787 = arith.muli %scan3A_287, %mul3A_786 : i32
      %add3A_788 = arith.constant 45 : i32
      %add3A_789 = arith.addi %mul3A_787, %add3A_788 : i32
      %add3A_790 = arith.constant 0 : i32
      %add3A_791 = arith.addi %add3A_789, %add3A_790 : i32
      %get3A_792 = arith.index_cast %add3A_791 : i32 to index
      %get3A_793 = arith.constant 0 : index
      %get3A_794 = tpu.vector_load %arg7[%get3A_792, %get3A_793] {strides = array<i32>} : memref<1600x16xf32, #tpu.memory_space<vmem>>, vector<16xf32>,
      %mul3A_795 = arith.constant 50 : i32
      %mul3A_796 = arith.muli %scan3A_287, %mul3A_795 : i32
      %add3A_797 = arith.constant 45 : i32
      %add3A_798 = arith.addi %mul3A_796, %add3A_797 : i32
      %add3A_799 = arith.constant 1 : i32
      %add3A_800 = arith.addi %add3A_798, %add3A_799 : i32
      %get3A_801 = arith.index_cast %add3A_800 : i32 to index
      %get3A_802 = arith.constant 0 : index
      %get3A_803 = tpu.vector_load %arg7[%get3A_801, %get3A_802] {strides = array<i32>} : memref<1600x16xf32, #tpu.memory_space<vmem>>, vector<16xf32>,
      %mul3A_804 = arith.constant 50 : i32
      %mul3A_805 = arith.muli %scan3A_287, %mul3A_804 : i32
      %add3A_806 = arith.constant 45 : i32
      %add3A_807 = arith.addi %mul3A_805, %add3A_806 : i32
      %add3A_808 = arith.constant 2 : i32
      %add3A_809 = arith.addi %add3A_807, %add3A_808 : i32
      %get3A_810 = arith.index_cast %add3A_809 : i32 to index
      %get3A_811 = arith.constant 0 : index
      %get3A_812 = tpu.vector_load %arg7[%get3A_810, %get3A_811] {strides = array<i32>} : memref<1600x16xf32, #tpu.memory_space<vmem>>, vector<16xf32>,
      %mul3A_813 = arith.constant 50 : i32
      %mul3A_814 = arith.muli %scan3A_287, %mul3A_813 : i32
      %add3A_815 = arith.constant 45 : i32
      %add3A_816 = arith.addi %mul3A_814, %add3A_815 : i32
      %add3A_817 = arith.constant 3 : i32
      %add3A_818 = arith.addi %add3A_816, %add3A_817 : i32
      %get3A_819 = arith.index_cast %add3A_818 : i32 to index
      %get3A_820 = arith.constant 0 : index
      %get3A_821 = tpu.vector_load %arg7[%get3A_819, %get3A_820] {strides = array<i32>} : memref<1600x16xf32, #tpu.memory_space<vmem>>, vector<16xf32>,
      %mul3A_822 = arith.constant 50 : i32
      %mul3A_823 = arith.muli %scan3A_287, %mul3A_822 : i32
      %add3A_824 = arith.constant 45 : i32
      %add3A_825 = arith.addi %mul3A_823, %add3A_824 : i32
      %add3A_826 = arith.constant 4 : i32
      %add3A_827 = arith.addi %add3A_825, %add3A_826 : i32
      %get3A_828 = arith.index_cast %add3A_827 : i32 to index
      %get3A_829 = arith.constant 0 : index
      %get3A_830 = tpu.vector_load %arg7[%get3A_828, %get3A_829] {strides = array<i32>} : memref<1600x16xf32, #tpu.memory_space<vmem>>, vector<16xf32>,
      %broadcast_in_dim3A_831 = arith.constant 45 : i32
      %broadcast_in_dim3A_832 = vector.broadcast %broadcast_in_dim3A_831 : i32 to vector<16xi32>
      tpu.vector_store_idx %arg9[%broadcast_in_dim3A_832, %select_n3A, %select_n3A_45, %add3A_291], %get3A_794 : memref<50x2x8x33xf32, #tpu.memory_space<vmem>>[vector<16xi32>, vector<16xi32>, vector<16xi32>, vector<16xi32>], vector<16xf32>,
      %broadcast_in_dim3A_833 = arith.constant 46 : i32
      %broadcast_in_dim3A_834 = vector.broadcast %broadcast_in_dim3A_833 : i32 to vector<16xi32>
      tpu.vector_store_idx %arg9[%broadcast_in_dim3A_834, %select_n3A, %select_n3A_45, %add3A_291], %get3A_803 : memref<50x2x8x33xf32, #tpu.memory_space<vmem>>[vector<16xi32>, vector<16xi32>, vector<16xi32>, vector<16xi32>], vector<16xf32>,
      %broadcast_in_dim3A_835 = arith.constant 47 : i32
      %broadcast_in_dim3A_836 = vector.broadcast %broadcast_in_dim3A_835 : i32 to vector<16xi32>
      tpu.vector_store_idx %arg9[%broadcast_in_dim3A_836, %select_n3A, %select_n3A_45, %add3A_291], %get3A_812 : memref<50x2x8x33xf32, #tpu.memory_space<vmem>>[vector<16xi32>, vector<16xi32>, vector<16xi32>, vector<16xi32>], vector<16xf32>,
      %broadcast_in_dim3A_837 = arith.constant 48 : i32
      %broadcast_in_dim3A_838 = vector.broadcast %broadcast_in_dim3A_837 : i32 to vector<16xi32>
      tpu.vector_store_idx %arg9[%broadcast_in_dim3A_838, %select_n3A, %select_n3A_45, %add3A_291], %get3A_821 : memref<50x2x8x33xf32, #tpu.memory_space<vmem>>[vector<16xi32>, vector<16xi32>, vector<16xi32>, vector<16xi32>], vector<16xf32>,
      %broadcast_in_dim3A_839 = arith.constant 49 : i32
      %broadcast_in_dim3A_840 = vector.broadcast %broadcast_in_dim3A_839 : i32 to vector<16xi32>
      tpu.vector_store_idx %arg9[%broadcast_in_dim3A_840, %select_n3A, %select_n3A_45, %add3A_291], %get3A_830 : memref<50x2x8x33xf32, #tpu.memory_space<vmem>>[vector<16xi32>, vector<16xi32>, vector<16xi32>, vector<16xi32>], vector<16xf32>,
      %scan3A_841 = arith.constant 0 : i32
      scf.yield %scan3A_841 : i32
    }
    %scan3A_103 = arith.constant 32 : i32
    %dma_start3A_104 = arith.constant 0 : i32
    %dma_start3A_105 = arith.constant 0 : i32
    %dma_start3A_106 = arith.constant 0 : i32
    %dma_start3A_107 = arith.constant 0 : i32
    %dma_start3A_108 = tpu.memref_slice %arg9[%dma_start3A_104, %dma_start3A_105, %dma_start3A_106, %dma_start3A_107] : memref<50x2x8x33xf32, #tpu.memory_space<vmem>> -> memref<50x2x8x32xf32, #tpu.memory_space<vmem>>
    %dma_start3A_109 = arith.constant 0 : i32
    %dma_start3A_110 = arith.constant 0 : i32
    %dma_start3A_111 = arith.constant 0 : i32
    %dma_start3A_112 = arith.constant 32 : i32
    %dma_start3A_113 = tpu.memref_slice %arg4[%dma_start3A_109, %dma_start3A_110, %add3A, %dma_start3A_111, %dma_start3A_112] : memref<50x2x32x8x128xf32, #tpu.memory_space<hbm>> -> memref<50x2x1x8x32xf32, #tpu.memory_space<hbm>>
    %dma_start3A_114 = tpu.memref_squeeze %dma_start3A_113 : memref<50x2x1x8x32xf32, #tpu.memory_space<hbm>> -> memref<50x2x8x32xf32, #tpu.memory_space<hbm>>
    %dma_start3A_115 = arith.constant 0 : i32
    %dma_start3A_116 = arith.constant 0 : i32
    %dma_start3A_117 = arith.constant 0 : i32
    %dma_start3A_118 = arith.constant 32 : i32
    %dma_start3A_119 = tpu.memref_slice %arg4[%dma_start3A_115, %dma_start3A_116, %add3A, %dma_start3A_117, %dma_start3A_118] : memref<50x2x32x8x128xf32, #tpu.memory_space<hbm>> -> memref<50x2x1x8x32xf32, #tpu.memory_space<hbm>>
    %dma_start3A_120 = tpu.memref_squeeze %dma_start3A_119 : memref<50x2x1x8x32xf32, #tpu.memory_space<hbm>> -> memref<50x2x8x32xf32, #tpu.memory_space<hbm>>
    %dma_start3A_121 = arith.constant 0 : i32
    %dma_start3A_122 = arith.constant 0 : i32
    %dma_start3A_123 = arith.constant 0 : i32
    %dma_start3A_124 = arith.constant 0 : i32
    %dma_start3A_125 = tpu.memref_slice %arg9[%dma_start3A_121, %dma_start3A_122, %dma_start3A_123, %dma_start3A_124] : memref<50x2x8x33xf32, #tpu.memory_space<vmem>> -> memref<50x2x8x32xf32, #tpu.memory_space<vmem>>
    tpu.enqueue_dma source(%dma_start3A_125 : memref<50x2x8x32xf32, #tpu.memory_space<vmem>>) target(%dma_start3A_120 : memref<50x2x8x32xf32, #tpu.memory_space<hbm>>) target_semaphore(%arg11 : memref<!tpu.dma_semaphore, #tpu.memory_space<semaphore_mem>>)
    %dma_wait3A_126 = arith.constant 3200 : i32
    %dma_wait3A_127 = tpu.memref_slice %arg5[%dma_wait3A_126] : memref<6400xi32, #tpu.memory_space<vmem>> -> memref<1600xi32, #tpu.memory_space<vmem>>
    %dma_wait3A_128 = arith.constant 0 : i32
    %dma_wait3A_129 = arith.constant 0 : i32
    %dma_wait3A_130 = tpu.memref_slice %arg2[%dma_wait3A_128, %dma_wait3A_129] : memref<106496x16xf32, #tpu.memory_space<hbm>> -> memref<106496x16xf32, #tpu.memory_space<hbm>>
    tpu.wait_indirect_dma semaphore(%arg10 : memref<!tpu.dma_semaphore, #tpu.memory_space<semaphore_mem>>) src(%dma_wait3A_130 : memref<106496x16xf32, #tpu.memory_space<hbm>>) dst(%arg6 : memref<1600x16xf32, #tpu.memory_space<vmem>>)
    %dma_start3A_131 = arith.constant 4800 : i32
    %dma_start3A_132 = tpu.memref_slice %arg5[%dma_start3A_131] : memref<6400xi32, #tpu.memory_space<vmem>> -> memref<1600xi32, #tpu.memory_space<vmem>>
    %dma_start3A_133 = arith.constant 0 : i32
    %dma_start3A_134 = arith.constant 0 : i32
    %dma_start3A_135 = tpu.memref_slice %arg2[%dma_start3A_133, %dma_start3A_134] : memref<106496x16xf32, #tpu.memory_space<hbm>> -> memref<106496x16xf32, #tpu.memory_space<hbm>>
    tpu.enqueue_indirect_dma source(%dma_start3A_135 : memref<106496x16xf32, #tpu.memory_space<hbm>>) target(%arg7 : memref<1600x16xf32, #tpu.memory_space<vmem>>) offsets(%dma_start3A_132 : memref<1600xi32, #tpu.memory_space<vmem>>) semaphore(%arg10 : memref<!tpu.dma_semaphore, #tpu.memory_space<semaphore_mem>>)
    %dma_wait3A_136 = arith.constant 0 : i32
    %dma_wait3A_137 = arith.constant 0 : i32
    %dma_wait3A_138 = arith.constant 0 : i32
    %dma_wait3A_139 = arith.constant 0 : i32
    %dma_wait3A_140 = tpu.memref_slice %arg8[%dma_wait3A_136, %dma_wait3A_137, %dma_wait3A_138, %dma_wait3A_139] : memref<50x2x8x33xf32, #tpu.memory_space<vmem>> -> memref<50x2x8x32xf32, #tpu.memory_space<vmem>>
    %dma_wait3A_141 = arith.constant 0 : i32
    %dma_wait3A_142 = arith.constant 0 : i32
    %dma_wait3A_143 = arith.constant 0 : i32
    %dma_wait3A_144 = arith.constant 0 : i32
    %dma_wait3A_145 = tpu.memref_slice %arg4[%dma_wait3A_141, %dma_wait3A_142, %add3A, %dma_wait3A_143, %dma_wait3A_144] : memref<50x2x32x8x128xf32, #tpu.memory_space<hbm>> -> memref<50x2x1x8x32xf32, #tpu.memory_space<hbm>>
    %dma_wait3A_146 = tpu.memref_squeeze %dma_wait3A_145 : memref<50x2x1x8x32xf32, #tpu.memory_space<hbm>> -> memref<50x2x8x32xf32, #tpu.memory_space<hbm>>
    %dma_wait3A_147 = arith.constant 0 : i32
    %dma_wait3A_148 = arith.constant 0 : i32
    %dma_wait3A_149 = arith.constant 0 : i32
    %dma_wait3A_150 = arith.constant 0 : i32
    %dma_wait3A_151 = tpu.memref_slice %arg4[%dma_wait3A_147, %dma_wait3A_148, %add3A, %dma_wait3A_149, %dma_wait3A_150] : memref<50x2x32x8x128xf32, #tpu.memory_space<hbm>> -> memref<50x2x1x8x32xf32, #tpu.memory_space<hbm>>
    %dma_wait3A_152 = tpu.memref_squeeze %dma_wait3A_151 : memref<50x2x1x8x32xf32, #tpu.memory_space<hbm>> -> memref<50x2x8x32xf32, #tpu.memory_space<hbm>>
    %dma_wait3A_153 = arith.constant 0 : i32
    %dma_wait3A_154 = arith.constant 0 : i32
    %dma_wait3A_155 = arith.constant 0 : i32
    %dma_wait3A_156 = arith.constant 0 : i32
    %dma_wait3A_157 = tpu.memref_slice %arg8[%dma_wait3A_153, %dma_wait3A_154, %dma_wait3A_155, %dma_wait3A_156] : memref<50x2x8x33xf32, #tpu.memory_space<vmem>> -> memref<50x2x8x32xf32, #tpu.memory_space<vmem>>
    tpu.wait_dma2 semaphore(%arg11 : memref<!tpu.dma_semaphore, #tpu.memory_space<semaphore_mem>>) src(%dma_wait3A_157 : memref<50x2x8x32xf32, #tpu.memory_space<vmem>>) dst(%dma_wait3A_152 : memref<50x2x8x32xf32, #tpu.memory_space<hbm>>)
    %scan3A_158 = arith.constant 0 : i32
    %scan3A_159 = arith.constant 0 : i32
    %scan3A_160 = arith.constant 32 : i32
    %scan3A_161 = arith.addi %scan3A_159, %scan3A_160 : i32
    %scan3A_162 = arith.constant 1 : i32
    %scan3A_163 = scf.for %scan3A_287 = %scan3A_159 to %scan3A_161 step %scan3A_162 iter_args(%scan3A_288 = %scan3A_158) -> (i32)  : i32 {
      %broadcast_in_dim3A = arith.constant 0 : i32
      %broadcast_in_dim3A_289 = vector.broadcast %broadcast_in_dim3A : i32 to vector<16xi32>
      %add3A_290 = vector.broadcast %scan3A_287 : i32 to vector<16xi32>
      %add3A_291 = arith.addi %broadcast_in_dim3A_289, %add3A_290 : vector<16xi32>
      %mul3A_292 = arith.constant 50 : i32
      %mul3A_293 = arith.muli %scan3A_287, %mul3A_292 : i32
      %add3A_294 = arith.constant 0 : i32
      %add3A_295 = arith.addi %mul3A_293, %add3A_294 : i32
      %add3A_296 = arith.constant 0 : i32
      %add3A_297 = arith.addi %add3A_295, %add3A_296 : i32
      %get3A = arith.index_cast %add3A_297 : i32 to index
      %get3A_298 = arith.constant 0 : index
      %get3A_299 = tpu.vector_load %arg6[%get3A, %get3A_298] {strides = array<i32>} : memref<1600x16xf32, #tpu.memory_space<vmem>>, vector<16xf32>,
      %mul3A_300 = arith.constant 50 : i32
      %mul3A_301 = arith.muli %scan3A_287, %mul3A_300 : i32
      %add3A_302 = arith.constant 0 : i32
      %add3A_303 = arith.addi %mul3A_301, %add3A_302 : i32
      %add3A_304 = arith.constant 1 : i32
      %add3A_305 = arith.addi %add3A_303, %add3A_304 : i32
      %get3A_306 = arith.index_cast %add3A_305 : i32 to index
      %get3A_307 = arith.constant 0 : index
      %get3A_308 = tpu.vector_load %arg6[%get3A_306, %get3A_307] {strides = array<i32>} : memref<1600x16xf32, #tpu.memory_space<vmem>>, vector<16xf32>,
      %mul3A_309 = arith.constant 50 : i32
      %mul3A_310 = arith.muli %scan3A_287, %mul3A_309 : i32
      %add3A_311 = arith.constant 0 : i32
      %add3A_312 = arith.addi %mul3A_310, %add3A_311 : i32
      %add3A_313 = arith.constant 2 : i32
      %add3A_314 = arith.addi %add3A_312, %add3A_313 : i32
      %get3A_315 = arith.index_cast %add3A_314 : i32 to index
      %get3A_316 = arith.constant 0 : index
      %get3A_317 = tpu.vector_load %arg6[%get3A_315, %get3A_316] {strides = array<i32>} : memref<1600x16xf32, #tpu.memory_space<vmem>>, vector<16xf32>,
      %mul3A_318 = arith.constant 50 : i32
      %mul3A_319 = arith.muli %scan3A_287, %mul3A_318 : i32
      %add3A_320 = arith.constant 0 : i32
      %add3A_321 = arith.addi %mul3A_319, %add3A_320 : i32
      %add3A_322 = arith.constant 3 : i32
      %add3A_323 = arith.addi %add3A_321, %add3A_322 : i32
      %get3A_324 = arith.index_cast %add3A_323 : i32 to index
      %get3A_325 = arith.constant 0 : index
      %get3A_326 = tpu.vector_load %arg6[%get3A_324, %get3A_325] {strides = array<i32>} : memref<1600x16xf32, #tpu.memory_space<vmem>>, vector<16xf32>,
      %mul3A_327 = arith.constant 50 : i32
      %mul3A_328 = arith.muli %scan3A_287, %mul3A_327 : i32
      %add3A_329 = arith.constant 0 : i32
      %add3A_330 = arith.addi %mul3A_328, %add3A_329 : i32
      %add3A_331 = arith.constant 4 : i32
      %add3A_332 = arith.addi %add3A_330, %add3A_331 : i32
      %get3A_333 = arith.index_cast %add3A_332 : i32 to index
      %get3A_334 = arith.constant 0 : index
      %get3A_335 = tpu.vector_load %arg6[%get3A_333, %get3A_334] {strides = array<i32>} : memref<1600x16xf32, #tpu.memory_space<vmem>>, vector<16xf32>,
      %broadcast_in_dim3A_336 = arith.constant 0 : i32
      %broadcast_in_dim3A_337 = vector.broadcast %broadcast_in_dim3A_336 : i32 to vector<16xi32>
      tpu.vector_store_idx %arg8[%broadcast_in_dim3A_337, %select_n3A, %select_n3A_45, %add3A_291], %get3A_299 : memref<50x2x8x33xf32, #tpu.memory_space<vmem>>[vector<16xi32>, vector<16xi32>, vector<16xi32>, vector<16xi32>], vector<16xf32>,
      %broadcast_in_dim3A_338 = arith.constant 1 : i32
      %broadcast_in_dim3A_339 = vector.broadcast %broadcast_in_dim3A_338 : i32 to vector<16xi32>
      tpu.vector_store_idx %arg8[%broadcast_in_dim3A_339, %select_n3A, %select_n3A_45, %add3A_291], %get3A_308 : memref<50x2x8x33xf32, #tpu.memory_space<vmem>>[vector<16xi32>, vector<16xi32>, vector<16xi32>, vector<16xi32>], vector<16xf32>,
      %broadcast_in_dim3A_340 = arith.constant 2 : i32
      %broadcast_in_dim3A_341 = vector.broadcast %broadcast_in_dim3A_340 : i32 to vector<16xi32>
      tpu.vector_store_idx %arg8[%broadcast_in_dim3A_341, %select_n3A, %select_n3A_45, %add3A_291], %get3A_317 : memref<50x2x8x33xf32, #tpu.memory_space<vmem>>[vector<16xi32>, vector<16xi32>, vector<16xi32>, vector<16xi32>], vector<16xf32>,
      %broadcast_in_dim3A_342 = arith.constant 3 : i32
      %broadcast_in_dim3A_343 = vector.broadcast %broadcast_in_dim3A_342 : i32 to vector<16xi32>
      tpu.vector_store_idx %arg8[%broadcast_in_dim3A_343, %select_n3A, %select_n3A_45, %add3A_291], %get3A_326 : memref<50x2x8x33xf32, #tpu.memory_space<vmem>>[vector<16xi32>, vector<16xi32>, vector<16xi32>, vector<16xi32>], vector<16xf32>,
      %broadcast_in_dim3A_344 = arith.constant 4 : i32
      %broadcast_in_dim3A_345 = vector.broadcast %broadcast_in_dim3A_344 : i32 to vector<16xi32>
      tpu.vector_store_idx %arg8[%broadcast_in_dim3A_345, %select_n3A, %select_n3A_45, %add3A_291], %get3A_335 : memref<50x2x8x33xf32, #tpu.memory_space<vmem>>[vector<16xi32>, vector<16xi32>, vector<16xi32>, vector<16xi32>], vector<16xf32>,
      %mul3A_346 = arith.constant 50 : i32
      %mul3A_347 = arith.muli %scan3A_287, %mul3A_346 : i32
      %add3A_348 = arith.constant 5 : i32
      %add3A_349 = arith.addi %mul3A_347, %add3A_348 : i32
      %add3A_350 = arith.constant 0 : i32
      %add3A_351 = arith.addi %add3A_349, %add3A_350 : i32
      %get3A_352 = arith.index_cast %add3A_351 : i32 to index
      %get3A_353 = arith.constant 0 : index
      %get3A_354 = tpu.vector_load %arg6[%get3A_352, %get3A_353] {strides = array<i32>} : memref<1600x16xf32, #tpu.memory_space<vmem>>, vector<16xf32>,
      %mul3A_355 = arith.constant 50 : i32
      %mul3A_356 = arith.muli %scan3A_287, %mul3A_355 : i32
      %add3A_357 = arith.constant 5 : i32
      %add3A_358 = arith.addi %mul3A_356, %add3A_357 : i32
      %add3A_359 = arith.constant 1 : i32
      %add3A_360 = arith.addi %add3A_358, %add3A_359 : i32
      %get3A_361 = arith.index_cast %add3A_360 : i32 to index
      %get3A_362 = arith.constant 0 : index
      %get3A_363 = tpu.vector_load %arg6[%get3A_361, %get3A_362] {strides = array<i32>} : memref<1600x16xf32, #tpu.memory_space<vmem>>, vector<16xf32>,
      %mul3A_364 = arith.constant 50 : i32
      %mul3A_365 = arith.muli %scan3A_287, %mul3A_364 : i32
      %add3A_366 = arith.constant 5 : i32
      %add3A_367 = arith.addi %mul3A_365, %add3A_366 : i32
      %add3A_368 = arith.constant 2 : i32
      %add3A_369 = arith.addi %add3A_367, %add3A_368 : i32
      %get3A_370 = arith.index_cast %add3A_369 : i32 to index
      %get3A_371 = arith.constant 0 : index
      %get3A_372 = tpu.vector_load %arg6[%get3A_370, %get3A_371] {strides = array<i32>} : memref<1600x16xf32, #tpu.memory_space<vmem>>, vector<16xf32>,
      %mul3A_373 = arith.constant 50 : i32
      %mul3A_374 = arith.muli %scan3A_287, %mul3A_373 : i32
      %add3A_375 = arith.constant 5 : i32
      %add3A_376 = arith.addi %mul3A_374, %add3A_375 : i32
      %add3A_377 = arith.constant 3 : i32
      %add3A_378 = arith.addi %add3A_376, %add3A_377 : i32
      %get3A_379 = arith.index_cast %add3A_378 : i32 to index
      %get3A_380 = arith.constant 0 : index
      %get3A_381 = tpu.vector_load %arg6[%get3A_379, %get3A_380] {strides = array<i32>} : memref<1600x16xf32, #tpu.memory_space<vmem>>, vector<16xf32>,
      %mul3A_382 = arith.constant 50 : i32
      %mul3A_383 = arith.muli %scan3A_287, %mul3A_382 : i32
      %add3A_384 = arith.constant 5 : i32
      %add3A_385 = arith.addi %mul3A_383, %add3A_384 : i32
      %add3A_386 = arith.constant 4 : i32
      %add3A_387 = arith.addi %add3A_385, %add3A_386 : i32
      %get3A_388 = arith.index_cast %add3A_387 : i32 to index
      %get3A_389 = arith.constant 0 : index
      %get3A_390 = tpu.vector_load %arg6[%get3A_388, %get3A_389] {strides = array<i32>} : memref<1600x16xf32, #tpu.memory_space<vmem>>, vector<16xf32>,
      %broadcast_in_dim3A_391 = arith.constant 5 : i32
      %broadcast_in_dim3A_392 = vector.broadcast %broadcast_in_dim3A_391 : i32 to vector<16xi32>
      tpu.vector_store_idx %arg8[%broadcast_in_dim3A_392, %select_n3A, %select_n3A_45, %add3A_291], %get3A_354 : memref<50x2x8x33xf32, #tpu.memory_space<vmem>>[vector<16xi32>, vector<16xi32>, vector<16xi32>, vector<16xi32>], vector<16xf32>,
      %broadcast_in_dim3A_393 = arith.constant 6 : i32
      %broadcast_in_dim3A_394 = vector.broadcast %broadcast_in_dim3A_393 : i32 to vector<16xi32>
      tpu.vector_store_idx %arg8[%broadcast_in_dim3A_394, %select_n3A, %select_n3A_45, %add3A_291], %get3A_363 : memref<50x2x8x33xf32, #tpu.memory_space<vmem>>[vector<16xi32>, vector<16xi32>, vector<16xi32>, vector<16xi32>], vector<16xf32>,
      %broadcast_in_dim3A_395 = arith.constant 7 : i32
      %broadcast_in_dim3A_396 = vector.broadcast %broadcast_in_dim3A_395 : i32 to vector<16xi32>
      tpu.vector_store_idx %arg8[%broadcast_in_dim3A_396, %select_n3A, %select_n3A_45, %add3A_291], %get3A_372 : memref<50x2x8x33xf32, #tpu.memory_space<vmem>>[vector<16xi32>, vector<16xi32>, vector<16xi32>, vector<16xi32>], vector<16xf32>,
      %broadcast_in_dim3A_397 = arith.constant 8 : i32
      %broadcast_in_dim3A_398 = vector.broadcast %broadcast_in_dim3A_397 : i32 to vector<16xi32>
      tpu.vector_store_idx %arg8[%broadcast_in_dim3A_398, %select_n3A, %select_n3A_45, %add3A_291], %get3A_381 : memref<50x2x8x33xf32, #tpu.memory_space<vmem>>[vector<16xi32>, vector<16xi32>, vector<16xi32>, vector<16xi32>], vector<16xf32>,
      %broadcast_in_dim3A_399 = arith.constant 9 : i32
      %broadcast_in_dim3A_400 = vector.broadcast %broadcast_in_dim3A_399 : i32 to vector<16xi32>
      tpu.vector_store_idx %arg8[%broadcast_in_dim3A_400, %select_n3A, %select_n3A_45, %add3A_291], %get3A_390 : memref<50x2x8x33xf32, #tpu.memory_space<vmem>>[vector<16xi32>, vector<16xi32>, vector<16xi32>, vector<16xi32>], vector<16xf32>,
      %mul3A_401 = arith.constant 50 : i32
      %mul3A_402 = arith.muli %scan3A_287, %mul3A_401 : i32
      %add3A_403 = arith.constant 10 : i32
      %add3A_404 = arith.addi %mul3A_402, %add3A_403 : i32
      %add3A_405 = arith.constant 0 : i32
      %add3A_406 = arith.addi %add3A_404, %add3A_405 : i32
      %get3A_407 = arith.index_cast %add3A_406 : i32 to index
      %get3A_408 = arith.constant 0 : index
      %get3A_409 = tpu.vector_load %arg6[%get3A_407, %get3A_408] {strides = array<i32>} : memref<1600x16xf32, #tpu.memory_space<vmem>>, vector<16xf32>,
      %mul3A_410 = arith.constant 50 : i32
      %mul3A_411 = arith.muli %scan3A_287, %mul3A_410 : i32
      %add3A_412 = arith.constant 10 : i32
      %add3A_413 = arith.addi %mul3A_411, %add3A_412 : i32
      %add3A_414 = arith.constant 1 : i32
      %add3A_415 = arith.addi %add3A_413, %add3A_414 : i32
      %get3A_416 = arith.index_cast %add3A_415 : i32 to index
      %get3A_417 = arith.constant 0 : index
      %get3A_418 = tpu.vector_load %arg6[%get3A_416, %get3A_417] {strides = array<i32>} : memref<1600x16xf32, #tpu.memory_space<vmem>>, vector<16xf32>,
      %mul3A_419 = arith.constant 50 : i32
      %mul3A_420 = arith.muli %scan3A_287, %mul3A_419 : i32
      %add3A_421 = arith.constant 10 : i32
      %add3A_422 = arith.addi %mul3A_420, %add3A_421 : i32
      %add3A_423 = arith.constant 2 : i32
      %add3A_424 = arith.addi %add3A_422, %add3A_423 : i32
      %get3A_425 = arith.index_cast %add3A_424 : i32 to index
      %get3A_426 = arith.constant 0 : index
      %get3A_427 = tpu.vector_load %arg6[%get3A_425, %get3A_426] {strides = array<i32>} : memref<1600x16xf32, #tpu.memory_space<vmem>>, vector<16xf32>,
      %mul3A_428 = arith.constant 50 : i32
      %mul3A_429 = arith.muli %scan3A_287, %mul3A_428 : i32
      %add3A_430 = arith.constant 10 : i32
      %add3A_431 = arith.addi %mul3A_429, %add3A_430 : i32
      %add3A_432 = arith.constant 3 : i32
      %add3A_433 = arith.addi %add3A_431, %add3A_432 : i32
      %get3A_434 = arith.index_cast %add3A_433 : i32 to index
      %get3A_435 = arith.constant 0 : index
      %get3A_436 = tpu.vector_load %arg6[%get3A_434, %get3A_435] {strides = array<i32>} : memref<1600x16xf32, #tpu.memory_space<vmem>>, vector<16xf32>,
      %mul3A_437 = arith.constant 50 : i32
      %mul3A_438 = arith.muli %scan3A_287, %mul3A_437 : i32
      %add3A_439 = arith.constant 10 : i32
      %add3A_440 = arith.addi %mul3A_438, %add3A_439 : i32
      %add3A_441 = arith.constant 4 : i32
      %add3A_442 = arith.addi %add3A_440, %add3A_441 : i32
      %get3A_443 = arith.index_cast %add3A_442 : i32 to index
      %get3A_444 = arith.constant 0 : index
      %get3A_445 = tpu.vector_load %arg6[%get3A_443, %get3A_444] {strides = array<i32>} : memref<1600x16xf32, #tpu.memory_space<vmem>>, vector<16xf32>,
      %broadcast_in_dim3A_446 = arith.constant 10 : i32
      %broadcast_in_dim3A_447 = vector.broadcast %broadcast_in_dim3A_446 : i32 to vector<16xi32>
      tpu.vector_store_idx %arg8[%broadcast_in_dim3A_447, %select_n3A, %select_n3A_45, %add3A_291], %get3A_409 : memref<50x2x8x33xf32, #tpu.memory_space<vmem>>[vector<16xi32>, vector<16xi32>, vector<16xi32>, vector<16xi32>], vector<16xf32>,
      %broadcast_in_dim3A_448 = arith.constant 11 : i32
      %broadcast_in_dim3A_449 = vector.broadcast %broadcast_in_dim3A_448 : i32 to vector<16xi32>
      tpu.vector_store_idx %arg8[%broadcast_in_dim3A_449, %select_n3A, %select_n3A_45, %add3A_291], %get3A_418 : memref<50x2x8x33xf32, #tpu.memory_space<vmem>>[vector<16xi32>, vector<16xi32>, vector<16xi32>, vector<16xi32>], vector<16xf32>,
      %broadcast_in_dim3A_450 = arith.constant 12 : i32
      %broadcast_in_dim3A_451 = vector.broadcast %broadcast_in_dim3A_450 : i32 to vector<16xi32>
      tpu.vector_store_idx %arg8[%broadcast_in_dim3A_451, %select_n3A, %select_n3A_45, %add3A_291], %get3A_427 : memref<50x2x8x33xf32, #tpu.memory_space<vmem>>[vector<16xi32>, vector<16xi32>, vector<16xi32>, vector<16xi32>], vector<16xf32>,
      %broadcast_in_dim3A_452 = arith.constant 13 : i32
      %broadcast_in_dim3A_453 = vector.broadcast %broadcast_in_dim3A_452 : i32 to vector<16xi32>
      tpu.vector_store_idx %arg8[%broadcast_in_dim3A_453, %select_n3A, %select_n3A_45, %add3A_291], %get3A_436 : memref<50x2x8x33xf32, #tpu.memory_space<vmem>>[vector<16xi32>, vector<16xi32>, vector<16xi32>, vector<16xi32>], vector<16xf32>,
      %broadcast_in_dim3A_454 = arith.constant 14 : i32
      %broadcast_in_dim3A_455 = vector.broadcast %broadcast_in_dim3A_454 : i32 to vector<16xi32>
      tpu.vector_store_idx %arg8[%broadcast_in_dim3A_455, %select_n3A, %select_n3A_45, %add3A_291], %get3A_445 : memref<50x2x8x33xf32, #tpu.memory_space<vmem>>[vector<16xi32>, vector<16xi32>, vector<16xi32>, vector<16xi32>], vector<16xf32>,
      %mul3A_456 = arith.constant 50 : i32
      %mul3A_457 = arith.muli %scan3A_287, %mul3A_456 : i32
      %add3A_458 = arith.constant 15 : i32
      %add3A_459 = arith.addi %mul3A_457, %add3A_458 : i32
      %add3A_460 = arith.constant 0 : i32
      %add3A_461 = arith.addi %add3A_459, %add3A_460 : i32
      %get3A_462 = arith.index_cast %add3A_461 : i32 to index
      %get3A_463 = arith.constant 0 : index
      %get3A_464 = tpu.vector_load %arg6[%get3A_462, %get3A_463] {strides = array<i32>} : memref<1600x16xf32, #tpu.memory_space<vmem>>, vector<16xf32>,
      %mul3A_465 = arith.constant 50 : i32
      %mul3A_466 = arith.muli %scan3A_287, %mul3A_465 : i32
      %add3A_467 = arith.constant 15 : i32
      %add3A_468 = arith.addi %mul3A_466, %add3A_467 : i32
      %add3A_469 = arith.constant 1 : i32
      %add3A_470 = arith.addi %add3A_468, %add3A_469 : i32
      %get3A_471 = arith.index_cast %add3A_470 : i32 to index
      %get3A_472 = arith.constant 0 : index
      %get3A_473 = tpu.vector_load %arg6[%get3A_471, %get3A_472] {strides = array<i32>} : memref<1600x16xf32, #tpu.memory_space<vmem>>, vector<16xf32>,
      %mul3A_474 = arith.constant 50 : i32
      %mul3A_475 = arith.muli %scan3A_287, %mul3A_474 : i32
      %add3A_476 = arith.constant 15 : i32
      %add3A_477 = arith.addi %mul3A_475, %add3A_476 : i32
      %add3A_478 = arith.constant 2 : i32
      %add3A_479 = arith.addi %add3A_477, %add3A_478 : i32
      %get3A_480 = arith.index_cast %add3A_479 : i32 to index
      %get3A_481 = arith.constant 0 : index
      %get3A_482 = tpu.vector_load %arg6[%get3A_480, %get3A_481] {strides = array<i32>} : memref<1600x16xf32, #tpu.memory_space<vmem>>, vector<16xf32>,
      %mul3A_483 = arith.constant 50 : i32
      %mul3A_484 = arith.muli %scan3A_287, %mul3A_483 : i32
      %add3A_485 = arith.constant 15 : i32
      %add3A_486 = arith.addi %mul3A_484, %add3A_485 : i32
      %add3A_487 = arith.constant 3 : i32
      %add3A_488 = arith.addi %add3A_486, %add3A_487 : i32
      %get3A_489 = arith.index_cast %add3A_488 : i32 to index
      %get3A_490 = arith.constant 0 : index
      %get3A_491 = tpu.vector_load %arg6[%get3A_489, %get3A_490] {strides = array<i32>} : memref<1600x16xf32, #tpu.memory_space<vmem>>, vector<16xf32>,
      %mul3A_492 = arith.constant 50 : i32
      %mul3A_493 = arith.muli %scan3A_287, %mul3A_492 : i32
      %add3A_494 = arith.constant 15 : i32
      %add3A_495 = arith.addi %mul3A_493, %add3A_494 : i32
      %add3A_496 = arith.constant 4 : i32
      %add3A_497 = arith.addi %add3A_495, %add3A_496 : i32
      %get3A_498 = arith.index_cast %add3A_497 : i32 to index
      %get3A_499 = arith.constant 0 : index
      %get3A_500 = tpu.vector_load %arg6[%get3A_498, %get3A_499] {strides = array<i32>} : memref<1600x16xf32, #tpu.memory_space<vmem>>, vector<16xf32>,
      %broadcast_in_dim3A_501 = arith.constant 15 : i32
      %broadcast_in_dim3A_502 = vector.broadcast %broadcast_in_dim3A_501 : i32 to vector<16xi32>
      tpu.vector_store_idx %arg8[%broadcast_in_dim3A_502, %select_n3A, %select_n3A_45, %add3A_291], %get3A_464 : memref<50x2x8x33xf32, #tpu.memory_space<vmem>>[vector<16xi32>, vector<16xi32>, vector<16xi32>, vector<16xi32>], vector<16xf32>,
      %broadcast_in_dim3A_503 = arith.constant 16 : i32
      %broadcast_in_dim3A_504 = vector.broadcast %broadcast_in_dim3A_503 : i32 to vector<16xi32>
      tpu.vector_store_idx %arg8[%broadcast_in_dim3A_504, %select_n3A, %select_n3A_45, %add3A_291], %get3A_473 : memref<50x2x8x33xf32, #tpu.memory_space<vmem>>[vector<16xi32>, vector<16xi32>, vector<16xi32>, vector<16xi32>], vector<16xf32>,
      %broadcast_in_dim3A_505 = arith.constant 17 : i32
      %broadcast_in_dim3A_506 = vector.broadcast %broadcast_in_dim3A_505 : i32 to vector<16xi32>
      tpu.vector_store_idx %arg8[%broadcast_in_dim3A_506, %select_n3A, %select_n3A_45, %add3A_291], %get3A_482 : memref<50x2x8x33xf32, #tpu.memory_space<vmem>>[vector<16xi32>, vector<16xi32>, vector<16xi32>, vector<16xi32>], vector<16xf32>,
      %broadcast_in_dim3A_507 = arith.constant 18 : i32
      %broadcast_in_dim3A_508 = vector.broadcast %broadcast_in_dim3A_507 : i32 to vector<16xi32>
      tpu.vector_store_idx %arg8[%broadcast_in_dim3A_508, %select_n3A, %select_n3A_45, %add3A_291], %get3A_491 : memref<50x2x8x33xf32, #tpu.memory_space<vmem>>[vector<16xi32>, vector<16xi32>, vector<16xi32>, vector<16xi32>], vector<16xf32>,
      %broadcast_in_dim3A_509 = arith.constant 19 : i32
      %broadcast_in_dim3A_510 = vector.broadcast %broadcast_in_dim3A_509 : i32 to vector<16xi32>
      tpu.vector_store_idx %arg8[%broadcast_in_dim3A_510, %select_n3A, %select_n3A_45, %add3A_291], %get3A_500 : memref<50x2x8x33xf32, #tpu.memory_space<vmem>>[vector<16xi32>, vector<16xi32>, vector<16xi32>, vector<16xi32>], vector<16xf32>,
      %mul3A_511 = arith.constant 50 : i32
      %mul3A_512 = arith.muli %scan3A_287, %mul3A_511 : i32
      %add3A_513 = arith.constant 20 : i32
      %add3A_514 = arith.addi %mul3A_512, %add3A_513 : i32
      %add3A_515 = arith.constant 0 : i32
      %add3A_516 = arith.addi %add3A_514, %add3A_515 : i32
      %get3A_517 = arith.index_cast %add3A_516 : i32 to index
      %get3A_518 = arith.constant 0 : index
      %get3A_519 = tpu.vector_load %arg6[%get3A_517, %get3A_518] {strides = array<i32>} : memref<1600x16xf32, #tpu.memory_space<vmem>>, vector<16xf32>,
      %mul3A_520 = arith.constant 50 : i32
      %mul3A_521 = arith.muli %scan3A_287, %mul3A_520 : i32
      %add3A_522 = arith.constant 20 : i32
      %add3A_523 = arith.addi %mul3A_521, %add3A_522 : i32
      %add3A_524 = arith.constant 1 : i32
      %add3A_525 = arith.addi %add3A_523, %add3A_524 : i32
      %get3A_526 = arith.index_cast %add3A_525 : i32 to index
      %get3A_527 = arith.constant 0 : index
      %get3A_528 = tpu.vector_load %arg6[%get3A_526, %get3A_527] {strides = array<i32>} : memref<1600x16xf32, #tpu.memory_space<vmem>>, vector<16xf32>,
      %mul3A_529 = arith.constant 50 : i32
      %mul3A_530 = arith.muli %scan3A_287, %mul3A_529 : i32
      %add3A_531 = arith.constant 20 : i32
      %add3A_532 = arith.addi %mul3A_530, %add3A_531 : i32
      %add3A_533 = arith.constant 2 : i32
      %add3A_534 = arith.addi %add3A_532, %add3A_533 : i32
      %get3A_535 = arith.index_cast %add3A_534 : i32 to index
      %get3A_536 = arith.constant 0 : index
      %get3A_537 = tpu.vector_load %arg6[%get3A_535, %get3A_536] {strides = array<i32>} : memref<1600x16xf32, #tpu.memory_space<vmem>>, vector<16xf32>,
      %mul3A_538 = arith.constant 50 : i32
      %mul3A_539 = arith.muli %scan3A_287, %mul3A_538 : i32
      %add3A_540 = arith.constant 20 : i32
      %add3A_541 = arith.addi %mul3A_539, %add3A_540 : i32
      %add3A_542 = arith.constant 3 : i32
      %add3A_543 = arith.addi %add3A_541, %add3A_542 : i32
      %get3A_544 = arith.index_cast %add3A_543 : i32 to index
      %get3A_545 = arith.constant 0 : index
      %get3A_546 = tpu.vector_load %arg6[%get3A_544, %get3A_545] {strides = array<i32>} : memref<1600x16xf32, #tpu.memory_space<vmem>>, vector<16xf32>,
      %mul3A_547 = arith.constant 50 : i32
      %mul3A_548 = arith.muli %scan3A_287, %mul3A_547 : i32
      %add3A_549 = arith.constant 20 : i32
      %add3A_550 = arith.addi %mul3A_548, %add3A_549 : i32
      %add3A_551 = arith.constant 4 : i32
      %add3A_552 = arith.addi %add3A_550, %add3A_551 : i32
      %get3A_553 = arith.index_cast %add3A_552 : i32 to index
      %get3A_554 = arith.constant 0 : index
      %get3A_555 = tpu.vector_load %arg6[%get3A_553, %get3A_554] {strides = array<i32>} : memref<1600x16xf32, #tpu.memory_space<vmem>>, vector<16xf32>,
      %broadcast_in_dim3A_556 = arith.constant 20 : i32
      %broadcast_in_dim3A_557 = vector.broadcast %broadcast_in_dim3A_556 : i32 to vector<16xi32>
      tpu.vector_store_idx %arg8[%broadcast_in_dim3A_557, %select_n3A, %select_n3A_45, %add3A_291], %get3A_519 : memref<50x2x8x33xf32, #tpu.memory_space<vmem>>[vector<16xi32>, vector<16xi32>, vector<16xi32>, vector<16xi32>], vector<16xf32>,
      %broadcast_in_dim3A_558 = arith.constant 21 : i32
      %broadcast_in_dim3A_559 = vector.broadcast %broadcast_in_dim3A_558 : i32 to vector<16xi32>
      tpu.vector_store_idx %arg8[%broadcast_in_dim3A_559, %select_n3A, %select_n3A_45, %add3A_291], %get3A_528 : memref<50x2x8x33xf32, #tpu.memory_space<vmem>>[vector<16xi32>, vector<16xi32>, vector<16xi32>, vector<16xi32>], vector<16xf32>,
      %broadcast_in_dim3A_560 = arith.constant 22 : i32
      %broadcast_in_dim3A_561 = vector.broadcast %broadcast_in_dim3A_560 : i32 to vector<16xi32>
      tpu.vector_store_idx %arg8[%broadcast_in_dim3A_561, %select_n3A, %select_n3A_45, %add3A_291], %get3A_537 : memref<50x2x8x33xf32, #tpu.memory_space<vmem>>[vector<16xi32>, vector<16xi32>, vector<16xi32>, vector<16xi32>], vector<16xf32>,
      %broadcast_in_dim3A_562 = arith.constant 23 : i32
      %broadcast_in_dim3A_563 = vector.broadcast %broadcast_in_dim3A_562 : i32 to vector<16xi32>
      tpu.vector_store_idx %arg8[%broadcast_in_dim3A_563, %select_n3A, %select_n3A_45, %add3A_291], %get3A_546 : memref<50x2x8x33xf32, #tpu.memory_space<vmem>>[vector<16xi32>, vector<16xi32>, vector<16xi32>, vector<16xi32>], vector<16xf32>,
      %broadcast_in_dim3A_564 = arith.constant 24 : i32
      %broadcast_in_dim3A_565 = vector.broadcast %broadcast_in_dim3A_564 : i32 to vector<16xi32>
      tpu.vector_store_idx %arg8[%broadcast_in_dim3A_565, %select_n3A, %select_n3A_45, %add3A_291], %get3A_555 : memref<50x2x8x33xf32, #tpu.memory_space<vmem>>[vector<16xi32>, vector<16xi32>, vector<16xi32>, vector<16xi32>], vector<16xf32>,
      %mul3A_566 = arith.constant 50 : i32
      %mul3A_567 = arith.muli %scan3A_287, %mul3A_566 : i32
      %add3A_568 = arith.constant 25 : i32
      %add3A_569 = arith.addi %mul3A_567, %add3A_568 : i32
      %add3A_570 = arith.constant 0 : i32
      %add3A_571 = arith.addi %add3A_569, %add3A_570 : i32
      %get3A_572 = arith.index_cast %add3A_571 : i32 to index
      %get3A_573 = arith.constant 0 : index
      %get3A_574 = tpu.vector_load %arg6[%get3A_572, %get3A_573] {strides = array<i32>} : memref<1600x16xf32, #tpu.memory_space<vmem>>, vector<16xf32>,
      %mul3A_575 = arith.constant 50 : i32
      %mul3A_576 = arith.muli %scan3A_287, %mul3A_575 : i32
      %add3A_577 = arith.constant 25 : i32
      %add3A_578 = arith.addi %mul3A_576, %add3A_577 : i32
      %add3A_579 = arith.constant 1 : i32
      %add3A_580 = arith.addi %add3A_578, %add3A_579 : i32
      %get3A_581 = arith.index_cast %add3A_580 : i32 to index
      %get3A_582 = arith.constant 0 : index
      %get3A_583 = tpu.vector_load %arg6[%get3A_581, %get3A_582] {strides = array<i32>} : memref<1600x16xf32, #tpu.memory_space<vmem>>, vector<16xf32>,
      %mul3A_584 = arith.constant 50 : i32
      %mul3A_585 = arith.muli %scan3A_287, %mul3A_584 : i32
      %add3A_586 = arith.constant 25 : i32
      %add3A_587 = arith.addi %mul3A_585, %add3A_586 : i32
      %add3A_588 = arith.constant 2 : i32
      %add3A_589 = arith.addi %add3A_587, %add3A_588 : i32
      %get3A_590 = arith.index_cast %add3A_589 : i32 to index
      %get3A_591 = arith.constant 0 : index
      %get3A_592 = tpu.vector_load %arg6[%get3A_590, %get3A_591] {strides = array<i32>} : memref<1600x16xf32, #tpu.memory_space<vmem>>, vector<16xf32>,
      %mul3A_593 = arith.constant 50 : i32
      %mul3A_594 = arith.muli %scan3A_287, %mul3A_593 : i32
      %add3A_595 = arith.constant 25 : i32
      %add3A_596 = arith.addi %mul3A_594, %add3A_595 : i32
      %add3A_597 = arith.constant 3 : i32
      %add3A_598 = arith.addi %add3A_596, %add3A_597 : i32
      %get3A_599 = arith.index_cast %add3A_598 : i32 to index
      %get3A_600 = arith.constant 0 : index
      %get3A_601 = tpu.vector_load %arg6[%get3A_599, %get3A_600] {strides = array<i32>} : memref<1600x16xf32, #tpu.memory_space<vmem>>, vector<16xf32>,
      %mul3A_602 = arith.constant 50 : i32
      %mul3A_603 = arith.muli %scan3A_287, %mul3A_602 : i32
      %add3A_604 = arith.constant 25 : i32
      %add3A_605 = arith.addi %mul3A_603, %add3A_604 : i32
      %add3A_606 = arith.constant 4 : i32
      %add3A_607 = arith.addi %add3A_605, %add3A_606 : i32
      %get3A_608 = arith.index_cast %add3A_607 : i32 to index
      %get3A_609 = arith.constant 0 : index
      %get3A_610 = tpu.vector_load %arg6[%get3A_608, %get3A_609] {strides = array<i32>} : memref<1600x16xf32, #tpu.memory_space<vmem>>, vector<16xf32>,
      %broadcast_in_dim3A_611 = arith.constant 25 : i32
      %broadcast_in_dim3A_612 = vector.broadcast %broadcast_in_dim3A_611 : i32 to vector<16xi32>
      tpu.vector_store_idx %arg8[%broadcast_in_dim3A_612, %select_n3A, %select_n3A_45, %add3A_291], %get3A_574 : memref<50x2x8x33xf32, #tpu.memory_space<vmem>>[vector<16xi32>, vector<16xi32>, vector<16xi32>, vector<16xi32>], vector<16xf32>,
      %broadcast_in_dim3A_613 = arith.constant 26 : i32
      %broadcast_in_dim3A_614 = vector.broadcast %broadcast_in_dim3A_613 : i32 to vector<16xi32>
      tpu.vector_store_idx %arg8[%broadcast_in_dim3A_614, %select_n3A, %select_n3A_45, %add3A_291], %get3A_583 : memref<50x2x8x33xf32, #tpu.memory_space<vmem>>[vector<16xi32>, vector<16xi32>, vector<16xi32>, vector<16xi32>], vector<16xf32>,
      %broadcast_in_dim3A_615 = arith.constant 27 : i32
      %broadcast_in_dim3A_616 = vector.broadcast %broadcast_in_dim3A_615 : i32 to vector<16xi32>
      tpu.vector_store_idx %arg8[%broadcast_in_dim3A_616, %select_n3A, %select_n3A_45, %add3A_291], %get3A_592 : memref<50x2x8x33xf32, #tpu.memory_space<vmem>>[vector<16xi32>, vector<16xi32>, vector<16xi32>, vector<16xi32>], vector<16xf32>,
      %broadcast_in_dim3A_617 = arith.constant 28 : i32
      %broadcast_in_dim3A_618 = vector.broadcast %broadcast_in_dim3A_617 : i32 to vector<16xi32>
      tpu.vector_store_idx %arg8[%broadcast_in_dim3A_618, %select_n3A, %select_n3A_45, %add3A_291], %get3A_601 : memref<50x2x8x33xf32, #tpu.memory_space<vmem>>[vector<16xi32>, vector<16xi32>, vector<16xi32>, vector<16xi32>], vector<16xf32>,
      %broadcast_in_dim3A_619 = arith.constant 29 : i32
      %broadcast_in_dim3A_620 = vector.broadcast %broadcast_in_dim3A_619 : i32 to vector<16xi32>
      tpu.vector_store_idx %arg8[%broadcast_in_dim3A_620, %select_n3A, %select_n3A_45, %add3A_291], %get3A_610 : memref<50x2x8x33xf32, #tpu.memory_space<vmem>>[vector<16xi32>, vector<16xi32>, vector<16xi32>, vector<16xi32>], vector<16xf32>,
      %mul3A_621 = arith.constant 50 : i32
      %mul3A_622 = arith.muli %scan3A_287, %mul3A_621 : i32
      %add3A_623 = arith.constant 30 : i32
      %add3A_624 = arith.addi %mul3A_622, %add3A_623 : i32
      %add3A_625 = arith.constant 0 : i32
      %add3A_626 = arith.addi %add3A_624, %add3A_625 : i32
      %get3A_627 = arith.index_cast %add3A_626 : i32 to index
      %get3A_628 = arith.constant 0 : index
      %get3A_629 = tpu.vector_load %arg6[%get3A_627, %get3A_628] {strides = array<i32>} : memref<1600x16xf32, #tpu.memory_space<vmem>>, vector<16xf32>,
      %mul3A_630 = arith.constant 50 : i32
      %mul3A_631 = arith.muli %scan3A_287, %mul3A_630 : i32
      %add3A_632 = arith.constant 30 : i32
      %add3A_633 = arith.addi %mul3A_631, %add3A_632 : i32
      %add3A_634 = arith.constant 1 : i32
      %add3A_635 = arith.addi %add3A_633, %add3A_634 : i32
      %get3A_636 = arith.index_cast %add3A_635 : i32 to index
      %get3A_637 = arith.constant 0 : index
      %get3A_638 = tpu.vector_load %arg6[%get3A_636, %get3A_637] {strides = array<i32>} : memref<1600x16xf32, #tpu.memory_space<vmem>>, vector<16xf32>,
      %mul3A_639 = arith.constant 50 : i32
      %mul3A_640 = arith.muli %scan3A_287, %mul3A_639 : i32
      %add3A_641 = arith.constant 30 : i32
      %add3A_642 = arith.addi %mul3A_640, %add3A_641 : i32
      %add3A_643 = arith.constant 2 : i32
      %add3A_644 = arith.addi %add3A_642, %add3A_643 : i32
      %get3A_645 = arith.index_cast %add3A_644 : i32 to index
      %get3A_646 = arith.constant 0 : index
      %get3A_647 = tpu.vector_load %arg6[%get3A_645, %get3A_646] {strides = array<i32>} : memref<1600x16xf32, #tpu.memory_space<vmem>>, vector<16xf32>,
      %mul3A_648 = arith.constant 50 : i32
      %mul3A_649 = arith.muli %scan3A_287, %mul3A_648 : i32
      %add3A_650 = arith.constant 30 : i32
      %add3A_651 = arith.addi %mul3A_649, %add3A_650 : i32
      %add3A_652 = arith.constant 3 : i32
      %add3A_653 = arith.addi %add3A_651, %add3A_652 : i32
      %get3A_654 = arith.index_cast %add3A_653 : i32 to index
      %get3A_655 = arith.constant 0 : index
      %get3A_656 = tpu.vector_load %arg6[%get3A_654, %get3A_655] {strides = array<i32>} : memref<1600x16xf32, #tpu.memory_space<vmem>>, vector<16xf32>,
      %mul3A_657 = arith.constant 50 : i32
      %mul3A_658 = arith.muli %scan3A_287, %mul3A_657 : i32
      %add3A_659 = arith.constant 30 : i32
      %add3A_660 = arith.addi %mul3A_658, %add3A_659 : i32
      %add3A_661 = arith.constant 4 : i32
      %add3A_662 = arith.addi %add3A_660, %add3A_661 : i32
      %get3A_663 = arith.index_cast %add3A_662 : i32 to index
      %get3A_664 = arith.constant 0 : index
      %get3A_665 = tpu.vector_load %arg6[%get3A_663, %get3A_664] {strides = array<i32>} : memref<1600x16xf32, #tpu.memory_space<vmem>>, vector<16xf32>,
      %broadcast_in_dim3A_666 = arith.constant 30 : i32
      %broadcast_in_dim3A_667 = vector.broadcast %broadcast_in_dim3A_666 : i32 to vector<16xi32>
      tpu.vector_store_idx %arg8[%broadcast_in_dim3A_667, %select_n3A, %select_n3A_45, %add3A_291], %get3A_629 : memref<50x2x8x33xf32, #tpu.memory_space<vmem>>[vector<16xi32>, vector<16xi32>, vector<16xi32>, vector<16xi32>], vector<16xf32>,
      %broadcast_in_dim3A_668 = arith.constant 31 : i32
      %broadcast_in_dim3A_669 = vector.broadcast %broadcast_in_dim3A_668 : i32 to vector<16xi32>
      tpu.vector_store_idx %arg8[%broadcast_in_dim3A_669, %select_n3A, %select_n3A_45, %add3A_291], %get3A_638 : memref<50x2x8x33xf32, #tpu.memory_space<vmem>>[vector<16xi32>, vector<16xi32>, vector<16xi32>, vector<16xi32>], vector<16xf32>,
      %broadcast_in_dim3A_670 = arith.constant 32 : i32
      %broadcast_in_dim3A_671 = vector.broadcast %broadcast_in_dim3A_670 : i32 to vector<16xi32>
      tpu.vector_store_idx %arg8[%broadcast_in_dim3A_671, %select_n3A, %select_n3A_45, %add3A_291], %get3A_647 : memref<50x2x8x33xf32, #tpu.memory_space<vmem>>[vector<16xi32>, vector<16xi32>, vector<16xi32>, vector<16xi32>], vector<16xf32>,
      %broadcast_in_dim3A_672 = arith.constant 33 : i32
      %broadcast_in_dim3A_673 = vector.broadcast %broadcast_in_dim3A_672 : i32 to vector<16xi32>
      tpu.vector_store_idx %arg8[%broadcast_in_dim3A_673, %select_n3A, %select_n3A_45, %add3A_291], %get3A_656 : memref<50x2x8x33xf32, #tpu.memory_space<vmem>>[vector<16xi32>, vector<16xi32>, vector<16xi32>, vector<16xi32>], vector<16xf32>,
      %broadcast_in_dim3A_674 = arith.constant 34 : i32
      %broadcast_in_dim3A_675 = vector.broadcast %broadcast_in_dim3A_674 : i32 to vector<16xi32>
      tpu.vector_store_idx %arg8[%broadcast_in_dim3A_675, %select_n3A, %select_n3A_45, %add3A_291], %get3A_665 : memref<50x2x8x33xf32, #tpu.memory_space<vmem>>[vector<16xi32>, vector<16xi32>, vector<16xi32>, vector<16xi32>], vector<16xf32>,
      %mul3A_676 = arith.constant 50 : i32
      %mul3A_677 = arith.muli %scan3A_287, %mul3A_676 : i32
      %add3A_678 = arith.constant 35 : i32
      %add3A_679 = arith.addi %mul3A_677, %add3A_678 : i32
      %add3A_680 = arith.constant 0 : i32
      %add3A_681 = arith.addi %add3A_679, %add3A_680 : i32
      %get3A_682 = arith.index_cast %add3A_681 : i32 to index
      %get3A_683 = arith.constant 0 : index
      %get3A_684 = tpu.vector_load %arg6[%get3A_682, %get3A_683] {strides = array<i32>} : memref<1600x16xf32, #tpu.memory_space<vmem>>, vector<16xf32>,
      %mul3A_685 = arith.constant 50 : i32
      %mul3A_686 = arith.muli %scan3A_287, %mul3A_685 : i32
      %add3A_687 = arith.constant 35 : i32
      %add3A_688 = arith.addi %mul3A_686, %add3A_687 : i32
      %add3A_689 = arith.constant 1 : i32
      %add3A_690 = arith.addi %add3A_688, %add3A_689 : i32
      %get3A_691 = arith.index_cast %add3A_690 : i32 to index
      %get3A_692 = arith.constant 0 : index
      %get3A_693 = tpu.vector_load %arg6[%get3A_691, %get3A_692] {strides = array<i32>} : memref<1600x16xf32, #tpu.memory_space<vmem>>, vector<16xf32>,
      %mul3A_694 = arith.constant 50 : i32
      %mul3A_695 = arith.muli %scan3A_287, %mul3A_694 : i32
      %add3A_696 = arith.constant 35 : i32
      %add3A_697 = arith.addi %mul3A_695, %add3A_696 : i32
      %add3A_698 = arith.constant 2 : i32
      %add3A_699 = arith.addi %add3A_697, %add3A_698 : i32
      %get3A_700 = arith.index_cast %add3A_699 : i32 to index
      %get3A_701 = arith.constant 0 : index
      %get3A_702 = tpu.vector_load %arg6[%get3A_700, %get3A_701] {strides = array<i32>} : memref<1600x16xf32, #tpu.memory_space<vmem>>, vector<16xf32>,
      %mul3A_703 = arith.constant 50 : i32
      %mul3A_704 = arith.muli %scan3A_287, %mul3A_703 : i32
      %add3A_705 = arith.constant 35 : i32
      %add3A_706 = arith.addi %mul3A_704, %add3A_705 : i32
      %add3A_707 = arith.constant 3 : i32
      %add3A_708 = arith.addi %add3A_706, %add3A_707 : i32
      %get3A_709 = arith.index_cast %add3A_708 : i32 to index
      %get3A_710 = arith.constant 0 : index
      %get3A_711 = tpu.vector_load %arg6[%get3A_709, %get3A_710] {strides = array<i32>} : memref<1600x16xf32, #tpu.memory_space<vmem>>, vector<16xf32>,
      %mul3A_712 = arith.constant 50 : i32
      %mul3A_713 = arith.muli %scan3A_287, %mul3A_712 : i32
      %add3A_714 = arith.constant 35 : i32
      %add3A_715 = arith.addi %mul3A_713, %add3A_714 : i32
      %add3A_716 = arith.constant 4 : i32
      %add3A_717 = arith.addi %add3A_715, %add3A_716 : i32
      %get3A_718 = arith.index_cast %add3A_717 : i32 to index
      %get3A_719 = arith.constant 0 : index
      %get3A_720 = tpu.vector_load %arg6[%get3A_718, %get3A_719] {strides = array<i32>} : memref<1600x16xf32, #tpu.memory_space<vmem>>, vector<16xf32>,
      %broadcast_in_dim3A_721 = arith.constant 35 : i32
      %broadcast_in_dim3A_722 = vector.broadcast %broadcast_in_dim3A_721 : i32 to vector<16xi32>
      tpu.vector_store_idx %arg8[%broadcast_in_dim3A_722, %select_n3A, %select_n3A_45, %add3A_291], %get3A_684 : memref<50x2x8x33xf32, #tpu.memory_space<vmem>>[vector<16xi32>, vector<16xi32>, vector<16xi32>, vector<16xi32>], vector<16xf32>,
      %broadcast_in_dim3A_723 = arith.constant 36 : i32
      %broadcast_in_dim3A_724 = vector.broadcast %broadcast_in_dim3A_723 : i32 to vector<16xi32>
      tpu.vector_store_idx %arg8[%broadcast_in_dim3A_724, %select_n3A, %select_n3A_45, %add3A_291], %get3A_693 : memref<50x2x8x33xf32, #tpu.memory_space<vmem>>[vector<16xi32>, vector<16xi32>, vector<16xi32>, vector<16xi32>], vector<16xf32>,
      %broadcast_in_dim3A_725 = arith.constant 37 : i32
      %broadcast_in_dim3A_726 = vector.broadcast %broadcast_in_dim3A_725 : i32 to vector<16xi32>
      tpu.vector_store_idx %arg8[%broadcast_in_dim3A_726, %select_n3A, %select_n3A_45, %add3A_291], %get3A_702 : memref<50x2x8x33xf32, #tpu.memory_space<vmem>>[vector<16xi32>, vector<16xi32>, vector<16xi32>, vector<16xi32>], vector<16xf32>,
      %broadcast_in_dim3A_727 = arith.constant 38 : i32
      %broadcast_in_dim3A_728 = vector.broadcast %broadcast_in_dim3A_727 : i32 to vector<16xi32>
      tpu.vector_store_idx %arg8[%broadcast_in_dim3A_728, %select_n3A, %select_n3A_45, %add3A_291], %get3A_711 : memref<50x2x8x33xf32, #tpu.memory_space<vmem>>[vector<16xi32>, vector<16xi32>, vector<16xi32>, vector<16xi32>], vector<16xf32>,
      %broadcast_in_dim3A_729 = arith.constant 39 : i32
      %broadcast_in_dim3A_730 = vector.broadcast %broadcast_in_dim3A_729 : i32 to vector<16xi32>
      tpu.vector_store_idx %arg8[%broadcast_in_dim3A_730, %select_n3A, %select_n3A_45, %add3A_291], %get3A_720 : memref<50x2x8x33xf32, #tpu.memory_space<vmem>>[vector<16xi32>, vector<16xi32>, vector<16xi32>, vector<16xi32>], vector<16xf32>,
      %mul3A_731 = arith.constant 50 : i32
      %mul3A_732 = arith.muli %scan3A_287, %mul3A_731 : i32
      %add3A_733 = arith.constant 40 : i32
      %add3A_734 = arith.addi %mul3A_732, %add3A_733 : i32
      %add3A_735 = arith.constant 0 : i32
      %add3A_736 = arith.addi %add3A_734, %add3A_735 : i32
      %get3A_737 = arith.index_cast %add3A_736 : i32 to index
      %get3A_738 = arith.constant 0 : index
      %get3A_739 = tpu.vector_load %arg6[%get3A_737, %get3A_738] {strides = array<i32>} : memref<1600x16xf32, #tpu.memory_space<vmem>>, vector<16xf32>,
      %mul3A_740 = arith.constant 50 : i32
      %mul3A_741 = arith.muli %scan3A_287, %mul3A_740 : i32
      %add3A_742 = arith.constant 40 : i32
      %add3A_743 = arith.addi %mul3A_741, %add3A_742 : i32
      %add3A_744 = arith.constant 1 : i32
      %add3A_745 = arith.addi %add3A_743, %add3A_744 : i32
      %get3A_746 = arith.index_cast %add3A_745 : i32 to index
      %get3A_747 = arith.constant 0 : index
      %get3A_748 = tpu.vector_load %arg6[%get3A_746, %get3A_747] {strides = array<i32>} : memref<1600x16xf32, #tpu.memory_space<vmem>>, vector<16xf32>,
      %mul3A_749 = arith.constant 50 : i32
      %mul3A_750 = arith.muli %scan3A_287, %mul3A_749 : i32
      %add3A_751 = arith.constant 40 : i32
      %add3A_752 = arith.addi %mul3A_750, %add3A_751 : i32
      %add3A_753 = arith.constant 2 : i32
      %add3A_754 = arith.addi %add3A_752, %add3A_753 : i32
      %get3A_755 = arith.index_cast %add3A_754 : i32 to index
      %get3A_756 = arith.constant 0 : index
      %get3A_757 = tpu.vector_load %arg6[%get3A_755, %get3A_756] {strides = array<i32>} : memref<1600x16xf32, #tpu.memory_space<vmem>>, vector<16xf32>,
      %mul3A_758 = arith.constant 50 : i32
      %mul3A_759 = arith.muli %scan3A_287, %mul3A_758 : i32
      %add3A_760 = arith.constant 40 : i32
      %add3A_761 = arith.addi %mul3A_759, %add3A_760 : i32
      %add3A_762 = arith.constant 3 : i32
      %add3A_763 = arith.addi %add3A_761, %add3A_762 : i32
      %get3A_764 = arith.index_cast %add3A_763 : i32 to index
      %get3A_765 = arith.constant 0 : index
      %get3A_766 = tpu.vector_load %arg6[%get3A_764, %get3A_765] {strides = array<i32>} : memref<1600x16xf32, #tpu.memory_space<vmem>>, vector<16xf32>,
      %mul3A_767 = arith.constant 50 : i32
      %mul3A_768 = arith.muli %scan3A_287, %mul3A_767 : i32
      %add3A_769 = arith.constant 40 : i32
      %add3A_770 = arith.addi %mul3A_768, %add3A_769 : i32
      %add3A_771 = arith.constant 4 : i32
      %add3A_772 = arith.addi %add3A_770, %add3A_771 : i32
      %get3A_773 = arith.index_cast %add3A_772 : i32 to index
      %get3A_774 = arith.constant 0 : index
      %get3A_775 = tpu.vector_load %arg6[%get3A_773, %get3A_774] {strides = array<i32>} : memref<1600x16xf32, #tpu.memory_space<vmem>>, vector<16xf32>,
      %broadcast_in_dim3A_776 = arith.constant 40 : i32
      %broadcast_in_dim3A_777 = vector.broadcast %broadcast_in_dim3A_776 : i32 to vector<16xi32>
      tpu.vector_store_idx %arg8[%broadcast_in_dim3A_777, %select_n3A, %select_n3A_45, %add3A_291], %get3A_739 : memref<50x2x8x33xf32, #tpu.memory_space<vmem>>[vector<16xi32>, vector<16xi32>, vector<16xi32>, vector<16xi32>], vector<16xf32>,
      %broadcast_in_dim3A_778 = arith.constant 41 : i32
      %broadcast_in_dim3A_779 = vector.broadcast %broadcast_in_dim3A_778 : i32 to vector<16xi32>
      tpu.vector_store_idx %arg8[%broadcast_in_dim3A_779, %select_n3A, %select_n3A_45, %add3A_291], %get3A_748 : memref<50x2x8x33xf32, #tpu.memory_space<vmem>>[vector<16xi32>, vector<16xi32>, vector<16xi32>, vector<16xi32>], vector<16xf32>,
      %broadcast_in_dim3A_780 = arith.constant 42 : i32
      %broadcast_in_dim3A_781 = vector.broadcast %broadcast_in_dim3A_780 : i32 to vector<16xi32>
      tpu.vector_store_idx %arg8[%broadcast_in_dim3A_781, %select_n3A, %select_n3A_45, %add3A_291], %get3A_757 : memref<50x2x8x33xf32, #tpu.memory_space<vmem>>[vector<16xi32>, vector<16xi32>, vector<16xi32>, vector<16xi32>], vector<16xf32>,
      %broadcast_in_dim3A_782 = arith.constant 43 : i32
      %broadcast_in_dim3A_783 = vector.broadcast %broadcast_in_dim3A_782 : i32 to vector<16xi32>
      tpu.vector_store_idx %arg8[%broadcast_in_dim3A_783, %select_n3A, %select_n3A_45, %add3A_291], %get3A_766 : memref<50x2x8x33xf32, #tpu.memory_space<vmem>>[vector<16xi32>, vector<16xi32>, vector<16xi32>, vector<16xi32>], vector<16xf32>,
      %broadcast_in_dim3A_784 = arith.constant 44 : i32
      %broadcast_in_dim3A_785 = vector.broadcast %broadcast_in_dim3A_784 : i32 to vector<16xi32>
      tpu.vector_store_idx %arg8[%broadcast_in_dim3A_785, %select_n3A, %select_n3A_45, %add3A_291], %get3A_775 : memref<50x2x8x33xf32, #tpu.memory_space<vmem>>[vector<16xi32>, vector<16xi32>, vector<16xi32>, vector<16xi32>], vector<16xf32>,
      %mul3A_786 = arith.constant 50 : i32
      %mul3A_787 = arith.muli %scan3A_287, %mul3A_786 : i32
      %add3A_788 = arith.constant 45 : i32
      %add3A_789 = arith.addi %mul3A_787, %add3A_788 : i32
      %add3A_790 = arith.constant 0 : i32
      %add3A_791 = arith.addi %add3A_789, %add3A_790 : i32
      %get3A_792 = arith.index_cast %add3A_791 : i32 to index
      %get3A_793 = arith.constant 0 : index
      %get3A_794 = tpu.vector_load %arg6[%get3A_792, %get3A_793] {strides = array<i32>} : memref<1600x16xf32, #tpu.memory_space<vmem>>, vector<16xf32>,
      %mul3A_795 = arith.constant 50 : i32
      %mul3A_796 = arith.muli %scan3A_287, %mul3A_795 : i32
      %add3A_797 = arith.constant 45 : i32
      %add3A_798 = arith.addi %mul3A_796, %add3A_797 : i32
      %add3A_799 = arith.constant 1 : i32
      %add3A_800 = arith.addi %add3A_798, %add3A_799 : i32
      %get3A_801 = arith.index_cast %add3A_800 : i32 to index
      %get3A_802 = arith.constant 0 : index
      %get3A_803 = tpu.vector_load %arg6[%get3A_801, %get3A_802] {strides = array<i32>} : memref<1600x16xf32, #tpu.memory_space<vmem>>, vector<16xf32>,
      %mul3A_804 = arith.constant 50 : i32
      %mul3A_805 = arith.muli %scan3A_287, %mul3A_804 : i32
      %add3A_806 = arith.constant 45 : i32
      %add3A_807 = arith.addi %mul3A_805, %add3A_806 : i32
      %add3A_808 = arith.constant 2 : i32
      %add3A_809 = arith.addi %add3A_807, %add3A_808 : i32
      %get3A_810 = arith.index_cast %add3A_809 : i32 to index
      %get3A_811 = arith.constant 0 : index
      %get3A_812 = tpu.vector_load %arg6[%get3A_810, %get3A_811] {strides = array<i32>} : memref<1600x16xf32, #tpu.memory_space<vmem>>, vector<16xf32>,
      %mul3A_813 = arith.constant 50 : i32
      %mul3A_814 = arith.muli %scan3A_287, %mul3A_813 : i32
      %add3A_815 = arith.constant 45 : i32
      %add3A_816 = arith.addi %mul3A_814, %add3A_815 : i32
      %add3A_817 = arith.constant 3 : i32
      %add3A_818 = arith.addi %add3A_816, %add3A_817 : i32
      %get3A_819 = arith.index_cast %add3A_818 : i32 to index
      %get3A_820 = arith.constant 0 : index
      %get3A_821 = tpu.vector_load %arg6[%get3A_819, %get3A_820] {strides = array<i32>} : memref<1600x16xf32, #tpu.memory_space<vmem>>, vector<16xf32>,
      %mul3A_822 = arith.constant 50 : i32
      %mul3A_823 = arith.muli %scan3A_287, %mul3A_822 : i32
      %add3A_824 = arith.constant 45 : i32
      %add3A_825 = arith.addi %mul3A_823, %add3A_824 : i32
      %add3A_826 = arith.constant 4 : i32
      %add3A_827 = arith.addi %add3A_825, %add3A_826 : i32
      %get3A_828 = arith.index_cast %add3A_827 : i32 to index
      %get3A_829 = arith.constant 0 : index
      %get3A_830 = tpu.vector_load %arg6[%get3A_828, %get3A_829] {strides = array<i32>} : memref<1600x16xf32, #tpu.memory_space<vmem>>, vector<16xf32>,
      %broadcast_in_dim3A_831 = arith.constant 45 : i32
      %broadcast_in_dim3A_832 = vector.broadcast %broadcast_in_dim3A_831 : i32 to vector<16xi32>
      tpu.vector_store_idx %arg8[%broadcast_in_dim3A_832, %select_n3A, %select_n3A_45, %add3A_291], %get3A_794 : memref<50x2x8x33xf32, #tpu.memory_space<vmem>>[vector<16xi32>, vector<16xi32>, vector<16xi32>, vector<16xi32>], vector<16xf32>,
      %broadcast_in_dim3A_833 = arith.constant 46 : i32
      %broadcast_in_dim3A_834 = vector.broadcast %broadcast_in_dim3A_833 : i32 to vector<16xi32>
      tpu.vector_store_idx %arg8[%broadcast_in_dim3A_834, %select_n3A, %select_n3A_45, %add3A_291], %get3A_803 : memref<50x2x8x33xf32, #tpu.memory_space<vmem>>[vector<16xi32>, vector<16xi32>, vector<16xi32>, vector<16xi32>], vector<16xf32>,
      %broadcast_in_dim3A_835 = arith.constant 47 : i32
      %broadcast_in_dim3A_836 = vector.broadcast %broadcast_in_dim3A_835 : i32 to vector<16xi32>
      tpu.vector_store_idx %arg8[%broadcast_in_dim3A_836, %select_n3A, %select_n3A_45, %add3A_291], %get3A_812 : memref<50x2x8x33xf32, #tpu.memory_space<vmem>>[vector<16xi32>, vector<16xi32>, vector<16xi32>, vector<16xi32>], vector<16xf32>,
      %broadcast_in_dim3A_837 = arith.constant 48 : i32
      %broadcast_in_dim3A_838 = vector.broadcast %broadcast_in_dim3A_837 : i32 to vector<16xi32>
      tpu.vector_store_idx %arg8[%broadcast_in_dim3A_838, %select_n3A, %select_n3A_45, %add3A_291], %get3A_821 : memref<50x2x8x33xf32, #tpu.memory_space<vmem>>[vector<16xi32>, vector<16xi32>, vector<16xi32>, vector<16xi32>], vector<16xf32>,
      %broadcast_in_dim3A_839 = arith.constant 49 : i32
      %broadcast_in_dim3A_840 = vector.broadcast %broadcast_in_dim3A_839 : i32 to vector<16xi32>
      tpu.vector_store_idx %arg8[%broadcast_in_dim3A_840, %select_n3A, %select_n3A_45, %add3A_291], %get3A_830 : memref<50x2x8x33xf32, #tpu.memory_space<vmem>>[vector<16xi32>, vector<16xi32>, vector<16xi32>, vector<16xi32>], vector<16xf32>,
      %scan3A_841 = arith.constant 0 : i32
      scf.yield %scan3A_841 : i32
    }
    %scan3A_164 = arith.constant 32 : i32
    %dma_start3A_165 = arith.constant 0 : i32
    %dma_start3A_166 = arith.constant 0 : i32
    %dma_start3A_167 = arith.constant 0 : i32
    %dma_start3A_168 = arith.constant 0 : i32
    %dma_start3A_169 = tpu.memref_slice %arg8[%dma_start3A_165, %dma_start3A_166, %dma_start3A_167, %dma_start3A_168] : memref<50x2x8x33xf32, #tpu.memory_space<vmem>> -> memref<50x2x8x32xf32, #tpu.memory_space<vmem>>
    %dma_start3A_170 = arith.constant 0 : i32
    %dma_start3A_171 = arith.constant 0 : i32
    %dma_start3A_172 = arith.constant 0 : i32
    %dma_start3A_173 = arith.constant 64 : i32
    %dma_start3A_174 = tpu.memref_slice %arg4[%dma_start3A_170, %dma_start3A_171, %add3A, %dma_start3A_172, %dma_start3A_173] : memref<50x2x32x8x128xf32, #tpu.memory_space<hbm>> -> memref<50x2x1x8x32xf32, #tpu.memory_space<hbm>>
    %dma_start3A_175 = tpu.memref_squeeze %dma_start3A_174 : memref<50x2x1x8x32xf32, #tpu.memory_space<hbm>> -> memref<50x2x8x32xf32, #tpu.memory_space<hbm>>
    %dma_start3A_176 = arith.constant 0 : i32
    %dma_start3A_177 = arith.constant 0 : i32
    %dma_start3A_178 = arith.constant 0 : i32
    %dma_start3A_179 = arith.constant 64 : i32
    %dma_start3A_180 = tpu.memref_slice %arg4[%dma_start3A_176, %dma_start3A_177, %add3A, %dma_start3A_178, %dma_start3A_179] : memref<50x2x32x8x128xf32, #tpu.memory_space<hbm>> -> memref<50x2x1x8x32xf32, #tpu.memory_space<hbm>>
    %dma_start3A_181 = tpu.memref_squeeze %dma_start3A_180 : memref<50x2x1x8x32xf32, #tpu.memory_space<hbm>> -> memref<50x2x8x32xf32, #tpu.memory_space<hbm>>
    %dma_start3A_182 = arith.constant 0 : i32
    %dma_start3A_183 = arith.constant 0 : i32
    %dma_start3A_184 = arith.constant 0 : i32
    %dma_start3A_185 = arith.constant 0 : i32
    %dma_start3A_186 = tpu.memref_slice %arg8[%dma_start3A_182, %dma_start3A_183, %dma_start3A_184, %dma_start3A_185] : memref<50x2x8x33xf32, #tpu.memory_space<vmem>> -> memref<50x2x8x32xf32, #tpu.memory_space<vmem>>
    tpu.enqueue_dma source(%dma_start3A_186 : memref<50x2x8x32xf32, #tpu.memory_space<vmem>>) target(%dma_start3A_181 : memref<50x2x8x32xf32, #tpu.memory_space<hbm>>) target_semaphore(%arg11 : memref<!tpu.dma_semaphore, #tpu.memory_space<semaphore_mem>>)
    %dma_wait3A_187 = arith.constant 4800 : i32
    %dma_wait3A_188 = tpu.memref_slice %arg5[%dma_wait3A_187] : memref<6400xi32, #tpu.memory_space<vmem>> -> memref<1600xi32, #tpu.memory_space<vmem>>
    %dma_wait3A_189 = arith.constant 0 : i32
    %dma_wait3A_190 = arith.constant 0 : i32
    %dma_wait3A_191 = tpu.memref_slice %arg2[%dma_wait3A_189, %dma_wait3A_190] : memref<106496x16xf32, #tpu.memory_space<hbm>> -> memref<106496x16xf32, #tpu.memory_space<hbm>>
    tpu.wait_indirect_dma semaphore(%arg10 : memref<!tpu.dma_semaphore, #tpu.memory_space<semaphore_mem>>) src(%dma_wait3A_191 : memref<106496x16xf32, #tpu.memory_space<hbm>>) dst(%arg7 : memref<1600x16xf32, #tpu.memory_space<vmem>>)
    %dma_wait3A_192 = arith.constant 0 : i32
    %dma_wait3A_193 = arith.constant 0 : i32
    %dma_wait3A_194 = arith.constant 0 : i32
    %dma_wait3A_195 = arith.constant 0 : i32
    %dma_wait3A_196 = tpu.memref_slice %arg9[%dma_wait3A_192, %dma_wait3A_193, %dma_wait3A_194, %dma_wait3A_195] : memref<50x2x8x33xf32, #tpu.memory_space<vmem>> -> memref<50x2x8x32xf32, #tpu.memory_space<vmem>>
    %dma_wait3A_197 = arith.constant 0 : i32
    %dma_wait3A_198 = arith.constant 0 : i32
    %dma_wait3A_199 = arith.constant 0 : i32
    %dma_wait3A_200 = arith.constant 32 : i32
    %dma_wait3A_201 = tpu.memref_slice %arg4[%dma_wait3A_197, %dma_wait3A_198, %add3A, %dma_wait3A_199, %dma_wait3A_200] : memref<50x2x32x8x128xf32, #tpu.memory_space<hbm>> -> memref<50x2x1x8x32xf32, #tpu.memory_space<hbm>>
    %dma_wait3A_202 = tpu.memref_squeeze %dma_wait3A_201 : memref<50x2x1x8x32xf32, #tpu.memory_space<hbm>> -> memref<50x2x8x32xf32, #tpu.memory_space<hbm>>
    %dma_wait3A_203 = arith.constant 0 : i32
    %dma_wait3A_204 = arith.constant 0 : i32
    %dma_wait3A_205 = arith.constant 0 : i32
    %dma_wait3A_206 = arith.constant 32 : i32
    %dma_wait3A_207 = tpu.memref_slice %arg4[%dma_wait3A_203, %dma_wait3A_204, %add3A, %dma_wait3A_205, %dma_wait3A_206] : memref<50x2x32x8x128xf32, #tpu.memory_space<hbm>> -> memref<50x2x1x8x32xf32, #tpu.memory_space<hbm>>
    %dma_wait3A_208 = tpu.memref_squeeze %dma_wait3A_207 : memref<50x2x1x8x32xf32, #tpu.memory_space<hbm>> -> memref<50x2x8x32xf32, #tpu.memory_space<hbm>>
    %dma_wait3A_209 = arith.constant 0 : i32
    %dma_wait3A_210 = arith.constant 0 : i32
    %dma_wait3A_211 = arith.constant 0 : i32
    %dma_wait3A_212 = arith.constant 0 : i32
    %dma_wait3A_213 = tpu.memref_slice %arg9[%dma_wait3A_209, %dma_wait3A_210, %dma_wait3A_211, %dma_wait3A_212] : memref<50x2x8x33xf32, #tpu.memory_space<vmem>> -> memref<50x2x8x32xf32, #tpu.memory_space<vmem>>
    tpu.wait_dma2 semaphore(%arg11 : memref<!tpu.dma_semaphore, #tpu.memory_space<semaphore_mem>>) src(%dma_wait3A_213 : memref<50x2x8x32xf32, #tpu.memory_space<vmem>>) dst(%dma_wait3A_208 : memref<50x2x8x32xf32, #tpu.memory_space<hbm>>)
    %scan3A_214 = arith.constant 0 : i32
    %scan3A_215 = arith.constant 0 : i32
    %scan3A_216 = arith.constant 32 : i32
    %scan3A_217 = arith.addi %scan3A_215, %scan3A_216 : i32
    %scan3A_218 = arith.constant 1 : i32
    %scan3A_219 = scf.for %scan3A_287 = %scan3A_215 to %scan3A_217 step %scan3A_218 iter_args(%scan3A_288 = %scan3A_214) -> (i32)  : i32 {
      %broadcast_in_dim3A = arith.constant 0 : i32
      %broadcast_in_dim3A_289 = vector.broadcast %broadcast_in_dim3A : i32 to vector<16xi32>
      %add3A_290 = vector.broadcast %scan3A_287 : i32 to vector<16xi32>
      %add3A_291 = arith.addi %broadcast_in_dim3A_289, %add3A_290 : vector<16xi32>
      %mul3A_292 = arith.constant 50 : i32
      %mul3A_293 = arith.muli %scan3A_287, %mul3A_292 : i32
      %add3A_294 = arith.constant 0 : i32
      %add3A_295 = arith.addi %mul3A_293, %add3A_294 : i32
      %add3A_296 = arith.constant 0 : i32
      %add3A_297 = arith.addi %add3A_295, %add3A_296 : i32
      %get3A = arith.index_cast %add3A_297 : i32 to index
      %get3A_298 = arith.constant 0 : index
      %get3A_299 = tpu.vector_load %arg7[%get3A, %get3A_298] {strides = array<i32>} : memref<1600x16xf32, #tpu.memory_space<vmem>>, vector<16xf32>,
      %mul3A_300 = arith.constant 50 : i32
      %mul3A_301 = arith.muli %scan3A_287, %mul3A_300 : i32
      %add3A_302 = arith.constant 0 : i32
      %add3A_303 = arith.addi %mul3A_301, %add3A_302 : i32
      %add3A_304 = arith.constant 1 : i32
      %add3A_305 = arith.addi %add3A_303, %add3A_304 : i32
      %get3A_306 = arith.index_cast %add3A_305 : i32 to index
      %get3A_307 = arith.constant 0 : index
      %get3A_308 = tpu.vector_load %arg7[%get3A_306, %get3A_307] {strides = array<i32>} : memref<1600x16xf32, #tpu.memory_space<vmem>>, vector<16xf32>,
      %mul3A_309 = arith.constant 50 : i32
      %mul3A_310 = arith.muli %scan3A_287, %mul3A_309 : i32
      %add3A_311 = arith.constant 0 : i32
      %add3A_312 = arith.addi %mul3A_310, %add3A_311 : i32
      %add3A_313 = arith.constant 2 : i32
      %add3A_314 = arith.addi %add3A_312, %add3A_313 : i32
      %get3A_315 = arith.index_cast %add3A_314 : i32 to index
      %get3A_316 = arith.constant 0 : index
      %get3A_317 = tpu.vector_load %arg7[%get3A_315, %get3A_316] {strides = array<i32>} : memref<1600x16xf32, #tpu.memory_space<vmem>>, vector<16xf32>,
      %mul3A_318 = arith.constant 50 : i32
      %mul3A_319 = arith.muli %scan3A_287, %mul3A_318 : i32
      %add3A_320 = arith.constant 0 : i32
      %add3A_321 = arith.addi %mul3A_319, %add3A_320 : i32
      %add3A_322 = arith.constant 3 : i32
      %add3A_323 = arith.addi %add3A_321, %add3A_322 : i32
      %get3A_324 = arith.index_cast %add3A_323 : i32 to index
      %get3A_325 = arith.constant 0 : index
      %get3A_326 = tpu.vector_load %arg7[%get3A_324, %get3A_325] {strides = array<i32>} : memref<1600x16xf32, #tpu.memory_space<vmem>>, vector<16xf32>,
      %mul3A_327 = arith.constant 50 : i32
      %mul3A_328 = arith.muli %scan3A_287, %mul3A_327 : i32
      %add3A_329 = arith.constant 0 : i32
      %add3A_330 = arith.addi %mul3A_328, %add3A_329 : i32
      %add3A_331 = arith.constant 4 : i32
      %add3A_332 = arith.addi %add3A_330, %add3A_331 : i32
      %get3A_333 = arith.index_cast %add3A_332 : i32 to index
      %get3A_334 = arith.constant 0 : index
      %get3A_335 = tpu.vector_load %arg7[%get3A_333, %get3A_334] {strides = array<i32>} : memref<1600x16xf32, #tpu.memory_space<vmem>>, vector<16xf32>,
      %broadcast_in_dim3A_336 = arith.constant 0 : i32
      %broadcast_in_dim3A_337 = vector.broadcast %broadcast_in_dim3A_336 : i32 to vector<16xi32>
      tpu.vector_store_idx %arg9[%broadcast_in_dim3A_337, %select_n3A, %select_n3A_45, %add3A_291], %get3A_299 : memref<50x2x8x33xf32, #tpu.memory_space<vmem>>[vector<16xi32>, vector<16xi32>, vector<16xi32>, vector<16xi32>], vector<16xf32>,
      %broadcast_in_dim3A_338 = arith.constant 1 : i32
      %broadcast_in_dim3A_339 = vector.broadcast %broadcast_in_dim3A_338 : i32 to vector<16xi32>
      tpu.vector_store_idx %arg9[%broadcast_in_dim3A_339, %select_n3A, %select_n3A_45, %add3A_291], %get3A_308 : memref<50x2x8x33xf32, #tpu.memory_space<vmem>>[vector<16xi32>, vector<16xi32>, vector<16xi32>, vector<16xi32>], vector<16xf32>,
      %broadcast_in_dim3A_340 = arith.constant 2 : i32
      %broadcast_in_dim3A_341 = vector.broadcast %broadcast_in_dim3A_340 : i32 to vector<16xi32>
      tpu.vector_store_idx %arg9[%broadcast_in_dim3A_341, %select_n3A, %select_n3A_45, %add3A_291], %get3A_317 : memref<50x2x8x33xf32, #tpu.memory_space<vmem>>[vector<16xi32>, vector<16xi32>, vector<16xi32>, vector<16xi32>], vector<16xf32>,
      %broadcast_in_dim3A_342 = arith.constant 3 : i32
      %broadcast_in_dim3A_343 = vector.broadcast %broadcast_in_dim3A_342 : i32 to vector<16xi32>
      tpu.vector_store_idx %arg9[%broadcast_in_dim3A_343, %select_n3A, %select_n3A_45, %add3A_291], %get3A_326 : memref<50x2x8x33xf32, #tpu.memory_space<vmem>>[vector<16xi32>, vector<16xi32>, vector<16xi32>, vector<16xi32>], vector<16xf32>,
      %broadcast_in_dim3A_344 = arith.constant 4 : i32
      %broadcast_in_dim3A_345 = vector.broadcast %broadcast_in_dim3A_344 : i32 to vector<16xi32>
      tpu.vector_store_idx %arg9[%broadcast_in_dim3A_345, %select_n3A, %select_n3A_45, %add3A_291], %get3A_335 : memref<50x2x8x33xf32, #tpu.memory_space<vmem>>[vector<16xi32>, vector<16xi32>, vector<16xi32>, vector<16xi32>], vector<16xf32>,
      %mul3A_346 = arith.constant 50 : i32
      %mul3A_347 = arith.muli %scan3A_287, %mul3A_346 : i32
      %add3A_348 = arith.constant 5 : i32
      %add3A_349 = arith.addi %mul3A_347, %add3A_348 : i32
      %add3A_350 = arith.constant 0 : i32
      %add3A_351 = arith.addi %add3A_349, %add3A_350 : i32
      %get3A_352 = arith.index_cast %add3A_351 : i32 to index
      %get3A_353 = arith.constant 0 : index
      %get3A_354 = tpu.vector_load %arg7[%get3A_352, %get3A_353] {strides = array<i32>} : memref<1600x16xf32, #tpu.memory_space<vmem>>, vector<16xf32>,
      %mul3A_355 = arith.constant 50 : i32
      %mul3A_356 = arith.muli %scan3A_287, %mul3A_355 : i32
      %add3A_357 = arith.constant 5 : i32
      %add3A_358 = arith.addi %mul3A_356, %add3A_357 : i32
      %add3A_359 = arith.constant 1 : i32
      %add3A_360 = arith.addi %add3A_358, %add3A_359 : i32
      %get3A_361 = arith.index_cast %add3A_360 : i32 to index
      %get3A_362 = arith.constant 0 : index
      %get3A_363 = tpu.vector_load %arg7[%get3A_361, %get3A_362] {strides = array<i32>} : memref<1600x16xf32, #tpu.memory_space<vmem>>, vector<16xf32>,
      %mul3A_364 = arith.constant 50 : i32
      %mul3A_365 = arith.muli %scan3A_287, %mul3A_364 : i32
      %add3A_366 = arith.constant 5 : i32
      %add3A_367 = arith.addi %mul3A_365, %add3A_366 : i32
      %add3A_368 = arith.constant 2 : i32
      %add3A_369 = arith.addi %add3A_367, %add3A_368 : i32
      %get3A_370 = arith.index_cast %add3A_369 : i32 to index
      %get3A_371 = arith.constant 0 : index
      %get3A_372 = tpu.vector_load %arg7[%get3A_370, %get3A_371] {strides = array<i32>} : memref<1600x16xf32, #tpu.memory_space<vmem>>, vector<16xf32>,
      %mul3A_373 = arith.constant 50 : i32
      %mul3A_374 = arith.muli %scan3A_287, %mul3A_373 : i32
      %add3A_375 = arith.constant 5 : i32
      %add3A_376 = arith.addi %mul3A_374, %add3A_375 : i32
      %add3A_377 = arith.constant 3 : i32
      %add3A_378 = arith.addi %add3A_376, %add3A_377 : i32
      %get3A_379 = arith.index_cast %add3A_378 : i32 to index
      %get3A_380 = arith.constant 0 : index
      %get3A_381 = tpu.vector_load %arg7[%get3A_379, %get3A_380] {strides = array<i32>} : memref<1600x16xf32, #tpu.memory_space<vmem>>, vector<16xf32>,
      %mul3A_382 = arith.constant 50 : i32
      %mul3A_383 = arith.muli %scan3A_287, %mul3A_382 : i32
      %add3A_384 = arith.constant 5 : i32
      %add3A_385 = arith.addi %mul3A_383, %add3A_384 : i32
      %add3A_386 = arith.constant 4 : i32
      %add3A_387 = arith.addi %add3A_385, %add3A_386 : i32
      %get3A_388 = arith.index_cast %add3A_387 : i32 to index
      %get3A_389 = arith.constant 0 : index
      %get3A_390 = tpu.vector_load %arg7[%get3A_388, %get3A_389] {strides = array<i32>} : memref<1600x16xf32, #tpu.memory_space<vmem>>, vector<16xf32>,
      %broadcast_in_dim3A_391 = arith.constant 5 : i32
      %broadcast_in_dim3A_392 = vector.broadcast %broadcast_in_dim3A_391 : i32 to vector<16xi32>
      tpu.vector_store_idx %arg9[%broadcast_in_dim3A_392, %select_n3A, %select_n3A_45, %add3A_291], %get3A_354 : memref<50x2x8x33xf32, #tpu.memory_space<vmem>>[vector<16xi32>, vector<16xi32>, vector<16xi32>, vector<16xi32>], vector<16xf32>,
      %broadcast_in_dim3A_393 = arith.constant 6 : i32
      %broadcast_in_dim3A_394 = vector.broadcast %broadcast_in_dim3A_393 : i32 to vector<16xi32>
      tpu.vector_store_idx %arg9[%broadcast_in_dim3A_394, %select_n3A, %select_n3A_45, %add3A_291], %get3A_363 : memref<50x2x8x33xf32, #tpu.memory_space<vmem>>[vector<16xi32>, vector<16xi32>, vector<16xi32>, vector<16xi32>], vector<16xf32>,
      %broadcast_in_dim3A_395 = arith.constant 7 : i32
      %broadcast_in_dim3A_396 = vector.broadcast %broadcast_in_dim3A_395 : i32 to vector<16xi32>
      tpu.vector_store_idx %arg9[%broadcast_in_dim3A_396, %select_n3A, %select_n3A_45, %add3A_291], %get3A_372 : memref<50x2x8x33xf32, #tpu.memory_space<vmem>>[vector<16xi32>, vector<16xi32>, vector<16xi32>, vector<16xi32>], vector<16xf32>,
      %broadcast_in_dim3A_397 = arith.constant 8 : i32
      %broadcast_in_dim3A_398 = vector.broadcast %broadcast_in_dim3A_397 : i32 to vector<16xi32>
      tpu.vector_store_idx %arg9[%broadcast_in_dim3A_398, %select_n3A, %select_n3A_45, %add3A_291], %get3A_381 : memref<50x2x8x33xf32, #tpu.memory_space<vmem>>[vector<16xi32>, vector<16xi32>, vector<16xi32>, vector<16xi32>], vector<16xf32>,
      %broadcast_in_dim3A_399 = arith.constant 9 : i32
      %broadcast_in_dim3A_400 = vector.broadcast %broadcast_in_dim3A_399 : i32 to vector<16xi32>
      tpu.vector_store_idx %arg9[%broadcast_in_dim3A_400, %select_n3A, %select_n3A_45, %add3A_291], %get3A_390 : memref<50x2x8x33xf32, #tpu.memory_space<vmem>>[vector<16xi32>, vector<16xi32>, vector<16xi32>, vector<16xi32>], vector<16xf32>,
      %mul3A_401 = arith.constant 50 : i32
      %mul3A_402 = arith.muli %scan3A_287, %mul3A_401 : i32
      %add3A_403 = arith.constant 10 : i32
      %add3A_404 = arith.addi %mul3A_402, %add3A_403 : i32
      %add3A_405 = arith.constant 0 : i32
      %add3A_406 = arith.addi %add3A_404, %add3A_405 : i32
      %get3A_407 = arith.index_cast %add3A_406 : i32 to index
      %get3A_408 = arith.constant 0 : index
      %get3A_409 = tpu.vector_load %arg7[%get3A_407, %get3A_408] {strides = array<i32>} : memref<1600x16xf32, #tpu.memory_space<vmem>>, vector<16xf32>,
      %mul3A_410 = arith.constant 50 : i32
      %mul3A_411 = arith.muli %scan3A_287, %mul3A_410 : i32
      %add3A_412 = arith.constant 10 : i32
      %add3A_413 = arith.addi %mul3A_411, %add3A_412 : i32
      %add3A_414 = arith.constant 1 : i32
      %add3A_415 = arith.addi %add3A_413, %add3A_414 : i32
      %get3A_416 = arith.index_cast %add3A_415 : i32 to index
      %get3A_417 = arith.constant 0 : index
      %get3A_418 = tpu.vector_load %arg7[%get3A_416, %get3A_417] {strides = array<i32>} : memref<1600x16xf32, #tpu.memory_space<vmem>>, vector<16xf32>,
      %mul3A_419 = arith.constant 50 : i32
      %mul3A_420 = arith.muli %scan3A_287, %mul3A_419 : i32
      %add3A_421 = arith.constant 10 : i32
      %add3A_422 = arith.addi %mul3A_420, %add3A_421 : i32
      %add3A_423 = arith.constant 2 : i32
      %add3A_424 = arith.addi %add3A_422, %add3A_423 : i32
      %get3A_425 = arith.index_cast %add3A_424 : i32 to index
      %get3A_426 = arith.constant 0 : index
      %get3A_427 = tpu.vector_load %arg7[%get3A_425, %get3A_426] {strides = array<i32>} : memref<1600x16xf32, #tpu.memory_space<vmem>>, vector<16xf32>,
      %mul3A_428 = arith.constant 50 : i32
      %mul3A_429 = arith.muli %scan3A_287, %mul3A_428 : i32
      %add3A_430 = arith.constant 10 : i32
      %add3A_431 = arith.addi %mul3A_429, %add3A_430 : i32
      %add3A_432 = arith.constant 3 : i32
      %add3A_433 = arith.addi %add3A_431, %add3A_432 : i32
      %get3A_434 = arith.index_cast %add3A_433 : i32 to index
      %get3A_435 = arith.constant 0 : index
      %get3A_436 = tpu.vector_load %arg7[%get3A_434, %get3A_435] {strides = array<i32>} : memref<1600x16xf32, #tpu.memory_space<vmem>>, vector<16xf32>,
      %mul3A_437 = arith.constant 50 : i32
      %mul3A_438 = arith.muli %scan3A_287, %mul3A_437 : i32
      %add3A_439 = arith.constant 10 : i32
      %add3A_440 = arith.addi %mul3A_438, %add3A_439 : i32
      %add3A_441 = arith.constant 4 : i32
      %add3A_442 = arith.addi %add3A_440, %add3A_441 : i32
      %get3A_443 = arith.index_cast %add3A_442 : i32 to index
      %get3A_444 = arith.constant 0 : index
      %get3A_445 = tpu.vector_load %arg7[%get3A_443, %get3A_444] {strides = array<i32>} : memref<1600x16xf32, #tpu.memory_space<vmem>>, vector<16xf32>,
      %broadcast_in_dim3A_446 = arith.constant 10 : i32
      %broadcast_in_dim3A_447 = vector.broadcast %broadcast_in_dim3A_446 : i32 to vector<16xi32>
      tpu.vector_store_idx %arg9[%broadcast_in_dim3A_447, %select_n3A, %select_n3A_45, %add3A_291], %get3A_409 : memref<50x2x8x33xf32, #tpu.memory_space<vmem>>[vector<16xi32>, vector<16xi32>, vector<16xi32>, vector<16xi32>], vector<16xf32>,
      %broadcast_in_dim3A_448 = arith.constant 11 : i32
      %broadcast_in_dim3A_449 = vector.broadcast %broadcast_in_dim3A_448 : i32 to vector<16xi32>
      tpu.vector_store_idx %arg9[%broadcast_in_dim3A_449, %select_n3A, %select_n3A_45, %add3A_291], %get3A_418 : memref<50x2x8x33xf32, #tpu.memory_space<vmem>>[vector<16xi32>, vector<16xi32>, vector<16xi32>, vector<16xi32>], vector<16xf32>,
      %broadcast_in_dim3A_450 = arith.constant 12 : i32
      %broadcast_in_dim3A_451 = vector.broadcast %broadcast_in_dim3A_450 : i32 to vector<16xi32>
      tpu.vector_store_idx %arg9[%broadcast_in_dim3A_451, %select_n3A, %select_n3A_45, %add3A_291], %get3A_427 : memref<50x2x8x33xf32, #tpu.memory_space<vmem>>[vector<16xi32>, vector<16xi32>, vector<16xi32>, vector<16xi32>], vector<16xf32>,
      %broadcast_in_dim3A_452 = arith.constant 13 : i32
      %broadcast_in_dim3A_453 = vector.broadcast %broadcast_in_dim3A_452 : i32 to vector<16xi32>
      tpu.vector_store_idx %arg9[%broadcast_in_dim3A_453, %select_n3A, %select_n3A_45, %add3A_291], %get3A_436 : memref<50x2x8x33xf32, #tpu.memory_space<vmem>>[vector<16xi32>, vector<16xi32>, vector<16xi32>, vector<16xi32>], vector<16xf32>,
      %broadcast_in_dim3A_454 = arith.constant 14 : i32
      %broadcast_in_dim3A_455 = vector.broadcast %broadcast_in_dim3A_454 : i32 to vector<16xi32>
      tpu.vector_store_idx %arg9[%broadcast_in_dim3A_455, %select_n3A, %select_n3A_45, %add3A_291], %get3A_445 : memref<50x2x8x33xf32, #tpu.memory_space<vmem>>[vector<16xi32>, vector<16xi32>, vector<16xi32>, vector<16xi32>], vector<16xf32>,
      %mul3A_456 = arith.constant 50 : i32
      %mul3A_457 = arith.muli %scan3A_287, %mul3A_456 : i32
      %add3A_458 = arith.constant 15 : i32
      %add3A_459 = arith.addi %mul3A_457, %add3A_458 : i32
      %add3A_460 = arith.constant 0 : i32
      %add3A_461 = arith.addi %add3A_459, %add3A_460 : i32
      %get3A_462 = arith.index_cast %add3A_461 : i32 to index
      %get3A_463 = arith.constant 0 : index
      %get3A_464 = tpu.vector_load %arg7[%get3A_462, %get3A_463] {strides = array<i32>} : memref<1600x16xf32, #tpu.memory_space<vmem>>, vector<16xf32>,
      %mul3A_465 = arith.constant 50 : i32
      %mul3A_466 = arith.muli %scan3A_287, %mul3A_465 : i32
      %add3A_467 = arith.constant 15 : i32
      %add3A_468 = arith.addi %mul3A_466, %add3A_467 : i32
      %add3A_469 = arith.constant 1 : i32
      %add3A_470 = arith.addi %add3A_468, %add3A_469 : i32
      %get3A_471 = arith.index_cast %add3A_470 : i32 to index
      %get3A_472 = arith.constant 0 : index
      %get3A_473 = tpu.vector_load %arg7[%get3A_471, %get3A_472] {strides = array<i32>} : memref<1600x16xf32, #tpu.memory_space<vmem>>, vector<16xf32>,
      %mul3A_474 = arith.constant 50 : i32
      %mul3A_475 = arith.muli %scan3A_287, %mul3A_474 : i32
      %add3A_476 = arith.constant 15 : i32
      %add3A_477 = arith.addi %mul3A_475, %add3A_476 : i32
      %add3A_478 = arith.constant 2 : i32
      %add3A_479 = arith.addi %add3A_477, %add3A_478 : i32
      %get3A_480 = arith.index_cast %add3A_479 : i32 to index
      %get3A_481 = arith.constant 0 : index
      %get3A_482 = tpu.vector_load %arg7[%get3A_480, %get3A_481] {strides = array<i32>} : memref<1600x16xf32, #tpu.memory_space<vmem>>, vector<16xf32>,
      %mul3A_483 = arith.constant 50 : i32
      %mul3A_484 = arith.muli %scan3A_287, %mul3A_483 : i32
      %add3A_485 = arith.constant 15 : i32
      %add3A_486 = arith.addi %mul3A_484, %add3A_485 : i32
      %add3A_487 = arith.constant 3 : i32
      %add3A_488 = arith.addi %add3A_486, %add3A_487 : i32
      %get3A_489 = arith.index_cast %add3A_488 : i32 to index
      %get3A_490 = arith.constant 0 : index
      %get3A_491 = tpu.vector_load %arg7[%get3A_489, %get3A_490] {strides = array<i32>} : memref<1600x16xf32, #tpu.memory_space<vmem>>, vector<16xf32>,
      %mul3A_492 = arith.constant 50 : i32
      %mul3A_493 = arith.muli %scan3A_287, %mul3A_492 : i32
      %add3A_494 = arith.constant 15 : i32
      %add3A_495 = arith.addi %mul3A_493, %add3A_494 : i32
      %add3A_496 = arith.constant 4 : i32
      %add3A_497 = arith.addi %add3A_495, %add3A_496 : i32
      %get3A_498 = arith.index_cast %add3A_497 : i32 to index
      %get3A_499 = arith.constant 0 : index
      %get3A_500 = tpu.vector_load %arg7[%get3A_498, %get3A_499] {strides = array<i32>} : memref<1600x16xf32, #tpu.memory_space<vmem>>, vector<16xf32>,
      %broadcast_in_dim3A_501 = arith.constant 15 : i32
      %broadcast_in_dim3A_502 = vector.broadcast %broadcast_in_dim3A_501 : i32 to vector<16xi32>
      tpu.vector_store_idx %arg9[%broadcast_in_dim3A_502, %select_n3A, %select_n3A_45, %add3A_291], %get3A_464 : memref<50x2x8x33xf32, #tpu.memory_space<vmem>>[vector<16xi32>, vector<16xi32>, vector<16xi32>, vector<16xi32>], vector<16xf32>,
      %broadcast_in_dim3A_503 = arith.constant 16 : i32
      %broadcast_in_dim3A_504 = vector.broadcast %broadcast_in_dim3A_503 : i32 to vector<16xi32>
      tpu.vector_store_idx %arg9[%broadcast_in_dim3A_504, %select_n3A, %select_n3A_45, %add3A_291], %get3A_473 : memref<50x2x8x33xf32, #tpu.memory_space<vmem>>[vector<16xi32>, vector<16xi32>, vector<16xi32>, vector<16xi32>], vector<16xf32>,
      %broadcast_in_dim3A_505 = arith.constant 17 : i32
      %broadcast_in_dim3A_506 = vector.broadcast %broadcast_in_dim3A_505 : i32 to vector<16xi32>
      tpu.vector_store_idx %arg9[%broadcast_in_dim3A_506, %select_n3A, %select_n3A_45, %add3A_291], %get3A_482 : memref<50x2x8x33xf32, #tpu.memory_space<vmem>>[vector<16xi32>, vector<16xi32>, vector<16xi32>, vector<16xi32>], vector<16xf32>,
      %broadcast_in_dim3A_507 = arith.constant 18 : i32
      %broadcast_in_dim3A_508 = vector.broadcast %broadcast_in_dim3A_507 : i32 to vector<16xi32>
      tpu.vector_store_idx %arg9[%broadcast_in_dim3A_508, %select_n3A, %select_n3A_45, %add3A_291], %get3A_491 : memref<50x2x8x33xf32, #tpu.memory_space<vmem>>[vector<16xi32>, vector<16xi32>, vector<16xi32>, vector<16xi32>], vector<16xf32>,
      %broadcast_in_dim3A_509 = arith.constant 19 : i32
      %broadcast_in_dim3A_510 = vector.broadcast %broadcast_in_dim3A_509 : i32 to vector<16xi32>
      tpu.vector_store_idx %arg9[%broadcast_in_dim3A_510, %select_n3A, %select_n3A_45, %add3A_291], %get3A_500 : memref<50x2x8x33xf32, #tpu.memory_space<vmem>>[vector<16xi32>, vector<16xi32>, vector<16xi32>, vector<16xi32>], vector<16xf32>,
      %mul3A_511 = arith.constant 50 : i32
      %mul3A_512 = arith.muli %scan3A_287, %mul3A_511 : i32
      %add3A_513 = arith.constant 20 : i32
      %add3A_514 = arith.addi %mul3A_512, %add3A_513 : i32
      %add3A_515 = arith.constant 0 : i32
      %add3A_516 = arith.addi %add3A_514, %add3A_515 : i32
      %get3A_517 = arith.index_cast %add3A_516 : i32 to index
      %get3A_518 = arith.constant 0 : index
      %get3A_519 = tpu.vector_load %arg7[%get3A_517, %get3A_518] {strides = array<i32>} : memref<1600x16xf32, #tpu.memory_space<vmem>>, vector<16xf32>,
      %mul3A_520 = arith.constant 50 : i32
      %mul3A_521 = arith.muli %scan3A_287, %mul3A_520 : i32
      %add3A_522 = arith.constant 20 : i32
      %add3A_523 = arith.addi %mul3A_521, %add3A_522 : i32
      %add3A_524 = arith.constant 1 : i32
      %add3A_525 = arith.addi %add3A_523, %add3A_524 : i32
      %get3A_526 = arith.index_cast %add3A_525 : i32 to index
      %get3A_527 = arith.constant 0 : index
      %get3A_528 = tpu.vector_load %arg7[%get3A_526, %get3A_527] {strides = array<i32>} : memref<1600x16xf32, #tpu.memory_space<vmem>>, vector<16xf32>,
      %mul3A_529 = arith.constant 50 : i32
      %mul3A_530 = arith.muli %scan3A_287, %mul3A_529 : i32
      %add3A_531 = arith.constant 20 : i32
      %add3A_532 = arith.addi %mul3A_530, %add3A_531 : i32
      %add3A_533 = arith.constant 2 : i32
      %add3A_534 = arith.addi %add3A_532, %add3A_533 : i32
      %get3A_535 = arith.index_cast %add3A_534 : i32 to index
      %get3A_536 = arith.constant 0 : index
      %get3A_537 = tpu.vector_load %arg7[%get3A_535, %get3A_536] {strides = array<i32>} : memref<1600x16xf32, #tpu.memory_space<vmem>>, vector<16xf32>,
      %mul3A_538 = arith.constant 50 : i32
      %mul3A_539 = arith.muli %scan3A_287, %mul3A_538 : i32
      %add3A_540 = arith.constant 20 : i32
      %add3A_541 = arith.addi %mul3A_539, %add3A_540 : i32
      %add3A_542 = arith.constant 3 : i32
      %add3A_543 = arith.addi %add3A_541, %add3A_542 : i32
      %get3A_544 = arith.index_cast %add3A_543 : i32 to index
      %get3A_545 = arith.constant 0 : index
      %get3A_546 = tpu.vector_load %arg7[%get3A_544, %get3A_545] {strides = array<i32>} : memref<1600x16xf32, #tpu.memory_space<vmem>>, vector<16xf32>,
      %mul3A_547 = arith.constant 50 : i32
      %mul3A_548 = arith.muli %scan3A_287, %mul3A_547 : i32
      %add3A_549 = arith.constant 20 : i32
      %add3A_550 = arith.addi %mul3A_548, %add3A_549 : i32
      %add3A_551 = arith.constant 4 : i32
      %add3A_552 = arith.addi %add3A_550, %add3A_551 : i32
      %get3A_553 = arith.index_cast %add3A_552 : i32 to index
      %get3A_554 = arith.constant 0 : index
      %get3A_555 = tpu.vector_load %arg7[%get3A_553, %get3A_554] {strides = array<i32>} : memref<1600x16xf32, #tpu.memory_space<vmem>>, vector<16xf32>,
      %broadcast_in_dim3A_556 = arith.constant 20 : i32
      %broadcast_in_dim3A_557 = vector.broadcast %broadcast_in_dim3A_556 : i32 to vector<16xi32>
      tpu.vector_store_idx %arg9[%broadcast_in_dim3A_557, %select_n3A, %select_n3A_45, %add3A_291], %get3A_519 : memref<50x2x8x33xf32, #tpu.memory_space<vmem>>[vector<16xi32>, vector<16xi32>, vector<16xi32>, vector<16xi32>], vector<16xf32>,
      %broadcast_in_dim3A_558 = arith.constant 21 : i32
      %broadcast_in_dim3A_559 = vector.broadcast %broadcast_in_dim3A_558 : i32 to vector<16xi32>
      tpu.vector_store_idx %arg9[%broadcast_in_dim3A_559, %select_n3A, %select_n3A_45, %add3A_291], %get3A_528 : memref<50x2x8x33xf32, #tpu.memory_space<vmem>>[vector<16xi32>, vector<16xi32>, vector<16xi32>, vector<16xi32>], vector<16xf32>,
      %broadcast_in_dim3A_560 = arith.constant 22 : i32
      %broadcast_in_dim3A_561 = vector.broadcast %broadcast_in_dim3A_560 : i32 to vector<16xi32>
      tpu.vector_store_idx %arg9[%broadcast_in_dim3A_561, %select_n3A, %select_n3A_45, %add3A_291], %get3A_537 : memref<50x2x8x33xf32, #tpu.memory_space<vmem>>[vector<16xi32>, vector<16xi32>, vector<16xi32>, vector<16xi32>], vector<16xf32>,
      %broadcast_in_dim3A_562 = arith.constant 23 : i32
      %broadcast_in_dim3A_563 = vector.broadcast %broadcast_in_dim3A_562 : i32 to vector<16xi32>
      tpu.vector_store_idx %arg9[%broadcast_in_dim3A_563, %select_n3A, %select_n3A_45, %add3A_291], %get3A_546 : memref<50x2x8x33xf32, #tpu.memory_space<vmem>>[vector<16xi32>, vector<16xi32>, vector<16xi32>, vector<16xi32>], vector<16xf32>,
      %broadcast_in_dim3A_564 = arith.constant 24 : i32
      %broadcast_in_dim3A_565 = vector.broadcast %broadcast_in_dim3A_564 : i32 to vector<16xi32>
      tpu.vector_store_idx %arg9[%broadcast_in_dim3A_565, %select_n3A, %select_n3A_45, %add3A_291], %get3A_555 : memref<50x2x8x33xf32, #tpu.memory_space<vmem>>[vector<16xi32>, vector<16xi32>, vector<16xi32>, vector<16xi32>], vector<16xf32>,
      %mul3A_566 = arith.constant 50 : i32
      %mul3A_567 = arith.muli %scan3A_287, %mul3A_566 : i32
      %add3A_568 = arith.constant 25 : i32
      %add3A_569 = arith.addi %mul3A_567, %add3A_568 : i32
      %add3A_570 = arith.constant 0 : i32
      %add3A_571 = arith.addi %add3A_569, %add3A_570 : i32
      %get3A_572 = arith.index_cast %add3A_571 : i32 to index
      %get3A_573 = arith.constant 0 : index
      %get3A_574 = tpu.vector_load %arg7[%get3A_572, %get3A_573] {strides = array<i32>} : memref<1600x16xf32, #tpu.memory_space<vmem>>, vector<16xf32>,
      %mul3A_575 = arith.constant 50 : i32
      %mul3A_576 = arith.muli %scan3A_287, %mul3A_575 : i32
      %add3A_577 = arith.constant 25 : i32
      %add3A_578 = arith.addi %mul3A_576, %add3A_577 : i32
      %add3A_579 = arith.constant 1 : i32
      %add3A_580 = arith.addi %add3A_578, %add3A_579 : i32
      %get3A_581 = arith.index_cast %add3A_580 : i32 to index
      %get3A_582 = arith.constant 0 : index
      %get3A_583 = tpu.vector_load %arg7[%get3A_581, %get3A_582] {strides = array<i32>} : memref<1600x16xf32, #tpu.memory_space<vmem>>, vector<16xf32>,
      %mul3A_584 = arith.constant 50 : i32
      %mul3A_585 = arith.muli %scan3A_287, %mul3A_584 : i32
      %add3A_586 = arith.constant 25 : i32
      %add3A_587 = arith.addi %mul3A_585, %add3A_586 : i32
      %add3A_588 = arith.constant 2 : i32
      %add3A_589 = arith.addi %add3A_587, %add3A_588 : i32
      %get3A_590 = arith.index_cast %add3A_589 : i32 to index
      %get3A_591 = arith.constant 0 : index
      %get3A_592 = tpu.vector_load %arg7[%get3A_590, %get3A_591] {strides = array<i32>} : memref<1600x16xf32, #tpu.memory_space<vmem>>, vector<16xf32>,
      %mul3A_593 = arith.constant 50 : i32
      %mul3A_594 = arith.muli %scan3A_287, %mul3A_593 : i32
      %add3A_595 = arith.constant 25 : i32
      %add3A_596 = arith.addi %mul3A_594, %add3A_595 : i32
      %add3A_597 = arith.constant 3 : i32
      %add3A_598 = arith.addi %add3A_596, %add3A_597 : i32
      %get3A_599 = arith.index_cast %add3A_598 : i32 to index
      %get3A_600 = arith.constant 0 : index
      %get3A_601 = tpu.vector_load %arg7[%get3A_599, %get3A_600] {strides = array<i32>} : memref<1600x16xf32, #tpu.memory_space<vmem>>, vector<16xf32>,
      %mul3A_602 = arith.constant 50 : i32
      %mul3A_603 = arith.muli %scan3A_287, %mul3A_602 : i32
      %add3A_604 = arith.constant 25 : i32
      %add3A_605 = arith.addi %mul3A_603, %add3A_604 : i32
      %add3A_606 = arith.constant 4 : i32
      %add3A_607 = arith.addi %add3A_605, %add3A_606 : i32
      %get3A_608 = arith.index_cast %add3A_607 : i32 to index
      %get3A_609 = arith.constant 0 : index
      %get3A_610 = tpu.vector_load %arg7[%get3A_608, %get3A_609] {strides = array<i32>} : memref<1600x16xf32, #tpu.memory_space<vmem>>, vector<16xf32>,
      %broadcast_in_dim3A_611 = arith.constant 25 : i32
      %broadcast_in_dim3A_612 = vector.broadcast %broadcast_in_dim3A_611 : i32 to vector<16xi32>
      tpu.vector_store_idx %arg9[%broadcast_in_dim3A_612, %select_n3A, %select_n3A_45, %add3A_291], %get3A_574 : memref<50x2x8x33xf32, #tpu.memory_space<vmem>>[vector<16xi32>, vector<16xi32>, vector<16xi32>, vector<16xi32>], vector<16xf32>,
      %broadcast_in_dim3A_613 = arith.constant 26 : i32
      %broadcast_in_dim3A_614 = vector.broadcast %broadcast_in_dim3A_613 : i32 to vector<16xi32>
      tpu.vector_store_idx %arg9[%broadcast_in_dim3A_614, %select_n3A, %select_n3A_45, %add3A_291], %get3A_583 : memref<50x2x8x33xf32, #tpu.memory_space<vmem>>[vector<16xi32>, vector<16xi32>, vector<16xi32>, vector<16xi32>], vector<16xf32>,
      %broadcast_in_dim3A_615 = arith.constant 27 : i32
      %broadcast_in_dim3A_616 = vector.broadcast %broadcast_in_dim3A_615 : i32 to vector<16xi32>
      tpu.vector_store_idx %arg9[%broadcast_in_dim3A_616, %select_n3A, %select_n3A_45, %add3A_291], %get3A_592 : memref<50x2x8x33xf32, #tpu.memory_space<vmem>>[vector<16xi32>, vector<16xi32>, vector<16xi32>, vector<16xi32>], vector<16xf32>,
      %broadcast_in_dim3A_617 = arith.constant 28 : i32
      %broadcast_in_dim3A_618 = vector.broadcast %broadcast_in_dim3A_617 : i32 to vector<16xi32>
      tpu.vector_store_idx %arg9[%broadcast_in_dim3A_618, %select_n3A, %select_n3A_45, %add3A_291], %get3A_601 : memref<50x2x8x33xf32, #tpu.memory_space<vmem>>[vector<16xi32>, vector<16xi32>, vector<16xi32>, vector<16xi32>], vector<16xf32>,
      %broadcast_in_dim3A_619 = arith.constant 29 : i32
      %broadcast_in_dim3A_620 = vector.broadcast %broadcast_in_dim3A_619 : i32 to vector<16xi32>
      tpu.vector_store_idx %arg9[%broadcast_in_dim3A_620, %select_n3A, %select_n3A_45, %add3A_291], %get3A_610 : memref<50x2x8x33xf32, #tpu.memory_space<vmem>>[vector<16xi32>, vector<16xi32>, vector<16xi32>, vector<16xi32>], vector<16xf32>,
      %mul3A_621 = arith.constant 50 : i32
      %mul3A_622 = arith.muli %scan3A_287, %mul3A_621 : i32
      %add3A_623 = arith.constant 30 : i32
      %add3A_624 = arith.addi %mul3A_622, %add3A_623 : i32
      %add3A_625 = arith.constant 0 : i32
      %add3A_626 = arith.addi %add3A_624, %add3A_625 : i32
      %get3A_627 = arith.index_cast %add3A_626 : i32 to index
      %get3A_628 = arith.constant 0 : index
      %get3A_629 = tpu.vector_load %arg7[%get3A_627, %get3A_628] {strides = array<i32>} : memref<1600x16xf32, #tpu.memory_space<vmem>>, vector<16xf32>,
      %mul3A_630 = arith.constant 50 : i32
      %mul3A_631 = arith.muli %scan3A_287, %mul3A_630 : i32
      %add3A_632 = arith.constant 30 : i32
      %add3A_633 = arith.addi %mul3A_631, %add3A_632 : i32
      %add3A_634 = arith.constant 1 : i32
      %add3A_635 = arith.addi %add3A_633, %add3A_634 : i32
      %get3A_636 = arith.index_cast %add3A_635 : i32 to index
      %get3A_637 = arith.constant 0 : index
      %get3A_638 = tpu.vector_load %arg7[%get3A_636, %get3A_637] {strides = array<i32>} : memref<1600x16xf32, #tpu.memory_space<vmem>>, vector<16xf32>,
      %mul3A_639 = arith.constant 50 : i32
      %mul3A_640 = arith.muli %scan3A_287, %mul3A_639 : i32
      %add3A_641 = arith.constant 30 : i32
      %add3A_642 = arith.addi %mul3A_640, %add3A_641 : i32
      %add3A_643 = arith.constant 2 : i32
      %add3A_644 = arith.addi %add3A_642, %add3A_643 : i32
      %get3A_645 = arith.index_cast %add3A_644 : i32 to index
      %get3A_646 = arith.constant 0 : index
      %get3A_647 = tpu.vector_load %arg7[%get3A_645, %get3A_646] {strides = array<i32>} : memref<1600x16xf32, #tpu.memory_space<vmem>>, vector<16xf32>,
      %mul3A_648 = arith.constant 50 : i32
      %mul3A_649 = arith.muli %scan3A_287, %mul3A_648 : i32
      %add3A_650 = arith.constant 30 : i32
      %add3A_651 = arith.addi %mul3A_649, %add3A_650 : i32
      %add3A_652 = arith.constant 3 : i32
      %add3A_653 = arith.addi %add3A_651, %add3A_652 : i32
      %get3A_654 = arith.index_cast %add3A_653 : i32 to index
      %get3A_655 = arith.constant 0 : index
      %get3A_656 = tpu.vector_load %arg7[%get3A_654, %get3A_655] {strides = array<i32>} : memref<1600x16xf32, #tpu.memory_space<vmem>>, vector<16xf32>,
      %mul3A_657 = arith.constant 50 : i32
      %mul3A_658 = arith.muli %scan3A_287, %mul3A_657 : i32
      %add3A_659 = arith.constant 30 : i32
      %add3A_660 = arith.addi %mul3A_658, %add3A_659 : i32
      %add3A_661 = arith.constant 4 : i32
      %add3A_662 = arith.addi %add3A_660, %add3A_661 : i32
      %get3A_663 = arith.index_cast %add3A_662 : i32 to index
      %get3A_664 = arith.constant 0 : index
      %get3A_665 = tpu.vector_load %arg7[%get3A_663, %get3A_664] {strides = array<i32>} : memref<1600x16xf32, #tpu.memory_space<vmem>>, vector<16xf32>,
      %broadcast_in_dim3A_666 = arith.constant 30 : i32
      %broadcast_in_dim3A_667 = vector.broadcast %broadcast_in_dim3A_666 : i32 to vector<16xi32>
      tpu.vector_store_idx %arg9[%broadcast_in_dim3A_667, %select_n3A, %select_n3A_45, %add3A_291], %get3A_629 : memref<50x2x8x33xf32, #tpu.memory_space<vmem>>[vector<16xi32>, vector<16xi32>, vector<16xi32>, vector<16xi32>], vector<16xf32>,
      %broadcast_in_dim3A_668 = arith.constant 31 : i32
      %broadcast_in_dim3A_669 = vector.broadcast %broadcast_in_dim3A_668 : i32 to vector<16xi32>
      tpu.vector_store_idx %arg9[%broadcast_in_dim3A_669, %select_n3A, %select_n3A_45, %add3A_291], %get3A_638 : memref<50x2x8x33xf32, #tpu.memory_space<vmem>>[vector<16xi32>, vector<16xi32>, vector<16xi32>, vector<16xi32>], vector<16xf32>,
      %broadcast_in_dim3A_670 = arith.constant 32 : i32
      %broadcast_in_dim3A_671 = vector.broadcast %broadcast_in_dim3A_670 : i32 to vector<16xi32>
      tpu.vector_store_idx %arg9[%broadcast_in_dim3A_671, %select_n3A, %select_n3A_45, %add3A_291], %get3A_647 : memref<50x2x8x33xf32, #tpu.memory_space<vmem>>[vector<16xi32>, vector<16xi32>, vector<16xi32>, vector<16xi32>], vector<16xf32>,
      %broadcast_in_dim3A_672 = arith.constant 33 : i32
      %broadcast_in_dim3A_673 = vector.broadcast %broadcast_in_dim3A_672 : i32 to vector<16xi32>
      tpu.vector_store_idx %arg9[%broadcast_in_dim3A_673, %select_n3A, %select_n3A_45, %add3A_291], %get3A_656 : memref<50x2x8x33xf32, #tpu.memory_space<vmem>>[vector<16xi32>, vector<16xi32>, vector<16xi32>, vector<16xi32>], vector<16xf32>,
      %broadcast_in_dim3A_674 = arith.constant 34 : i32
      %broadcast_in_dim3A_675 = vector.broadcast %broadcast_in_dim3A_674 : i32 to vector<16xi32>
      tpu.vector_store_idx %arg9[%broadcast_in_dim3A_675, %select_n3A, %select_n3A_45, %add3A_291], %get3A_665 : memref<50x2x8x33xf32, #tpu.memory_space<vmem>>[vector<16xi32>, vector<16xi32>, vector<16xi32>, vector<16xi32>], vector<16xf32>,
      %mul3A_676 = arith.constant 50 : i32
      %mul3A_677 = arith.muli %scan3A_287, %mul3A_676 : i32
      %add3A_678 = arith.constant 35 : i32
      %add3A_679 = arith.addi %mul3A_677, %add3A_678 : i32
      %add3A_680 = arith.constant 0 : i32
      %add3A_681 = arith.addi %add3A_679, %add3A_680 : i32
      %get3A_682 = arith.index_cast %add3A_681 : i32 to index
      %get3A_683 = arith.constant 0 : index
      %get3A_684 = tpu.vector_load %arg7[%get3A_682, %get3A_683] {strides = array<i32>} : memref<1600x16xf32, #tpu.memory_space<vmem>>, vector<16xf32>,
      %mul3A_685 = arith.constant 50 : i32
      %mul3A_686 = arith.muli %scan3A_287, %mul3A_685 : i32
      %add3A_687 = arith.constant 35 : i32
      %add3A_688 = arith.addi %mul3A_686, %add3A_687 : i32
      %add3A_689 = arith.constant 1 : i32
      %add3A_690 = arith.addi %add3A_688, %add3A_689 : i32
      %get3A_691 = arith.index_cast %add3A_690 : i32 to index
      %get3A_692 = arith.constant 0 : index
      %get3A_693 = tpu.vector_load %arg7[%get3A_691, %get3A_692] {strides = array<i32>} : memref<1600x16xf32, #tpu.memory_space<vmem>>, vector<16xf32>,
      %mul3A_694 = arith.constant 50 : i32
      %mul3A_695 = arith.muli %scan3A_287, %mul3A_694 : i32
      %add3A_696 = arith.constant 35 : i32
      %add3A_697 = arith.addi %mul3A_695, %add3A_696 : i32
      %add3A_698 = arith.constant 2 : i32
      %add3A_699 = arith.addi %add3A_697, %add3A_698 : i32
      %get3A_700 = arith.index_cast %add3A_699 : i32 to index
      %get3A_701 = arith.constant 0 : index
      %get3A_702 = tpu.vector_load %arg7[%get3A_700, %get3A_701] {strides = array<i32>} : memref<1600x16xf32, #tpu.memory_space<vmem>>, vector<16xf32>,
      %mul3A_703 = arith.constant 50 : i32
      %mul3A_704 = arith.muli %scan3A_287, %mul3A_703 : i32
      %add3A_705 = arith.constant 35 : i32
      %add3A_706 = arith.addi %mul3A_704, %add3A_705 : i32
      %add3A_707 = arith.constant 3 : i32
      %add3A_708 = arith.addi %add3A_706, %add3A_707 : i32
      %get3A_709 = arith.index_cast %add3A_708 : i32 to index
      %get3A_710 = arith.constant 0 : index
      %get3A_711 = tpu.vector_load %arg7[%get3A_709, %get3A_710] {strides = array<i32>} : memref<1600x16xf32, #tpu.memory_space<vmem>>, vector<16xf32>,
      %mul3A_712 = arith.constant 50 : i32
      %mul3A_713 = arith.muli %scan3A_287, %mul3A_712 : i32
      %add3A_714 = arith.constant 35 : i32
      %add3A_715 = arith.addi %mul3A_713, %add3A_714 : i32
      %add3A_716 = arith.constant 4 : i32
      %add3A_717 = arith.addi %add3A_715, %add3A_716 : i32
      %get3A_718 = arith.index_cast %add3A_717 : i32 to index
      %get3A_719 = arith.constant 0 : index
      %get3A_720 = tpu.vector_load %arg7[%get3A_718, %get3A_719] {strides = array<i32>} : memref<1600x16xf32, #tpu.memory_space<vmem>>, vector<16xf32>,
      %broadcast_in_dim3A_721 = arith.constant 35 : i32
      %broadcast_in_dim3A_722 = vector.broadcast %broadcast_in_dim3A_721 : i32 to vector<16xi32>
      tpu.vector_store_idx %arg9[%broadcast_in_dim3A_722, %select_n3A, %select_n3A_45, %add3A_291], %get3A_684 : memref<50x2x8x33xf32, #tpu.memory_space<vmem>>[vector<16xi32>, vector<16xi32>, vector<16xi32>, vector<16xi32>], vector<16xf32>,
      %broadcast_in_dim3A_723 = arith.constant 36 : i32
      %broadcast_in_dim3A_724 = vector.broadcast %broadcast_in_dim3A_723 : i32 to vector<16xi32>
      tpu.vector_store_idx %arg9[%broadcast_in_dim3A_724, %select_n3A, %select_n3A_45, %add3A_291], %get3A_693 : memref<50x2x8x33xf32, #tpu.memory_space<vmem>>[vector<16xi32>, vector<16xi32>, vector<16xi32>, vector<16xi32>], vector<16xf32>,
      %broadcast_in_dim3A_725 = arith.constant 37 : i32
      %broadcast_in_dim3A_726 = vector.broadcast %broadcast_in_dim3A_725 : i32 to vector<16xi32>
      tpu.vector_store_idx %arg9[%broadcast_in_dim3A_726, %select_n3A, %select_n3A_45, %add3A_291], %get3A_702 : memref<50x2x8x33xf32, #tpu.memory_space<vmem>>[vector<16xi32>, vector<16xi32>, vector<16xi32>, vector<16xi32>], vector<16xf32>,
      %broadcast_in_dim3A_727 = arith.constant 38 : i32
      %broadcast_in_dim3A_728 = vector.broadcast %broadcast_in_dim3A_727 : i32 to vector<16xi32>
      tpu.vector_store_idx %arg9[%broadcast_in_dim3A_728, %select_n3A, %select_n3A_45, %add3A_291], %get3A_711 : memref<50x2x8x33xf32, #tpu.memory_space<vmem>>[vector<16xi32>, vector<16xi32>, vector<16xi32>, vector<16xi32>], vector<16xf32>,
      %broadcast_in_dim3A_729 = arith.constant 39 : i32
      %broadcast_in_dim3A_730 = vector.broadcast %broadcast_in_dim3A_729 : i32 to vector<16xi32>
      tpu.vector_store_idx %arg9[%broadcast_in_dim3A_730, %select_n3A, %select_n3A_45, %add3A_291], %get3A_720 : memref<50x2x8x33xf32, #tpu.memory_space<vmem>>[vector<16xi32>, vector<16xi32>, vector<16xi32>, vector<16xi32>], vector<16xf32>,
      %mul3A_731 = arith.constant 50 : i32
      %mul3A_732 = arith.muli %scan3A_287, %mul3A_731 : i32
      %add3A_733 = arith.constant 40 : i32
      %add3A_734 = arith.addi %mul3A_732, %add3A_733 : i32
      %add3A_735 = arith.constant 0 : i32
      %add3A_736 = arith.addi %add3A_734, %add3A_735 : i32
      %get3A_737 = arith.index_cast %add3A_736 : i32 to index
      %get3A_738 = arith.constant 0 : index
      %get3A_739 = tpu.vector_load %arg7[%get3A_737, %get3A_738] {strides = array<i32>} : memref<1600x16xf32, #tpu.memory_space<vmem>>, vector<16xf32>,
      %mul3A_740 = arith.constant 50 : i32
      %mul3A_741 = arith.muli %scan3A_287, %mul3A_740 : i32
      %add3A_742 = arith.constant 40 : i32
      %add3A_743 = arith.addi %mul3A_741, %add3A_742 : i32
      %add3A_744 = arith.constant 1 : i32
      %add3A_745 = arith.addi %add3A_743, %add3A_744 : i32
      %get3A_746 = arith.index_cast %add3A_745 : i32 to index
      %get3A_747 = arith.constant 0 : index
      %get3A_748 = tpu.vector_load %arg7[%get3A_746, %get3A_747] {strides = array<i32>} : memref<1600x16xf32, #tpu.memory_space<vmem>>, vector<16xf32>,
      %mul3A_749 = arith.constant 50 : i32
      %mul3A_750 = arith.muli %scan3A_287, %mul3A_749 : i32
      %add3A_751 = arith.constant 40 : i32
      %add3A_752 = arith.addi %mul3A_750, %add3A_751 : i32
      %add3A_753 = arith.constant 2 : i32
      %add3A_754 = arith.addi %add3A_752, %add3A_753 : i32
      %get3A_755 = arith.index_cast %add3A_754 : i32 to index
      %get3A_756 = arith.constant 0 : index
      %get3A_757 = tpu.vector_load %arg7[%get3A_755, %get3A_756] {strides = array<i32>} : memref<1600x16xf32, #tpu.memory_space<vmem>>, vector<16xf32>,
      %mul3A_758 = arith.constant 50 : i32
      %mul3A_759 = arith.muli %scan3A_287, %mul3A_758 : i32
      %add3A_760 = arith.constant 40 : i32
      %add3A_761 = arith.addi %mul3A_759, %add3A_760 : i32
      %add3A_762 = arith.constant 3 : i32
      %add3A_763 = arith.addi %add3A_761, %add3A_762 : i32
      %get3A_764 = arith.index_cast %add3A_763 : i32 to index
      %get3A_765 = arith.constant 0 : index
      %get3A_766 = tpu.vector_load %arg7[%get3A_764, %get3A_765] {strides = array<i32>} : memref<1600x16xf32, #tpu.memory_space<vmem>>, vector<16xf32>,
      %mul3A_767 = arith.constant 50 : i32
      %mul3A_768 = arith.muli %scan3A_287, %mul3A_767 : i32
      %add3A_769 = arith.constant 40 : i32
      %add3A_770 = arith.addi %mul3A_768, %add3A_769 : i32
      %add3A_771 = arith.constant 4 : i32
      %add3A_772 = arith.addi %add3A_770, %add3A_771 : i32
      %get3A_773 = arith.index_cast %add3A_772 : i32 to index
      %get3A_774 = arith.constant 0 : index
      %get3A_775 = tpu.vector_load %arg7[%get3A_773, %get3A_774] {strides = array<i32>} : memref<1600x16xf32, #tpu.memory_space<vmem>>, vector<16xf32>,
      %broadcast_in_dim3A_776 = arith.constant 40 : i32
      %broadcast_in_dim3A_777 = vector.broadcast %broadcast_in_dim3A_776 : i32 to vector<16xi32>
      tpu.vector_store_idx %arg9[%broadcast_in_dim3A_777, %select_n3A, %select_n3A_45, %add3A_291], %get3A_739 : memref<50x2x8x33xf32, #tpu.memory_space<vmem>>[vector<16xi32>, vector<16xi32>, vector<16xi32>, vector<16xi32>], vector<16xf32>,
      %broadcast_in_dim3A_778 = arith.constant 41 : i32
      %broadcast_in_dim3A_779 = vector.broadcast %broadcast_in_dim3A_778 : i32 to vector<16xi32>
      tpu.vector_store_idx %arg9[%broadcast_in_dim3A_779, %select_n3A, %select_n3A_45, %add3A_291], %get3A_748 : memref<50x2x8x33xf32, #tpu.memory_space<vmem>>[vector<16xi32>, vector<16xi32>, vector<16xi32>, vector<16xi32>], vector<16xf32>,
      %broadcast_in_dim3A_780 = arith.constant 42 : i32
      %broadcast_in_dim3A_781 = vector.broadcast %broadcast_in_dim3A_780 : i32 to vector<16xi32>
      tpu.vector_store_idx %arg9[%broadcast_in_dim3A_781, %select_n3A, %select_n3A_45, %add3A_291], %get3A_757 : memref<50x2x8x33xf32, #tpu.memory_space<vmem>>[vector<16xi32>, vector<16xi32>, vector<16xi32>, vector<16xi32>], vector<16xf32>,
      %broadcast_in_dim3A_782 = arith.constant 43 : i32
      %broadcast_in_dim3A_783 = vector.broadcast %broadcast_in_dim3A_782 : i32 to vector<16xi32>
      tpu.vector_store_idx %arg9[%broadcast_in_dim3A_783, %select_n3A, %select_n3A_45, %add3A_291], %get3A_766 : memref<50x2x8x33xf32, #tpu.memory_space<vmem>>[vector<16xi32>, vector<16xi32>, vector<16xi32>, vector<16xi32>], vector<16xf32>,
      %broadcast_in_dim3A_784 = arith.constant 44 : i32
      %broadcast_in_dim3A_785 = vector.broadcast %broadcast_in_dim3A_784 : i32 to vector<16xi32>
      tpu.vector_store_idx %arg9[%broadcast_in_dim3A_785, %select_n3A, %select_n3A_45, %add3A_291], %get3A_775 : memref<50x2x8x33xf32, #tpu.memory_space<vmem>>[vector<16xi32>, vector<16xi32>, vector<16xi32>, vector<16xi32>], vector<16xf32>,
      %mul3A_786 = arith.constant 50 : i32
      %mul3A_787 = arith.muli %scan3A_287, %mul3A_786 : i32
      %add3A_788 = arith.constant 45 : i32
      %add3A_789 = arith.addi %mul3A_787, %add3A_788 : i32
      %add3A_790 = arith.constant 0 : i32
      %add3A_791 = arith.addi %add3A_789, %add3A_790 : i32
      %get3A_792 = arith.index_cast %add3A_791 : i32 to index
      %get3A_793 = arith.constant 0 : index
      %get3A_794 = tpu.vector_load %arg7[%get3A_792, %get3A_793] {strides = array<i32>} : memref<1600x16xf32, #tpu.memory_space<vmem>>, vector<16xf32>,
      %mul3A_795 = arith.constant 50 : i32
      %mul3A_796 = arith.muli %scan3A_287, %mul3A_795 : i32
      %add3A_797 = arith.constant 45 : i32
      %add3A_798 = arith.addi %mul3A_796, %add3A_797 : i32
      %add3A_799 = arith.constant 1 : i32
      %add3A_800 = arith.addi %add3A_798, %add3A_799 : i32
      %get3A_801 = arith.index_cast %add3A_800 : i32 to index
      %get3A_802 = arith.constant 0 : index
      %get3A_803 = tpu.vector_load %arg7[%get3A_801, %get3A_802] {strides = array<i32>} : memref<1600x16xf32, #tpu.memory_space<vmem>>, vector<16xf32>,
      %mul3A_804 = arith.constant 50 : i32
      %mul3A_805 = arith.muli %scan3A_287, %mul3A_804 : i32
      %add3A_806 = arith.constant 45 : i32
      %add3A_807 = arith.addi %mul3A_805, %add3A_806 : i32
      %add3A_808 = arith.constant 2 : i32
      %add3A_809 = arith.addi %add3A_807, %add3A_808 : i32
      %get3A_810 = arith.index_cast %add3A_809 : i32 to index
      %get3A_811 = arith.constant 0 : index
      %get3A_812 = tpu.vector_load %arg7[%get3A_810, %get3A_811] {strides = array<i32>} : memref<1600x16xf32, #tpu.memory_space<vmem>>, vector<16xf32>,
      %mul3A_813 = arith.constant 50 : i32
      %mul3A_814 = arith.muli %scan3A_287, %mul3A_813 : i32
      %add3A_815 = arith.constant 45 : i32
      %add3A_816 = arith.addi %mul3A_814, %add3A_815 : i32
      %add3A_817 = arith.constant 3 : i32
      %add3A_818 = arith.addi %add3A_816, %add3A_817 : i32
      %get3A_819 = arith.index_cast %add3A_818 : i32 to index
      %get3A_820 = arith.constant 0 : index
      %get3A_821 = tpu.vector_load %arg7[%get3A_819, %get3A_820] {strides = array<i32>} : memref<1600x16xf32, #tpu.memory_space<vmem>>, vector<16xf32>,
      %mul3A_822 = arith.constant 50 : i32
      %mul3A_823 = arith.muli %scan3A_287, %mul3A_822 : i32
      %add3A_824 = arith.constant 45 : i32
      %add3A_825 = arith.addi %mul3A_823, %add3A_824 : i32
      %add3A_826 = arith.constant 4 : i32
      %add3A_827 = arith.addi %add3A_825, %add3A_826 : i32
      %get3A_828 = arith.index_cast %add3A_827 : i32 to index
      %get3A_829 = arith.constant 0 : index
      %get3A_830 = tpu.vector_load %arg7[%get3A_828, %get3A_829] {strides = array<i32>} : memref<1600x16xf32, #tpu.memory_space<vmem>>, vector<16xf32>,
      %broadcast_in_dim3A_831 = arith.constant 45 : i32
      %broadcast_in_dim3A_832 = vector.broadcast %broadcast_in_dim3A_831 : i32 to vector<16xi32>
      tpu.vector_store_idx %arg9[%broadcast_in_dim3A_832, %select_n3A, %select_n3A_45, %add3A_291], %get3A_794 : memref<50x2x8x33xf32, #tpu.memory_space<vmem>>[vector<16xi32>, vector<16xi32>, vector<16xi32>, vector<16xi32>], vector<16xf32>,
      %broadcast_in_dim3A_833 = arith.constant 46 : i32
      %broadcast_in_dim3A_834 = vector.broadcast %broadcast_in_dim3A_833 : i32 to vector<16xi32>
      tpu.vector_store_idx %arg9[%broadcast_in_dim3A_834, %select_n3A, %select_n3A_45, %add3A_291], %get3A_803 : memref<50x2x8x33xf32, #tpu.memory_space<vmem>>[vector<16xi32>, vector<16xi32>, vector<16xi32>, vector<16xi32>], vector<16xf32>,
      %broadcast_in_dim3A_835 = arith.constant 47 : i32
      %broadcast_in_dim3A_836 = vector.broadcast %broadcast_in_dim3A_835 : i32 to vector<16xi32>
      tpu.vector_store_idx %arg9[%broadcast_in_dim3A_836, %select_n3A, %select_n3A_45, %add3A_291], %get3A_812 : memref<50x2x8x33xf32, #tpu.memory_space<vmem>>[vector<16xi32>, vector<16xi32>, vector<16xi32>, vector<16xi32>], vector<16xf32>,
      %broadcast_in_dim3A_837 = arith.constant 48 : i32
      %broadcast_in_dim3A_838 = vector.broadcast %broadcast_in_dim3A_837 : i32 to vector<16xi32>
      tpu.vector_store_idx %arg9[%broadcast_in_dim3A_838, %select_n3A, %select_n3A_45, %add3A_291], %get3A_821 : memref<50x2x8x33xf32, #tpu.memory_space<vmem>>[vector<16xi32>, vector<16xi32>, vector<16xi32>, vector<16xi32>], vector<16xf32>,
      %broadcast_in_dim3A_839 = arith.constant 49 : i32
      %broadcast_in_dim3A_840 = vector.broadcast %broadcast_in_dim3A_839 : i32 to vector<16xi32>
      tpu.vector_store_idx %arg9[%broadcast_in_dim3A_840, %select_n3A, %select_n3A_45, %add3A_291], %get3A_830 : memref<50x2x8x33xf32, #tpu.memory_space<vmem>>[vector<16xi32>, vector<16xi32>, vector<16xi32>, vector<16xi32>], vector<16xf32>,
      %scan3A_841 = arith.constant 0 : i32
      scf.yield %scan3A_841 : i32
    }
    %scan3A_220 = arith.constant 32 : i32
    %dma_start3A_221 = arith.constant 0 : i32
    %dma_start3A_222 = arith.constant 0 : i32
    %dma_start3A_223 = arith.constant 0 : i32
    %dma_start3A_224 = arith.constant 0 : i32
    %dma_start3A_225 = tpu.memref_slice %arg9[%dma_start3A_221, %dma_start3A_222, %dma_start3A_223, %dma_start3A_224] : memref<50x2x8x33xf32, #tpu.memory_space<vmem>> -> memref<50x2x8x32xf32, #tpu.memory_space<vmem>>
    %dma_start3A_226 = arith.constant 0 : i32
    %dma_start3A_227 = arith.constant 0 : i32
    %dma_start3A_228 = arith.constant 0 : i32
    %dma_start3A_229 = arith.constant 96 : i32
    %dma_start3A_230 = tpu.memref_slice %arg4[%dma_start3A_226, %dma_start3A_227, %add3A, %dma_start3A_228, %dma_start3A_229] : memref<50x2x32x8x128xf32, #tpu.memory_space<hbm>> -> memref<50x2x1x8x32xf32, #tpu.memory_space<hbm>>
    %dma_start3A_231 = tpu.memref_squeeze %dma_start3A_230 : memref<50x2x1x8x32xf32, #tpu.memory_space<hbm>> -> memref<50x2x8x32xf32, #tpu.memory_space<hbm>>
    %dma_start3A_232 = arith.constant 0 : i32
    %dma_start3A_233 = arith.constant 0 : i32
    %dma_start3A_234 = arith.constant 0 : i32
    %dma_start3A_235 = arith.constant 96 : i32
    %dma_start3A_236 = tpu.memref_slice %arg4[%dma_start3A_232, %dma_start3A_233, %add3A, %dma_start3A_234, %dma_start3A_235] : memref<50x2x32x8x128xf32, #tpu.memory_space<hbm>> -> memref<50x2x1x8x32xf32, #tpu.memory_space<hbm>>
    %dma_start3A_237 = tpu.memref_squeeze %dma_start3A_236 : memref<50x2x1x8x32xf32, #tpu.memory_space<hbm>> -> memref<50x2x8x32xf32, #tpu.memory_space<hbm>>
    %dma_start3A_238 = arith.constant 0 : i32
    %dma_start3A_239 = arith.constant 0 : i32
    %dma_start3A_240 = arith.constant 0 : i32
    %dma_start3A_241 = arith.constant 0 : i32
    %dma_start3A_242 = tpu.memref_slice %arg9[%dma_start3A_238, %dma_start3A_239, %dma_start3A_240, %dma_start3A_241] : memref<50x2x8x33xf32, #tpu.memory_space<vmem>> -> memref<50x2x8x32xf32, #tpu.memory_space<vmem>>
    tpu.enqueue_dma source(%dma_start3A_242 : memref<50x2x8x32xf32, #tpu.memory_space<vmem>>) target(%dma_start3A_237 : memref<50x2x8x32xf32, #tpu.memory_space<hbm>>) target_semaphore(%arg11 : memref<!tpu.dma_semaphore, #tpu.memory_space<semaphore_mem>>)
    %dma_wait3A_243 = arith.constant 0 : i32
    %dma_wait3A_244 = arith.constant 0 : i32
    %dma_wait3A_245 = arith.constant 0 : i32
    %dma_wait3A_246 = arith.constant 0 : i32
    %dma_wait3A_247 = tpu.memref_slice %arg8[%dma_wait3A_243, %dma_wait3A_244, %dma_wait3A_245, %dma_wait3A_246] : memref<50x2x8x33xf32, #tpu.memory_space<vmem>> -> memref<50x2x8x32xf32, #tpu.memory_space<vmem>>
    %dma_wait3A_248 = arith.constant 0 : i32
    %dma_wait3A_249 = arith.constant 0 : i32
    %dma_wait3A_250 = arith.constant 0 : i32
    %dma_wait3A_251 = arith.constant 64 : i32
    %dma_wait3A_252 = tpu.memref_slice %arg4[%dma_wait3A_248, %dma_wait3A_249, %add3A, %dma_wait3A_250, %dma_wait3A_251] : memref<50x2x32x8x128xf32, #tpu.memory_space<hbm>> -> memref<50x2x1x8x32xf32, #tpu.memory_space<hbm>>
    %dma_wait3A_253 = tpu.memref_squeeze %dma_wait3A_252 : memref<50x2x1x8x32xf32, #tpu.memory_space<hbm>> -> memref<50x2x8x32xf32, #tpu.memory_space<hbm>>
    %dma_wait3A_254 = arith.constant 0 : i32
    %dma_wait3A_255 = arith.constant 0 : i32
    %dma_wait3A_256 = arith.constant 0 : i32
    %dma_wait3A_257 = arith.constant 64 : i32
    %dma_wait3A_258 = tpu.memref_slice %arg4[%dma_wait3A_254, %dma_wait3A_255, %add3A, %dma_wait3A_256, %dma_wait3A_257] : memref<50x2x32x8x128xf32, #tpu.memory_space<hbm>> -> memref<50x2x1x8x32xf32, #tpu.memory_space<hbm>>
    %dma_wait3A_259 = tpu.memref_squeeze %dma_wait3A_258 : memref<50x2x1x8x32xf32, #tpu.memory_space<hbm>> -> memref<50x2x8x32xf32, #tpu.memory_space<hbm>>
    %dma_wait3A_260 = arith.constant 0 : i32
    %dma_wait3A_261 = arith.constant 0 : i32
    %dma_wait3A_262 = arith.constant 0 : i32
    %dma_wait3A_263 = arith.constant 0 : i32
    %dma_wait3A_264 = tpu.memref_slice %arg8[%dma_wait3A_260, %dma_wait3A_261, %dma_wait3A_262, %dma_wait3A_263] : memref<50x2x8x33xf32, #tpu.memory_space<vmem>> -> memref<50x2x8x32xf32, #tpu.memory_space<vmem>>
    tpu.wait_dma2 semaphore(%arg11 : memref<!tpu.dma_semaphore, #tpu.memory_space<semaphore_mem>>) src(%dma_wait3A_264 : memref<50x2x8x32xf32, #tpu.memory_space<vmem>>) dst(%dma_wait3A_259 : memref<50x2x8x32xf32, #tpu.memory_space<hbm>>)
    %dma_wait3A_265 = arith.constant 0 : i32
    %dma_wait3A_266 = arith.constant 0 : i32
    %dma_wait3A_267 = arith.constant 0 : i32
    %dma_wait3A_268 = arith.constant 0 : i32
    %dma_wait3A_269 = tpu.memref_slice %arg9[%dma_wait3A_265, %dma_wait3A_266, %dma_wait3A_267, %dma_wait3A_268] : memref<50x2x8x33xf32, #tpu.memory_space<vmem>> -> memref<50x2x8x32xf32, #tpu.memory_space<vmem>>
    %dma_wait3A_270 = arith.constant 0 : i32
    %dma_wait3A_271 = arith.constant 0 : i32
    %dma_wait3A_272 = arith.constant 0 : i32
    %dma_wait3A_273 = arith.constant 96 : i32
    %dma_wait3A_274 = tpu.memref_slice %arg4[%dma_wait3A_270, %dma_wait3A_271, %add3A, %dma_wait3A_272, %dma_wait3A_273] : memref<50x2x32x8x128xf32, #tpu.memory_space<hbm>> -> memref<50x2x1x8x32xf32, #tpu.memory_space<hbm>>
    %dma_wait3A_275 = tpu.memref_squeeze %dma_wait3A_274 : memref<50x2x1x8x32xf32, #tpu.memory_space<hbm>> -> memref<50x2x8x32xf32, #tpu.memory_space<hbm>>
    %dma_wait3A_276 = arith.constant 0 : i32
    %dma_wait3A_277 = arith.constant 0 : i32
    %dma_wait3A_278 = arith.constant 0 : i32
    %dma_wait3A_279 = arith.constant 96 : i32
    %dma_wait3A_280 = tpu.memref_slice %arg4[%dma_wait3A_276, %dma_wait3A_277, %add3A, %dma_wait3A_278, %dma_wait3A_279] : memref<50x2x32x8x128xf32, #tpu.memory_space<hbm>> -> memref<50x2x1x8x32xf32, #tpu.memory_space<hbm>>
    %dma_wait3A_281 = tpu.memref_squeeze %dma_wait3A_280 : memref<50x2x1x8x32xf32, #tpu.memory_space<hbm>> -> memref<50x2x8x32xf32, #tpu.memory_space<hbm>>
    %dma_wait3A_282 = arith.constant 0 : i32
    %dma_wait3A_283 = arith.constant 0 : i32
    %dma_wait3A_284 = arith.constant 0 : i32
    %dma_wait3A_285 = arith.constant 0 : i32
    %dma_wait3A_286 = tpu.memref_slice %arg9[%dma_wait3A_282, %dma_wait3A_283, %dma_wait3A_284, %dma_wait3A_285] : memref<50x2x8x33xf32, #tpu.memory_space<vmem>> -> memref<50x2x8x32xf32, #tpu.memory_space<vmem>>
    tpu.wait_dma2 semaphore(%arg11 : memref<!tpu.dma_semaphore, #tpu.memory_space<semaphore_mem>>) src(%dma_wait3A_286 : memref<50x2x8x32xf32, #tpu.memory_space<vmem>>) dst(%dma_wait3A_281 : memref<50x2x8x32xf32, #tpu.memory_space<hbm>>)
    return
  }
}

module attributes {stable_mosaic.version = 14 : i64} {
  func.func @_mix_body(%arg0: i32, %arg1: memref<256x8192xf32, #tpu.memory_space<vmem>>, %arg2: memref<256x16xf32, #tpu.memory_space<vmem>>, %arg3: memref<1024x128xf32, #tpu.memory_space<vmem>>) attributes {dimension_semantics = [#tpu.dimension_semantics<arbitrary>], iteration_bounds = array<i64: 13>, scalar_prefetch = 0 : i64, scratch_operands = 0 : i64, tpu.core_type = #tpu.core_type<tc>, window_params = [{transform_indices = @transform_0, window_bounds = array<i64: 256, 8192>}, {pipeline_mode = #tpu.pipeline_mode<synchronous>, transform_indices = @transform_1, window_bounds = array<i64: 256, 16>}, {transform_indices = @transform_2, window_bounds = array<i64: 1024, 128>}]} {
    %get3A = arith.constant 0 : index
    %get3A_0 = arith.constant 0 : index
    %get3A_1 = vector.load %arg1[%get3A, %get3A_0] : memref<256x8192xf32, #tpu.memory_space<vmem>>, vector<256x1024xf32>
    %get3A_2 = arith.constant 0 : index
    %get3A_3 = arith.constant 0 : index
    %get3A_4 = vector.load %arg2[%get3A_2, %get3A_3] : memref<256x16xf32, #tpu.memory_space<vmem>>, vector<256x16xf32>
    %dot_general3A = arith.constant dense<0.000000e+00> : vector<1024x16xf32>
    %dot_general3A_5 = tpu.matmul %get3A_1, %get3A_4, %dot_general3A {dimension_numbers = #tpu.dot_dimension_numbers<[0], [0], [1], [1], [0, 1, 1, 1], [], []>, transpose_lhs_hint = false} : vector<256x1024xf32>, vector<256x16xf32>, vector<1024x16xf32> -> vector<1024x16xf32>
    %get3A_6 = arith.constant 0 : index
    %get3A_7 = arith.constant 1024 : index
    %get3A_8 = vector.load %arg1[%get3A_6, %get3A_7] : memref<256x8192xf32, #tpu.memory_space<vmem>>, vector<256x1024xf32>
    %get3A_9 = arith.constant 0 : index
    %get3A_10 = arith.constant 0 : index
    %get3A_11 = vector.load %arg2[%get3A_9, %get3A_10] : memref<256x16xf32, #tpu.memory_space<vmem>>, vector<256x16xf32>
    %dot_general3A_12 = arith.constant dense<0.000000e+00> : vector<1024x16xf32>
    %dot_general3A_13 = tpu.matmul %get3A_8, %get3A_11, %dot_general3A_12 {dimension_numbers = #tpu.dot_dimension_numbers<[0], [0], [1], [1], [0, 1, 1, 1], [], []>, transpose_lhs_hint = false} : vector<256x1024xf32>, vector<256x16xf32>, vector<1024x16xf32> -> vector<1024x16xf32>
    %get3A_14 = arith.constant 0 : index
    %get3A_15 = arith.constant 2048 : index
    %get3A_16 = vector.load %arg1[%get3A_14, %get3A_15] : memref<256x8192xf32, #tpu.memory_space<vmem>>, vector<256x1024xf32>
    %get3A_17 = arith.constant 0 : index
    %get3A_18 = arith.constant 0 : index
    %get3A_19 = vector.load %arg2[%get3A_17, %get3A_18] : memref<256x16xf32, #tpu.memory_space<vmem>>, vector<256x16xf32>
    %dot_general3A_20 = arith.constant dense<0.000000e+00> : vector<1024x16xf32>
    %dot_general3A_21 = tpu.matmul %get3A_16, %get3A_19, %dot_general3A_20 {dimension_numbers = #tpu.dot_dimension_numbers<[0], [0], [1], [1], [0, 1, 1, 1], [], []>, transpose_lhs_hint = false} : vector<256x1024xf32>, vector<256x16xf32>, vector<1024x16xf32> -> vector<1024x16xf32>
    %get3A_22 = arith.constant 0 : index
    %get3A_23 = arith.constant 3072 : index
    %get3A_24 = vector.load %arg1[%get3A_22, %get3A_23] : memref<256x8192xf32, #tpu.memory_space<vmem>>, vector<256x1024xf32>
    %get3A_25 = arith.constant 0 : index
    %get3A_26 = arith.constant 0 : index
    %get3A_27 = vector.load %arg2[%get3A_25, %get3A_26] : memref<256x16xf32, #tpu.memory_space<vmem>>, vector<256x16xf32>
    %dot_general3A_28 = arith.constant dense<0.000000e+00> : vector<1024x16xf32>
    %dot_general3A_29 = tpu.matmul %get3A_24, %get3A_27, %dot_general3A_28 {dimension_numbers = #tpu.dot_dimension_numbers<[0], [0], [1], [1], [0, 1, 1, 1], [], []>, transpose_lhs_hint = false} : vector<256x1024xf32>, vector<256x16xf32>, vector<1024x16xf32> -> vector<1024x16xf32>
    %get3A_30 = arith.constant 0 : index
    %get3A_31 = arith.constant 4096 : index
    %get3A_32 = vector.load %arg1[%get3A_30, %get3A_31] : memref<256x8192xf32, #tpu.memory_space<vmem>>, vector<256x1024xf32>
    %get3A_33 = arith.constant 0 : index
    %get3A_34 = arith.constant 0 : index
    %get3A_35 = vector.load %arg2[%get3A_33, %get3A_34] : memref<256x16xf32, #tpu.memory_space<vmem>>, vector<256x16xf32>
    %dot_general3A_36 = arith.constant dense<0.000000e+00> : vector<1024x16xf32>
    %dot_general3A_37 = tpu.matmul %get3A_32, %get3A_35, %dot_general3A_36 {dimension_numbers = #tpu.dot_dimension_numbers<[0], [0], [1], [1], [0, 1, 1, 1], [], []>, transpose_lhs_hint = false} : vector<256x1024xf32>, vector<256x16xf32>, vector<1024x16xf32> -> vector<1024x16xf32>
    %get3A_38 = arith.constant 0 : index
    %get3A_39 = arith.constant 5120 : index
    %get3A_40 = vector.load %arg1[%get3A_38, %get3A_39] : memref<256x8192xf32, #tpu.memory_space<vmem>>, vector<256x1024xf32>
    %get3A_41 = arith.constant 0 : index
    %get3A_42 = arith.constant 0 : index
    %get3A_43 = vector.load %arg2[%get3A_41, %get3A_42] : memref<256x16xf32, #tpu.memory_space<vmem>>, vector<256x16xf32>
    %dot_general3A_44 = arith.constant dense<0.000000e+00> : vector<1024x16xf32>
    %dot_general3A_45 = tpu.matmul %get3A_40, %get3A_43, %dot_general3A_44 {dimension_numbers = #tpu.dot_dimension_numbers<[0], [0], [1], [1], [0, 1, 1, 1], [], []>, transpose_lhs_hint = false} : vector<256x1024xf32>, vector<256x16xf32>, vector<1024x16xf32> -> vector<1024x16xf32>
    %get3A_46 = arith.constant 0 : index
    %get3A_47 = arith.constant 6144 : index
    %get3A_48 = vector.load %arg1[%get3A_46, %get3A_47] : memref<256x8192xf32, #tpu.memory_space<vmem>>, vector<256x1024xf32>
    %get3A_49 = arith.constant 0 : index
    %get3A_50 = arith.constant 0 : index
    %get3A_51 = vector.load %arg2[%get3A_49, %get3A_50] : memref<256x16xf32, #tpu.memory_space<vmem>>, vector<256x16xf32>
    %dot_general3A_52 = arith.constant dense<0.000000e+00> : vector<1024x16xf32>
    %dot_general3A_53 = tpu.matmul %get3A_48, %get3A_51, %dot_general3A_52 {dimension_numbers = #tpu.dot_dimension_numbers<[0], [0], [1], [1], [0, 1, 1, 1], [], []>, transpose_lhs_hint = false} : vector<256x1024xf32>, vector<256x16xf32>, vector<1024x16xf32> -> vector<1024x16xf32>
    %get3A_54 = arith.constant 0 : index
    %get3A_55 = arith.constant 7168 : index
    %get3A_56 = vector.load %arg1[%get3A_54, %get3A_55] : memref<256x8192xf32, #tpu.memory_space<vmem>>, vector<256x1024xf32>
    %get3A_57 = arith.constant 0 : index
    %get3A_58 = arith.constant 0 : index
    %get3A_59 = vector.load %arg2[%get3A_57, %get3A_58] : memref<256x16xf32, #tpu.memory_space<vmem>>, vector<256x16xf32>
    %dot_general3A_60 = arith.constant dense<0.000000e+00> : vector<1024x16xf32>
    %dot_general3A_61 = tpu.matmul %get3A_56, %get3A_59, %dot_general3A_60 {dimension_numbers = #tpu.dot_dimension_numbers<[0], [0], [1], [1], [0, 1, 1, 1], [], []>, transpose_lhs_hint = false} : vector<256x1024xf32>, vector<256x16xf32>, vector<1024x16xf32> -> vector<1024x16xf32>
    %concatenate3A = tpu.concatenate %dot_general3A_5, %dot_general3A_13, %dot_general3A_21, %dot_general3A_29, %dot_general3A_37, %dot_general3A_45, %dot_general3A_53, %dot_general3A_61 in 1 : vector<1024x16xf32>, vector<1024x16xf32>, vector<1024x16xf32>, vector<1024x16xf32>, vector<1024x16xf32>, vector<1024x16xf32>, vector<1024x16xf32>, vector<1024x16xf32> -> vector<1024x128xf32>
    %swap3A = arith.constant 0 : index
    %swap3A_62 = arith.constant 0 : index
    %swap3A_63 = vector.load %arg3[%swap3A, %swap3A_62] : memref<1024x128xf32, #tpu.memory_space<vmem>>, vector<1024x128xf32>
    tpu.vector_store %arg3[%swap3A, %swap3A_62], %concatenate3A {strides = array<i32>} : memref<1024x128xf32, #tpu.memory_space<vmem>>, vector<1024x128xf32>,
    return
  }
  func.func @transform_0(%arg0: i32) -> (i32, i32) {
    %c0_i32 = arith.constant 0 : i32
    %c0_i32_0 = arith.constant 0 : i32
    return %c0_i32, %arg0 : i32, i32
  }
  func.func @transform_1(%arg0: i32) -> (i32, i32) {
    %c0_i32 = arith.constant 0 : i32
    %c0_i32_0 = arith.constant 0 : i32
    %c0_i32_1 = arith.constant 0 : i32
    return %c0_i32, %c0_i32_0 : i32, i32
  }
  func.func @transform_2(%arg0: i32) -> (i32, i32) {
    %c0_i32 = arith.constant 0 : i32
    %c0_i32_0 = arith.constant 0 : i32
    return %arg0, %c0_i32 : i32, i32
  }
}

</mosaic_0001>

<sc_bundles>
// kernel: kernel.4.cloned.1.call-start
scs
__scs_entry_jumppad:
0x0: {  	(pc) =	sbr.rel $0x88, $3  }
0x1: {  	(tag) =	ssettag $0x0;
	lr =	simm.s32 $0x1  }
0x2: {  	[smem:$0x3F9E] =	sst lr;
	_ =	strace $0xD0000000  }
0x3: {  	_ = 	snop  }
0x4: {  	_ = 	snop  }
0x5: {  	_ = 	snop  }
0x6: {  	_ = 	snop  }
0x7: {  	_ = 	snop  }
__scs_overlays_trampoline_lowered:
0x8: {  	[smem:$0x3FAD] =	sst s0  }
0x9: {  	[smem:$0x3FAE] =	sst s1  }
0xa: {  	[smem:$0x3FAF] =	sst s2  }
0xb: {  	[smem:$0x3FB0] =	sst s3  }
0xc: {  	[smem:$0x3FB1] =	sst s4  }
0xd: {  	[smem:$0x3FB2] =	sst s5  }
0xe: {  	[smem:$0x3FB3] =	sst s6  }
0xf: {  	[smem:$0x3FB4] =	sst s7  }
0x10: {  	[smem:$0x3FB5] =	sst s8  }
0x11: {  	[smem:$0x3FB6] =	sst s9;
	s0 =	simm.s32 @!p0 $0x0  }
0x12: {  	s1 =	sld [smem:$0x3F9C];
	s0 =	simm.s32 @p0 $0x1  }
0x13: {  	[smem:$0x3FB7] =	sst s0;
	s0 =	simm.s32 @!p1 $0x0  }
0x14: {  	s2 =	sld [smem:$0x3F9B];
	s0 =	simm.s32 @p1 $0x1  }
0x15: {  	[smem:$0x3FB8] =	sst s0;
	s0 =	simm.s32 @!p2 $0x0  }
0x16: {  	s3 =	sld [smem:$0x3FDB];
	s0 =	simm.s32 @p2 $0x1  }
0x17: {  	s4 =	simm.s32 $0x1BF5;
	[smem:$0x3FBA] =	sst s0  }
0x18: {  	s0 =	sld [smem:$0x3F9D];
	_ =	swait.ge [sflag:s4], $0x0  }
0x19: {  	s7 =	sld [smem:$0x3F9E]  }
0x1a: {  	s8 =	sadd.s32 $0xFFFFE003, lr  }
0x1b: {  	s9 =	sadd.s32 $0xFFFFFEF7, lr;
	s5 =	simm.s32 $0xFFFFFFFF;
	p2 =	slt.u32 s8, $0xFFFFF086  }
0x1c: {  	p1 =	slt.u32 s9, $0xF7A;
	s5 =	simm.s32 @!p2 $0x0  }
0x1d: {  	s5 =	simm.s32 @p1 $0x1;
	p0 =	seq.s32 s7, s2  }
0x1e: {  	s7 =	smul.u32 @!p0 $0xF7A, s2;
	p2 =	seq.s32 @!p0 s5, $0x0  }
0x1f: {  	s9 =	smul.u32 $0xF7A, s1;
	s8 =	simm.s32 @!p0 $0x1BF5;
	p2 =	por !p2, p0  }
0x20: {  	[sflag:s8] =	ssyncset.s32 @!p0 $0xFFFFF086;
	s6 =	sadd.s32 @!p0 s3, s7;
	s7 =	simm.s32 @!p0 $0x108  }
0x21: {  	s3 =	sadd.s32 s3, s9;
	s6 =	sadd.s32 @!p0 $0x88, s6;
	s7 =	simm.s32 @p2 $0x1082  }
0x22: {  	[simem:s7], [sflag:s8] =	dma.local @!p0 [hbm:s6], $0xF7A  }
0x23: {  	s9 =	sor.u32 $0xD0000000, s2;
	s6 =	simm.s32 $0x108;
	_ =	swait.ge @!p0 [sflag:s8], $0x0  }
0x24: {  	s3 =	sadd.s32 $0x88, s3;
	s6 =	simm.s32 @!p1 $0x1082;
	[sflag:s4] =	ssyncset.s32 $0xFFFFF086  }
0x25: {  	[simem:s6], [sflag:s4] =	dma.local [hbm:s3], $0xF7A  }
0x26: {  	[smem:$0x3F9E] =	sst s1;
	(tag) =	ssettag s2;
	_ =	strace s9  }
0x27: {  	s1 =	sld [smem:$0x3FAE]  }
0x28: {  	s2 =	sld [smem:$0x3FAF]  }
0x29: {  	s4 =	sld [smem:$0x3FB1]  }
0x2a: {  	p0 =	seq.s32 s5, $0x0;
	s5 =	sld [smem:$0x3FB2]  }
0x2b: {  	s6 =	sld [smem:$0x3FB3]  }
0x2c: {  	s7 =	sld [smem:$0x3FB4]  }
0x2d: {  	s3 =	simm.s32 $0x108;
	s8 =	sld [smem:$0x3FB5]  }
0x2e: {  	s3 =	simm.s32 @!p0 $0x1082;
	s9 =	sld [smem:$0x3FB6]  }
0x2f: {  	lr =	sadd.s32 s0, s3;
	s0 =	sld [smem:$0x3FAD]  }
0x30: {  	s3 =	sld [smem:$0x3FB0]  }
0x31: {  	[smem:$0x3FB9] =	sst s10  }
0x32: {  	s10 =	sld [smem:$0x3FB7];
	_ =	sdelay $0x3  }
0x33: {  	p0 =	seq.s32 s10, $0x1;
	s10 =	sld [smem:$0x3FB9];
	_ =	sdelay $0x3  }
0x34: {  	[smem:$0x3FB9] =	sst s10  }
0x35: {  	s10 =	sld [smem:$0x3FB8];
	_ =	sdelay $0x3  }
0x36: {  	p1 =	seq.s32 s10, $0x1;
	s10 =	sld [smem:$0x3FB9];
	_ =	sdelay $0x3  }
0x37: {  	[smem:$0x3FB9] =	sst s10  }
0x38: {  	s10 =	sld [smem:$0x3FBA]  }
0x39: {  	_ = 	snop;
	(pc) =	sbr.ind lr, $3  }
0x3a: {  	_ = 	snop  }
0x3b: {  	_ = 	snop  }
0x3c: {  	p2 =	seq.s32 s10, $0x1;
	s10 =	sld [smem:$0x3FB9]  }
0x3d: {  	_ =	shalt  }
0x3e: {  	_ =	shalt  }
0x3f: {  	_ =	shalt  }
0x40: {  	_ =	shalt  }
0x41: {  	_ =	shalt  }
0x42: {  	_ =	shalt  }
0x43: {  	_ =	shalt  }
0x44: {  	_ =	shalt  }
0x45: {  	_ =	shalt  }
0x46: {  	_ =	shalt  }
0x47: {  	_ =	shalt  }
0x48: {  	_ =	shalt  }
0x49: {  	_ =	shalt  }
0x4a: {  	_ =	shalt  }
0x4b: {  	_ =	shalt  }
0x4c: {  	_ =	shalt  }
0x4d: {  	_ =	shalt  }
0x4e: {  	_ =	shalt  }
0x4f: {  	_ =	shalt  }
0x50: {  	_ =	shalt  }
0x51: {  	_ =	shalt  }
0x52: {  	_ =	shalt  }
0x53: {  	_ =	shalt  }
0x54: {  	_ =	shalt  }
0x55: {  	_ =	shalt  }
0x56: {  	_ =	shalt  }
0x57: {  	_ =	shalt  }
0x58: {  	_ =	shalt  }
0x59: {  	_ =	shalt  }
0x5a: {  	_ =	shalt  }
0x5b: {  	_ =	shalt  }
0x5c: {  	_ =	shalt  }
0x5d: {  	_ =	shalt  }
0x5e: {  	_ =	shalt  }
0x5f: {  	_ =	shalt  }
0x60: {  	_ =	shalt  }
0x61: {  	_ =	shalt  }
0x62: {  	_ =	shalt  }
0x63: {  	_ =	shalt  }
0x64: {  	_ =	shalt  }
0x65: {  	_ =	shalt  }
0x66: {  	_ =	shalt  }
0x67: {  	_ =	shalt  }
0x68: {  	_ =	shalt  }
0x69: {  	_ =	shalt  }
0x6a: {  	_ =	shalt  }
0x6b: {  	_ =	shalt  }
0x6c: {  	_ =	shalt  }
0x6d: {  	_ =	shalt  }
0x6e: {  	_ =	shalt  }
0x6f: {  	_ =	shalt  }
0x70: {  	_ =	shalt  }
0x71: {  	_ =	shalt  }
0x72: {  	_ =	shalt  }
0x73: {  	_ =	shalt  }
0x74: {  	_ =	shalt  }
0x75: {  	_ =	shalt  }
0x76: {  	_ =	shalt  }
0x77: {  	_ =	shalt  }
0x78: {  	_ =	shalt  }
0x79: {  	_ =	shalt  }
0x7a: {  	_ =	shalt  }
0x7b: {  	_ =	shalt  }
0x7c: {  	_ =	shalt  }
0x7d: {  	_ =	shalt  }
0x7e: {  	_ =	shalt  }
0x7f: {  	_ =	shalt  }
0x80: {  	_ =	shalt  }
0x81: {  	_ =	shalt  }
0x82: {  	_ =	shalt  }
0x83: {  	_ =	shalt  }
0x84: {  	_ =	shalt  }
0x85: {  	_ =	shalt  }
0x86: {  	_ =	shalt  }
0x87: {  	_ =	shalt  }
.Lfunc_end0:
.L_simem_size_0:
called_computation_lowered:
.L_overlay_start_0:
0x88: {  	s2 =	sld [smem:$0x3FD9]  }
0x89: {  	s3 =	sld [smem:$0x3FFE];
	_ =	sdelay $0x1  }
0x8a: {  	s1 =	srdreg.scid  }
0x8b: {  	s0 =	sand.u32 $0x1, s1  }
0x8c: {  	s17 =	sshll.u32 s0, $0xA;
	s2 =	sadd.s32 s3, s2  }
0x8d: {  	s2 =	sadd.s32 s2, s17  }
0x8e: {  	[smem:$0x3FC5] =	sst s2  }
0x8f: {  	_ = 	snop  }
0x90: {  	s2 =	sld [smem:$0x3FD0];
	(tm) =	ssettm $0x1  }
0x91: {  	s18 =	sld [smem:$0x3FFB];
	_ =	sdelay $0x3  }
0x92: {  	_ =	strace s18  }
0x93: {  	s3 =	sld [smem:$0x3FFC];
	_ =	sdelay $0x3  }
0x94: {  	_ =	strace s3  }
0x95: {  	s3 =	sld [smem:$0x3FFD];
	_ =	sdelay $0x3  }
0x96: {  	_ =	strace s3  }
0x97: {  	_ =	strace $0x8FFFFFFF  }
0x98: {  	s19 =	sld [smem:$0x3FDB];
	_ =	sdelay $0x1  }
0x99: {  	s4 =	simm.s32 $_scs_section_size  }
0x9a: {  	s5 =	simm.s32 $_size__tile_overlayer_lowered;
	s6 =	simm.s32 $_tile_overlayer_lowered  }
0x9b: {  	s22 =	simm.s32 $0x1BFF;
	s21 =	sshll.u32 s6, $0x1;
	s3 =	sadd.s32 s4, s19  }
0x9c: {  	s7 =	simm.s32 $0x0;
	s20 =	sshll.u32 s5, $0x1;
	s5 =	sadd.s32 s21, s3  }
0x9d: {  	[timem:s7], [sflag:s22] =	dma.local [hbm:s5], s20  }
0x9e: {  	_ =	swait.ge [sflag:s22], s20  }
0x9f: {  	s4 =	ssub.s32 $0x0, s20;
	[sflag:s22] =	ssyncset.done $0x0  }
0xa0: {  	[sflag:s22] =	ssyncadd.s32 s4;
	_ =	sdelay $0x1  }
0xa1: {  	s23 =	simm.s32 $0x1B8B  }
0xa2: {  	_ =	swait.ge [sflag:s23], $0x1  }
0xa3: {  	[sflag:s23] =	ssyncset.done $0x0  }
0xa4: {  	s25 =	simm.s32 $0x1B8E;
	s24 =	sld [smem:$0x3FFE];
	[sflag:s23] =	ssyncadd.s32 $0xFFFFFFFF  }
0xa5: {  	s26 =	simm.s32 $execute0_lowered;
	[smem:$0x3FD2] =	sst s25  }
0xa6: {  	s5 =	sshll.u32 s26, $0x1;
	_ =	strace $0x80000046;
	[dreg:$0x1] =	wrdreg $0xFFFFFFFF  }
0xa7: {  	s28 =	simm.s32 $_size_execute0_lowered;
	s3 =	sadd.s32 s3, s5;
	[dreg:$0x0] =	wrdreg $0x0  }
0xa8: {  	s5 =	sshll.u32 s28, $0x1;
	[dreg:$0x2] =	wrdreg s3  }
0xa9: {  	[dreg:$0x3] =	wrdreg s5  }
0xaa: {  	[dreg:$0x4] =	wrdreg $0xC0  }
0xab: {  	_ =	task [dreg:s7], $0x5FFFF  }
0xac: {  	[dreg:$0x1] =	wrdreg $0xFFFFFFFF  }
0xad: {  	[dreg:$0x0] =	wrdreg $0x60  }
0xae: {  	[dreg:$0x2] =	wrdreg s24  }
0xaf: {  	[dreg:$0x3] =	wrdreg s2  }
0xb0: {  	[dreg:$0x4] =	wrdreg $0x9  }
0xb1: {  	_ =	task.clear_ibuf [dreg:s7], $0x5FFFF;
	_ =	strace $0x90000046  }
0xb2: {  	s29 =	simm.s32 $0x9;
	_ =	strace $0x80000048  }
0xb3: {  	_ =	swait.ge [sflag:s29], $0x1  }
0xb4: {  	[sflag:s29] =	ssyncadd.s32 $0xFFFFFFFF  }
0xb5: {  	_ =	strace $0x90000048  }
0xb6: {  	_ =	sfence  }
0xb7: {  	s30 =	sld [smem:$0x0];
	_ =	sdelay $0x2  }
0xb8: {  	s31 =	sshll.u32 s1, $0xD;
	s1 =	sshrl.u32 s1, $0x2  }
0xb9: {  	s3 =	sand.u32 $0x4000, s31;
	s1 =	sadd.s32 s1, s30  }
0xba: {  	s0 =	sor.u32 s3, s0;
	s1 =	sshll.u32 s1, $0x11  }
0xbb: {  	s0 =	sor.u32 s1, s0  }
0xbc: {  	s0 =	sadd.s32 $0x8F2B, s0  }
0xbd: {  	[sflag:s0] =	ssyncadd.remote.s32 $0x1  }
0xbe: {  	_ =	sfence.sel $0xFFFF  }
0xbf: {  	[dreg:$0x0] =	wrdreg $0xFFFFFFFF;
	(pc) =	sbr.abs _section_cstart, $3  }
0xc0: {  	[dreg:$0x1] =	wrdreg $0xFFFFFFFF  }
0xc1: {  	_ =	task.clear_ibuf [dreg:s7], $0x2FFFF;
	_ =	strace $0x9FFFFFFF  }
0xc2: {  	(tm) =	ssettm $0x7FFFFFFF  }
0xc3: {  	_ =	shalt  }
tec
execute0_lowered:
.L_overlay_start_1:
0x0: {  	(tag) =	ssettag $0x1  }
0x1: {  	v0 =	vlaneseq.u32  }
0x2: {  	v0 =	vmul.u32 $0x28, v0;
	_ =	sdelay $0x1  }
0x3: {  	v1 =	vadd.s32 $0x280, v0  }
0x4: {  	v2 =	vadd.s32 $0x500, v0;
	v3 =	vadd.s32 $0x780, v0;
	v4 =	vadd.s32 $0xA00, v0  }
0x5: {  	v5 =	vadd.s32 $0xC80, v0;
	v6 =	vadd.s32 $0xF00, v0;
	v7 =	vadd.s32 $0x1180, v0  }
0x6: {  	v8 =	vor.u32 $0x1400, v0;
	v9 =	vadd.s32 $0x1680, v0;
	v10 =	vadd.s32 $0x1900, v0  }
0x7: {  	v11 =	vadd.s32 $0x1B80, v0;
	v12 =	vadd.s32 $0x1E00, v0;
	v13 =	vadd.s32 $0x2080, v0  }
0x8: {  	s4 =	rddreg [dreg:$0x0];
	s1 =	srdreg.scid;
	v14 =	vadd.s32 $0x2300, v0;
	v15 =	vadd.s32 $0x2580, v0;
	v16 =	vor.u32 $0x2800, v0  }
0x9: {  	s0 =	stileid.u32;
	s5 =	rddreg [dreg:$0x1];
	s2 =	simm.s32 $0x0;
	v17 =	vadd.s32 $0x2A80, v0;
	v18 =	vadd.s32 $0x2D00, v0;
	v19 =	vadd.s32 $0x2F80, v0  }
0xa: {  	s10 =	simm.s32 $0x3;
	s11 =	simm.s32 $0x640;
	s12 =	simm.s32 $0x1900;
	v20 =	vadd.s32 $0x3200, v0;
	v21 =	vadd.s32 $0x3480, v0;
	v22 =	vadd.s32 $0x3700, v0  }
0xb: {  	s13 =	simm.s32 $0x1;
	s14 =	simm.s32 $0x7D00;
	s15 =	simm.s32 $0xE100;
	v23 =	vadd.s32 $0x3980, v0;
	v24 =	vor.u32 $0x3C00, v0;
	v25 =	vadd.s32 $0x3E80, v0  }
0xc: {  	s16 =	simm.s32 $0xC80;
	s17 =	simm.s32 $0x15E00;
	s18 =	simm.s32 $0x12C0;
	v26 =	vadd.s32 $0x4100, v0;
	v27 =	vadd.s32 $0x4380, v0;
	v28 =	vadd.s32 $0x4600, v0  }
0xd: {  	s19 =	simm.s32 $0x2;
	s6 =	sand.u32 $0x1, s1;
	s1 =	rddreg [dreg:$0x2];
	v29 =	vadd.s32 $0x4880, v0;
	v30 =	vadd.s32 $0x4B00, v0;
	v31 =	vadd.s32 $0x4D80, v0  }
0xe: {  	s20 =	simm.s32 $0x0;
	s3 =	sshll.u32 s0, $0x1;
	[smem:$0x7FF] =	sst s2;
	v32 =	vor.u32 $0x5000, v0;
	v33 =	vadd.s32 $0x5280, v0;
	v34 =	vadd.s32 $0x5500, v0  }
0xf: {  	s7 =	sor.u32 s6, s3;
	_ =	strace $0x80000047;
	s6 =	ssub.s32 $0x2, s6;
	v35 =	vadd.s32 $0x5780, v0;
	v36 =	vadd.s32 $0x5A00, v0;
	v37 =	vadd.s32 $0x5C80, v0  }
0x10: {  	s8 =	smul.u32 $0x320, s7;
	s31 =	sshrl.u32 s6, $0x1;
	s7 =	sshll.u32 s7, $0x7;
	v38 =	vadd.s32 $0x5F00, v0;
	v39 =	vadd.s32 $0x6180, v0;
	v40 =	vor.u32 $0x6400, v0  }
0x11: {  	s3 =	sadd.s32 $0x6A00, s4;
	v41 =	vadd.s32 $0x6680, v0;
	v42 =	vadd.s32 $0x6900, v0;
	v43 =	vadd.s32 $0x6B80, v0;
	s9 =	ssub.s32 s6, s31;
	s5 =	sadd.s32 s5, s7  }
0x12: {  	v44 =	vadd.s32 $0x6E00, v0;
	v45 =	vadd.s32 $0x7080, v0;
	v46 =	vadd.s32 $0x7300, v0;
	s4 =	sadd.s32 s8, s4;
	s6 =	sadd.s32 $0x4, s5;
	s7 =	sadd.s32 $0x8, s5  }
0x13: {  	v47 =	vadd.s32 $0x7580, v0;
	v48 =	vor.u32 $0x7800, v0;
	v49 =	vadd.s32 $0x7A80, v0;
	s8 =	sadd.s32 $0xC, s5;
	s9 =	smax.u32 s9, $0x1;
	s4 =	sadd.s32 $0x600, s4  }
.LBB2_1:
0x14: {  	[tilespmem:s2], [sflag:$0x3] =	stream.linear.gather [hbm4b:s4+s2], $0x1900, $0x38;
	[tilespmem:$0x1DB00] =	vst v63  }
0x15: {  	_ =	swait.ge [sflag:s10], $0x1900  }
0x16: {  	[sflag:s10] =	ssyncset.done $0x0  }
0x17: {  	[sflag:s10] =	ssyncadd.s32 $0xFFFFE700  }
0x18: {  	[tilespmem:s12], [sflag:$0x1] =	stream.indirect.gather [hbm4b:s3+s11], $0x10, s2, s11, $0xb8;
	[tilespmem:$0x1DB00] =	vst v63  }
0x19: {  	_ =	swait.ge [sflag:s13], $0x6400  }
0x1a: {  	[sflag:s13] =	ssyncset.done $0x0  }
0x1b: {  	v50 =	vmov s2;
	s21 =	simm.s32 $0x1A90;
	[sflag:s13] =	ssyncadd.s32 $0xFFFF9C00  }
0x1c: {  	v50 =	vand.u32 $0x1F, v50;
	[tilespmem:s14], [sflag:$0x1] =	stream.indirect.gather [hbm4b:s3+s11], $0x10, s11, s11, $0xb8;
	[tilespmem:$0x1DB00] =	vst v63  }
0x1d: {  	v52 =	vadd.s32 v0, v50;
	v51 =	vld [tilespmem:s21+$0xFFFFFE70]  }
0x1e: {  	v54 =	vadd.s32 v1, v50;
	v53 =	vld [tilespmem:s21+$0xFFFFFE80]  }
0x1f: {  	v56 =	vadd.s32 v2, v50;
	v55 =	vld [tilespmem:s21+$0xFFFFFE90]  }
0x20: {  	v58 =	vadd.s32 v3, v50;
	v57 =	vld [tilespmem:s21+$0xFFFFFEA0]  }
0x21: {  	v60 =	vadd.s32 v4, v50;
	v59 =	vld [tilespmem:s21+$0xFFFFFEB0]  }
0x22: {  	[tilespmem:v52+s15+$0x0] =	vst.idx.msk $0xffff, v51  }
0x23: {  	[tilespmem:v54+s15+$0x0] =	vst.idx.msk $0xffff, v53  }
0x24: {  	[tilespmem:v56+s15+$0x0] =	vst.idx.msk $0xffff, v55  }
0x25: {  	[tilespmem:v58+s15+$0x0] =	vst.idx.msk $0xffff, v57  }
0x26: {  	[tilespmem:v60+s15+$0x0] =	vst.idx.msk $0xffff, v59  }
0x27: {  	v52 =	vadd.s32 v5, v50;
	v51 =	vld [tilespmem:s21+$0xFFFFFEC0]  }
0x28: {  	v54 =	vadd.s32 v6, v50;
	v53 =	vld [tilespmem:s21+$0xFFFFFED0]  }
0x29: {  	v56 =	vadd.s32 v7, v50;
	v55 =	vld [tilespmem:s21+$0xFFFFFEE0]  }
0x2a: {  	v58 =	vadd.s32 v8, v50;
	v57 =	vld [tilespmem:s21+$0xFFFFFEF0]  }
0x2b: {  	v60 =	vadd.s32 v9, v50;
	v59 =	vld [tilespmem:s21+$0xFFFFFF00]  }
0x2c: {  	[tilespmem:v52+s15+$0x0] =	vst.idx.msk $0xffff, v51  }
0x2d: {  	[tilespmem:v54+s15+$0x0] =	vst.idx.msk $0xffff, v53  }
0x2e: {  	[tilespmem:v56+s15+$0x0] =	vst.idx.msk $0xffff, v55  }
0x2f: {  	[tilespmem:v58+s15+$0x0] =	vst.idx.msk $0xffff, v57  }
0x30: {  	[tilespmem:v60+s15+$0x0] =	vst.idx.msk $0xffff, v59  }
0x31: {  	v52 =	vadd.s32 v10, v50;
	v51 =	vld [tilespmem:s21+$0xFFFFFF10]  }
0x32: {  	v54 =	vadd.s32 v11, v50;
	v53 =	vld [tilespmem:s21+$0xFFFFFF20]  }
0x33: {  	v56 =	vadd.s32 v12, v50;
	v55 =	vld [tilespmem:s21+$0xFFFFFF30]  }
0x34: {  	v58 =	vadd.s32 v13, v50;
	v57 =	vld [tilespmem:s21+$0xFFFFFF40]  }
0x35: {  	v60 =	vadd.s32 v14, v50;
	v59 =	vld [tilespmem:s21+$0xFFFFFF50]  }
0x36: {  	[tilespmem:v52+s15+$0x0] =	vst.idx.msk $0xffff, v51  }
0x37: {  	[tilespmem:v54+s15+$0x0] =	vst.idx.msk $0xffff, v53  }
0x38: {  	[tilespmem:v56+s15+$0x0] =	vst.idx.msk $0xffff, v55  }
0x39: {  	[tilespmem:v58+s15+$0x0] =	vst.idx.msk $0xffff, v57  }
0x3a: {  	[tilespmem:v60+s15+$0x0] =	vst.idx.msk $0xffff, v59  }
0x3b: {  	v52 =	vadd.s32 v15, v50;
	v51 =	vld [tilespmem:s21+$0xFFFFFF60]  }
0x3c: {  	v54 =	vadd.s32 v16, v50;
	v53 =	vld [tilespmem:s21+$0xFFFFFF70]  }
0x3d: {  	v56 =	vadd.s32 v17, v50;
	v55 =	vld [tilespmem:s21+$0xFFFFFF80]  }
0x3e: {  	v58 =	vadd.s32 v18, v50;
	v57 =	vld [tilespmem:s21+$0xFFFFFF90]  }
0x3f: {  	v60 =	vadd.s32 v19, v50;
	v59 =	vld [tilespmem:s21+$0xFFFFFFA0]  }
0x40: {  	[tilespmem:v52+s15+$0x0] =	vst.idx.msk $0xffff, v51  }
0x41: {  	[tilespmem:v54+s15+$0x0] =	vst.idx.msk $0xffff, v53  }
0x42: {  	[tilespmem:v56+s15+$0x0] =	vst.idx.msk $0xffff, v55  }
0x43: {  	[tilespmem:v58+s15+$0x0] =	vst.idx.msk $0xffff, v57  }
0x44: {  	[tilespmem:v60+s15+$0x0] =	vst.idx.msk $0xffff, v59  }
0x45: {  	v52 =	vadd.s32 v20, v50;
	v51 =	vld [tilespmem:s21+$0xFFFFFFB0]  }
0x46: {  	v54 =	vadd.s32 v21, v50;
	v53 =	vld [tilespmem:s21+$0xFFFFFFC0]  }
0x47: {  	v56 =	vadd.s32 v22, v50;
	v55 =	vld [tilespmem:s21+$0xFFFFFFD0]  }
0x48: {  	v58 =	vadd.s32 v23, v50;
	v57 =	vld [tilespmem:s21+$0xFFFFFFE0]  }
0x49: {  	v60 =	vadd.s32 v24, v50;
	v59 =	vld [tilespmem:s21+$0xFFFFFFF0]  }
0x4a: {  	[tilespmem:v52+s15+$0x0] =	vst.idx.msk $0xffff, v51  }
0x4b: {  	[tilespmem:v54+s15+$0x0] =	vst.idx.msk $0xffff, v53  }
0x4c: {  	[tilespmem:v56+s15+$0x0] =	vst.idx.msk $0xffff, v55  }
0x4d: {  	[tilespmem:v58+s15+$0x0] =	vst.idx.msk $0xffff, v57  }
0x4e: {  	[tilespmem:v60+s15+$0x0] =	vst.idx.msk $0xffff, v59  }
0x4f: {  	v52 =	vadd.s32 v25, v50;
	v51 =	vld [tilespmem:s21+$0x0]  }
0x50: {  	v54 =	vadd.s32 v26, v50;
	v53 =	vld [tilespmem:s21+$0x10]  }
0x51: {  	v56 =	vadd.s32 v27, v50;
	v55 =	vld [tilespmem:s21+$0x20]  }
0x52: {  	v58 =	vadd.s32 v28, v50;
	v57 =	vld [tilespmem:s21+$0x30]  }
0x53: {  	v60 =	vadd.s32 v29, v50;
	v59 =	vld [tilespmem:s21+$0x40]  }
0x54: {  	[tilespmem:v52+s15+$0x0] =	vst.idx.msk $0xffff, v51  }
0x55: {  	[tilespmem:v54+s15+$0x0] =	vst.idx.msk $0xffff, v53  }
0x56: {  	[tilespmem:v56+s15+$0x0] =	vst.idx.msk $0xffff, v55  }
0x57: {  	[tilespmem:v58+s15+$0x0] =	vst.idx.msk $0xffff, v57  }
0x58: {  	[tilespmem:v60+s15+$0x0] =	vst.idx.msk $0xffff, v59  }
0x59: {  	v52 =	vadd.s32 v30, v50;
	v51 =	vld [tilespmem:s21+$0x50]  }
0x5a: {  	v54 =	vadd.s32 v31, v50;
	v53 =	vld [tilespmem:s21+$0x60]  }
0x5b: {  	v56 =	vadd.s32 v32, v50;
	v55 =	vld [tilespmem:s21+$0x70]  }
0x5c: {  	v58 =	vadd.s32 v33, v50;
	v57 =	vld [tilespmem:s21+$0x80]  }
0x5d: {  	v60 =	vadd.s32 v34, v50;
	v59 =	vld [tilespmem:s21+$0x90]  }
0x5e: {  	[tilespmem:v52+s15+$0x0] =	vst.idx.msk $0xffff, v51  }
0x5f: {  	[tilespmem:v54+s15+$0x0] =	vst.idx.msk $0xffff, v53  }
0x60: {  	[tilespmem:v56+s15+$0x0] =	vst.idx.msk $0xffff, v55  }
0x61: {  	[tilespmem:v58+s15+$0x0] =	vst.idx.msk $0xffff, v57  }
0x62: {  	[tilespmem:v60+s15+$0x0] =	vst.idx.msk $0xffff, v59  }
0x63: {  	v52 =	vadd.s32 v35, v50;
	v51 =	vld [tilespmem:s21+$0xA0]  }
0x64: {  	v54 =	vadd.s32 v36, v50;
	v53 =	vld [tilespmem:s21+$0xB0]  }
0x65: {  	v56 =	vadd.s32 v37, v50;
	v55 =	vld [tilespmem:s21+$0xC0]  }
0x66: {  	v58 =	vadd.s32 v38, v50;
	v57 =	vld [tilespmem:s21+$0xD0]  }
0x67: {  	v60 =	vadd.s32 v39, v50;
	v59 =	vld [tilespmem:s21+$0xE0]  }
0x68: {  	[tilespmem:v52+s15+$0x0] =	vst.idx.msk $0xffff, v51  }
0x69: {  	[tilespmem:v54+s15+$0x0] =	vst.idx.msk $0xffff, v53  }
0x6a: {  	[tilespmem:v56+s15+$0x0] =	vst.idx.msk $0xffff, v55  }
0x6b: {  	[tilespmem:v58+s15+$0x0] =	vst.idx.msk $0xffff, v57  }
0x6c: {  	[tilespmem:v60+s15+$0x0] =	vst.idx.msk $0xffff, v59  }
0x6d: {  	v52 =	vadd.s32 v40, v50;
	v51 =	vld [tilespmem:s21+$0xF0]  }
0x6e: {  	v54 =	vadd.s32 v41, v50;
	v53 =	vld [tilespmem:s21+$0x100]  }
0x6f: {  	v56 =	vadd.s32 v42, v50;
	v55 =	vld [tilespmem:s21+$0x110]  }
0x70: {  	v58 =	vadd.s32 v43, v50;
	v57 =	vld [tilespmem:s21+$0x120]  }
0x71: {  	v60 =	vadd.s32 v44, v50;
	v59 =	vld [tilespmem:s21+$0x130]  }
0x72: {  	[tilespmem:v52+s15+$0x0] =	vst.idx.msk $0xffff, v51  }
0x73: {  	[tilespmem:v54+s15+$0x0] =	vst.idx.msk $0xffff, v53  }
0x74: {  	[tilespmem:v56+s15+$0x0] =	vst.idx.msk $0xffff, v55  }
0x75: {  	[tilespmem:v58+s15+$0x0] =	vst.idx.msk $0xffff, v57  }
0x76: {  	[tilespmem:v60+s15+$0x0] =	vst.idx.msk $0xffff, v59  }
0x77: {  	v60 =	vadd.s32 v45, v50;
	v52 =	vld [tilespmem:s21+$0x140]  }
0x78: {  	v61 =	vadd.s32 v46, v50;
	v54 =	vld [tilespmem:s21+$0x150]  }
0x79: {  	v62 =	vadd.s32 v47, v50;
	v56 =	vld [tilespmem:s21+$0x160]  }
0x7a: {  	v63 =	vadd.s32 v48, v50;
	v58 =	vld [tilespmem:s21+$0x170];
	_ =	sdelay $0x1  }
0x7b: {  	v51 =	vld [tilespmem:s21+$0x180];
	[tilespmem:v60+s15+$0x0] =	vst.idx.msk $0xffff, v52;
	v52 =	vadd.s32 v49, v50  }
0x7c: {  	[tilespmem:v61+s15+$0x0] =	vst.idx.msk $0xffff, v54  }
0x7d: {  	s23 =	simm.s32 $0x1;
	[tilespmem:v62+s15+$0x0] =	vst.idx.msk $0xffff, v56  }
0x7e: {  	s22 =	simm.s32 $0x2;
	v50 =	vmov s23;
	[tilespmem:v63+s15+$0x0] =	vst.idx.msk $0xffff, v58  }
.LBB2_2:
0x7f: {  	p0 =	sne.s32 s22, $0x1F  }
0x80: {  	v50 =	vand.u32 $0x1F, v50;
	[tilespmem:v52+s15+$0x0] =	vst.idx.msk $0xffff, v51;
	s21 =	sadd.s32 $0x320, s21;
	s23 =	smov.u32 s22;
	s22 =	sadd.s32 $0x1, s22  }
0x81: {  	v51 =	vld [tilespmem:s21+$0xFFFFFE70];
	v52 =	vadd.s32 v0, v50  }
0x82: {  	v54 =	vadd.s32 v1, v50;
	v53 =	vld [tilespmem:s21+$0xFFFFFE80]  }
0x83: {  	v56 =	vadd.s32 v2, v50;
	v55 =	vld [tilespmem:s21+$0xFFFFFE90]  }
0x84: {  	v58 =	vadd.s32 v3, v50;
	v57 =	vld [tilespmem:s21+$0xFFFFFEA0]  }
0x85: {  	v60 =	vadd.s32 v4, v50;
	v59 =	vld [tilespmem:s21+$0xFFFFFEB0]  }
0x86: {  	[tilespmem:v52+s15+$0x0] =	vst.idx.msk $0xffff, v51  }
0x87: {  	[tilespmem:v54+s15+$0x0] =	vst.idx.msk $0xffff, v53  }
0x88: {  	[tilespmem:v56+s15+$0x0] =	vst.idx.msk $0xffff, v55  }
0x89: {  	[tilespmem:v58+s15+$0x0] =	vst.idx.msk $0xffff, v57  }
0x8a: {  	[tilespmem:v60+s15+$0x0] =	vst.idx.msk $0xffff, v59  }
0x8b: {  	v52 =	vadd.s32 v5, v50;
	v51 =	vld [tilespmem:s21+$0xFFFFFEC0]  }
0x8c: {  	v54 =	vadd.s32 v6, v50;
	v53 =	vld [tilespmem:s21+$0xFFFFFED0]  }
0x8d: {  	v56 =	vadd.s32 v7, v50;
	v55 =	vld [tilespmem:s21+$0xFFFFFEE0]  }
0x8e: {  	v58 =	vadd.s32 v8, v50;
	v57 =	vld [tilespmem:s21+$0xFFFFFEF0]  }
0x8f: {  	v60 =	vadd.s32 v9, v50;
	v59 =	vld [tilespmem:s21+$0xFFFFFF00]  }
0x90: {  	[tilespmem:v52+s15+$0x0] =	vst.idx.msk $0xffff, v51  }
0x91: {  	[tilespmem:v54+s15+$0x0] =	vst.idx.msk $0xffff, v53  }
0x92: {  	[tilespmem:v56+s15+$0x0] =	vst.idx.msk $0xffff, v55  }
0x93: {  	[tilespmem:v58+s15+$0x0] =	vst.idx.msk $0xffff, v57  }
0x94: {  	[tilespmem:v60+s15+$0x0] =	vst.idx.msk $0xffff, v59  }
0x95: {  	v52 =	vadd.s32 v10, v50;
	v51 =	vld [tilespmem:s21+$0xFFFFFF10]  }
0x96: {  	v54 =	vadd.s32 v11, v50;
	v53 =	vld [tilespmem:s21+$0xFFFFFF20]  }
0x97: {  	v56 =	vadd.s32 v12, v50;
	v55 =	vld [tilespmem:s21+$0xFFFFFF30]  }
0x98: {  	v58 =	vadd.s32 v13, v50;
	v57 =	vld [tilespmem:s21+$0xFFFFFF40]  }
0x99: {  	v60 =	vadd.s32 v14, v50;
	v59 =	vld [tilespmem:s21+$0xFFFFFF50]  }
0x9a: {  	[tilespmem:v52+s15+$0x0] =	vst.idx.msk $0xffff, v51  }
0x9b: {  	[tilespmem:v54+s15+$0x0] =	vst.idx.msk $0xffff, v53  }
0x9c: {  	[tilespmem:v56+s15+$0x0] =	vst.idx.msk $0xffff, v55  }
0x9d: {  	[tilespmem:v58+s15+$0x0] =	vst.idx.msk $0xffff, v57  }
0x9e: {  	[tilespmem:v60+s15+$0x0] =	vst.idx.msk $0xffff, v59  }
0x9f: {  	v52 =	vadd.s32 v15, v50;
	v51 =	vld [tilespmem:s21+$0xFFFFFF60]  }
0xa0: {  	v54 =	vadd.s32 v16, v50;
	v53 =	vld [tilespmem:s21+$0xFFFFFF70]  }
0xa1: {  	v56 =	vadd.s32 v17, v50;
	v55 =	vld [tilespmem:s21+$0xFFFFFF80]  }
0xa2: {  	v58 =	vadd.s32 v18, v50;
	v57 =	vld [tilespmem:s21+$0xFFFFFF90]  }
0xa3: {  	v60 =	vadd.s32 v19, v50;
	v59 =	vld [tilespmem:s21+$0xFFFFFFA0]  }
0xa4: {  	[tilespmem:v52+s15+$0x0] =	vst.idx.msk $0xffff, v51  }
0xa5: {  	[tilespmem:v54+s15+$0x0] =	vst.idx.msk $0xffff, v53  }
0xa6: {  	[tilespmem:v56+s15+$0x0] =	vst.idx.msk $0xffff, v55  }
0xa7: {  	[tilespmem:v58+s15+$0x0] =	vst.idx.msk $0xffff, v57  }
0xa8: {  	[tilespmem:v60+s15+$0x0] =	vst.idx.msk $0xffff, v59  }
0xa9: {  	v52 =	vadd.s32 v20, v50;
	v51 =	vld [tilespmem:s21+$0xFFFFFFB0]  }
0xaa: {  	v54 =	vadd.s32 v21, v50;
	v53 =	vld [tilespmem:s21+$0xFFFFFFC0]  }
0xab: {  	v56 =	vadd.s32 v22, v50;
	v55 =	vld [tilespmem:s21+$0xFFFFFFD0]  }
0xac: {  	v58 =	vadd.s32 v23, v50;
	v57 =	vld [tilespmem:s21+$0xFFFFFFE0]  }
0xad: {  	v60 =	vadd.s32 v24, v50;
	v59 =	vld [tilespmem:s21+$0xFFFFFFF0]  }
0xae: {  	[tilespmem:v52+s15+$0x0] =	vst.idx.msk $0xffff, v51  }
0xaf: {  	[tilespmem:v54+s15+$0x0] =	vst.idx.msk $0xffff, v53  }
0xb0: {  	[tilespmem:v56+s15+$0x0] =	vst.idx.msk $0xffff, v55  }
0xb1: {  	[tilespmem:v58+s15+$0x0] =	vst.idx.msk $0xffff, v57  }
0xb2: {  	[tilespmem:v60+s15+$0x0] =	vst.idx.msk $0xffff, v59  }
0xb3: {  	v52 =	vadd.s32 v25, v50;
	v51 =	vld [tilespmem:s21+$0x0]  }
0xb4: {  	v54 =	vadd.s32 v26, v50;
	v53 =	vld [tilespmem:s21+$0x10]  }
0xb5: {  	v56 =	vadd.s32 v27, v50;
	v55 =	vld [tilespmem:s21+$0x20]  }
0xb6: {  	v58 =	vadd.s32 v28, v50;
	v57 =	vld [tilespmem:s21+$0x30]  }
0xb7: {  	v60 =	vadd.s32 v29, v50;
	v59 =	vld [tilespmem:s21+$0x40]  }
0xb8: {  	[tilespmem:v52+s15+$0x0] =	vst.idx.msk $0xffff, v51  }
0xb9: {  	[tilespmem:v54+s15+$0x0] =	vst.idx.msk $0xffff, v53  }
0xba: {  	[tilespmem:v56+s15+$0x0] =	vst.idx.msk $0xffff, v55  }
0xbb: {  	[tilespmem:v58+s15+$0x0] =	vst.idx.msk $0xffff, v57  }
0xbc: {  	[tilespmem:v60+s15+$0x0] =	vst.idx.msk $0xffff, v59  }
0xbd: {  	v52 =	vadd.s32 v30, v50;
	v51 =	vld [tilespmem:s21+$0x50]  }
0xbe: {  	v54 =	vadd.s32 v31, v50;
	v53 =	vld [tilespmem:s21+$0x60]  }
0xbf: {  	v56 =	vadd.s32 v32, v50;
	v55 =	vld [tilespmem:s21+$0x70]  }
0xc0: {  	v58 =	vadd.s32 v33, v50;
	v57 =	vld [tilespmem:s21+$0x80]  }
0xc1: {  	v60 =	vadd.s32 v34, v50;
	v59 =	vld [tilespmem:s21+$0x90]  }
0xc2: {  	[tilespmem:v52+s15+$0x0] =	vst.idx.msk $0xffff, v51  }
0xc3: {  	[tilespmem:v54+s15+$0x0] =	vst.idx.msk $0xffff, v53  }
0xc4: {  	[tilespmem:v56+s15+$0x0] =	vst.idx.msk $0xffff, v55  }
0xc5: {  	[tilespmem:v58+s15+$0x0] =	vst.idx.msk $0xffff, v57  }
0xc6: {  	[tilespmem:v60+s15+$0x0] =	vst.idx.msk $0xffff, v59  }
0xc7: {  	v52 =	vadd.s32 v35, v50;
	v51 =	vld [tilespmem:s21+$0xA0]  }
0xc8: {  	v54 =	vadd.s32 v36, v50;
	v53 =	vld [tilespmem:s21+$0xB0]  }
0xc9: {  	v56 =	vadd.s32 v37, v50;
	v55 =	vld [tilespmem:s21+$0xC0]  }
0xca: {  	v58 =	vadd.s32 v38, v50;
	v57 =	vld [tilespmem:s21+$0xD0]  }
0xcb: {  	v60 =	vadd.s32 v39, v50;
	v59 =	vld [tilespmem:s21+$0xE0]  }
0xcc: {  	[tilespmem:v52+s15+$0x0] =	vst.idx.msk $0xffff, v51  }
0xcd: {  	[tilespmem:v54+s15+$0x0] =	vst.idx.msk $0xffff, v53  }
0xce: {  	[tilespmem:v56+s15+$0x0] =	vst.idx.msk $0xffff, v55  }
0xcf: {  	[tilespmem:v58+s15+$0x0] =	vst.idx.msk $0xffff, v57  }
0xd0: {  	[tilespmem:v60+s15+$0x0] =	vst.idx.msk $0xffff, v59  }
0xd1: {  	v52 =	vadd.s32 v40, v50;
	v51 =	vld [tilespmem:s21+$0xF0]  }
0xd2: {  	v54 =	vadd.s32 v41, v50;
	v53 =	vld [tilespmem:s21+$0x100]  }
0xd3: {  	v56 =	vadd.s32 v42, v50;
	v55 =	vld [tilespmem:s21+$0x110]  }
0xd4: {  	v58 =	vadd.s32 v43, v50;
	v57 =	vld [tilespmem:s21+$0x120]  }
0xd5: {  	v60 =	vadd.s32 v44, v50;
	v59 =	vld [tilespmem:s21+$0x130]  }
0xd6: {  	[tilespmem:v52+s15+$0x0] =	vst.idx.msk $0xffff, v51  }
0xd7: {  	[tilespmem:v54+s15+$0x0] =	vst.idx.msk $0xffff, v53  }
0xd8: {  	[tilespmem:v56+s15+$0x0] =	vst.idx.msk $0xffff, v55  }
0xd9: {  	[tilespmem:v58+s15+$0x0] =	vst.idx.msk $0xffff, v57  }
0xda: {  	[tilespmem:v60+s15+$0x0] =	vst.idx.msk $0xffff, v59  }
0xdb: {  	v54 =	vadd.s32 v45, v50;
	v53 =	vld [tilespmem:s21+$0x140]  }
0xdc: {  	v56 =	vadd.s32 v46, v50;
	v55 =	vld [tilespmem:s21+$0x150]  }
0xdd: {  	v58 =	vadd.s32 v47, v50;
	v57 =	vld [tilespmem:s21+$0x160]  }
0xde: {  	v60 =	vadd.s32 v48, v50;
	v59 =	vld [tilespmem:s21+$0x170]  }
.Ltmp0:
0xdf: {  	v52 =	vadd.s32 v49, v50;
	v51 =	vld [tilespmem:s21+$0x180];
	(pc) =	sbr.rel @p0 .LBB2_2-.Ltmp0, $4  }
0xe0: {  	[tilespmem:v54+s15+$0x0] =	vst.idx.msk $0xffff, v53  }
0xe1: {  	[tilespmem:v56+s15+$0x0] =	vst.idx.msk $0xffff, v55  }
0xe2: {  	[tilespmem:v58+s15+$0x0] =	vst.idx.msk $0xffff, v57  }
0xe3: {  	v50 =	vmov s23;
	[tilespmem:v60+s15+$0x0] =	vst.idx.msk $0xffff, v59  }
0xe4: {  	_ =	sdelay $0x3  }
0xe5: {  	v50 =	vand.u32 $0x1F, v50;
	[tilespmem:v52+s15+$0x0] =	vst.idx.msk $0xffff, v51;
	s21 =	sadd.s32 $0x320, s21  }
0xe6: {  	v51 =	vld [tilespmem:s21+$0xFFFFFE70];
	v52 =	vadd.s32 v0, v50  }
0xe7: {  	v53 =	vld [tilespmem:s21+$0xFFFFFE80];
	v54 =	vadd.s32 v1, v50  }
0xe8: {  	v55 =	vld [tilespmem:s21+$0xFFFFFE90];
	v56 =	vadd.s32 v2, v50  }
0xe9: {  	v57 =	vld [tilespmem:s21+$0xFFFFFEA0];
	v58 =	vadd.s32 v3, v50  }
0xea: {  	v59 =	vld [tilespmem:s21+$0xFFFFFEB0];
	v60 =	vadd.s32 v4, v50  }
0xeb: {  	[tilespmem:v52+s15+$0x0] =	vst.idx.msk $0xffff, v51  }
0xec: {  	[tilespmem:v54+s15+$0x0] =	vst.idx.msk $0xffff, v53  }
0xed: {  	[tilespmem:v56+s15+$0x0] =	vst.idx.msk $0xffff, v55  }
0xee: {  	[tilespmem:v58+s15+$0x0] =	vst.idx.msk $0xffff, v57  }
0xef: {  	[tilespmem:v60+s15+$0x0] =	vst.idx.msk $0xffff, v59  }
0xf0: {  	v52 =	vadd.s32 v5, v50;
	v51 =	vld [tilespmem:s21+$0xFFFFFEC0]  }
0xf1: {  	v54 =	vadd.s32 v6, v50;
	v53 =	vld [tilespmem:s21+$0xFFFFFED0]  }
0xf2: {  	v56 =	vadd.s32 v7, v50;
	v55 =	vld [tilespmem:s21+$0xFFFFFEE0]  }
0xf3: {  	v58 =	vadd.s32 v8, v50;
	v57 =	vld [tilespmem:s21+$0xFFFFFEF0]  }
0xf4: {  	v60 =	vadd.s32 v9, v50;
	v59 =	vld [tilespmem:s21+$0xFFFFFF00]  }
0xf5: {  	[tilespmem:v52+s15+$0x0] =	vst.idx.msk $0xffff, v51  }
0xf6: {  	[tilespmem:v54+s15+$0x0] =	vst.idx.msk $0xffff, v53  }
0xf7: {  	[tilespmem:v56+s15+$0x0] =	vst.idx.msk $0xffff, v55  }
0xf8: {  	[tilespmem:v58+s15+$0x0] =	vst.idx.msk $0xffff, v57  }
0xf9: {  	[tilespmem:v60+s15+$0x0] =	vst.idx.msk $0xffff, v59  }
0xfa: {  	v52 =	vadd.s32 v10, v50;
	v51 =	vld [tilespmem:s21+$0xFFFFFF10]  }
0xfb: {  	v54 =	vadd.s32 v11, v50;
	v53 =	vld [tilespmem:s21+$0xFFFFFF20]  }
0xfc: {  	v56 =	vadd.s32 v12, v50;
	v55 =	vld [tilespmem:s21+$0xFFFFFF30]  }
0xfd: {  	v58 =	vadd.s32 v13, v50;
	v57 =	vld [tilespmem:s21+$0xFFFFFF40]  }
0xfe: {  	v60 =	vadd.s32 v14, v50;
	v59 =	vld [tilespmem:s21+$0xFFFFFF50]  }
0xff: {  	[tilespmem:v52+s15+$0x0] =	vst.idx.msk $0xffff, v51  }
0x100: {  	[tilespmem:v54+s15+$0x0] =	vst.idx.msk $0xffff, v53  }
0x101: {  	[tilespmem:v56+s15+$0x0] =	vst.idx.msk $0xffff, v55  }
0x102: {  	[tilespmem:v58+s15+$0x0] =	vst.idx.msk $0xffff, v57  }
0x103: {  	[tilespmem:v60+s15+$0x0] =	vst.idx.msk $0xffff, v59  }
0x104: {  	v52 =	vadd.s32 v15, v50;
	v51 =	vld [tilespmem:s21+$0xFFFFFF60]  }
0x105: {  	v54 =	vadd.s32 v16, v50;
	v53 =	vld [tilespmem:s21+$0xFFFFFF70]  }
0x106: {  	v56 =	vadd.s32 v17, v50;
	v55 =	vld [tilespmem:s21+$0xFFFFFF80]  }
0x107: {  	v58 =	vadd.s32 v18, v50;
	v57 =	vld [tilespmem:s21+$0xFFFFFF90]  }
0x108: {  	v60 =	vadd.s32 v19, v50;
	v59 =	vld [tilespmem:s21+$0xFFFFFFA0]  }
0x109: {  	[tilespmem:v52+s15+$0x0] =	vst.idx.msk $0xffff, v51  }
0x10a: {  	[tilespmem:v54+s15+$0x0] =	vst.idx.msk $0xffff, v53  }
0x10b: {  	[tilespmem:v56+s15+$0x0] =	vst.idx.msk $0xffff, v55  }
0x10c: {  	[tilespmem:v58+s15+$0x0] =	vst.idx.msk $0xffff, v57  }
0x10d: {  	[tilespmem:v60+s15+$0x0] =	vst.idx.msk $0xffff, v59  }
0x10e: {  	v52 =	vadd.s32 v20, v50;
	v51 =	vld [tilespmem:s21+$0xFFFFFFB0]  }
0x10f: {  	v54 =	vadd.s32 v21, v50;
	v53 =	vld [tilespmem:s21+$0xFFFFFFC0]  }
0x110: {  	v56 =	vadd.s32 v22, v50;
	v55 =	vld [tilespmem:s21+$0xFFFFFFD0]  }
0x111: {  	v58 =	vadd.s32 v23, v50;
	v57 =	vld [tilespmem:s21+$0xFFFFFFE0]  }
0x112: {  	v60 =	vadd.s32 v24, v50;
	v59 =	vld [tilespmem:s21+$0xFFFFFFF0]  }
0x113: {  	[tilespmem:v52+s15+$0x0] =	vst.idx.msk $0xffff, v51  }
0x114: {  	[tilespmem:v54+s15+$0x0] =	vst.idx.msk $0xffff, v53  }
0x115: {  	[tilespmem:v56+s15+$0x0] =	vst.idx.msk $0xffff, v55  }
0x116: {  	[tilespmem:v58+s15+$0x0] =	vst.idx.msk $0xffff, v57  }
0x117: {  	[tilespmem:v60+s15+$0x0] =	vst.idx.msk $0xffff, v59  }
0x118: {  	v52 =	vadd.s32 v25, v50;
	v51 =	vld [tilespmem:s21+$0x0]  }
0x119: {  	v54 =	vadd.s32 v26, v50;
	v53 =	vld [tilespmem:s21+$0x10]  }
0x11a: {  	v56 =	vadd.s32 v27, v50;
	v55 =	vld [tilespmem:s21+$0x20]  }
0x11b: {  	v58 =	vadd.s32 v28, v50;
	v57 =	vld [tilespmem:s21+$0x30]  }
0x11c: {  	v60 =	vadd.s32 v29, v50;
	v59 =	vld [tilespmem:s21+$0x40]  }
0x11d: {  	[tilespmem:v52+s15+$0x0] =	vst.idx.msk $0xffff, v51  }
0x11e: {  	[tilespmem:v54+s15+$0x0] =	vst.idx.msk $0xffff, v53  }
0x11f: {  	[tilespmem:v56+s15+$0x0] =	vst.idx.msk $0xffff, v55  }
0x120: {  	[tilespmem:v58+s15+$0x0] =	vst.idx.msk $0xffff, v57  }
0x121: {  	[tilespmem:v60+s15+$0x0] =	vst.idx.msk $0xffff, v59  }
0x122: {  	v52 =	vadd.s32 v30, v50;
	v51 =	vld [tilespmem:s21+$0x50]  }
0x123: {  	v54 =	vadd.s32 v31, v50;
	v53 =	vld [tilespmem:s21+$0x60]  }
0x124: {  	v56 =	vadd.s32 v32, v50;
	v55 =	vld [tilespmem:s21+$0x70]  }
0x125: {  	v58 =	vadd.s32 v33, v50;
	v57 =	vld [tilespmem:s21+$0x80]  }
0x126: {  	v60 =	vadd.s32 v34, v50;
	v59 =	vld [tilespmem:s21+$0x90]  }
0x127: {  	[tilespmem:v52+s15+$0x0] =	vst.idx.msk $0xffff, v51  }
0x128: {  	[tilespmem:v54+s15+$0x0] =	vst.idx.msk $0xffff, v53  }
0x129: {  	[tilespmem:v56+s15+$0x0] =	vst.idx.msk $0xffff, v55  }
0x12a: {  	[tilespmem:v58+s15+$0x0] =	vst.idx.msk $0xffff, v57  }
0x12b: {  	[tilespmem:v60+s15+$0x0] =	vst.idx.msk $0xffff, v59  }
0x12c: {  	v52 =	vadd.s32 v35, v50;
	v51 =	vld [tilespmem:s21+$0xA0]  }
0x12d: {  	v54 =	vadd.s32 v36, v50;
	v53 =	vld [tilespmem:s21+$0xB0]  }
0x12e: {  	v56 =	vadd.s32 v37, v50;
	v55 =	vld [tilespmem:s21+$0xC0]  }
0x12f: {  	v58 =	vadd.s32 v38, v50;
	v57 =	vld [tilespmem:s21+$0xD0]  }
0x130: {  	v60 =	vadd.s32 v39, v50;
	v59 =	vld [tilespmem:s21+$0xE0]  }
0x131: {  	[tilespmem:v52+s15+$0x0] =	vst.idx.msk $0xffff, v51  }
0x132: {  	[tilespmem:v54+s15+$0x0] =	vst.idx.msk $0xffff, v53  }
0x133: {  	[tilespmem:v56+s15+$0x0] =	vst.idx.msk $0xffff, v55  }
0x134: {  	[tilespmem:v58+s15+$0x0] =	vst.idx.msk $0xffff, v57  }
0x135: {  	[tilespmem:v60+s15+$0x0] =	vst.idx.msk $0xffff, v59  }
0x136: {  	v52 =	vadd.s32 v40, v50;
	v51 =	vld [tilespmem:s21+$0xF0]  }
0x137: {  	v54 =	vadd.s32 v41, v50;
	v53 =	vld [tilespmem:s21+$0x100]  }
0x138: {  	v56 =	vadd.s32 v42, v50;
	v55 =	vld [tilespmem:s21+$0x110]  }
0x139: {  	v58 =	vadd.s32 v43, v50;
	v57 =	vld [tilespmem:s21+$0x120]  }
0x13a: {  	v60 =	vadd.s32 v44, v50;
	v59 =	vld [tilespmem:s21+$0x130]  }
0x13b: {  	[tilespmem:v52+s15+$0x0] =	vst.idx.msk $0xffff, v51  }
0x13c: {  	[tilespmem:v54+s15+$0x0] =	vst.idx.msk $0xffff, v53  }
0x13d: {  	[tilespmem:v56+s15+$0x0] =	vst.idx.msk $0xffff, v55  }
0x13e: {  	[tilespmem:v58+s15+$0x0] =	vst.idx.msk $0xffff, v57  }
0x13f: {  	[tilespmem:v60+s15+$0x0] =	vst.idx.msk $0xffff, v59  }
0x140: {  	v60 =	vadd.s32 v45, v50;
	v51 =	vld [tilespmem:s21+$0x140]  }
0x141: {  	v61 =	vadd.s32 v46, v50;
	v53 =	vld [tilespmem:s21+$0x150]  }
0x142: {  	v62 =	vadd.s32 v47, v50;
	v55 =	vld [tilespmem:s21+$0x160]  }
0x143: {  	v63 =	vadd.s32 v48, v50;
	v57 =	vld [tilespmem:s21+$0x170]  }
0x144: {  	v50 =	vadd.s32 v49, v50;
	v59 =	vld [tilespmem:s21+$0x180]  }
0x145: {  	[tilespmem:v60+s15+$0x0] =	vst.idx.msk $0xffff, v51  }
0x146: {  	[tilespmem:v61+s15+$0x0] =	vst.idx.msk $0xffff, v53  }
0x147: {  	[tilespmem:v62+s15+$0x0] =	vst.idx.msk $0xffff, v55  }
0x148: {  	[tilespmem:v63+s15+$0x0] =	vst.idx.msk $0xffff, v57  }
0x149: {  	s28 =	simm.s32 $0xE100;
	[tilespmem:v50+s15+$0x0] =	vst.idx.msk $0xffff, v59  }
0x14a: {  	[hbm4b:s5+s2] =	stream.linear.scatter [tilespmem:s28], [sflag:$0x2], $0x20, $0x38;
	[tilespmem:$0x1DB00] =	vst v63  }
0x14b: {  	s29 =	simm.s32 $0xE128;
	s22 =	sadd.s32 $0x10, s5  }
0x14c: {  	[hbm4b:s22+s2] =	stream.linear.scatter [tilespmem:s29], [sflag:$0x2], $0x20, $0x38;
	[tilespmem:$0x1DB00] =	vst v63  }
0x14d: {  	s30 =	simm.s32 $0xE150;
	s31 =	sadd.s32 $0x20, s5;
	s23 =	simm.s32 $0xE178  }
0x14e: {  	[hbm4b:s31+s2] =	stream.linear.scatter [tilespmem:s30], [sflag:$0x2], $0x20, $0x38;
	[tilespmem:$0x1DB00] =	vst v63  }
0x14f: {  	s24 =	sadd.s32 $0x30, s5;
	s25 =	simm.s32 $0xE1A0;
	s26 =	sadd.s32 $0x40, s5  }
0x150: {  	[hbm4b:s24+s2] =	stream.linear.scatter [tilespmem:s23], [sflag:$0x2], $0x20, $0x38;
	[tilespmem:$0x1DB00] =	vst v63  }
0x151: {  	s21 =	simm.s32 $0x140;
	s28 =	simm.s32 $0xE1C8;
	s29 =	sadd.s32 $0x50, s5  }
0x152: {  	[hbm4b:s26+s2] =	stream.linear.scatter [tilespmem:s25], [sflag:$0x2], $0x20, $0x38;
	[tilespmem:$0x1DB00] =	vst v63  }
0x153: {  	s22 =	sadd.s32 $0x1000, s5;
	s30 =	simm.s32 $0xE1F0;
	s31 =	sadd.s32 $0x60, s5  }
0x154: {  	[hbm4b:s29+s2] =	stream.linear.scatter [tilespmem:s28], [sflag:$0x2], $0x20, $0x38;
	[tilespmem:$0x1DB00] =	vst v63  }
0x155: {  	s23 =	simm.s32 $0xA00;
	s24 =	simm.s32 $0xE218;
	s25 =	sadd.s32 $0x70, s5  }
0x156: {  	[hbm4b:s31+s2] =	stream.linear.scatter [tilespmem:s30], [sflag:$0x2], $0x20, $0x38;
	[tilespmem:$0x1DB00] =	vst v63  }
.LBB2_4:
0x157: {  	[hbm4b:s25+s2] =	stream.linear.scatter [tilespmem:s24], [sflag:$0x2], $0x20, $0x38;
	[tilespmem:$0x1DB00] =	vst v63  }
0x158: {  	s24 =	smov.u32 s21;
	s21 =	smov.u32 s23  }
0x159: {  	s26 =	sadd.s32 $0x500, s23;
	s21 =	sshra.s32 s21, $0x2;
	s25 =	sadd.s32 $0xE100, s24  }
0x15a: {  	[hbm4b:s22+s2] =	stream.linear.scatter [tilespmem:s25], [sflag:$0x2], $0x20, $0x38;
	[tilespmem:$0x1DB00] =	vst v63  }
0x15b: {  	p0 =	sne.s32 s23, $0x1EF00;
	s23 =	sadd.s32 $0xE128, s24;
	s25 =	sadd.s32 $0x10, s22  }
0x15c: {  	[hbm4b:s25+s2] =	stream.linear.scatter [tilespmem:s23], [sflag:$0x2], $0x20, $0x38;
	[tilespmem:$0x1DB00] =	vst v63  }
0x15d: {  	s23 =	sadd.s32 $0xE150, s24;
	s25 =	sadd.s32 $0x20, s22  }
0x15e: {  	[hbm4b:s25+s2] =	stream.linear.scatter [tilespmem:s23], [sflag:$0x2], $0x20, $0x38;
	[tilespmem:$0x1DB00] =	vst v63  }
0x15f: {  	s23 =	sadd.s32 $0xE178, s24;
	s25 =	sadd.s32 $0x30, s22  }
0x160: {  	[hbm4b:s25+s2] =	stream.linear.scatter [tilespmem:s23], [sflag:$0x2], $0x20, $0x38;
	[tilespmem:$0x1DB00] =	vst v63  }
0x161: {  	s23 =	sadd.s32 $0xE1A0, s24;
	s25 =	sadd.s32 $0x40, s22  }
0x162: {  	[hbm4b:s25+s2] =	stream.linear.scatter [tilespmem:s23], [sflag:$0x2], $0x20, $0x38;
	[tilespmem:$0x1DB00] =	vst v63  }
.Ltmp1:
0x163: {  	s23 =	sadd.s32 $0xE1C8, s24;
	s25 =	sadd.s32 $0x50, s22;
	(pc) =	sbr.rel @p0 .LBB2_4-.Ltmp1, $4  }
0x164: {  	[hbm4b:s25+s2] =	stream.linear.scatter [tilespmem:s23], [sflag:$0x2], $0x20, $0x38;
	[tilespmem:$0x1DB00] =	vst v63  }
0x165: {  	s23 =	sadd.s32 $0xE1F0, s24;
	s25 =	sadd.s32 $0x60, s22;
	s24 =	sadd.s32 $0xE218, s24  }
0x166: {  	[hbm4b:s25+s2] =	stream.linear.scatter [tilespmem:s23], [sflag:$0x2], $0x20, $0x38;
	[tilespmem:$0x1DB00] =	vst v63  }
0x167: {  	s25 =	sadd.s32 $0x70, s22;
	s22 =	sadd.s32 $0x1000, s22;
	s23 =	smov.u32 s26  }
0x168: {  	[hbm4b:s25+s2] =	stream.linear.scatter [tilespmem:s24], [sflag:$0x2], $0x20, $0x38;
	[tilespmem:$0x1DB00] =	vst v63  }
0x169: {  	s23 =	sadd.s32 $0xE100, s21  }
0x16a: {  	[hbm4b:s22+s2] =	stream.linear.scatter [tilespmem:s23], [sflag:$0x2], $0x20, $0x38;
	[tilespmem:$0x1DB00] =	vst v63  }
0x16b: {  	s28 =	sadd.s32 $0xE128, s21;
	s29 =	sadd.s32 $0x10, s22  }
0x16c: {  	[hbm4b:s29+s2] =	stream.linear.scatter [tilespmem:s28], [sflag:$0x2], $0x20, $0x38;
	[tilespmem:$0x1DB00] =	vst v63  }
0x16d: {  	s30 =	sadd.s32 $0xE150, s21;
	s31 =	sadd.s32 $0x20, s22  }
0x16e: {  	[hbm4b:s31+s2] =	stream.linear.scatter [tilespmem:s30], [sflag:$0x2], $0x20, $0x38;
	[tilespmem:$0x1DB00] =	vst v63  }
0x16f: {  	s25 =	sadd.s32 $0xE178, s21;
	s26 =	sadd.s32 $0x30, s22  }
0x170: {  	[hbm4b:s26+s2] =	stream.linear.scatter [tilespmem:s25], [sflag:$0x2], $0x20, $0x38;
	[tilespmem:$0x1DB00] =	vst v63  }
0x171: {  	s28 =	sadd.s32 $0xE1A0, s21;
	s29 =	sadd.s32 $0x40, s22  }
0x172: {  	[hbm4b:s29+s2] =	stream.linear.scatter [tilespmem:s28], [sflag:$0x2], $0x20, $0x38;
	[tilespmem:$0x1DB00] =	vst v63  }
0x173: {  	s30 =	sadd.s32 $0xE1C8, s21;
	s31 =	sadd.s32 $0x50, s22  }
0x174: {  	[hbm4b:s31+s2] =	stream.linear.scatter [tilespmem:s30], [sflag:$0x2], $0x20, $0x38;
	[tilespmem:$0x1DB00] =	vst v63  }
0x175: {  	s25 =	sadd.s32 $0xE1F0, s21;
	s26 =	sadd.s32 $0x60, s22  }
0x176: {  	[hbm4b:s26+s2] =	stream.linear.scatter [tilespmem:s25], [sflag:$0x2], $0x20, $0x38;
	[tilespmem:$0x1DB00] =	vst v63  }
0x177: {  	s28 =	sadd.s32 $0xE218, s21;
	s29 =	sadd.s32 $0x70, s22  }
0x178: {  	[hbm4b:s29+s2] =	stream.linear.scatter [tilespmem:s28], [sflag:$0x2], $0x20, $0x38;
	[tilespmem:$0x1DB00] =	vst v63  }
0x179: {  	_ =	swait.ge [sflag:s13], $0x6400  }
0x17a: {  	s30 =	simm.s32 $0x0;
	[sflag:s13] =	ssyncset.done $0x0  }
0x17b: {  	s21 =	simm.s32 $0x7E90;
	v50 =	vmov s30;
	[sflag:s13] =	ssyncadd.s32 $0xFFFF9C00  }
0x17c: {  	v50 =	vand.u32 $0x1F, v50;
	[tilespmem:s12], [sflag:$0x1] =	stream.indirect.gather [hbm4b:s3+s11], $0x10, s16, s11, $0xb8;
	[tilespmem:$0x1DB00] =	vst v63  }
0x17d: {  	v52 =	vadd.s32 v0, v50;
	v51 =	vld [tilespmem:s21+$0xFFFFFE70]  }
0x17e: {  	v54 =	vadd.s32 v1, v50;
	v53 =	vld [tilespmem:s21+$0xFFFFFE80]  }
0x17f: {  	v56 =	vadd.s32 v2, v50;
	v55 =	vld [tilespmem:s21+$0xFFFFFE90]  }
0x180: {  	v58 =	vadd.s32 v3, v50;
	v57 =	vld [tilespmem:s21+$0xFFFFFEA0]  }
0x181: {  	v60 =	vadd.s32 v4, v50;
	v59 =	vld [tilespmem:s21+$0xFFFFFEB0]  }
0x182: {  	[tilespmem:v52+s17+$0x0] =	vst.idx.msk $0xffff, v51  }
0x183: {  	[tilespmem:v54+s17+$0x0] =	vst.idx.msk $0xffff, v53  }
0x184: {  	[tilespmem:v56+s17+$0x0] =	vst.idx.msk $0xffff, v55  }
0x185: {  	[tilespmem:v58+s17+$0x0] =	vst.idx.msk $0xffff, v57  }
0x186: {  	[tilespmem:v60+s17+$0x0] =	vst.idx.msk $0xffff, v59  }
0x187: {  	v52 =	vadd.s32 v5, v50;
	v51 =	vld [tilespmem:s21+$0xFFFFFEC0]  }
0x188: {  	v54 =	vadd.s32 v6, v50;
	v53 =	vld [tilespmem:s21+$0xFFFFFED0]  }
0x189: {  	v56 =	vadd.s32 v7, v50;
	v55 =	vld [tilespmem:s21+$0xFFFFFEE0]  }
0x18a: {  	v58 =	vadd.s32 v8, v50;
	v57 =	vld [tilespmem:s21+$0xFFFFFEF0]  }
0x18b: {  	v60 =	vadd.s32 v9, v50;
	v59 =	vld [tilespmem:s21+$0xFFFFFF00]  }
0x18c: {  	[tilespmem:v52+s17+$0x0] =	vst.idx.msk $0xffff, v51  }
0x18d: {  	[tilespmem:v54+s17+$0x0] =	vst.idx.msk $0xffff, v53  }
0x18e: {  	[tilespmem:v56+s17+$0x0] =	vst.idx.msk $0xffff, v55  }
0x18f: {  	[tilespmem:v58+s17+$0x0] =	vst.idx.msk $0xffff, v57  }
0x190: {  	[tilespmem:v60+s17+$0x0] =	vst.idx.msk $0xffff, v59  }
0x191: {  	v52 =	vadd.s32 v10, v50;
	v51 =	vld [tilespmem:s21+$0xFFFFFF10]  }
0x192: {  	v54 =	vadd.s32 v11, v50;
	v53 =	vld [tilespmem:s21+$0xFFFFFF20]  }
0x193: {  	v56 =	vadd.s32 v12, v50;
	v55 =	vld [tilespmem:s21+$0xFFFFFF30]  }
0x194: {  	v58 =	vadd.s32 v13, v50;
	v57 =	vld [tilespmem:s21+$0xFFFFFF40]  }
0x195: {  	v60 =	vadd.s32 v14, v50;
	v59 =	vld [tilespmem:s21+$0xFFFFFF50]  }
0x196: {  	[tilespmem:v52+s17+$0x0] =	vst.idx.msk $0xffff, v51  }
0x197: {  	[tilespmem:v54+s17+$0x0] =	vst.idx.msk $0xffff, v53  }
0x198: {  	[tilespmem:v56+s17+$0x0] =	vst.idx.msk $0xffff, v55  }
0x199: {  	[tilespmem:v58+s17+$0x0] =	vst.idx.msk $0xffff, v57  }
0x19a: {  	[tilespmem:v60+s17+$0x0] =	vst.idx.msk $0xffff, v59  }
0x19b: {  	v52 =	vadd.s32 v15, v50;
	v51 =	vld [tilespmem:s21+$0xFFFFFF60]  }
0x19c: {  	v54 =	vadd.s32 v16, v50;
	v53 =	vld [tilespmem:s21+$0xFFFFFF70]  }
0x19d: {  	v56 =	vadd.s32 v17, v50;
	v55 =	vld [tilespmem:s21+$0xFFFFFF80]  }
0x19e: {  	v58 =	vadd.s32 v18, v50;
	v57 =	vld [tilespmem:s21+$0xFFFFFF90]  }
0x19f: {  	v60 =	vadd.s32 v19, v50;
	v59 =	vld [tilespmem:s21+$0xFFFFFFA0]  }
0x1a0: {  	[tilespmem:v52+s17+$0x0] =	vst.idx.msk $0xffff, v51  }
0x1a1: {  	[tilespmem:v54+s17+$0x0] =	vst.idx.msk $0xffff, v53  }
0x1a2: {  	[tilespmem:v56+s17+$0x0] =	vst.idx.msk $0xffff, v55  }
0x1a3: {  	[tilespmem:v58+s17+$0x0] =	vst.idx.msk $0xffff, v57  }
0x1a4: {  	[tilespmem:v60+s17+$0x0] =	vst.idx.msk $0xffff, v59  }
0x1a5: {  	v52 =	vadd.s32 v20, v50;
	v51 =	vld [tilespmem:s21+$0xFFFFFFB0]  }
0x1a6: {  	v54 =	vadd.s32 v21, v50;
	v53 =	vld [tilespmem:s21+$0xFFFFFFC0]  }
0x1a7: {  	v56 =	vadd.s32 v22, v50;
	v55 =	vld [tilespmem:s21+$0xFFFFFFD0]  }
0x1a8: {  	v58 =	vadd.s32 v23, v50;
	v57 =	vld [tilespmem:s21+$0xFFFFFFE0]  }
0x1a9: {  	v60 =	vadd.s32 v24, v50;
	v59 =	vld [tilespmem:s21+$0xFFFFFFF0]  }
0x1aa: {  	[tilespmem:v52+s17+$0x0] =	vst.idx.msk $0xffff, v51  }
0x1ab: {  	[tilespmem:v54+s17+$0x0] =	vst.idx.msk $0xffff, v53  }
0x1ac: {  	[tilespmem:v56+s17+$0x0] =	vst.idx.msk $0xffff, v55  }
0x1ad: {  	[tilespmem:v58+s17+$0x0] =	vst.idx.msk $0xffff, v57  }
0x1ae: {  	[tilespmem:v60+s17+$0x0] =	vst.idx.msk $0xffff, v59  }
0x1af: {  	v52 =	vadd.s32 v25, v50;
	v51 =	vld [tilespmem:s21+$0x0]  }
0x1b0: {  	v54 =	vadd.s32 v26, v50;
	v53 =	vld [tilespmem:s21+$0x10]  }
0x1b1: {  	v56 =	vadd.s32 v27, v50;
	v55 =	vld [tilespmem:s21+$0x20]  }
0x1b2: {  	v58 =	vadd.s32 v28, v50;
	v57 =	vld [tilespmem:s21+$0x30]  }
0x1b3: {  	v60 =	vadd.s32 v29, v50;
	v59 =	vld [tilespmem:s21+$0x40]  }
0x1b4: {  	[tilespmem:v52+s17+$0x0] =	vst.idx.msk $0xffff, v51  }
0x1b5: {  	[tilespmem:v54+s17+$0x0] =	vst.idx.msk $0xffff, v53  }
0x1b6: {  	[tilespmem:v56+s17+$0x0] =	vst.idx.msk $0xffff, v55  }
0x1b7: {  	[tilespmem:v58+s17+$0x0] =	vst.idx.msk $0xffff, v57  }
0x1b8: {  	[tilespmem:v60+s17+$0x0] =	vst.idx.msk $0xffff, v59  }
0x1b9: {  	v52 =	vadd.s32 v30, v50;
	v51 =	vld [tilespmem:s21+$0x50]  }
0x1ba: {  	v54 =	vadd.s32 v31, v50;
	v53 =	vld [tilespmem:s21+$0x60]  }
0x1bb: {  	v56 =	vadd.s32 v32, v50;
	v55 =	vld [tilespmem:s21+$0x70]  }
0x1bc: {  	v58 =	vadd.s32 v33, v50;
	v57 =	vld [tilespmem:s21+$0x80]  }
0x1bd: {  	v60 =	vadd.s32 v34, v50;
	v59 =	vld [tilespmem:s21+$0x90]  }
0x1be: {  	[tilespmem:v52+s17+$0x0] =	vst.idx.msk $0xffff, v51  }
0x1bf: {  	[tilespmem:v54+s17+$0x0] =	vst.idx.msk $0xffff, v53  }
0x1c0: {  	[tilespmem:v56+s17+$0x0] =	vst.idx.msk $0xffff, v55  }
0x1c1: {  	[tilespmem:v58+s17+$0x0] =	vst.idx.msk $0xffff, v57  }
0x1c2: {  	[tilespmem:v60+s17+$0x0] =	vst.idx.msk $0xffff, v59  }
0x1c3: {  	v52 =	vadd.s32 v35, v50;
	v51 =	vld [tilespmem:s21+$0xA0]  }
0x1c4: {  	v54 =	vadd.s32 v36, v50;
	v53 =	vld [tilespmem:s21+$0xB0]  }
0x1c5: {  	v56 =	vadd.s32 v37, v50;
	v55 =	vld [tilespmem:s21+$0xC0]  }
0x1c6: {  	v58 =	vadd.s32 v38, v50;
	v57 =	vld [tilespmem:s21+$0xD0]  }
0x1c7: {  	v60 =	vadd.s32 v39, v50;
	v59 =	vld [tilespmem:s21+$0xE0]  }
0x1c8: {  	[tilespmem:v52+s17+$0x0] =	vst.idx.msk $0xffff, v51  }
0x1c9: {  	[tilespmem:v54+s17+$0x0] =	vst.idx.msk $0xffff, v53  }
0x1ca: {  	[tilespmem:v56+s17+$0x0] =	vst.idx.msk $0xffff, v55  }
0x1cb: {  	[tilespmem:v58+s17+$0x0] =	vst.idx.msk $0xffff, v57  }
0x1cc: {  	[tilespmem:v60+s17+$0x0] =	vst.idx.msk $0xffff, v59  }
0x1cd: {  	v52 =	vadd.s32 v40, v50;
	v51 =	vld [tilespmem:s21+$0xF0]  }
0x1ce: {  	v54 =	vadd.s32 v41, v50;
	v53 =	vld [tilespmem:s21+$0x100]  }
0x1cf: {  	v56 =	vadd.s32 v42, v50;
	v55 =	vld [tilespmem:s21+$0x110]  }
0x1d0: {  	v58 =	vadd.s32 v43, v50;
	v57 =	vld [tilespmem:s21+$0x120]  }
0x1d1: {  	v60 =	vadd.s32 v44, v50;
	v59 =	vld [tilespmem:s21+$0x130]  }
0x1d2: {  	[tilespmem:v52+s17+$0x0] =	vst.idx.msk $0xffff, v51  }
0x1d3: {  	[tilespmem:v54+s17+$0x0] =	vst.idx.msk $0xffff, v53  }
0x1d4: {  	[tilespmem:v56+s17+$0x0] =	vst.idx.msk $0xffff, v55  }
0x1d5: {  	[tilespmem:v58+s17+$0x0] =	vst.idx.msk $0xffff, v57  }
0x1d6: {  	[tilespmem:v60+s17+$0x0] =	vst.idx.msk $0xffff, v59  }
0x1d7: {  	v60 =	vadd.s32 v45, v50;
	v52 =	vld [tilespmem:s21+$0x140]  }
0x1d8: {  	v61 =	vadd.s32 v46, v50;
	v54 =	vld [tilespmem:s21+$0x150]  }
0x1d9: {  	v62 =	vadd.s32 v47, v50;
	v56 =	vld [tilespmem:s21+$0x160]  }
0x1da: {  	v63 =	vadd.s32 v48, v50;
	v58 =	vld [tilespmem:s21+$0x170];
	_ =	sdelay $0x1  }
0x1db: {  	v51 =	vld [tilespmem:s21+$0x180];
	[tilespmem:v60+s17+$0x0] =	vst.idx.msk $0xffff, v52;
	v52 =	vadd.s32 v49, v50  }
0x1dc: {  	[tilespmem:v61+s17+$0x0] =	vst.idx.msk $0xffff, v54  }
0x1dd: {  	s31 =	simm.s32 $0x1;
	[tilespmem:v62+s17+$0x0] =	vst.idx.msk $0xffff, v56  }
0x1de: {  	s22 =	simm.s32 $0x2;
	v50 =	vmov s31;
	[tilespmem:v63+s17+$0x0] =	vst.idx.msk $0xffff, v58  }
.LBB2_6:
0x1df: {  	p0 =	sne.s32 s22, $0x1F  }
0x1e0: {  	v50 =	vand.u32 $0x1F, v50;
	[tilespmem:v52+s17+$0x0] =	vst.idx.msk $0xffff, v51;
	s21 =	sadd.s32 $0x320, s21;
	s23 =	smov.u32 s22;
	s22 =	sadd.s32 $0x1, s22  }
0x1e1: {  	v51 =	vld [tilespmem:s21+$0xFFFFFE70];
	v52 =	vadd.s32 v0, v50  }
0x1e2: {  	v54 =	vadd.s32 v1, v50;
	v53 =	vld [tilespmem:s21+$0xFFFFFE80]  }
0x1e3: {  	v56 =	vadd.s32 v2, v50;
	v55 =	vld [tilespmem:s21+$0xFFFFFE90]  }
0x1e4: {  	v58 =	vadd.s32 v3, v50;
	v57 =	vld [tilespmem:s21+$0xFFFFFEA0]  }
0x1e5: {  	v60 =	vadd.s32 v4, v50;
	v59 =	vld [tilespmem:s21+$0xFFFFFEB0]  }
0x1e6: {  	[tilespmem:v52+s17+$0x0] =	vst.idx.msk $0xffff, v51  }
0x1e7: {  	[tilespmem:v54+s17+$0x0] =	vst.idx.msk $0xffff, v53  }
0x1e8: {  	[tilespmem:v56+s17+$0x0] =	vst.idx.msk $0xffff, v55  }
0x1e9: {  	[tilespmem:v58+s17+$0x0] =	vst.idx.msk $0xffff, v57  }
0x1ea: {  	[tilespmem:v60+s17+$0x0] =	vst.idx.msk $0xffff, v59  }
0x1eb: {  	v52 =	vadd.s32 v5, v50;
	v51 =	vld [tilespmem:s21+$0xFFFFFEC0]  }
0x1ec: {  	v54 =	vadd.s32 v6, v50;
	v53 =	vld [tilespmem:s21+$0xFFFFFED0]  }
0x1ed: {  	v56 =	vadd.s32 v7, v50;
	v55 =	vld [tilespmem:s21+$0xFFFFFEE0]  }
0x1ee: {  	v58 =	vadd.s32 v8, v50;
	v57 =	vld [tilespmem:s21+$0xFFFFFEF0]  }
0x1ef: {  	v60 =	vadd.s32 v9, v50;
	v59 =	vld [tilespmem:s21+$0xFFFFFF00]  }
0x1f0: {  	[tilespmem:v52+s17+$0x0] =	vst.idx.msk $0xffff, v51  }
0x1f1: {  	[tilespmem:v54+s17+$0x0] =	vst.idx.msk $0xffff, v53  }
0x1f2: {  	[tilespmem:v56+s17+$0x0] =	vst.idx.msk $0xffff, v55  }
0x1f3: {  	[tilespmem:v58+s17+$0x0] =	vst.idx.msk $0xffff, v57  }
0x1f4: {  	[tilespmem:v60+s17+$0x0] =	vst.idx.msk $0xffff, v59  }
0x1f5: {  	v52 =	vadd.s32 v10, v50;
	v51 =	vld [tilespmem:s21+$0xFFFFFF10]  }
0x1f6: {  	v54 =	vadd.s32 v11, v50;
	v53 =	vld [tilespmem:s21+$0xFFFFFF20]  }
0x1f7: {  	v56 =	vadd.s32 v12, v50;
	v55 =	vld [tilespmem:s21+$0xFFFFFF30]  }
0x1f8: {  	v58 =	vadd.s32 v13, v50;
	v57 =	vld [tilespmem:s21+$0xFFFFFF40]  }
0x1f9: {  	v60 =	vadd.s32 v14, v50;
	v59 =	vld [tilespmem:s21+$0xFFFFFF50]  }
0x1fa: {  	[tilespmem:v52+s17+$0x0] =	vst.idx.msk $0xffff, v51  }
0x1fb: {  	[tilespmem:v54+s17+$0x0] =	vst.idx.msk $0xffff, v53  }
0x1fc: {  	[tilespmem:v56+s17+$0x0] =	vst.idx.msk $0xffff, v55  }
0x1fd: {  	[tilespmem:v58+s17+$0x0] =	vst.idx.msk $0xffff, v57  }
0x1fe: {  	[tilespmem:v60+s17+$0x0] =	vst.idx.msk $0xffff, v59  }
0x1ff: {  	v52 =	vadd.s32 v15, v50;
	v51 =	vld [tilespmem:s21+$0xFFFFFF60]  }
0x200: {  	v54 =	vadd.s32 v16, v50;
	v53 =	vld [tilespmem:s21+$0xFFFFFF70]  }
0x201: {  	v56 =	vadd.s32 v17, v50;
	v55 =	vld [tilespmem:s21+$0xFFFFFF80]  }
0x202: {  	v58 =	vadd.s32 v18, v50;
	v57 =	vld [tilespmem:s21+$0xFFFFFF90]  }
0x203: {  	v60 =	vadd.s32 v19, v50;
	v59 =	vld [tilespmem:s21+$0xFFFFFFA0]  }
0x204: {  	[tilespmem:v52+s17+$0x0] =	vst.idx.msk $0xffff, v51  }
0x205: {  	[tilespmem:v54+s17+$0x0] =	vst.idx.msk $0xffff, v53  }
0x206: {  	[tilespmem:v56+s17+$0x0] =	vst.idx.msk $0xffff, v55  }
0x207: {  	[tilespmem:v58+s17+$0x0] =	vst.idx.msk $0xffff, v57  }
0x208: {  	[tilespmem:v60+s17+$0x0] =	vst.idx.msk $0xffff, v59  }
0x209: {  	v52 =	vadd.s32 v20, v50;
	v51 =	vld [tilespmem:s21+$0xFFFFFFB0]  }
0x20a: {  	v54 =	vadd.s32 v21, v50;
	v53 =	vld [tilespmem:s21+$0xFFFFFFC0]  }
0x20b: {  	v56 =	vadd.s32 v22, v50;
	v55 =	vld [tilespmem:s21+$0xFFFFFFD0]  }
0x20c: {  	v58 =	vadd.s32 v23, v50;
	v57 =	vld [tilespmem:s21+$0xFFFFFFE0]  }
0x20d: {  	v60 =	vadd.s32 v24, v50;
	v59 =	vld [tilespmem:s21+$0xFFFFFFF0]  }
0x20e: {  	[tilespmem:v52+s17+$0x0] =	vst.idx.msk $0xffff, v51  }
0x20f: {  	[tilespmem:v54+s17+$0x0] =	vst.idx.msk $0xffff, v53  }
0x210: {  	[tilespmem:v56+s17+$0x0] =	vst.idx.msk $0xffff, v55  }
0x211: {  	[tilespmem:v58+s17+$0x0] =	vst.idx.msk $0xffff, v57  }
0x212: {  	[tilespmem:v60+s17+$0x0] =	vst.idx.msk $0xffff, v59  }
0x213: {  	v52 =	vadd.s32 v25, v50;
	v51 =	vld [tilespmem:s21+$0x0]  }
0x214: {  	v54 =	vadd.s32 v26, v50;
	v53 =	vld [tilespmem:s21+$0x10]  }
0x215: {  	v56 =	vadd.s32 v27, v50;
	v55 =	vld [tilespmem:s21+$0x20]  }
0x216: {  	v58 =	vadd.s32 v28, v50;
	v57 =	vld [tilespmem:s21+$0x30]  }
0x217: {  	v60 =	vadd.s32 v29, v50;
	v59 =	vld [tilespmem:s21+$0x40]  }
0x218: {  	[tilespmem:v52+s17+$0x0] =	vst.idx.msk $0xffff, v51  }
0x219: {  	[tilespmem:v54+s17+$0x0] =	vst.idx.msk $0xffff, v53  }
0x21a: {  	[tilespmem:v56+s17+$0x0] =	vst.idx.msk $0xffff, v55  }
0x21b: {  	[tilespmem:v58+s17+$0x0] =	vst.idx.msk $0xffff, v57  }
0x21c: {  	[tilespmem:v60+s17+$0x0] =	vst.idx.msk $0xffff, v59  }
0x21d: {  	v52 =	vadd.s32 v30, v50;
	v51 =	vld [tilespmem:s21+$0x50]  }
0x21e: {  	v54 =	vadd.s32 v31, v50;
	v53 =	vld [tilespmem:s21+$0x60]  }
0x21f: {  	v56 =	vadd.s32 v32, v50;
	v55 =	vld [tilespmem:s21+$0x70]  }
0x220: {  	v58 =	vadd.s32 v33, v50;
	v57 =	vld [tilespmem:s21+$0x80]  }
0x221: {  	v60 =	vadd.s32 v34, v50;
	v59 =	vld [tilespmem:s21+$0x90]  }
0x222: {  	[tilespmem:v52+s17+$0x0] =	vst.idx.msk $0xffff, v51  }
0x223: {  	[tilespmem:v54+s17+$0x0] =	vst.idx.msk $0xffff, v53  }
0x224: {  	[tilespmem:v56+s17+$0x0] =	vst.idx.msk $0xffff, v55  }
0x225: {  	[tilespmem:v58+s17+$0x0] =	vst.idx.msk $0xffff, v57  }
0x226: {  	[tilespmem:v60+s17+$0x0] =	vst.idx.msk $0xffff, v59  }
0x227: {  	v52 =	vadd.s32 v35, v50;
	v51 =	vld [tilespmem:s21+$0xA0]  }
0x228: {  	v54 =	vadd.s32 v36, v50;
	v53 =	vld [tilespmem:s21+$0xB0]  }
0x229: {  	v56 =	vadd.s32 v37, v50;
	v55 =	vld [tilespmem:s21+$0xC0]  }
0x22a: {  	v58 =	vadd.s32 v38, v50;
	v57 =	vld [tilespmem:s21+$0xD0]  }
0x22b: {  	v60 =	vadd.s32 v39, v50;
	v59 =	vld [tilespmem:s21+$0xE0]  }
0x22c: {  	[tilespmem:v52+s17+$0x0] =	vst.idx.msk $0xffff, v51  }
0x22d: {  	[tilespmem:v54+s17+$0x0] =	vst.idx.msk $0xffff, v53  }
0x22e: {  	[tilespmem:v56+s17+$0x0] =	vst.idx.msk $0xffff, v55  }
0x22f: {  	[tilespmem:v58+s17+$0x0] =	vst.idx.msk $0xffff, v57  }
0x230: {  	[tilespmem:v60+s17+$0x0] =	vst.idx.msk $0xffff, v59  }
0x231: {  	v52 =	vadd.s32 v40, v50;
	v51 =	vld [tilespmem:s21+$0xF0]  }
0x232: {  	v54 =	vadd.s32 v41, v50;
	v53 =	vld [tilespmem:s21+$0x100]  }
0x233: {  	v56 =	vadd.s32 v42, v50;
	v55 =	vld [tilespmem:s21+$0x110]  }
0x234: {  	v58 =	vadd.s32 v43, v50;
	v57 =	vld [tilespmem:s21+$0x120]  }
0x235: {  	v60 =	vadd.s32 v44, v50;
	v59 =	vld [tilespmem:s21+$0x130]  }
0x236: {  	[tilespmem:v52+s17+$0x0] =	vst.idx.msk $0xffff, v51  }
0x237: {  	[tilespmem:v54+s17+$0x0] =	vst.idx.msk $0xffff, v53  }
0x238: {  	[tilespmem:v56+s17+$0x0] =	vst.idx.msk $0xffff, v55  }
0x239: {  	[tilespmem:v58+s17+$0x0] =	vst.idx.msk $0xffff, v57  }
0x23a: {  	[tilespmem:v60+s17+$0x0] =	vst.idx.msk $0xffff, v59  }
0x23b: {  	v54 =	vadd.s32 v45, v50;
	v53 =	vld [tilespmem:s21+$0x140]  }
0x23c: {  	v56 =	vadd.s32 v46, v50;
	v55 =	vld [tilespmem:s21+$0x150]  }
0x23d: {  	v58 =	vadd.s32 v47, v50;
	v57 =	vld [tilespmem:s21+$0x160]  }
0x23e: {  	v60 =	vadd.s32 v48, v50;
	v59 =	vld [tilespmem:s21+$0x170]  }
.Ltmp2:
0x23f: {  	v52 =	vadd.s32 v49, v50;
	v51 =	vld [tilespmem:s21+$0x180];
	(pc) =	sbr.rel @p0 .LBB2_6-.Ltmp2, $4  }
0x240: {  	[tilespmem:v54+s17+$0x0] =	vst.idx.msk $0xffff, v53  }
0x241: {  	[tilespmem:v56+s17+$0x0] =	vst.idx.msk $0xffff, v55  }
0x242: {  	[tilespmem:v58+s17+$0x0] =	vst.idx.msk $0xffff, v57  }
0x243: {  	v50 =	vmov s23;
	[tilespmem:v60+s17+$0x0] =	vst.idx.msk $0xffff, v59  }
0x244: {  	_ =	sdelay $0x3  }
0x245: {  	v50 =	vand.u32 $0x1F, v50;
	[tilespmem:v52+s17+$0x0] =	vst.idx.msk $0xffff, v51;
	s21 =	sadd.s32 $0x320, s21  }
0x246: {  	v51 =	vld [tilespmem:s21+$0xFFFFFE70];
	v52 =	vadd.s32 v0, v50  }
0x247: {  	v53 =	vld [tilespmem:s21+$0xFFFFFE80];
	v54 =	vadd.s32 v1, v50  }
0x248: {  	v55 =	vld [tilespmem:s21+$0xFFFFFE90];
	v56 =	vadd.s32 v2, v50  }
0x249: {  	v57 =	vld [tilespmem:s21+$0xFFFFFEA0];
	v58 =	vadd.s32 v3, v50  }
0x24a: {  	v59 =	vld [tilespmem:s21+$0xFFFFFEB0];
	v60 =	vadd.s32 v4, v50  }
0x24b: {  	[tilespmem:v52+s17+$0x0] =	vst.idx.msk $0xffff, v51  }
0x24c: {  	[tilespmem:v54+s17+$0x0] =	vst.idx.msk $0xffff, v53  }
0x24d: {  	[tilespmem:v56+s17+$0x0] =	vst.idx.msk $0xffff, v55  }
0x24e: {  	[tilespmem:v58+s17+$0x0] =	vst.idx.msk $0xffff, v57  }
0x24f: {  	[tilespmem:v60+s17+$0x0] =	vst.idx.msk $0xffff, v59  }
0x250: {  	v52 =	vadd.s32 v5, v50;
	v51 =	vld [tilespmem:s21+$0xFFFFFEC0]  }
0x251: {  	v54 =	vadd.s32 v6, v50;
	v53 =	vld [tilespmem:s21+$0xFFFFFED0]  }
0x252: {  	v56 =	vadd.s32 v7, v50;
	v55 =	vld [tilespmem:s21+$0xFFFFFEE0]  }
0x253: {  	v58 =	vadd.s32 v8, v50;
	v57 =	vld [tilespmem:s21+$0xFFFFFEF0]  }
0x254: {  	v60 =	vadd.s32 v9, v50;
	v59 =	vld [tilespmem:s21+$0xFFFFFF00]  }
0x255: {  	[tilespmem:v52+s17+$0x0] =	vst.idx.msk $0xffff, v51  }
0x256: {  	[tilespmem:v54+s17+$0x0] =	vst.idx.msk $0xffff, v53  }
0x257: {  	[tilespmem:v56+s17+$0x0] =	vst.idx.msk $0xffff, v55  }
0x258: {  	[tilespmem:v58+s17+$0x0] =	vst.idx.msk $0xffff, v57  }
0x259: {  	[tilespmem:v60+s17+$0x0] =	vst.idx.msk $0xffff, v59  }
0x25a: {  	v52 =	vadd.s32 v10, v50;
	v51 =	vld [tilespmem:s21+$0xFFFFFF10]  }
0x25b: {  	v54 =	vadd.s32 v11, v50;
	v53 =	vld [tilespmem:s21+$0xFFFFFF20]  }
0x25c: {  	v56 =	vadd.s32 v12, v50;
	v55 =	vld [tilespmem:s21+$0xFFFFFF30]  }
0x25d: {  	v58 =	vadd.s32 v13, v50;
	v57 =	vld [tilespmem:s21+$0xFFFFFF40]  }
0x25e: {  	v60 =	vadd.s32 v14, v50;
	v59 =	vld [tilespmem:s21+$0xFFFFFF50]  }
0x25f: {  	[tilespmem:v52+s17+$0x0] =	vst.idx.msk $0xffff, v51  }
0x260: {  	[tilespmem:v54+s17+$0x0] =	vst.idx.msk $0xffff, v53  }
0x261: {  	[tilespmem:v56+s17+$0x0] =	vst.idx.msk $0xffff, v55  }
0x262: {  	[tilespmem:v58+s17+$0x0] =	vst.idx.msk $0xffff, v57  }
0x263: {  	[tilespmem:v60+s17+$0x0] =	vst.idx.msk $0xffff, v59  }
0x264: {  	v52 =	vadd.s32 v15, v50;
	v51 =	vld [tilespmem:s21+$0xFFFFFF60]  }
0x265: {  	v54 =	vadd.s32 v16, v50;
	v53 =	vld [tilespmem:s21+$0xFFFFFF70]  }
0x266: {  	v56 =	vadd.s32 v17, v50;
	v55 =	vld [tilespmem:s21+$0xFFFFFF80]  }
0x267: {  	v58 =	vadd.s32 v18, v50;
	v57 =	vld [tilespmem:s21+$0xFFFFFF90]  }
0x268: {  	v60 =	vadd.s32 v19, v50;
	v59 =	vld [tilespmem:s21+$0xFFFFFFA0]  }
0x269: {  	[tilespmem:v52+s17+$0x0] =	vst.idx.msk $0xffff, v51  }
0x26a: {  	[tilespmem:v54+s17+$0x0] =	vst.idx.msk $0xffff, v53  }
0x26b: {  	[tilespmem:v56+s17+$0x0] =	vst.idx.msk $0xffff, v55  }
0x26c: {  	[tilespmem:v58+s17+$0x0] =	vst.idx.msk $0xffff, v57  }
0x26d: {  	[tilespmem:v60+s17+$0x0] =	vst.idx.msk $0xffff, v59  }
0x26e: {  	v52 =	vadd.s32 v20, v50;
	v51 =	vld [tilespmem:s21+$0xFFFFFFB0]  }
0x26f: {  	v54 =	vadd.s32 v21, v50;
	v53 =	vld [tilespmem:s21+$0xFFFFFFC0]  }
0x270: {  	v56 =	vadd.s32 v22, v50;
	v55 =	vld [tilespmem:s21+$0xFFFFFFD0]  }
0x271: {  	v58 =	vadd.s32 v23, v50;
	v57 =	vld [tilespmem:s21+$0xFFFFFFE0]  }
0x272: {  	v60 =	vadd.s32 v24, v50;
	v59 =	vld [tilespmem:s21+$0xFFFFFFF0]  }
0x273: {  	[tilespmem:v52+s17+$0x0] =	vst.idx.msk $0xffff, v51  }
0x274: {  	[tilespmem:v54+s17+$0x0] =	vst.idx.msk $0xffff, v53  }
0x275: {  	[tilespmem:v56+s17+$0x0] =	vst.idx.msk $0xffff, v55  }
0x276: {  	[tilespmem:v58+s17+$0x0] =	vst.idx.msk $0xffff, v57  }
0x277: {  	[tilespmem:v60+s17+$0x0] =	vst.idx.msk $0xffff, v59  }
0x278: {  	v52 =	vadd.s32 v25, v50;
	v51 =	vld [tilespmem:s21+$0x0]  }
0x279: {  	v54 =	vadd.s32 v26, v50;
	v53 =	vld [tilespmem:s21+$0x10]  }
0x27a: {  	v56 =	vadd.s32 v27, v50;
	v55 =	vld [tilespmem:s21+$0x20]  }
0x27b: {  	v58 =	vadd.s32 v28, v50;
	v57 =	vld [tilespmem:s21+$0x30]  }
0x27c: {  	v60 =	vadd.s32 v29, v50;
	v59 =	vld [tilespmem:s21+$0x40]  }
0x27d: {  	[tilespmem:v52+s17+$0x0] =	vst.idx.msk $0xffff, v51  }
0x27e: {  	[tilespmem:v54+s17+$0x0] =	vst.idx.msk $0xffff, v53  }
0x27f: {  	[tilespmem:v56+s17+$0x0] =	vst.idx.msk $0xffff, v55  }
0x280: {  	[tilespmem:v58+s17+$0x0] =	vst.idx.msk $0xffff, v57  }
0x281: {  	[tilespmem:v60+s17+$0x0] =	vst.idx.msk $0xffff, v59  }
0x282: {  	v52 =	vadd.s32 v30, v50;
	v51 =	vld [tilespmem:s21+$0x50]  }
0x283: {  	v54 =	vadd.s32 v31, v50;
	v53 =	vld [tilespmem:s21+$0x60]  }
0x284: {  	v56 =	vadd.s32 v32, v50;
	v55 =	vld [tilespmem:s21+$0x70]  }
0x285: {  	v58 =	vadd.s32 v33, v50;
	v57 =	vld [tilespmem:s21+$0x80]  }
0x286: {  	v60 =	vadd.s32 v34, v50;
	v59 =	vld [tilespmem:s21+$0x90]  }
0x287: {  	[tilespmem:v52+s17+$0x0] =	vst.idx.msk $0xffff, v51  }
0x288: {  	[tilespmem:v54+s17+$0x0] =	vst.idx.msk $0xffff, v53  }
0x289: {  	[tilespmem:v56+s17+$0x0] =	vst.idx.msk $0xffff, v55  }
0x28a: {  	[tilespmem:v58+s17+$0x0] =	vst.idx.msk $0xffff, v57  }
0x28b: {  	[tilespmem:v60+s17+$0x0] =	vst.idx.msk $0xffff, v59  }
0x28c: {  	v52 =	vadd.s32 v35, v50;
	v51 =	vld [tilespmem:s21+$0xA0]  }
0x28d: {  	v54 =	vadd.s32 v36, v50;
	v53 =	vld [tilespmem:s21+$0xB0]  }
0x28e: {  	v56 =	vadd.s32 v37, v50;
	v55 =	vld [tilespmem:s21+$0xC0]  }
0x28f: {  	v58 =	vadd.s32 v38, v50;
	v57 =	vld [tilespmem:s21+$0xD0]  }
0x290: {  	v60 =	vadd.s32 v39, v50;
	v59 =	vld [tilespmem:s21+$0xE0]  }
0x291: {  	[tilespmem:v52+s17+$0x0] =	vst.idx.msk $0xffff, v51  }
0x292: {  	[tilespmem:v54+s17+$0x0] =	vst.idx.msk $0xffff, v53  }
0x293: {  	[tilespmem:v56+s17+$0x0] =	vst.idx.msk $0xffff, v55  }
0x294: {  	[tilespmem:v58+s17+$0x0] =	vst.idx.msk $0xffff, v57  }
0x295: {  	[tilespmem:v60+s17+$0x0] =	vst.idx.msk $0xffff, v59  }
0x296: {  	v52 =	vadd.s32 v40, v50;
	v51 =	vld [tilespmem:s21+$0xF0]  }
0x297: {  	v54 =	vadd.s32 v41, v50;
	v53 =	vld [tilespmem:s21+$0x100]  }
0x298: {  	v56 =	vadd.s32 v42, v50;
	v55 =	vld [tilespmem:s21+$0x110]  }
0x299: {  	v58 =	vadd.s32 v43, v50;
	v57 =	vld [tilespmem:s21+$0x120]  }
0x29a: {  	v60 =	vadd.s32 v44, v50;
	v59 =	vld [tilespmem:s21+$0x130]  }
0x29b: {  	[tilespmem:v52+s17+$0x0] =	vst.idx.msk $0xffff, v51  }
0x29c: {  	[tilespmem:v54+s17+$0x0] =	vst.idx.msk $0xffff, v53  }
0x29d: {  	[tilespmem:v56+s17+$0x0] =	vst.idx.msk $0xffff, v55  }
0x29e: {  	[tilespmem:v58+s17+$0x0] =	vst.idx.msk $0xffff, v57  }
0x29f: {  	[tilespmem:v60+s17+$0x0] =	vst.idx.msk $0xffff, v59  }
0x2a0: {  	v60 =	vadd.s32 v45, v50;
	v51 =	vld [tilespmem:s21+$0x140]  }
0x2a1: {  	v61 =	vadd.s32 v46, v50;
	v53 =	vld [tilespmem:s21+$0x150]  }
0x2a2: {  	v62 =	vadd.s32 v47, v50;
	v55 =	vld [tilespmem:s21+$0x160]  }
0x2a3: {  	v63 =	vadd.s32 v48, v50;
	v57 =	vld [tilespmem:s21+$0x170]  }
0x2a4: {  	v50 =	vadd.s32 v49, v50;
	v59 =	vld [tilespmem:s21+$0x180]  }
0x2a5: {  	[tilespmem:v60+s17+$0x0] =	vst.idx.msk $0xffff, v51  }
0x2a6: {  	[tilespmem:v61+s17+$0x0] =	vst.idx.msk $0xffff, v53  }
0x2a7: {  	[tilespmem:v62+s17+$0x0] =	vst.idx.msk $0xffff, v55  }
0x2a8: {  	[tilespmem:v63+s17+$0x0] =	vst.idx.msk $0xffff, v57  }
0x2a9: {  	s28 =	simm.s32 $0x15E00;
	[tilespmem:v50+s17+$0x0] =	vst.idx.msk $0xffff, v59  }
0x2aa: {  	[hbm4b:s6+s2] =	stream.linear.scatter [tilespmem:s28], [sflag:$0x2], $0x20, $0x38;
	[tilespmem:$0x1DB00] =	vst v63  }
0x2ab: {  	s29 =	simm.s32 $0x15E28;
	s22 =	sadd.s32 $0x10, s6  }
0x2ac: {  	[hbm4b:s22+s2] =	stream.linear.scatter [tilespmem:s29], [sflag:$0x2], $0x20, $0x38;
	[tilespmem:$0x1DB00] =	vst v63  }
0x2ad: {  	s30 =	simm.s32 $0x15E50;
	s31 =	sadd.s32 $0x20, s6;
	s23 =	simm.s32 $0x15E78  }
0x2ae: {  	[hbm4b:s31+s2] =	stream.linear.scatter [tilespmem:s30], [sflag:$0x2], $0x20, $0x38;
	[tilespmem:$0x1DB00] =	vst v63  }
0x2af: {  	s24 =	sadd.s32 $0x30, s6;
	s25 =	simm.s32 $0x15EA0;
	s26 =	sadd.s32 $0x40, s6  }
0x2b0: {  	[hbm4b:s24+s2] =	stream.linear.scatter [tilespmem:s23], [sflag:$0x2], $0x20, $0x38;
	[tilespmem:$0x1DB00] =	vst v63  }
0x2b1: {  	s21 =	simm.s32 $0x140;
	s28 =	simm.s32 $0x15EC8;
	s29 =	sadd.s32 $0x50, s6  }
0x2b2: {  	[hbm4b:s26+s2] =	stream.linear.scatter [tilespmem:s25], [sflag:$0x2], $0x20, $0x38;
	[tilespmem:$0x1DB00] =	vst v63  }
0x2b3: {  	s22 =	sadd.s32 $0x1000, s6;
	s30 =	simm.s32 $0x15EF0;
	s31 =	sadd.s32 $0x60, s6  }
0x2b4: {  	[hbm4b:s29+s2] =	stream.linear.scatter [tilespmem:s28], [sflag:$0x2], $0x20, $0x38;
	[tilespmem:$0x1DB00] =	vst v63  }
0x2b5: {  	s23 =	simm.s32 $0xA00;
	s24 =	simm.s32 $0x15F18;
	s25 =	sadd.s32 $0x70, s6  }
0x2b6: {  	[hbm4b:s31+s2] =	stream.linear.scatter [tilespmem:s30], [sflag:$0x2], $0x20, $0x38;
	[tilespmem:$0x1DB00] =	vst v63  }
.LBB2_8:
0x2b7: {  	[hbm4b:s25+s2] =	stream.linear.scatter [tilespmem:s24], [sflag:$0x2], $0x20, $0x38;
	[tilespmem:$0x1DB00] =	vst v63  }
0x2b8: {  	s24 =	smov.u32 s21;
	s21 =	smov.u32 s23  }
0x2b9: {  	s26 =	sadd.s32 $0x500, s23;
	s21 =	sshra.s32 s21, $0x2;
	s25 =	sadd.s32 $0x15E00, s24  }
0x2ba: {  	[hbm4b:s22+s2] =	stream.linear.scatter [tilespmem:s25], [sflag:$0x2], $0x20, $0x38;
	[tilespmem:$0x1DB00] =	vst v63  }
0x2bb: {  	p0 =	sne.s32 s23, $0x1EF00;
	s23 =	sadd.s32 $0x15E28, s24;
	s25 =	sadd.s32 $0x10, s22  }
0x2bc: {  	[hbm4b:s25+s2] =	stream.linear.scatter [tilespmem:s23], [sflag:$0x2], $0x20, $0x38;
	[tilespmem:$0x1DB00] =	vst v63  }
0x2bd: {  	s23 =	sadd.s32 $0x15E50, s24;
	s25 =	sadd.s32 $0x20, s22  }
0x2be: {  	[hbm4b:s25+s2] =	stream.linear.scatter [tilespmem:s23], [sflag:$0x2], $0x20, $0x38;
	[tilespmem:$0x1DB00] =	vst v63  }
0x2bf: {  	s23 =	sadd.s32 $0x15E78, s24;
	s25 =	sadd.s32 $0x30, s22  }
0x2c0: {  	[hbm4b:s25+s2] =	stream.linear.scatter [tilespmem:s23], [sflag:$0x2], $0x20, $0x38;
	[tilespmem:$0x1DB00] =	vst v63  }
0x2c1: {  	s23 =	sadd.s32 $0x15EA0, s24;
	s25 =	sadd.s32 $0x40, s22  }
0x2c2: {  	[hbm4b:s25+s2] =	stream.linear.scatter [tilespmem:s23], [sflag:$0x2], $0x20, $0x38;
	[tilespmem:$0x1DB00] =	vst v63  }
.Ltmp3:
0x2c3: {  	s23 =	sadd.s32 $0x15EC8, s24;
	s25 =	sadd.s32 $0x50, s22;
	(pc) =	sbr.rel @p0 .LBB2_8-.Ltmp3, $4  }
0x2c4: {  	[hbm4b:s25+s2] =	stream.linear.scatter [tilespmem:s23], [sflag:$0x2], $0x20, $0x38;
	[tilespmem:$0x1DB00] =	vst v63  }
0x2c5: {  	s23 =	sadd.s32 $0x15EF0, s24;
	s25 =	sadd.s32 $0x60, s22;
	s24 =	sadd.s32 $0x15F18, s24  }
0x2c6: {  	[hbm4b:s25+s2] =	stream.linear.scatter [tilespmem:s23], [sflag:$0x2], $0x20, $0x38;
	[tilespmem:$0x1DB00] =	vst v63  }
0x2c7: {  	s25 =	sadd.s32 $0x70, s22;
	s22 =	sadd.s32 $0x1000, s22;
	s23 =	smov.u32 s26  }
0x2c8: {  	[hbm4b:s25+s2] =	stream.linear.scatter [tilespmem:s24], [sflag:$0x2], $0x20, $0x38;
	[tilespmem:$0x1DB00] =	vst v63  }
0x2c9: {  	s23 =	sadd.s32 $0x15E00, s21  }
0x2ca: {  	[hbm4b:s22+s2] =	stream.linear.scatter [tilespmem:s23], [sflag:$0x2], $0x20, $0x38;
	[tilespmem:$0x1DB00] =	vst v63  }
0x2cb: {  	s28 =	sadd.s32 $0x15E28, s21;
	s29 =	sadd.s32 $0x10, s22  }
0x2cc: {  	[hbm4b:s29+s2] =	stream.linear.scatter [tilespmem:s28], [sflag:$0x2], $0x20, $0x38;
	[tilespmem:$0x1DB00] =	vst v63  }
0x2cd: {  	s30 =	sadd.s32 $0x15E50, s21;
	s31 =	sadd.s32 $0x20, s22  }
0x2ce: {  	[hbm4b:s31+s2] =	stream.linear.scatter [tilespmem:s30], [sflag:$0x2], $0x20, $0x38;
	[tilespmem:$0x1DB00] =	vst v63  }
0x2cf: {  	s25 =	sadd.s32 $0x15E78, s21;
	s26 =	sadd.s32 $0x30, s22  }
0x2d0: {  	[hbm4b:s26+s2] =	stream.linear.scatter [tilespmem:s25], [sflag:$0x2], $0x20, $0x38;
	[tilespmem:$0x1DB00] =	vst v63  }
0x2d1: {  	s28 =	sadd.s32 $0x15EA0, s21;
	s29 =	sadd.s32 $0x40, s22  }
0x2d2: {  	[hbm4b:s29+s2] =	stream.linear.scatter [tilespmem:s28], [sflag:$0x2], $0x20, $0x38;
	[tilespmem:$0x1DB00] =	vst v63  }
0x2d3: {  	s30 =	sadd.s32 $0x15EC8, s21;
	s31 =	sadd.s32 $0x50, s22  }
0x2d4: {  	[hbm4b:s31+s2] =	stream.linear.scatter [tilespmem:s30], [sflag:$0x2], $0x20, $0x38;
	[tilespmem:$0x1DB00] =	vst v63  }
0x2d5: {  	s25 =	sadd.s32 $0x15EF0, s21;
	s26 =	sadd.s32 $0x60, s22  }
0x2d6: {  	[hbm4b:s26+s2] =	stream.linear.scatter [tilespmem:s25], [sflag:$0x2], $0x20, $0x38;
	[tilespmem:$0x1DB00] =	vst v63  }
0x2d7: {  	s28 =	sadd.s32 $0x15F18, s21;
	s29 =	sadd.s32 $0x70, s22  }
0x2d8: {  	[hbm4b:s29+s2] =	stream.linear.scatter [tilespmem:s28], [sflag:$0x2], $0x20, $0x38;
	[tilespmem:$0x1DB00] =	vst v63  }
0x2d9: {  	_ =	swait.ge [sflag:s13], $0x6400  }
0x2da: {  	[sflag:s13] =	ssyncset.done $0x0  }
0x2db: {  	[sflag:s13] =	ssyncadd.s32 $0xFFFF9C00  }
0x2dc: {  	[tilespmem:s14], [sflag:$0x1] =	stream.indirect.gather [hbm4b:s3+s11], $0x10, s18, s11, $0xb8;
	[tilespmem:$0x1DB00] =	vst v63  }
0x2dd: {  	s30 =	simm.s32 $0x0;
	_ =	swait.ge [sflag:s19], $0x6400  }
0x2de: {  	v50 =	vmov s30;
	[sflag:s19] =	ssyncset.done $0x0  }
0x2df: {  	s21 =	simm.s32 $0x1A90;
	v50 =	vand.u32 $0x1F, v50;
	[sflag:s19] =	ssyncadd.s32 $0xFFFF9C00  }
0x2e0: {  	v52 =	vadd.s32 v0, v50;
	v51 =	vld [tilespmem:s21+$0xFFFFFE70]  }
0x2e1: {  	v54 =	vadd.s32 v1, v50;
	v53 =	vld [tilespmem:s21+$0xFFFFFE80]  }
0x2e2: {  	v56 =	vadd.s32 v2, v50;
	v55 =	vld [tilespmem:s21+$0xFFFFFE90]  }
0x2e3: {  	v58 =	vadd.s32 v3, v50;
	v57 =	vld [tilespmem:s21+$0xFFFFFEA0]  }
0x2e4: {  	v60 =	vadd.s32 v4, v50;
	v59 =	vld [tilespmem:s21+$0xFFFFFEB0]  }
0x2e5: {  	[tilespmem:v52+s15+$0x0] =	vst.idx.msk $0xffff, v51  }
0x2e6: {  	[tilespmem:v54+s15+$0x0] =	vst.idx.msk $0xffff, v53  }
0x2e7: {  	[tilespmem:v56+s15+$0x0] =	vst.idx.msk $0xffff, v55  }
0x2e8: {  	[tilespmem:v58+s15+$0x0] =	vst.idx.msk $0xffff, v57  }
0x2e9: {  	[tilespmem:v60+s15+$0x0] =	vst.idx.msk $0xffff, v59  }
0x2ea: {  	v52 =	vadd.s32 v5, v50;
	v51 =	vld [tilespmem:s21+$0xFFFFFEC0]  }
0x2eb: {  	v54 =	vadd.s32 v6, v50;
	v53 =	vld [tilespmem:s21+$0xFFFFFED0]  }
0x2ec: {  	v56 =	vadd.s32 v7, v50;
	v55 =	vld [tilespmem:s21+$0xFFFFFEE0]  }
0x2ed: {  	v58 =	vadd.s32 v8, v50;
	v57 =	vld [tilespmem:s21+$0xFFFFFEF0]  }
0x2ee: {  	v60 =	vadd.s32 v9, v50;
	v59 =	vld [tilespmem:s21+$0xFFFFFF00]  }
0x2ef: {  	[tilespmem:v52+s15+$0x0] =	vst.idx.msk $0xffff, v51  }
0x2f0: {  	[tilespmem:v54+s15+$0x0] =	vst.idx.msk $0xffff, v53  }
0x2f1: {  	[tilespmem:v56+s15+$0x0] =	vst.idx.msk $0xffff, v55  }
0x2f2: {  	[tilespmem:v58+s15+$0x0] =	vst.idx.msk $0xffff, v57  }
0x2f3: {  	[tilespmem:v60+s15+$0x0] =	vst.idx.msk $0xffff, v59  }
0x2f4: {  	v52 =	vadd.s32 v10, v50;
	v51 =	vld [tilespmem:s21+$0xFFFFFF10]  }
0x2f5: {  	v54 =	vadd.s32 v11, v50;
	v53 =	vld [tilespmem:s21+$0xFFFFFF20]  }
0x2f6: {  	v56 =	vadd.s32 v12, v50;
	v55 =	vld [tilespmem:s21+$0xFFFFFF30]  }
0x2f7: {  	v58 =	vadd.s32 v13, v50;
	v57 =	vld [tilespmem:s21+$0xFFFFFF40]  }
0x2f8: {  	v60 =	vadd.s32 v14, v50;
	v59 =	vld [tilespmem:s21+$0xFFFFFF50]  }
0x2f9: {  	[tilespmem:v52+s15+$0x0] =	vst.idx.msk $0xffff, v51  }
0x2fa: {  	[tilespmem:v54+s15+$0x0] =	vst.idx.msk $0xffff, v53  }
0x2fb: {  	[tilespmem:v56+s15+$0x0] =	vst.idx.msk $0xffff, v55  }
0x2fc: {  	[tilespmem:v58+s15+$0x0] =	vst.idx.msk $0xffff, v57  }
0x2fd: {  	[tilespmem:v60+s15+$0x0] =	vst.idx.msk $0xffff, v59  }
0x2fe: {  	v52 =	vadd.s32 v15, v50;
	v51 =	vld [tilespmem:s21+$0xFFFFFF60]  }
0x2ff: {  	v54 =	vadd.s32 v16, v50;
	v53 =	vld [tilespmem:s21+$0xFFFFFF70]  }
0x300: {  	v56 =	vadd.s32 v17, v50;
	v55 =	vld [tilespmem:s21+$0xFFFFFF80]  }
0x301: {  	v58 =	vadd.s32 v18, v50;
	v57 =	vld [tilespmem:s21+$0xFFFFFF90]  }
0x302: {  	v60 =	vadd.s32 v19, v50;
	v59 =	vld [tilespmem:s21+$0xFFFFFFA0]  }
0x303: {  	[tilespmem:v52+s15+$0x0] =	vst.idx.msk $0xffff, v51  }
0x304: {  	[tilespmem:v54+s15+$0x0] =	vst.idx.msk $0xffff, v53  }
0x305: {  	[tilespmem:v56+s15+$0x0] =	vst.idx.msk $0xffff, v55  }
0x306: {  	[tilespmem:v58+s15+$0x0] =	vst.idx.msk $0xffff, v57  }
0x307: {  	[tilespmem:v60+s15+$0x0] =	vst.idx.msk $0xffff, v59  }
0x308: {  	v52 =	vadd.s32 v20, v50;
	v51 =	vld [tilespmem:s21+$0xFFFFFFB0]  }
0x309: {  	v54 =	vadd.s32 v21, v50;
	v53 =	vld [tilespmem:s21+$0xFFFFFFC0]  }
0x30a: {  	v56 =	vadd.s32 v22, v50;
	v55 =	vld [tilespmem:s21+$0xFFFFFFD0]  }
0x30b: {  	v58 =	vadd.s32 v23, v50;
	v57 =	vld [tilespmem:s21+$0xFFFFFFE0]  }
0x30c: {  	v60 =	vadd.s32 v24, v50;
	v59 =	vld [tilespmem:s21+$0xFFFFFFF0]  }
0x30d: {  	[tilespmem:v52+s15+$0x0] =	vst.idx.msk $0xffff, v51  }
0x30e: {  	[tilespmem:v54+s15+$0x0] =	vst.idx.msk $0xffff, v53  }
0x30f: {  	[tilespmem:v56+s15+$0x0] =	vst.idx.msk $0xffff, v55  }
0x310: {  	[tilespmem:v58+s15+$0x0] =	vst.idx.msk $0xffff, v57  }
0x311: {  	[tilespmem:v60+s15+$0x0] =	vst.idx.msk $0xffff, v59  }
0x312: {  	v52 =	vadd.s32 v25, v50;
	v51 =	vld [tilespmem:s21+$0x0]  }
0x313: {  	v54 =	vadd.s32 v26, v50;
	v53 =	vld [tilespmem:s21+$0x10]  }
0x314: {  	v56 =	vadd.s32 v27, v50;
	v55 =	vld [tilespmem:s21+$0x20]  }
0x315: {  	v58 =	vadd.s32 v28, v50;
	v57 =	vld [tilespmem:s21+$0x30]  }
0x316: {  	v60 =	vadd.s32 v29, v50;
	v59 =	vld [tilespmem:s21+$0x40]  }
0x317: {  	[tilespmem:v52+s15+$0x0] =	vst.idx.msk $0xffff, v51  }
0x318: {  	[tilespmem:v54+s15+$0x0] =	vst.idx.msk $0xffff, v53  }
0x319: {  	[tilespmem:v56+s15+$0x0] =	vst.idx.msk $0xffff, v55  }
0x31a: {  	[tilespmem:v58+s15+$0x0] =	vst.idx.msk $0xffff, v57  }
0x31b: {  	[tilespmem:v60+s15+$0x0] =	vst.idx.msk $0xffff, v59  }
0x31c: {  	v52 =	vadd.s32 v30, v50;
	v51 =	vld [tilespmem:s21+$0x50]  }
0x31d: {  	v54 =	vadd.s32 v31, v50;
	v53 =	vld [tilespmem:s21+$0x60]  }
0x31e: {  	v56 =	vadd.s32 v32, v50;
	v55 =	vld [tilespmem:s21+$0x70]  }
0x31f: {  	v58 =	vadd.s32 v33, v50;
	v57 =	vld [tilespmem:s21+$0x80]  }
0x320: {  	v60 =	vadd.s32 v34, v50;
	v59 =	vld [tilespmem:s21+$0x90]  }
0x321: {  	[tilespmem:v52+s15+$0x0] =	vst.idx.msk $0xffff, v51  }
0x322: {  	[tilespmem:v54+s15+$0x0] =	vst.idx.msk $0xffff, v53  }
0x323: {  	[tilespmem:v56+s15+$0x0] =	vst.idx.msk $0xffff, v55  }
0x324: {  	[tilespmem:v58+s15+$0x0] =	vst.idx.msk $0xffff, v57  }
0x325: {  	[tilespmem:v60+s15+$0x0] =	vst.idx.msk $0xffff, v59  }
0x326: {  	v52 =	vadd.s32 v35, v50;
	v51 =	vld [tilespmem:s21+$0xA0]  }
0x327: {  	v54 =	vadd.s32 v36, v50;
	v53 =	vld [tilespmem:s21+$0xB0]  }
0x328: {  	v56 =	vadd.s32 v37, v50;
	v55 =	vld [tilespmem:s21+$0xC0]  }
0x329: {  	v58 =	vadd.s32 v38, v50;
	v57 =	vld [tilespmem:s21+$0xD0]  }
0x32a: {  	v60 =	vadd.s32 v39, v50;
	v59 =	vld [tilespmem:s21+$0xE0]  }
0x32b: {  	[tilespmem:v52+s15+$0x0] =	vst.idx.msk $0xffff, v51  }
0x32c: {  	[tilespmem:v54+s15+$0x0] =	vst.idx.msk $0xffff, v53  }
0x32d: {  	[tilespmem:v56+s15+$0x0] =	vst.idx.msk $0xffff, v55  }
0x32e: {  	[tilespmem:v58+s15+$0x0] =	vst.idx.msk $0xffff, v57  }
0x32f: {  	[tilespmem:v60+s15+$0x0] =	vst.idx.msk $0xffff, v59  }
0x330: {  	v52 =	vadd.s32 v40, v50;
	v51 =	vld [tilespmem:s21+$0xF0]  }
0x331: {  	v54 =	vadd.s32 v41, v50;
	v53 =	vld [tilespmem:s21+$0x100]  }
0x332: {  	v56 =	vadd.s32 v42, v50;
	v55 =	vld [tilespmem:s21+$0x110]  }
0x333: {  	v58 =	vadd.s32 v43, v50;
	v57 =	vld [tilespmem:s21+$0x120]  }
0x334: {  	v60 =	vadd.s32 v44, v50;
	v59 =	vld [tilespmem:s21+$0x130]  }
0x335: {  	[tilespmem:v52+s15+$0x0] =	vst.idx.msk $0xffff, v51  }
0x336: {  	[tilespmem:v54+s15+$0x0] =	vst.idx.msk $0xffff, v53  }
0x337: {  	[tilespmem:v56+s15+$0x0] =	vst.idx.msk $0xffff, v55  }
0x338: {  	[tilespmem:v58+s15+$0x0] =	vst.idx.msk $0xffff, v57  }
0x339: {  	[tilespmem:v60+s15+$0x0] =	vst.idx.msk $0xffff, v59  }
0x33a: {  	v60 =	vadd.s32 v45, v50;
	v52 =	vld [tilespmem:s21+$0x140]  }
0x33b: {  	v61 =	vadd.s32 v46, v50;
	v54 =	vld [tilespmem:s21+$0x150]  }
0x33c: {  	v62 =	vadd.s32 v47, v50;
	v56 =	vld [tilespmem:s21+$0x160]  }
0x33d: {  	v63 =	vadd.s32 v48, v50;
	v58 =	vld [tilespmem:s21+$0x170];
	_ =	sdelay $0x1  }
0x33e: {  	v51 =	vld [tilespmem:s21+$0x180];
	[tilespmem:v60+s15+$0x0] =	vst.idx.msk $0xffff, v52;
	v52 =	vadd.s32 v49, v50  }
0x33f: {  	[tilespmem:v61+s15+$0x0] =	vst.idx.msk $0xffff, v54  }
0x340: {  	s31 =	simm.s32 $0x1;
	[tilespmem:v62+s15+$0x0] =	vst.idx.msk $0xffff, v56  }
0x341: {  	s22 =	simm.s32 $0x2;
	v50 =	vmov s31;
	[tilespmem:v63+s15+$0x0] =	vst.idx.msk $0xffff, v58  }
.LBB2_10:
0x342: {  	p0 =	sne.s32 s22, $0x1F  }
0x343: {  	v50 =	vand.u32 $0x1F, v50;
	[tilespmem:v52+s15+$0x0] =	vst.idx.msk $0xffff, v51;
	s21 =	sadd.s32 $0x320, s21;
	s23 =	smov.u32 s22;
	s22 =	sadd.s32 $0x1, s22  }
0x344: {  	v51 =	vld [tilespmem:s21+$0xFFFFFE70];
	v52 =	vadd.s32 v0, v50  }
0x345: {  	v54 =	vadd.s32 v1, v50;
	v53 =	vld [tilespmem:s21+$0xFFFFFE80]  }
0x346: {  	v56 =	vadd.s32 v2, v50;
	v55 =	vld [tilespmem:s21+$0xFFFFFE90]  }
0x347: {  	v58 =	vadd.s32 v3, v50;
	v57 =	vld [tilespmem:s21+$0xFFFFFEA0]  }
0x348: {  	v60 =	vadd.s32 v4, v50;
	v59 =	vld [tilespmem:s21+$0xFFFFFEB0]  }
0x349: {  	[tilespmem:v52+s15+$0x0] =	vst.idx.msk $0xffff, v51  }
0x34a: {  	[tilespmem:v54+s15+$0x0] =	vst.idx.msk $0xffff, v53  }
0x34b: {  	[tilespmem:v56+s15+$0x0] =	vst.idx.msk $0xffff, v55  }
0x34c: {  	[tilespmem:v58+s15+$0x0] =	vst.idx.msk $0xffff, v57  }
0x34d: {  	[tilespmem:v60+s15+$0x0] =	vst.idx.msk $0xffff, v59  }
0x34e: {  	v52 =	vadd.s32 v5, v50;
	v51 =	vld [tilespmem:s21+$0xFFFFFEC0]  }
0x34f: {  	v54 =	vadd.s32 v6, v50;
	v53 =	vld [tilespmem:s21+$0xFFFFFED0]  }
0x350: {  	v56 =	vadd.s32 v7, v50;
	v55 =	vld [tilespmem:s21+$0xFFFFFEE0]  }
0x351: {  	v58 =	vadd.s32 v8, v50;
	v57 =	vld [tilespmem:s21+$0xFFFFFEF0]  }
0x352: {  	v60 =	vadd.s32 v9, v50;
	v59 =	vld [tilespmem:s21+$0xFFFFFF00]  }
0x353: {  	[tilespmem:v52+s15+$0x0] =	vst.idx.msk $0xffff, v51  }
0x354: {  	[tilespmem:v54+s15+$0x0] =	vst.idx.msk $0xffff, v53  }
0x355: {  	[tilespmem:v56+s15+$0x0] =	vst.idx.msk $0xffff, v55  }
0x356: {  	[tilespmem:v58+s15+$0x0] =	vst.idx.msk $0xffff, v57  }
0x357: {  	[tilespmem:v60+s15+$0x0] =	vst.idx.msk $0xffff, v59  }
0x358: {  	v52 =	vadd.s32 v10, v50;
	v51 =	vld [tilespmem:s21+$0xFFFFFF10]  }
0x359: {  	v54 =	vadd.s32 v11, v50;
	v53 =	vld [tilespmem:s21+$0xFFFFFF20]  }
0x35a: {  	v56 =	vadd.s32 v12, v50;
	v55 =	vld [tilespmem:s21+$0xFFFFFF30]  }
0x35b: {  	v58 =	vadd.s32 v13, v50;
	v57 =	vld [tilespmem:s21+$0xFFFFFF40]  }
0x35c: {  	v60 =	vadd.s32 v14, v50;
	v59 =	vld [tilespmem:s21+$0xFFFFFF50]  }
0x35d: {  	[tilespmem:v52+s15+$0x0] =	vst.idx.msk $0xffff, v51  }
0x35e: {  	[tilespmem:v54+s15+$0x0] =	vst.idx.msk $0xffff, v53  }
0x35f: {  	[tilespmem:v56+s15+$0x0] =	vst.idx.msk $0xffff, v55  }
0x360: {  	[tilespmem:v58+s15+$0x0] =	vst.idx.msk $0xffff, v57  }
0x361: {  	[tilespmem:v60+s15+$0x0] =	vst.idx.msk $0xffff, v59  }
0x362: {  	v52 =	vadd.s32 v15, v50;
	v51 =	vld [tilespmem:s21+$0xFFFFFF60]  }
0x363: {  	v54 =	vadd.s32 v16, v50;
	v53 =	vld [tilespmem:s21+$0xFFFFFF70]  }
0x364: {  	v56 =	vadd.s32 v17, v50;
	v55 =	vld [tilespmem:s21+$0xFFFFFF80]  }
0x365: {  	v58 =	vadd.s32 v18, v50;
	v57 =	vld [tilespmem:s21+$0xFFFFFF90]  }
0x366: {  	v60 =	vadd.s32 v19, v50;
	v59 =	vld [tilespmem:s21+$0xFFFFFFA0]  }
0x367: {  	[tilespmem:v52+s15+$0x0] =	vst.idx.msk $0xffff, v51  }
0x368: {  	[tilespmem:v54+s15+$0x0] =	vst.idx.msk $0xffff, v53  }
0x369: {  	[tilespmem:v56+s15+$0x0] =	vst.idx.msk $0xffff, v55  }
0x36a: {  	[tilespmem:v58+s15+$0x0] =	vst.idx.msk $0xffff, v57  }
0x36b: {  	[tilespmem:v60+s15+$0x0] =	vst.idx.msk $0xffff, v59  }
0x36c: {  	v52 =	vadd.s32 v20, v50;
	v51 =	vld [tilespmem:s21+$0xFFFFFFB0]  }
0x36d: {  	v54 =	vadd.s32 v21, v50;
	v53 =	vld [tilespmem:s21+$0xFFFFFFC0]  }
0x36e: {  	v56 =	vadd.s32 v22, v50;
	v55 =	vld [tilespmem:s21+$0xFFFFFFD0]  }
0x36f: {  	v58 =	vadd.s32 v23, v50;
	v57 =	vld [tilespmem:s21+$0xFFFFFFE0]  }
0x370: {  	v60 =	vadd.s32 v24, v50;
	v59 =	vld [tilespmem:s21+$0xFFFFFFF0]  }
0x371: {  	[tilespmem:v52+s15+$0x0] =	vst.idx.msk $0xffff, v51  }
0x372: {  	[tilespmem:v54+s15+$0x0] =	vst.idx.msk $0xffff, v53  }
0x373: {  	[tilespmem:v56+s15+$0x0] =	vst.idx.msk $0xffff, v55  }
0x374: {  	[tilespmem:v58+s15+$0x0] =	vst.idx.msk $0xffff, v57  }
0x375: {  	[tilespmem:v60+s15+$0x0] =	vst.idx.msk $0xffff, v59  }
0x376: {  	v52 =	vadd.s32 v25, v50;
	v51 =	vld [tilespmem:s21+$0x0]  }
0x377: {  	v54 =	vadd.s32 v26, v50;
	v53 =	vld [tilespmem:s21+$0x10]  }
0x378: {  	v56 =	vadd.s32 v27, v50;
	v55 =	vld [tilespmem:s21+$0x20]  }
0x379: {  	v58 =	vadd.s32 v28, v50;
	v57 =	vld [tilespmem:s21+$0x30]  }
0x37a: {  	v60 =	vadd.s32 v29, v50;
	v59 =	vld [tilespmem:s21+$0x40]  }
0x37b: {  	[tilespmem:v52+s15+$0x0] =	vst.idx.msk $0xffff, v51  }
0x37c: {  	[tilespmem:v54+s15+$0x0] =	vst.idx.msk $0xffff, v53  }
0x37d: {  	[tilespmem:v56+s15+$0x0] =	vst.idx.msk $0xffff, v55  }
0x37e: {  	[tilespmem:v58+s15+$0x0] =	vst.idx.msk $0xffff, v57  }
0x37f: {  	[tilespmem:v60+s15+$0x0] =	vst.idx.msk $0xffff, v59  }
0x380: {  	v52 =	vadd.s32 v30, v50;
	v51 =	vld [tilespmem:s21+$0x50]  }
0x381: {  	v54 =	vadd.s32 v31, v50;
	v53 =	vld [tilespmem:s21+$0x60]  }
0x382: {  	v56 =	vadd.s32 v32, v50;
	v55 =	vld [tilespmem:s21+$0x70]  }
0x383: {  	v58 =	vadd.s32 v33, v50;
	v57 =	vld [tilespmem:s21+$0x80]  }
0x384: {  	v60 =	vadd.s32 v34, v50;
	v59 =	vld [tilespmem:s21+$0x90]  }
0x385: {  	[tilespmem:v52+s15+$0x0] =	vst.idx.msk $0xffff, v51  }
0x386: {  	[tilespmem:v54+s15+$0x0] =	vst.idx.msk $0xffff, v53  }
0x387: {  	[tilespmem:v56+s15+$0x0] =	vst.idx.msk $0xffff, v55  }
0x388: {  	[tilespmem:v58+s15+$0x0] =	vst.idx.msk $0xffff, v57  }
0x389: {  	[tilespmem:v60+s15+$0x0] =	vst.idx.msk $0xffff, v59  }
0x38a: {  	v52 =	vadd.s32 v35, v50;
	v51 =	vld [tilespmem:s21+$0xA0]  }
0x38b: {  	v54 =	vadd.s32 v36, v50;
	v53 =	vld [tilespmem:s21+$0xB0]  }
0x38c: {  	v56 =	vadd.s32 v37, v50;
	v55 =	vld [tilespmem:s21+$0xC0]  }
0x38d: {  	v58 =	vadd.s32 v38, v50;
	v57 =	vld [tilespmem:s21+$0xD0]  }
0x38e: {  	v60 =	vadd.s32 v39, v50;
	v59 =	vld [tilespmem:s21+$0xE0]  }
0x38f: {  	[tilespmem:v52+s15+$0x0] =	vst.idx.msk $0xffff, v51  }
0x390: {  	[tilespmem:v54+s15+$0x0] =	vst.idx.msk $0xffff, v53  }
0x391: {  	[tilespmem:v56+s15+$0x0] =	vst.idx.msk $0xffff, v55  }
0x392: {  	[tilespmem:v58+s15+$0x0] =	vst.idx.msk $0xffff, v57  }
0x393: {  	[tilespmem:v60+s15+$0x0] =	vst.idx.msk $0xffff, v59  }
0x394: {  	v52 =	vadd.s32 v40, v50;
	v51 =	vld [tilespmem:s21+$0xF0]  }
0x395: {  	v54 =	vadd.s32 v41, v50;
	v53 =	vld [tilespmem:s21+$0x100]  }
0x396: {  	v56 =	vadd.s32 v42, v50;
	v55 =	vld [tilespmem:s21+$0x110]  }
0x397: {  	v58 =	vadd.s32 v43, v50;
	v57 =	vld [tilespmem:s21+$0x120]  }
0x398: {  	v60 =	vadd.s32 v44, v50;
	v59 =	vld [tilespmem:s21+$0x130]  }
0x399: {  	[tilespmem:v52+s15+$0x0] =	vst.idx.msk $0xffff, v51  }
0x39a: {  	[tilespmem:v54+s15+$0x0] =	vst.idx.msk $0xffff, v53  }
0x39b: {  	[tilespmem:v56+s15+$0x0] =	vst.idx.msk $0xffff, v55  }
0x39c: {  	[tilespmem:v58+s15+$0x0] =	vst.idx.msk $0xffff, v57  }
0x39d: {  	[tilespmem:v60+s15+$0x0] =	vst.idx.msk $0xffff, v59  }
0x39e: {  	v54 =	vadd.s32 v45, v50;
	v53 =	vld [tilespmem:s21+$0x140]  }
0x39f: {  	v56 =	vadd.s32 v46, v50;
	v55 =	vld [tilespmem:s21+$0x150]  }
0x3a0: {  	v58 =	vadd.s32 v47, v50;
	v57 =	vld [tilespmem:s21+$0x160]  }
0x3a1: {  	v60 =	vadd.s32 v48, v50;
	v59 =	vld [tilespmem:s21+$0x170]  }
.Ltmp4:
0x3a2: {  	v52 =	vadd.s32 v49, v50;
	v51 =	vld [tilespmem:s21+$0x180];
	(pc) =	sbr.rel @p0 .LBB2_10-.Ltmp4, $4  }
0x3a3: {  	[tilespmem:v54+s15+$0x0] =	vst.idx.msk $0xffff, v53  }
0x3a4: {  	[tilespmem:v56+s15+$0x0] =	vst.idx.msk $0xffff, v55  }
0x3a5: {  	[tilespmem:v58+s15+$0x0] =	vst.idx.msk $0xffff, v57  }
0x3a6: {  	v50 =	vmov s23;
	[tilespmem:v60+s15+$0x0] =	vst.idx.msk $0xffff, v59  }
0x3a7: {  	_ =	sdelay $0x3  }
0x3a8: {  	v50 =	vand.u32 $0x1F, v50;
	[tilespmem:v52+s15+$0x0] =	vst.idx.msk $0xffff, v51;
	s21 =	sadd.s32 $0x320, s21  }
0x3a9: {  	v51 =	vld [tilespmem:s21+$0xFFFFFE70];
	v52 =	vadd.s32 v0, v50  }
0x3aa: {  	v53 =	vld [tilespmem:s21+$0xFFFFFE80];
	v54 =	vadd.s32 v1, v50  }
0x3ab: {  	v55 =	vld [tilespmem:s21+$0xFFFFFE90];
	v56 =	vadd.s32 v2, v50  }
0x3ac: {  	v57 =	vld [tilespmem:s21+$0xFFFFFEA0];
	v58 =	vadd.s32 v3, v50  }
0x3ad: {  	v59 =	vld [tilespmem:s21+$0xFFFFFEB0];
	v60 =	vadd.s32 v4, v50  }
0x3ae: {  	[tilespmem:v52+s15+$0x0] =	vst.idx.msk $0xffff, v51  }
0x3af: {  	[tilespmem:v54+s15+$0x0] =	vst.idx.msk $0xffff, v53  }
0x3b0: {  	[tilespmem:v56+s15+$0x0] =	vst.idx.msk $0xffff, v55  }
0x3b1: {  	[tilespmem:v58+s15+$0x0] =	vst.idx.msk $0xffff, v57  }
0x3b2: {  	[tilespmem:v60+s15+$0x0] =	vst.idx.msk $0xffff, v59  }
0x3b3: {  	v52 =	vadd.s32 v5, v50;
	v51 =	vld [tilespmem:s21+$0xFFFFFEC0]  }
0x3b4: {  	v54 =	vadd.s32 v6, v50;
	v53 =	vld [tilespmem:s21+$0xFFFFFED0]  }
0x3b5: {  	v56 =	vadd.s32 v7, v50;
	v55 =	vld [tilespmem:s21+$0xFFFFFEE0]  }
0x3b6: {  	v58 =	vadd.s32 v8, v50;
	v57 =	vld [tilespmem:s21+$0xFFFFFEF0]  }
0x3b7: {  	v60 =	vadd.s32 v9, v50;
	v59 =	vld [tilespmem:s21+$0xFFFFFF00]  }
0x3b8: {  	[tilespmem:v52+s15+$0x0] =	vst.idx.msk $0xffff, v51  }
0x3b9: {  	[tilespmem:v54+s15+$0x0] =	vst.idx.msk $0xffff, v53  }
0x3ba: {  	[tilespmem:v56+s15+$0x0] =	vst.idx.msk $0xffff, v55  }
0x3bb: {  	[tilespmem:v58+s15+$0x0] =	vst.idx.msk $0xffff, v57  }
0x3bc: {  	[tilespmem:v60+s15+$0x0] =	vst.idx.msk $0xffff, v59  }
0x3bd: {  	v52 =	vadd.s32 v10, v50;
	v51 =	vld [tilespmem:s21+$0xFFFFFF10]  }
0x3be: {  	v54 =	vadd.s32 v11, v50;
	v53 =	vld [tilespmem:s21+$0xFFFFFF20]  }
0x3bf: {  	v56 =	vadd.s32 v12, v50;
	v55 =	vld [tilespmem:s21+$0xFFFFFF30]  }
0x3c0: {  	v58 =	vadd.s32 v13, v50;
	v57 =	vld [tilespmem:s21+$0xFFFFFF40]  }
0x3c1: {  	v60 =	vadd.s32 v14, v50;
	v59 =	vld [tilespmem:s21+$0xFFFFFF50]  }
0x3c2: {  	[tilespmem:v52+s15+$0x0] =	vst.idx.msk $0xffff, v51  }
0x3c3: {  	[tilespmem:v54+s15+$0x0] =	vst.idx.msk $0xffff, v53  }
0x3c4: {  	[tilespmem:v56+s15+$0x0] =	vst.idx.msk $0xffff, v55  }
0x3c5: {  	[tilespmem:v58+s15+$0x0] =	vst.idx.msk $0xffff, v57  }
0x3c6: {  	[tilespmem:v60+s15+$0x0] =	vst.idx.msk $0xffff, v59  }
0x3c7: {  	v52 =	vadd.s32 v15, v50;
	v51 =	vld [tilespmem:s21+$0xFFFFFF60]  }
0x3c8: {  	v54 =	vadd.s32 v16, v50;
	v53 =	vld [tilespmem:s21+$0xFFFFFF70]  }
0x3c9: {  	v56 =	vadd.s32 v17, v50;
	v55 =	vld [tilespmem:s21+$0xFFFFFF80]  }
0x3ca: {  	v58 =	vadd.s32 v18, v50;
	v57 =	vld [tilespmem:s21+$0xFFFFFF90]  }
0x3cb: {  	v60 =	vadd.s32 v19, v50;
	v59 =	vld [tilespmem:s21+$0xFFFFFFA0]  }
0x3cc: {  	[tilespmem:v52+s15+$0x0] =	vst.idx.msk $0xffff, v51  }
0x3cd: {  	[tilespmem:v54+s15+$0x0] =	vst.idx.msk $0xffff, v53  }
0x3ce: {  	[tilespmem:v56+s15+$0x0] =	vst.idx.msk $0xffff, v55  }
0x3cf: {  	[tilespmem:v58+s15+$0x0] =	vst.idx.msk $0xffff, v57  }
0x3d0: {  	[tilespmem:v60+s15+$0x0] =	vst.idx.msk $0xffff, v59  }
0x3d1: {  	v52 =	vadd.s32 v20, v50;
	v51 =	vld [tilespmem:s21+$0xFFFFFFB0]  }
0x3d2: {  	v54 =	vadd.s32 v21, v50;
	v53 =	vld [tilespmem:s21+$0xFFFFFFC0]  }
0x3d3: {  	v56 =	vadd.s32 v22, v50;
	v55 =	vld [tilespmem:s21+$0xFFFFFFD0]  }
0x3d4: {  	v58 =	vadd.s32 v23, v50;
	v57 =	vld [tilespmem:s21+$0xFFFFFFE0]  }
0x3d5: {  	v60 =	vadd.s32 v24, v50;
	v59 =	vld [tilespmem:s21+$0xFFFFFFF0]  }
0x3d6: {  	[tilespmem:v52+s15+$0x0] =	vst.idx.msk $0xffff, v51  }
0x3d7: {  	[tilespmem:v54+s15+$0x0] =	vst.idx.msk $0xffff, v53  }
0x3d8: {  	[tilespmem:v56+s15+$0x0] =	vst.idx.msk $0xffff, v55  }
0x3d9: {  	[tilespmem:v58+s15+$0x0] =	vst.idx.msk $0xffff, v57  }
0x3da: {  	[tilespmem:v60+s15+$0x0] =	vst.idx.msk $0xffff, v59  }
0x3db: {  	v52 =	vadd.s32 v25, v50;
	v51 =	vld [tilespmem:s21+$0x0]  }
0x3dc: {  	v54 =	vadd.s32 v26, v50;
	v53 =	vld [tilespmem:s21+$0x10]  }
0x3dd: {  	v56 =	vadd.s32 v27, v50;
	v55 =	vld [tilespmem:s21+$0x20]  }
0x3de: {  	v58 =	vadd.s32 v28, v50;
	v57 =	vld [tilespmem:s21+$0x30]  }
0x3df: {  	v60 =	vadd.s32 v29, v50;
	v59 =	vld [tilespmem:s21+$0x40]  }
0x3e0: {  	[tilespmem:v52+s15+$0x0] =	vst.idx.msk $0xffff, v51  }
0x3e1: {  	[tilespmem:v54+s15+$0x0] =	vst.idx.msk $0xffff, v53  }
0x3e2: {  	[tilespmem:v56+s15+$0x0] =	vst.idx.msk $0xffff, v55  }
0x3e3: {  	[tilespmem:v58+s15+$0x0] =	vst.idx.msk $0xffff, v57  }
0x3e4: {  	[tilespmem:v60+s15+$0x0] =	vst.idx.msk $0xffff, v59  }
0x3e5: {  	v52 =	vadd.s32 v30, v50;
	v51 =	vld [tilespmem:s21+$0x50]  }
0x3e6: {  	v54 =	vadd.s32 v31, v50;
	v53 =	vld [tilespmem:s21+$0x60]  }
0x3e7: {  	v56 =	vadd.s32 v32, v50;
	v55 =	vld [tilespmem:s21+$0x70]  }
0x3e8: {  	v58 =	vadd.s32 v33, v50;
	v57 =	vld [tilespmem:s21+$0x80]  }
0x3e9: {  	v60 =	vadd.s32 v34, v50;
	v59 =	vld [tilespmem:s21+$0x90]  }
0x3ea: {  	[tilespmem:v52+s15+$0x0] =	vst.idx.msk $0xffff, v51  }
0x3eb: {  	[tilespmem:v54+s15+$0x0] =	vst.idx.msk $0xffff, v53  }
0x3ec: {  	[tilespmem:v56+s15+$0x0] =	vst.idx.msk $0xffff, v55  }
0x3ed: {  	[tilespmem:v58+s15+$0x0] =	vst.idx.msk $0xffff, v57  }
0x3ee: {  	[tilespmem:v60+s15+$0x0] =	vst.idx.msk $0xffff, v59  }
0x3ef: {  	v52 =	vadd.s32 v35, v50;
	v51 =	vld [tilespmem:s21+$0xA0]  }
0x3f0: {  	v54 =	vadd.s32 v36, v50;
	v53 =	vld [tilespmem:s21+$0xB0]  }
0x3f1: {  	v56 =	vadd.s32 v37, v50;
	v55 =	vld [tilespmem:s21+$0xC0]  }
0x3f2: {  	v58 =	vadd.s32 v38, v50;
	v57 =	vld [tilespmem:s21+$0xD0]  }
0x3f3: {  	v60 =	vadd.s32 v39, v50;
	v59 =	vld [tilespmem:s21+$0xE0]  }
0x3f4: {  	[tilespmem:v52+s15+$0x0] =	vst.idx.msk $0xffff, v51  }
0x3f5: {  	[tilespmem:v54+s15+$0x0] =	vst.idx.msk $0xffff, v53  }
0x3f6: {  	[tilespmem:v56+s15+$0x0] =	vst.idx.msk $0xffff, v55  }
0x3f7: {  	[tilespmem:v58+s15+$0x0] =	vst.idx.msk $0xffff, v57  }
0x3f8: {  	[tilespmem:v60+s15+$0x0] =	vst.idx.msk $0xffff, v59  }
0x3f9: {  	v52 =	vadd.s32 v40, v50;
	v51 =	vld [tilespmem:s21+$0xF0]  }
0x3fa: {  	v54 =	vadd.s32 v41, v50;
	v53 =	vld [tilespmem:s21+$0x100]  }
0x3fb: {  	v56 =	vadd.s32 v42, v50;
	v55 =	vld [tilespmem:s21+$0x110]  }
0x3fc: {  	v58 =	vadd.s32 v43, v50;
	v57 =	vld [tilespmem:s21+$0x120]  }
0x3fd: {  	v60 =	vadd.s32 v44, v50;
	v59 =	vld [tilespmem:s21+$0x130]  }
0x3fe: {  	[tilespmem:v52+s15+$0x0] =	vst.idx.msk $0xffff, v51  }
0x3ff: {  	[tilespmem:v54+s15+$0x0] =	vst.idx.msk $0xffff, v53  }
0x400: {  	[tilespmem:v56+s15+$0x0] =	vst.idx.msk $0xffff, v55  }
0x401: {  	[tilespmem:v58+s15+$0x0] =	vst.idx.msk $0xffff, v57  }
0x402: {  	[tilespmem:v60+s15+$0x0] =	vst.idx.msk $0xffff, v59  }
0x403: {  	v60 =	vadd.s32 v45, v50;
	v51 =	vld [tilespmem:s21+$0x140]  }
0x404: {  	v61 =	vadd.s32 v46, v50;
	v53 =	vld [tilespmem:s21+$0x150]  }
0x405: {  	v62 =	vadd.s32 v47, v50;
	v55 =	vld [tilespmem:s21+$0x160]  }
0x406: {  	v63 =	vadd.s32 v48, v50;
	v57 =	vld [tilespmem:s21+$0x170]  }
0x407: {  	v50 =	vadd.s32 v49, v50;
	v59 =	vld [tilespmem:s21+$0x180]  }
0x408: {  	[tilespmem:v60+s15+$0x0] =	vst.idx.msk $0xffff, v51  }
0x409: {  	[tilespmem:v61+s15+$0x0] =	vst.idx.msk $0xffff, v53  }
0x40a: {  	[tilespmem:v62+s15+$0x0] =	vst.idx.msk $0xffff, v55  }
0x40b: {  	[tilespmem:v63+s15+$0x0] =	vst.idx.msk $0xffff, v57  }
0x40c: {  	s28 =	simm.s32 $0xE100;
	[tilespmem:v50+s15+$0x0] =	vst.idx.msk $0xffff, v59  }
0x40d: {  	[hbm4b:s7+s2] =	stream.linear.scatter [tilespmem:s28], [sflag:$0x2], $0x20, $0x38;
	[tilespmem:$0x1DB00] =	vst v63  }
0x40e: {  	s29 =	simm.s32 $0xE128;
	s22 =	sadd.s32 $0x10, s7  }
0x40f: {  	[hbm4b:s22+s2] =	stream.linear.scatter [tilespmem:s29], [sflag:$0x2], $0x20, $0x38;
	[tilespmem:$0x1DB00] =	vst v63  }
0x410: {  	s30 =	simm.s32 $0xE150;
	s31 =	sadd.s32 $0x20, s7;
	s23 =	simm.s32 $0xE178  }
0x411: {  	[hbm4b:s31+s2] =	stream.linear.scatter [tilespmem:s30], [sflag:$0x2], $0x20, $0x38;
	[tilespmem:$0x1DB00] =	vst v63  }
0x412: {  	s24 =	sadd.s32 $0x30, s7;
	s25 =	simm.s32 $0xE1A0;
	s26 =	sadd.s32 $0x40, s7  }
0x413: {  	[hbm4b:s24+s2] =	stream.linear.scatter [tilespmem:s23], [sflag:$0x2], $0x20, $0x38;
	[tilespmem:$0x1DB00] =	vst v63  }
0x414: {  	s21 =	simm.s32 $0x140;
	s28 =	simm.s32 $0xE1C8;
	s29 =	sadd.s32 $0x50, s7  }
0x415: {  	[hbm4b:s26+s2] =	stream.linear.scatter [tilespmem:s25], [sflag:$0x2], $0x20, $0x38;
	[tilespmem:$0x1DB00] =	vst v63  }
0x416: {  	s22 =	sadd.s32 $0x1000, s7;
	s30 =	simm.s32 $0xE1F0;
	s31 =	sadd.s32 $0x60, s7  }
0x417: {  	[hbm4b:s29+s2] =	stream.linear.scatter [tilespmem:s28], [sflag:$0x2], $0x20, $0x38;
	[tilespmem:$0x1DB00] =	vst v63  }
0x418: {  	s23 =	simm.s32 $0xA00;
	s24 =	simm.s32 $0xE218;
	s25 =	sadd.s32 $0x70, s7  }
0x419: {  	[hbm4b:s31+s2] =	stream.linear.scatter [tilespmem:s30], [sflag:$0x2], $0x20, $0x38;
	[tilespmem:$0x1DB00] =	vst v63  }
.LBB2_12:
0x41a: {  	[hbm4b:s25+s2] =	stream.linear.scatter [tilespmem:s24], [sflag:$0x2], $0x20, $0x38;
	[tilespmem:$0x1DB00] =	vst v63  }
0x41b: {  	s24 =	smov.u32 s21;
	s21 =	smov.u32 s23  }
0x41c: {  	s26 =	sadd.s32 $0x500, s23;
	s21 =	sshra.s32 s21, $0x2;
	s25 =	sadd.s32 $0xE100, s24  }
0x41d: {  	[hbm4b:s22+s2] =	stream.linear.scatter [tilespmem:s25], [sflag:$0x2], $0x20, $0x38;
	[tilespmem:$0x1DB00] =	vst v63  }
0x41e: {  	p0 =	sne.s32 s23, $0x1EF00;
	s23 =	sadd.s32 $0xE128, s24;
	s25 =	sadd.s32 $0x10, s22  }
0x41f: {  	[hbm4b:s25+s2] =	stream.linear.scatter [tilespmem:s23], [sflag:$0x2], $0x20, $0x38;
	[tilespmem:$0x1DB00] =	vst v63  }
0x420: {  	s23 =	sadd.s32 $0xE150, s24;
	s25 =	sadd.s32 $0x20, s22  }
0x421: {  	[hbm4b:s25+s2] =	stream.linear.scatter [tilespmem:s23], [sflag:$0x2], $0x20, $0x38;
	[tilespmem:$0x1DB00] =	vst v63  }
0x422: {  	s23 =	sadd.s32 $0xE178, s24;
	s25 =	sadd.s32 $0x30, s22  }
0x423: {  	[hbm4b:s25+s2] =	stream.linear.scatter [tilespmem:s23], [sflag:$0x2], $0x20, $0x38;
	[tilespmem:$0x1DB00] =	vst v63  }
0x424: {  	s23 =	sadd.s32 $0xE1A0, s24;
	s25 =	sadd.s32 $0x40, s22  }
0x425: {  	[hbm4b:s25+s2] =	stream.linear.scatter [tilespmem:s23], [sflag:$0x2], $0x20, $0x38;
	[tilespmem:$0x1DB00] =	vst v63  }
.Ltmp5:
0x426: {  	s23 =	sadd.s32 $0xE1C8, s24;
	s25 =	sadd.s32 $0x50, s22;
	(pc) =	sbr.rel @p0 .LBB2_12-.Ltmp5, $4  }
0x427: {  	[hbm4b:s25+s2] =	stream.linear.scatter [tilespmem:s23], [sflag:$0x2], $0x20, $0x38;
	[tilespmem:$0x1DB00] =	vst v63  }
0x428: {  	s23 =	sadd.s32 $0xE1F0, s24;
	s25 =	sadd.s32 $0x60, s22;
	s24 =	sadd.s32 $0xE218, s24  }
0x429: {  	[hbm4b:s25+s2] =	stream.linear.scatter [tilespmem:s23], [sflag:$0x2], $0x20, $0x38;
	[tilespmem:$0x1DB00] =	vst v63  }
0x42a: {  	s25 =	sadd.s32 $0x70, s22;
	s22 =	sadd.s32 $0x1000, s22;
	s23 =	smov.u32 s26  }
0x42b: {  	[hbm4b:s25+s2] =	stream.linear.scatter [tilespmem:s24], [sflag:$0x2], $0x20, $0x38;
	[tilespmem:$0x1DB00] =	vst v63  }
0x42c: {  	s23 =	sadd.s32 $0xE100, s21  }
0x42d: {  	[hbm4b:s22+s2] =	stream.linear.scatter [tilespmem:s23], [sflag:$0x2], $0x20, $0x38;
	[tilespmem:$0x1DB00] =	vst v63  }
0x42e: {  	s28 =	sadd.s32 $0xE128, s21;
	s29 =	sadd.s32 $0x10, s22  }
0x42f: {  	[hbm4b:s29+s2] =	stream.linear.scatter [tilespmem:s28], [sflag:$0x2], $0x20, $0x38;
	[tilespmem:$0x1DB00] =	vst v63  }
0x430: {  	s30 =	sadd.s32 $0xE150, s21;
	s31 =	sadd.s32 $0x20, s22  }
0x431: {  	[hbm4b:s31+s2] =	stream.linear.scatter [tilespmem:s30], [sflag:$0x2], $0x20, $0x38;
	[tilespmem:$0x1DB00] =	vst v63  }
0x432: {  	s25 =	sadd.s32 $0xE178, s21;
	s26 =	sadd.s32 $0x30, s22  }
0x433: {  	[hbm4b:s26+s2] =	stream.linear.scatter [tilespmem:s25], [sflag:$0x2], $0x20, $0x38;
	[tilespmem:$0x1DB00] =	vst v63  }
0x434: {  	s28 =	sadd.s32 $0xE1A0, s21;
	s29 =	sadd.s32 $0x40, s22  }
0x435: {  	[hbm4b:s29+s2] =	stream.linear.scatter [tilespmem:s28], [sflag:$0x2], $0x20, $0x38;
	[tilespmem:$0x1DB00] =	vst v63  }
0x436: {  	s30 =	sadd.s32 $0xE1C8, s21;
	s31 =	sadd.s32 $0x50, s22  }
0x437: {  	[hbm4b:s31+s2] =	stream.linear.scatter [tilespmem:s30], [sflag:$0x2], $0x20, $0x38;
	[tilespmem:$0x1DB00] =	vst v63  }
0x438: {  	s25 =	sadd.s32 $0xE1F0, s21;
	s26 =	sadd.s32 $0x60, s22  }
0x439: {  	[hbm4b:s26+s2] =	stream.linear.scatter [tilespmem:s25], [sflag:$0x2], $0x20, $0x38;
	[tilespmem:$0x1DB00] =	vst v63  }
0x43a: {  	s28 =	sadd.s32 $0xE218, s21;
	s29 =	sadd.s32 $0x70, s22  }
0x43b: {  	[hbm4b:s29+s2] =	stream.linear.scatter [tilespmem:s28], [sflag:$0x2], $0x20, $0x38;
	[tilespmem:$0x1DB00] =	vst v63  }
0x43c: {  	_ =	swait.ge [sflag:s13], $0x6400  }
0x43d: {  	[sflag:s13] =	ssyncset.done $0x0  }
0x43e: {  	[sflag:s13] =	ssyncadd.s32 $0xFFFF9C00  }
0x43f: {  	s30 =	simm.s32 $0x0;
	_ =	swait.ge [sflag:s19], $0x6400  }
0x440: {  	v50 =	vmov s30;
	[sflag:s19] =	ssyncset.done $0x0  }
0x441: {  	s21 =	simm.s32 $0x7E90;
	v50 =	vand.u32 $0x1F, v50;
	[sflag:s19] =	ssyncadd.s32 $0xFFFF9C00  }
0x442: {  	v52 =	vadd.s32 v0, v50;
	v51 =	vld [tilespmem:s21+$0xFFFFFE70]  }
0x443: {  	v54 =	vadd.s32 v1, v50;
	v53 =	vld [tilespmem:s21+$0xFFFFFE80]  }
0x444: {  	v56 =	vadd.s32 v2, v50;
	v55 =	vld [tilespmem:s21+$0xFFFFFE90]  }
0x445: {  	v58 =	vadd.s32 v3, v50;
	v57 =	vld [tilespmem:s21+$0xFFFFFEA0]  }
0x446: {  	v60 =	vadd.s32 v4, v50;
	v59 =	vld [tilespmem:s21+$0xFFFFFEB0]  }
0x447: {  	[tilespmem:v52+s17+$0x0] =	vst.idx.msk $0xffff, v51  }
0x448: {  	[tilespmem:v54+s17+$0x0] =	vst.idx.msk $0xffff, v53  }
0x449: {  	[tilespmem:v56+s17+$0x0] =	vst.idx.msk $0xffff, v55  }
0x44a: {  	[tilespmem:v58+s17+$0x0] =	vst.idx.msk $0xffff, v57  }
0x44b: {  	[tilespmem:v60+s17+$0x0] =	vst.idx.msk $0xffff, v59  }
0x44c: {  	v52 =	vadd.s32 v5, v50;
	v51 =	vld [tilespmem:s21+$0xFFFFFEC0]  }
0x44d: {  	v54 =	vadd.s32 v6, v50;
	v53 =	vld [tilespmem:s21+$0xFFFFFED0]  }
0x44e: {  	v56 =	vadd.s32 v7, v50;
	v55 =	vld [tilespmem:s21+$0xFFFFFEE0]  }
0x44f: {  	v58 =	vadd.s32 v8, v50;
	v57 =	vld [tilespmem:s21+$0xFFFFFEF0]  }
0x450: {  	v60 =	vadd.s32 v9, v50;
	v59 =	vld [tilespmem:s21+$0xFFFFFF00]  }
0x451: {  	[tilespmem:v52+s17+$0x0] =	vst.idx.msk $0xffff, v51  }
0x452: {  	[tilespmem:v54+s17+$0x0] =	vst.idx.msk $0xffff, v53  }
0x453: {  	[tilespmem:v56+s17+$0x0] =	vst.idx.msk $0xffff, v55  }
0x454: {  	[tilespmem:v58+s17+$0x0] =	vst.idx.msk $0xffff, v57  }
0x455: {  	[tilespmem:v60+s17+$0x0] =	vst.idx.msk $0xffff, v59  }
0x456: {  	v52 =	vadd.s32 v10, v50;
	v51 =	vld [tilespmem:s21+$0xFFFFFF10]  }
0x457: {  	v54 =	vadd.s32 v11, v50;
	v53 =	vld [tilespmem:s21+$0xFFFFFF20]  }
0x458: {  	v56 =	vadd.s32 v12, v50;
	v55 =	vld [tilespmem:s21+$0xFFFFFF30]  }
0x459: {  	v58 =	vadd.s32 v13, v50;
	v57 =	vld [tilespmem:s21+$0xFFFFFF40]  }
0x45a: {  	v60 =	vadd.s32 v14, v50;
	v59 =	vld [tilespmem:s21+$0xFFFFFF50]  }
0x45b: {  	[tilespmem:v52+s17+$0x0] =	vst.idx.msk $0xffff, v51  }
0x45c: {  	[tilespmem:v54+s17+$0x0] =	vst.idx.msk $0xffff, v53  }
0x45d: {  	[tilespmem:v56+s17+$0x0] =	vst.idx.msk $0xffff, v55  }
0x45e: {  	[tilespmem:v58+s17+$0x0] =	vst.idx.msk $0xffff, v57  }
0x45f: {  	[tilespmem:v60+s17+$0x0] =	vst.idx.msk $0xffff, v59  }
0x460: {  	v52 =	vadd.s32 v15, v50;
	v51 =	vld [tilespmem:s21+$0xFFFFFF60]  }
0x461: {  	v54 =	vadd.s32 v16, v50;
	v53 =	vld [tilespmem:s21+$0xFFFFFF70]  }
0x462: {  	v56 =	vadd.s32 v17, v50;
	v55 =	vld [tilespmem:s21+$0xFFFFFF80]  }
0x463: {  	v58 =	vadd.s32 v18, v50;
	v57 =	vld [tilespmem:s21+$0xFFFFFF90]  }
0x464: {  	v60 =	vadd.s32 v19, v50;
	v59 =	vld [tilespmem:s21+$0xFFFFFFA0]  }
0x465: {  	[tilespmem:v52+s17+$0x0] =	vst.idx.msk $0xffff, v51  }
0x466: {  	[tilespmem:v54+s17+$0x0] =	vst.idx.msk $0xffff, v53  }
0x467: {  	[tilespmem:v56+s17+$0x0] =	vst.idx.msk $0xffff, v55  }
0x468: {  	[tilespmem:v58+s17+$0x0] =	vst.idx.msk $0xffff, v57  }
0x469: {  	[tilespmem:v60+s17+$0x0] =	vst.idx.msk $0xffff, v59  }
0x46a: {  	v52 =	vadd.s32 v20, v50;
	v51 =	vld [tilespmem:s21+$0xFFFFFFB0]  }
0x46b: {  	v54 =	vadd.s32 v21, v50;
	v53 =	vld [tilespmem:s21+$0xFFFFFFC0]  }
0x46c: {  	v56 =	vadd.s32 v22, v50;
	v55 =	vld [tilespmem:s21+$0xFFFFFFD0]  }
0x46d: {  	v58 =	vadd.s32 v23, v50;
	v57 =	vld [tilespmem:s21+$0xFFFFFFE0]  }
0x46e: {  	v60 =	vadd.s32 v24, v50;
	v59 =	vld [tilespmem:s21+$0xFFFFFFF0]  }
0x46f: {  	[tilespmem:v52+s17+$0x0] =	vst.idx.msk $0xffff, v51  }
0x470: {  	[tilespmem:v54+s17+$0x0] =	vst.idx.msk $0xffff, v53  }
0x471: {  	[tilespmem:v56+s17+$0x0] =	vst.idx.msk $0xffff, v55  }
0x472: {  	[tilespmem:v58+s17+$0x0] =	vst.idx.msk $0xffff, v57  }
0x473: {  	[tilespmem:v60+s17+$0x0] =	vst.idx.msk $0xffff, v59  }
0x474: {  	v52 =	vadd.s32 v25, v50;
	v51 =	vld [tilespmem:s21+$0x0]  }
0x475: {  	v54 =	vadd.s32 v26, v50;
	v53 =	vld [tilespmem:s21+$0x10]  }
0x476: {  	v56 =	vadd.s32 v27, v50;
	v55 =	vld [tilespmem:s21+$0x20]  }
0x477: {  	v58 =	vadd.s32 v28, v50;
	v57 =	vld [tilespmem:s21+$0x30]  }
0x478: {  	v60 =	vadd.s32 v29, v50;
	v59 =	vld [tilespmem:s21+$0x40]  }
0x479: {  	[tilespmem:v52+s17+$0x0] =	vst.idx.msk $0xffff, v51  }
0x47a: {  	[tilespmem:v54+s17+$0x0] =	vst.idx.msk $0xffff, v53  }
0x47b: {  	[tilespmem:v56+s17+$0x0] =	vst.idx.msk $0xffff, v55  }
0x47c: {  	[tilespmem:v58+s17+$0x0] =	vst.idx.msk $0xffff, v57  }
0x47d: {  	[tilespmem:v60+s17+$0x0] =	vst.idx.msk $0xffff, v59  }
0x47e: {  	v52 =	vadd.s32 v30, v50;
	v51 =	vld [tilespmem:s21+$0x50]  }
0x47f: {  	v54 =	vadd.s32 v31, v50;
	v53 =	vld [tilespmem:s21+$0x60]  }
0x480: {  	v56 =	vadd.s32 v32, v50;
	v55 =	vld [tilespmem:s21+$0x70]  }
0x481: {  	v58 =	vadd.s32 v33, v50;
	v57 =	vld [tilespmem:s21+$0x80]  }
0x482: {  	v60 =	vadd.s32 v34, v50;
	v59 =	vld [tilespmem:s21+$0x90]  }
0x483: {  	[tilespmem:v52+s17+$0x0] =	vst.idx.msk $0xffff, v51  }
0x484: {  	[tilespmem:v54+s17+$0x0] =	vst.idx.msk $0xffff, v53  }
0x485: {  	[tilespmem:v56+s17+$0x0] =	vst.idx.msk $0xffff, v55  }
0x486: {  	[tilespmem:v58+s17+$0x0] =	vst.idx.msk $0xffff, v57  }
0x487: {  	[tilespmem:v60+s17+$0x0] =	vst.idx.msk $0xffff, v59  }
0x488: {  	v52 =	vadd.s32 v35, v50;
	v51 =	vld [tilespmem:s21+$0xA0]  }
0x489: {  	v54 =	vadd.s32 v36, v50;
	v53 =	vld [tilespmem:s21+$0xB0]  }
0x48a: {  	v56 =	vadd.s32 v37, v50;
	v55 =	vld [tilespmem:s21+$0xC0]  }
0x48b: {  	v58 =	vadd.s32 v38, v50;
	v57 =	vld [tilespmem:s21+$0xD0]  }
0x48c: {  	v60 =	vadd.s32 v39, v50;
	v59 =	vld [tilespmem:s21+$0xE0]  }
0x48d: {  	[tilespmem:v52+s17+$0x0] =	vst.idx.msk $0xffff, v51  }
0x48e: {  	[tilespmem:v54+s17+$0x0] =	vst.idx.msk $0xffff, v53  }
0x48f: {  	[tilespmem:v56+s17+$0x0] =	vst.idx.msk $0xffff, v55  }
0x490: {  	[tilespmem:v58+s17+$0x0] =	vst.idx.msk $0xffff, v57  }
0x491: {  	[tilespmem:v60+s17+$0x0] =	vst.idx.msk $0xffff, v59  }
0x492: {  	v52 =	vadd.s32 v40, v50;
	v51 =	vld [tilespmem:s21+$0xF0]  }
0x493: {  	v54 =	vadd.s32 v41, v50;
	v53 =	vld [tilespmem:s21+$0x100]  }
0x494: {  	v56 =	vadd.s32 v42, v50;
	v55 =	vld [tilespmem:s21+$0x110]  }
0x495: {  	v58 =	vadd.s32 v43, v50;
	v57 =	vld [tilespmem:s21+$0x120]  }
0x496: {  	v60 =	vadd.s32 v44, v50;
	v59 =	vld [tilespmem:s21+$0x130]  }
0x497: {  	[tilespmem:v52+s17+$0x0] =	vst.idx.msk $0xffff, v51  }
0x498: {  	[tilespmem:v54+s17+$0x0] =	vst.idx.msk $0xffff, v53  }
0x499: {  	[tilespmem:v56+s17+$0x0] =	vst.idx.msk $0xffff, v55  }
0x49a: {  	[tilespmem:v58+s17+$0x0] =	vst.idx.msk $0xffff, v57  }
0x49b: {  	[tilespmem:v60+s17+$0x0] =	vst.idx.msk $0xffff, v59  }
0x49c: {  	v60 =	vadd.s32 v45, v50;
	v52 =	vld [tilespmem:s21+$0x140]  }
0x49d: {  	v61 =	vadd.s32 v46, v50;
	v54 =	vld [tilespmem:s21+$0x150]  }
0x49e: {  	v62 =	vadd.s32 v47, v50;
	v56 =	vld [tilespmem:s21+$0x160]  }
0x49f: {  	v63 =	vadd.s32 v48, v50;
	v58 =	vld [tilespmem:s21+$0x170];
	_ =	sdelay $0x1  }
0x4a0: {  	v51 =	vld [tilespmem:s21+$0x180];
	[tilespmem:v60+s17+$0x0] =	vst.idx.msk $0xffff, v52;
	v52 =	vadd.s32 v49, v50  }
0x4a1: {  	[tilespmem:v61+s17+$0x0] =	vst.idx.msk $0xffff, v54  }
0x4a2: {  	s31 =	simm.s32 $0x1;
	[tilespmem:v62+s17+$0x0] =	vst.idx.msk $0xffff, v56  }
0x4a3: {  	s22 =	simm.s32 $0x2;
	v50 =	vmov s31;
	[tilespmem:v63+s17+$0x0] =	vst.idx.msk $0xffff, v58  }
.LBB2_14:
0x4a4: {  	p0 =	sne.s32 s22, $0x1F  }
0x4a5: {  	v50 =	vand.u32 $0x1F, v50;
	[tilespmem:v52+s17+$0x0] =	vst.idx.msk $0xffff, v51;
	s21 =	sadd.s32 $0x320, s21;
	s23 =	smov.u32 s22;
	s22 =	sadd.s32 $0x1, s22  }
0x4a6: {  	v51 =	vld [tilespmem:s21+$0xFFFFFE70];
	v52 =	vadd.s32 v0, v50  }
0x4a7: {  	v54 =	vadd.s32 v1, v50;
	v53 =	vld [tilespmem:s21+$0xFFFFFE80]  }
0x4a8: {  	v56 =	vadd.s32 v2, v50;
	v55 =	vld [tilespmem:s21+$0xFFFFFE90]  }
0x4a9: {  	v58 =	vadd.s32 v3, v50;
	v57 =	vld [tilespmem:s21+$0xFFFFFEA0]  }
0x4aa: {  	v60 =	vadd.s32 v4, v50;
	v59 =	vld [tilespmem:s21+$0xFFFFFEB0]  }
0x4ab: {  	[tilespmem:v52+s17+$0x0] =	vst.idx.msk $0xffff, v51  }
0x4ac: {  	[tilespmem:v54+s17+$0x0] =	vst.idx.msk $0xffff, v53  }
0x4ad: {  	[tilespmem:v56+s17+$0x0] =	vst.idx.msk $0xffff, v55  }
0x4ae: {  	[tilespmem:v58+s17+$0x0] =	vst.idx.msk $0xffff, v57  }
0x4af: {  	[tilespmem:v60+s17+$0x0] =	vst.idx.msk $0xffff, v59  }
0x4b0: {  	v52 =	vadd.s32 v5, v50;
	v51 =	vld [tilespmem:s21+$0xFFFFFEC0]  }
0x4b1: {  	v54 =	vadd.s32 v6, v50;
	v53 =	vld [tilespmem:s21+$0xFFFFFED0]  }
0x4b2: {  	v56 =	vadd.s32 v7, v50;
	v55 =	vld [tilespmem:s21+$0xFFFFFEE0]  }
0x4b3: {  	v58 =	vadd.s32 v8, v50;
	v57 =	vld [tilespmem:s21+$0xFFFFFEF0]  }
0x4b4: {  	v60 =	vadd.s32 v9, v50;
	v59 =	vld [tilespmem:s21+$0xFFFFFF00]  }
0x4b5: {  	[tilespmem:v52+s17+$0x0] =	vst.idx.msk $0xffff, v51  }
0x4b6: {  	[tilespmem:v54+s17+$0x0] =	vst.idx.msk $0xffff, v53  }
0x4b7: {  	[tilespmem:v56+s17+$0x0] =	vst.idx.msk $0xffff, v55  }
0x4b8: {  	[tilespmem:v58+s17+$0x0] =	vst.idx.msk $0xffff, v57  }
0x4b9: {  	[tilespmem:v60+s17+$0x0] =	vst.idx.msk $0xffff, v59  }
0x4ba: {  	v52 =	vadd.s32 v10, v50;
	v51 =	vld [tilespmem:s21+$0xFFFFFF10]  }
0x4bb: {  	v54 =	vadd.s32 v11, v50;
	v53 =	vld [tilespmem:s21+$0xFFFFFF20]  }
0x4bc: {  	v56 =	vadd.s32 v12, v50;
	v55 =	vld [tilespmem:s21+$0xFFFFFF30]  }
0x4bd: {  	v58 =	vadd.s32 v13, v50;
	v57 =	vld [tilespmem:s21+$0xFFFFFF40]  }
0x4be: {  	v60 =	vadd.s32 v14, v50;
	v59 =	vld [tilespmem:s21+$0xFFFFFF50]  }
0x4bf: {  	[tilespmem:v52+s17+$0x0] =	vst.idx.msk $0xffff, v51  }
0x4c0: {  	[tilespmem:v54+s17+$0x0] =	vst.idx.msk $0xffff, v53  }
0x4c1: {  	[tilespmem:v56+s17+$0x0] =	vst.idx.msk $0xffff, v55  }
0x4c2: {  	[tilespmem:v58+s17+$0x0] =	vst.idx.msk $0xffff, v57  }
0x4c3: {  	[tilespmem:v60+s17+$0x0] =	vst.idx.msk $0xffff, v59  }
0x4c4: {  	v52 =	vadd.s32 v15, v50;
	v51 =	vld [tilespmem:s21+$0xFFFFFF60]  }
0x4c5: {  	v54 =	vadd.s32 v16, v50;
	v53 =	vld [tilespmem:s21+$0xFFFFFF70]  }
0x4c6: {  	v56 =	vadd.s32 v17, v50;
	v55 =	vld [tilespmem:s21+$0xFFFFFF80]  }
0x4c7: {  	v58 =	vadd.s32 v18, v50;
	v57 =	vld [tilespmem:s21+$0xFFFFFF90]  }
0x4c8: {  	v60 =	vadd.s32 v19, v50;
	v59 =	vld [tilespmem:s21+$0xFFFFFFA0]  }
0x4c9: {  	[tilespmem:v52+s17+$0x0] =	vst.idx.msk $0xffff, v51  }
0x4ca: {  	[tilespmem:v54+s17+$0x0] =	vst.idx.msk $0xffff, v53  }
0x4cb: {  	[tilespmem:v56+s17+$0x0] =	vst.idx.msk $0xffff, v55  }
0x4cc: {  	[tilespmem:v58+s17+$0x0] =	vst.idx.msk $0xffff, v57  }
0x4cd: {  	[tilespmem:v60+s17+$0x0] =	vst.idx.msk $0xffff, v59  }
0x4ce: {  	v52 =	vadd.s32 v20, v50;
	v51 =	vld [tilespmem:s21+$0xFFFFFFB0]  }
0x4cf: {  	v54 =	vadd.s32 v21, v50;
	v53 =	vld [tilespmem:s21+$0xFFFFFFC0]  }
0x4d0: {  	v56 =	vadd.s32 v22, v50;
	v55 =	vld [tilespmem:s21+$0xFFFFFFD0]  }
0x4d1: {  	v58 =	vadd.s32 v23, v50;
	v57 =	vld [tilespmem:s21+$0xFFFFFFE0]  }
0x4d2: {  	v60 =	vadd.s32 v24, v50;
	v59 =	vld [tilespmem:s21+$0xFFFFFFF0]  }
0x4d3: {  	[tilespmem:v52+s17+$0x0] =	vst.idx.msk $0xffff, v51  }
0x4d4: {  	[tilespmem:v54+s17+$0x0] =	vst.idx.msk $0xffff, v53  }
0x4d5: {  	[tilespmem:v56+s17+$0x0] =	vst.idx.msk $0xffff, v55  }
0x4d6: {  	[tilespmem:v58+s17+$0x0] =	vst.idx.msk $0xffff, v57  }
0x4d7: {  	[tilespmem:v60+s17+$0x0] =	vst.idx.msk $0xffff, v59  }
0x4d8: {  	v52 =	vadd.s32 v25, v50;
	v51 =	vld [tilespmem:s21+$0x0]  }
0x4d9: {  	v54 =	vadd.s32 v26, v50;
	v53 =	vld [tilespmem:s21+$0x10]  }
0x4da: {  	v56 =	vadd.s32 v27, v50;
	v55 =	vld [tilespmem:s21+$0x20]  }
0x4db: {  	v58 =	vadd.s32 v28, v50;
	v57 =	vld [tilespmem:s21+$0x30]  }
0x4dc: {  	v60 =	vadd.s32 v29, v50;
	v59 =	vld [tilespmem:s21+$0x40]  }
0x4dd: {  	[tilespmem:v52+s17+$0x0] =	vst.idx.msk $0xffff, v51  }
0x4de: {  	[tilespmem:v54+s17+$0x0] =	vst.idx.msk $0xffff, v53  }
0x4df: {  	[tilespmem:v56+s17+$0x0] =	vst.idx.msk $0xffff, v55  }
0x4e0: {  	[tilespmem:v58+s17+$0x0] =	vst.idx.msk $0xffff, v57  }
0x4e1: {  	[tilespmem:v60+s17+$0x0] =	vst.idx.msk $0xffff, v59  }
0x4e2: {  	v52 =	vadd.s32 v30, v50;
	v51 =	vld [tilespmem:s21+$0x50]  }
0x4e3: {  	v54 =	vadd.s32 v31, v50;
	v53 =	vld [tilespmem:s21+$0x60]  }
0x4e4: {  	v56 =	vadd.s32 v32, v50;
	v55 =	vld [tilespmem:s21+$0x70]  }
0x4e5: {  	v58 =	vadd.s32 v33, v50;
	v57 =	vld [tilespmem:s21+$0x80]  }
0x4e6: {  	v60 =	vadd.s32 v34, v50;
	v59 =	vld [tilespmem:s21+$0x90]  }
0x4e7: {  	[tilespmem:v52+s17+$0x0] =	vst.idx.msk $0xffff, v51  }
0x4e8: {  	[tilespmem:v54+s17+$0x0] =	vst.idx.msk $0xffff, v53  }
0x4e9: {  	[tilespmem:v56+s17+$0x0] =	vst.idx.msk $0xffff, v55  }
0x4ea: {  	[tilespmem:v58+s17+$0x0] =	vst.idx.msk $0xffff, v57  }
0x4eb: {  	[tilespmem:v60+s17+$0x0] =	vst.idx.msk $0xffff, v59  }
0x4ec: {  	v52 =	vadd.s32 v35, v50;
	v51 =	vld [tilespmem:s21+$0xA0]  }
0x4ed: {  	v54 =	vadd.s32 v36, v50;
	v53 =	vld [tilespmem:s21+$0xB0]  }
0x4ee: {  	v56 =	vadd.s32 v37, v50;
	v55 =	vld [tilespmem:s21+$0xC0]  }
0x4ef: {  	v58 =	vadd.s32 v38, v50;
	v57 =	vld [tilespmem:s21+$0xD0]  }
0x4f0: {  	v60 =	vadd.s32 v39, v50;
	v59 =	vld [tilespmem:s21+$0xE0]  }
0x4f1: {  	[tilespmem:v52+s17+$0x0] =	vst.idx.msk $0xffff, v51  }
0x4f2: {  	[tilespmem:v54+s17+$0x0] =	vst.idx.msk $0xffff, v53  }
0x4f3: {  	[tilespmem:v56+s17+$0x0] =	vst.idx.msk $0xffff, v55  }
0x4f4: {  	[tilespmem:v58+s17+$0x0] =	vst.idx.msk $0xffff, v57  }
0x4f5: {  	[tilespmem:v60+s17+$0x0] =	vst.idx.msk $0xffff, v59  }
0x4f6: {  	v52 =	vadd.s32 v40, v50;
	v51 =	vld [tilespmem:s21+$0xF0]  }
0x4f7: {  	v54 =	vadd.s32 v41, v50;
	v53 =	vld [tilespmem:s21+$0x100]  }
0x4f8: {  	v56 =	vadd.s32 v42, v50;
	v55 =	vld [tilespmem:s21+$0x110]  }
0x4f9: {  	v58 =	vadd.s32 v43, v50;
	v57 =	vld [tilespmem:s21+$0x120]  }
0x4fa: {  	v60 =	vadd.s32 v44, v50;
	v59 =	vld [tilespmem:s21+$0x130]  }
0x4fb: {  	[tilespmem:v52+s17+$0x0] =	vst.idx.msk $0xffff, v51  }
0x4fc: {  	[tilespmem:v54+s17+$0x0] =	vst.idx.msk $0xffff, v53  }
0x4fd: {  	[tilespmem:v56+s17+$0x0] =	vst.idx.msk $0xffff, v55  }
0x4fe: {  	[tilespmem:v58+s17+$0x0] =	vst.idx.msk $0xffff, v57  }
0x4ff: {  	[tilespmem:v60+s17+$0x0] =	vst.idx.msk $0xffff, v59  }
0x500: {  	v54 =	vadd.s32 v45, v50;
	v53 =	vld [tilespmem:s21+$0x140]  }
0x501: {  	v56 =	vadd.s32 v46, v50;
	v55 =	vld [tilespmem:s21+$0x150]  }
0x502: {  	v58 =	vadd.s32 v47, v50;
	v57 =	vld [tilespmem:s21+$0x160]  }
0x503: {  	v60 =	vadd.s32 v48, v50;
	v59 =	vld [tilespmem:s21+$0x170]  }
.Ltmp6:
0x504: {  	v52 =	vadd.s32 v49, v50;
	v51 =	vld [tilespmem:s21+$0x180];
	(pc) =	sbr.rel @p0 .LBB2_14-.Ltmp6, $4  }
0x505: {  	[tilespmem:v54+s17+$0x0] =	vst.idx.msk $0xffff, v53  }
0x506: {  	[tilespmem:v56+s17+$0x0] =	vst.idx.msk $0xffff, v55  }
0x507: {  	[tilespmem:v58+s17+$0x0] =	vst.idx.msk $0xffff, v57  }
0x508: {  	v50 =	vmov s23;
	[tilespmem:v60+s17+$0x0] =	vst.idx.msk $0xffff, v59  }
0x509: {  	_ =	sdelay $0x3  }
0x50a: {  	v50 =	vand.u32 $0x1F, v50;
	[tilespmem:v52+s17+$0x0] =	vst.idx.msk $0xffff, v51;
	s21 =	sadd.s32 $0x320, s21  }
0x50b: {  	v51 =	vld [tilespmem:s21+$0xFFFFFE70];
	v52 =	vadd.s32 v0, v50  }
0x50c: {  	v53 =	vld [tilespmem:s21+$0xFFFFFE80];
	v54 =	vadd.s32 v1, v50  }
0x50d: {  	v55 =	vld [tilespmem:s21+$0xFFFFFE90];
	v56 =	vadd.s32 v2, v50  }
0x50e: {  	v57 =	vld [tilespmem:s21+$0xFFFFFEA0];
	v58 =	vadd.s32 v3, v50  }
0x50f: {  	v59 =	vld [tilespmem:s21+$0xFFFFFEB0];
	v60 =	vadd.s32 v4, v50  }
0x510: {  	[tilespmem:v52+s17+$0x0] =	vst.idx.msk $0xffff, v51  }
0x511: {  	[tilespmem:v54+s17+$0x0] =	vst.idx.msk $0xffff, v53  }
0x512: {  	[tilespmem:v56+s17+$0x0] =	vst.idx.msk $0xffff, v55  }
0x513: {  	[tilespmem:v58+s17+$0x0] =	vst.idx.msk $0xffff, v57  }
0x514: {  	[tilespmem:v60+s17+$0x0] =	vst.idx.msk $0xffff, v59  }
0x515: {  	v52 =	vadd.s32 v5, v50;
	v51 =	vld [tilespmem:s21+$0xFFFFFEC0]  }
0x516: {  	v54 =	vadd.s32 v6, v50;
	v53 =	vld [tilespmem:s21+$0xFFFFFED0]  }
0x517: {  	v56 =	vadd.s32 v7, v50;
	v55 =	vld [tilespmem:s21+$0xFFFFFEE0]  }
0x518: {  	v58 =	vadd.s32 v8, v50;
	v57 =	vld [tilespmem:s21+$0xFFFFFEF0]  }
0x519: {  	v60 =	vadd.s32 v9, v50;
	v59 =	vld [tilespmem:s21+$0xFFFFFF00]  }
0x51a: {  	[tilespmem:v52+s17+$0x0] =	vst.idx.msk $0xffff, v51  }
0x51b: {  	[tilespmem:v54+s17+$0x0] =	vst.idx.msk $0xffff, v53  }
0x51c: {  	[tilespmem:v56+s17+$0x0] =	vst.idx.msk $0xffff, v55  }
0x51d: {  	[tilespmem:v58+s17+$0x0] =	vst.idx.msk $0xffff, v57  }
0x51e: {  	[tilespmem:v60+s17+$0x0] =	vst.idx.msk $0xffff, v59  }
0x51f: {  	v52 =	vadd.s32 v10, v50;
	v51 =	vld [tilespmem:s21+$0xFFFFFF10]  }
0x520: {  	v54 =	vadd.s32 v11, v50;
	v53 =	vld [tilespmem:s21+$0xFFFFFF20]  }
0x521: {  	v56 =	vadd.s32 v12, v50;
	v55 =	vld [tilespmem:s21+$0xFFFFFF30]  }
0x522: {  	v58 =	vadd.s32 v13, v50;
	v57 =	vld [tilespmem:s21+$0xFFFFFF40]  }
0x523: {  	v60 =	vadd.s32 v14, v50;
	v59 =	vld [tilespmem:s21+$0xFFFFFF50]  }
0x524: {  	[tilespmem:v52+s17+$0x0] =	vst.idx.msk $0xffff, v51  }
0x525: {  	[tilespmem:v54+s17+$0x0] =	vst.idx.msk $0xffff, v53  }
0x526: {  	[tilespmem:v56+s17+$0x0] =	vst.idx.msk $0xffff, v55  }
0x527: {  	[tilespmem:v58+s17+$0x0] =	vst.idx.msk $0xffff, v57  }
0x528: {  	[tilespmem:v60+s17+$0x0] =	vst.idx.msk $0xffff, v59  }
0x529: {  	v52 =	vadd.s32 v15, v50;
	v51 =	vld [tilespmem:s21+$0xFFFFFF60]  }
0x52a: {  	v54 =	vadd.s32 v16, v50;
	v53 =	vld [tilespmem:s21+$0xFFFFFF70]  }
0x52b: {  	v56 =	vadd.s32 v17, v50;
	v55 =	vld [tilespmem:s21+$0xFFFFFF80]  }
0x52c: {  	v58 =	vadd.s32 v18, v50;
	v57 =	vld [tilespmem:s21+$0xFFFFFF90]  }
0x52d: {  	v60 =	vadd.s32 v19, v50;
	v59 =	vld [tilespmem:s21+$0xFFFFFFA0]  }
0x52e: {  	[tilespmem:v52+s17+$0x0] =	vst.idx.msk $0xffff, v51  }
0x52f: {  	[tilespmem:v54+s17+$0x0] =	vst.idx.msk $0xffff, v53  }
0x530: {  	[tilespmem:v56+s17+$0x0] =	vst.idx.msk $0xffff, v55  }
0x531: {  	[tilespmem:v58+s17+$0x0] =	vst.idx.msk $0xffff, v57  }
0x532: {  	[tilespmem:v60+s17+$0x0] =	vst.idx.msk $0xffff, v59  }
0x533: {  	v52 =	vadd.s32 v20, v50;
	v51 =	vld [tilespmem:s21+$0xFFFFFFB0]  }
0x534: {  	v54 =	vadd.s32 v21, v50;
	v53 =	vld [tilespmem:s21+$0xFFFFFFC0]  }
0x535: {  	v56 =	vadd.s32 v22, v50;
	v55 =	vld [tilespmem:s21+$0xFFFFFFD0]  }
0x536: {  	v58 =	vadd.s32 v23, v50;
	v57 =	vld [tilespmem:s21+$0xFFFFFFE0]  }
0x537: {  	v60 =	vadd.s32 v24, v50;
	v59 =	vld [tilespmem:s21+$0xFFFFFFF0]  }
0x538: {  	[tilespmem:v52+s17+$0x0] =	vst.idx.msk $0xffff, v51  }
0x539: {  	[tilespmem:v54+s17+$0x0] =	vst.idx.msk $0xffff, v53  }
0x53a: {  	[tilespmem:v56+s17+$0x0] =	vst.idx.msk $0xffff, v55  }
0x53b: {  	[tilespmem:v58+s17+$0x0] =	vst.idx.msk $0xffff, v57  }
0x53c: {  	[tilespmem:v60+s17+$0x0] =	vst.idx.msk $0xffff, v59  }
0x53d: {  	v52 =	vadd.s32 v25, v50;
	v51 =	vld [tilespmem:s21+$0x0]  }
0x53e: {  	v54 =	vadd.s32 v26, v50;
	v53 =	vld [tilespmem:s21+$0x10]  }
0x53f: {  	v56 =	vadd.s32 v27, v50;
	v55 =	vld [tilespmem:s21+$0x20]  }
0x540: {  	v58 =	vadd.s32 v28, v50;
	v57 =	vld [tilespmem:s21+$0x30]  }
0x541: {  	v60 =	vadd.s32 v29, v50;
	v59 =	vld [tilespmem:s21+$0x40]  }
0x542: {  	[tilespmem:v52+s17+$0x0] =	vst.idx.msk $0xffff, v51  }
0x543: {  	[tilespmem:v54+s17+$0x0] =	vst.idx.msk $0xffff, v53  }
0x544: {  	[tilespmem:v56+s17+$0x0] =	vst.idx.msk $0xffff, v55  }
0x545: {  	[tilespmem:v58+s17+$0x0] =	vst.idx.msk $0xffff, v57  }
0x546: {  	[tilespmem:v60+s17+$0x0] =	vst.idx.msk $0xffff, v59  }
0x547: {  	v52 =	vadd.s32 v30, v50;
	v51 =	vld [tilespmem:s21+$0x50]  }
0x548: {  	v54 =	vadd.s32 v31, v50;
	v53 =	vld [tilespmem:s21+$0x60]  }
0x549: {  	v56 =	vadd.s32 v32, v50;
	v55 =	vld [tilespmem:s21+$0x70]  }
0x54a: {  	v58 =	vadd.s32 v33, v50;
	v57 =	vld [tilespmem:s21+$0x80]  }
0x54b: {  	v60 =	vadd.s32 v34, v50;
	v59 =	vld [tilespmem:s21+$0x90]  }
0x54c: {  	[tilespmem:v52+s17+$0x0] =	vst.idx.msk $0xffff, v51  }
0x54d: {  	[tilespmem:v54+s17+$0x0] =	vst.idx.msk $0xffff, v53  }
0x54e: {  	[tilespmem:v56+s17+$0x0] =	vst.idx.msk $0xffff, v55  }
0x54f: {  	[tilespmem:v58+s17+$0x0] =	vst.idx.msk $0xffff, v57  }
0x550: {  	[tilespmem:v60+s17+$0x0] =	vst.idx.msk $0xffff, v59  }
0x551: {  	v52 =	vadd.s32 v35, v50;
	v51 =	vld [tilespmem:s21+$0xA0]  }
0x552: {  	v54 =	vadd.s32 v36, v50;
	v53 =	vld [tilespmem:s21+$0xB0]  }
0x553: {  	v56 =	vadd.s32 v37, v50;
	v55 =	vld [tilespmem:s21+$0xC0]  }
0x554: {  	v58 =	vadd.s32 v38, v50;
	v57 =	vld [tilespmem:s21+$0xD0]  }
0x555: {  	v60 =	vadd.s32 v39, v50;
	v59 =	vld [tilespmem:s21+$0xE0]  }
0x556: {  	[tilespmem:v52+s17+$0x0] =	vst.idx.msk $0xffff, v51  }
0x557: {  	[tilespmem:v54+s17+$0x0] =	vst.idx.msk $0xffff, v53  }
0x558: {  	[tilespmem:v56+s17+$0x0] =	vst.idx.msk $0xffff, v55  }
0x559: {  	[tilespmem:v58+s17+$0x0] =	vst.idx.msk $0xffff, v57  }
0x55a: {  	[tilespmem:v60+s17+$0x0] =	vst.idx.msk $0xffff, v59  }
0x55b: {  	v52 =	vadd.s32 v40, v50;
	v51 =	vld [tilespmem:s21+$0xF0]  }
0x55c: {  	v54 =	vadd.s32 v41, v50;
	v53 =	vld [tilespmem:s21+$0x100]  }
0x55d: {  	v56 =	vadd.s32 v42, v50;
	v55 =	vld [tilespmem:s21+$0x110]  }
0x55e: {  	v58 =	vadd.s32 v43, v50;
	v57 =	vld [tilespmem:s21+$0x120]  }
0x55f: {  	v60 =	vadd.s32 v44, v50;
	v59 =	vld [tilespmem:s21+$0x130]  }
0x560: {  	[tilespmem:v52+s17+$0x0] =	vst.idx.msk $0xffff, v51  }
0x561: {  	[tilespmem:v54+s17+$0x0] =	vst.idx.msk $0xffff, v53  }
0x562: {  	[tilespmem:v56+s17+$0x0] =	vst.idx.msk $0xffff, v55  }
0x563: {  	[tilespmem:v58+s17+$0x0] =	vst.idx.msk $0xffff, v57  }
0x564: {  	[tilespmem:v60+s17+$0x0] =	vst.idx.msk $0xffff, v59  }
0x565: {  	v60 =	vadd.s32 v45, v50;
	v51 =	vld [tilespmem:s21+$0x140]  }
0x566: {  	v61 =	vadd.s32 v46, v50;
	v53 =	vld [tilespmem:s21+$0x150]  }
0x567: {  	v62 =	vadd.s32 v47, v50;
	v55 =	vld [tilespmem:s21+$0x160]  }
0x568: {  	v63 =	vadd.s32 v48, v50;
	v57 =	vld [tilespmem:s21+$0x170]  }
0x569: {  	v50 =	vadd.s32 v49, v50;
	v59 =	vld [tilespmem:s21+$0x180]  }
0x56a: {  	[tilespmem:v60+s17+$0x0] =	vst.idx.msk $0xffff, v51  }
0x56b: {  	[tilespmem:v61+s17+$0x0] =	vst.idx.msk $0xffff, v53  }
0x56c: {  	[tilespmem:v62+s17+$0x0] =	vst.idx.msk $0xffff, v55  }
0x56d: {  	[tilespmem:v63+s17+$0x0] =	vst.idx.msk $0xffff, v57  }
0x56e: {  	s28 =	simm.s32 $0x15E00;
	[tilespmem:v50+s17+$0x0] =	vst.idx.msk $0xffff, v59  }
0x56f: {  	[hbm4b:s8+s2] =	stream.linear.scatter [tilespmem:s28], [sflag:$0x2], $0x20, $0x38;
	[tilespmem:$0x1DB00] =	vst v63  }
0x570: {  	s29 =	simm.s32 $0x15E28;
	s22 =	sadd.s32 $0x10, s8  }
0x571: {  	[hbm4b:s22+s2] =	stream.linear.scatter [tilespmem:s29], [sflag:$0x2], $0x20, $0x38;
	[tilespmem:$0x1DB00] =	vst v63  }
0x572: {  	s30 =	simm.s32 $0x15E50;
	s31 =	sadd.s32 $0x20, s8;
	s23 =	simm.s32 $0x15E78  }
0x573: {  	[hbm4b:s31+s2] =	stream.linear.scatter [tilespmem:s30], [sflag:$0x2], $0x20, $0x38;
	[tilespmem:$0x1DB00] =	vst v63  }
0x574: {  	s24 =	sadd.s32 $0x30, s8;
	s25 =	simm.s32 $0x15EA0;
	s26 =	sadd.s32 $0x40, s8  }
0x575: {  	[hbm4b:s24+s2] =	stream.linear.scatter [tilespmem:s23], [sflag:$0x2], $0x20, $0x38;
	[tilespmem:$0x1DB00] =	vst v63  }
0x576: {  	s21 =	simm.s32 $0x140;
	s28 =	simm.s32 $0x15EC8;
	s29 =	sadd.s32 $0x50, s8  }
0x577: {  	[hbm4b:s26+s2] =	stream.linear.scatter [tilespmem:s25], [sflag:$0x2], $0x20, $0x38;
	[tilespmem:$0x1DB00] =	vst v63  }
0x578: {  	s22 =	sadd.s32 $0x1000, s8;
	s30 =	simm.s32 $0x15EF0;
	s31 =	sadd.s32 $0x60, s8  }
0x579: {  	[hbm4b:s29+s2] =	stream.linear.scatter [tilespmem:s28], [sflag:$0x2], $0x20, $0x38;
	[tilespmem:$0x1DB00] =	vst v63  }
0x57a: {  	s23 =	simm.s32 $0xA00;
	s24 =	simm.s32 $0x15F18;
	s25 =	sadd.s32 $0x70, s8  }
0x57b: {  	[hbm4b:s31+s2] =	stream.linear.scatter [tilespmem:s30], [sflag:$0x2], $0x20, $0x38;
	[tilespmem:$0x1DB00] =	vst v63  }
.LBB2_16:
0x57c: {  	[hbm4b:s25+s2] =	stream.linear.scatter [tilespmem:s24], [sflag:$0x2], $0x20, $0x38;
	[tilespmem:$0x1DB00] =	vst v63  }
0x57d: {  	s24 =	smov.u32 s21;
	s21 =	smov.u32 s23  }
0x57e: {  	s26 =	sadd.s32 $0x500, s23;
	s21 =	sshra.s32 s21, $0x2;
	s25 =	sadd.s32 $0x15E00, s24  }
0x57f: {  	[hbm4b:s22+s2] =	stream.linear.scatter [tilespmem:s25], [sflag:$0x2], $0x20, $0x38;
	[tilespmem:$0x1DB00] =	vst v63  }
0x580: {  	p0 =	sne.s32 s23, $0x1EF00;
	s23 =	sadd.s32 $0x15E28, s24;
	s25 =	sadd.s32 $0x10, s22  }
0x581: {  	[hbm4b:s25+s2] =	stream.linear.scatter [tilespmem:s23], [sflag:$0x2], $0x20, $0x38;
	[tilespmem:$0x1DB00] =	vst v63  }
0x582: {  	s23 =	sadd.s32 $0x15E50, s24;
	s25 =	sadd.s32 $0x20, s22  }
0x583: {  	[hbm4b:s25+s2] =	stream.linear.scatter [tilespmem:s23], [sflag:$0x2], $0x20, $0x38;
	[tilespmem:$0x1DB00] =	vst v63  }
0x584: {  	s23 =	sadd.s32 $0x15E78, s24;
	s25 =	sadd.s32 $0x30, s22  }
0x585: {  	[hbm4b:s25+s2] =	stream.linear.scatter [tilespmem:s23], [sflag:$0x2], $0x20, $0x38;
	[tilespmem:$0x1DB00] =	vst v63  }
0x586: {  	s23 =	sadd.s32 $0x15EA0, s24;
	s25 =	sadd.s32 $0x40, s22  }
0x587: {  	[hbm4b:s25+s2] =	stream.linear.scatter [tilespmem:s23], [sflag:$0x2], $0x20, $0x38;
	[tilespmem:$0x1DB00] =	vst v63  }
.Ltmp7:
0x588: {  	s23 =	sadd.s32 $0x15EC8, s24;
	s25 =	sadd.s32 $0x50, s22;
	(pc) =	sbr.rel @p0 .LBB2_16-.Ltmp7, $4  }
0x589: {  	[hbm4b:s25+s2] =	stream.linear.scatter [tilespmem:s23], [sflag:$0x2], $0x20, $0x38;
	[tilespmem:$0x1DB00] =	vst v63  }
0x58a: {  	s23 =	sadd.s32 $0x15EF0, s24;
	s25 =	sadd.s32 $0x60, s22;
	s24 =	sadd.s32 $0x15F18, s24  }
0x58b: {  	[hbm4b:s25+s2] =	stream.linear.scatter [tilespmem:s23], [sflag:$0x2], $0x20, $0x38;
	[tilespmem:$0x1DB00] =	vst v63  }
0x58c: {  	s25 =	sadd.s32 $0x70, s22;
	s22 =	sadd.s32 $0x1000, s22;
	s23 =	smov.u32 s26  }
0x58d: {  	[hbm4b:s25+s2] =	stream.linear.scatter [tilespmem:s24], [sflag:$0x2], $0x20, $0x38;
	[tilespmem:$0x1DB00] =	vst v63  }
0x58e: {  	s23 =	sadd.s32 $0x15E00, s21  }
0x58f: {  	[hbm4b:s22+s2] =	stream.linear.scatter [tilespmem:s23], [sflag:$0x2], $0x20, $0x38;
	[tilespmem:$0x1DB00] =	vst v63  }
0x590: {  	s30 =	sadd.s32 $0x15E28, s21;
	s31 =	sadd.s32 $0x10, s22  }
0x591: {  	[hbm4b:s31+s2] =	stream.linear.scatter [tilespmem:s30], [sflag:$0x2], $0x20, $0x38;
	[tilespmem:$0x1DB00] =	vst v63  }
0x592: {  	s25 =	sadd.s32 $0x15E50, s21;
	s26 =	sadd.s32 $0x20, s22  }
0x593: {  	[hbm4b:s26+s2] =	stream.linear.scatter [tilespmem:s25], [sflag:$0x2], $0x20, $0x38;
	[tilespmem:$0x1DB00] =	vst v63  }
0x594: {  	s28 =	sadd.s32 $0x15E78, s21;
	s29 =	sadd.s32 $0x30, s22  }
0x595: {  	[hbm4b:s29+s2] =	stream.linear.scatter [tilespmem:s28], [sflag:$0x2], $0x20, $0x38;
	[tilespmem:$0x1DB00] =	vst v63  }
0x596: {  	s30 =	sadd.s32 $0x15EA0, s21;
	s31 =	sadd.s32 $0x40, s22  }
0x597: {  	[hbm4b:s31+s2] =	stream.linear.scatter [tilespmem:s30], [sflag:$0x2], $0x20, $0x38;
	[tilespmem:$0x1DB00] =	vst v63  }
0x598: {  	s25 =	sadd.s32 $0x15EC8, s21;
	s26 =	sadd.s32 $0x50, s22  }
0x599: {  	[hbm4b:s26+s2] =	stream.linear.scatter [tilespmem:s25], [sflag:$0x2], $0x20, $0x38;
	[tilespmem:$0x1DB00] =	vst v63  }
0x59a: {  	s28 =	sadd.s32 $0x15EF0, s21;
	s29 =	sadd.s32 $0x60, s22  }
0x59b: {  	[hbm4b:s29+s2] =	stream.linear.scatter [tilespmem:s28], [sflag:$0x2], $0x20, $0x38;
	[tilespmem:$0x1DB00] =	vst v63  }
0x59c: {  	s20 =	sadd.s32 $0x1, s20;
	s30 =	sadd.s32 $0x15F18, s21;
	s31 =	sadd.s32 $0x70, s22  }
0x59d: {  	[hbm4b:s31+s2] =	stream.linear.scatter [tilespmem:s30], [sflag:$0x2], $0x20, $0x38;
	[tilespmem:$0x1DB00] =	vst v63  }
0x59e: {  	p0 =	sne.s32 s20, s9;
	_ =	swait.ge [sflag:s19], $0x6400  }
.Ltmp8:
0x59f: {  	[sflag:s19] =	ssyncset.done $0x0;
	(pc) =	sbr.rel @p0 .LBB2_1-.Ltmp8, $4  }
0x5a0: {  	[sflag:s19] =	ssyncadd.s32 $0xFFFF9C00  }
0x5a1: {  	_ =	swait.ge [sflag:s19], $0x6400  }
0x5a2: {  	[sflag:s19] =	ssyncset.done $0x0  }
0x5a3: {  	[sflag:s19] =	ssyncadd.s32 $0xFFFF9C00  }
0x5a4: {  	_ =	sfence.sel $0x180000  }
0x5a5: {  	[bflag:$0x0] =	sbarrier.arrive $0xFFFF  }
0x5a6: {  	p0 =	sne.s32 s0, $0x0;
	_ =	strace $0x90000047  }
0x5a7: {  	s0 =	sadd.s32 @!p0 $0x100000, s1;
	[bflag:$0x2] =	sbarrier.arrive $0xFFFF  }
0x5a8: {  	[sflag:s0] =	ssyncadd.tile.s32 @!p0 $0x1;
	_ =	shalt  }
.Lfunc_end2:
_tile_overlayer_lowered:
.L_overlay_start_2:
0x5a9: {  	(tag) =	ssettag $0x2  }
0x5aa: {  	s0 =	rddreg [dreg:$0x0];
	s2 =	stileid.u32  }
0x5ab: {  	s1 =	rddreg [dreg:$0x1];
	p0 =	sne.s32 s2, $0x0  }
0x5ac: {  	s3 =	rddreg [dreg:$0x2];
	[bflag:$0x3] =	sbarrier.arrive $0xFFFF;
	s2 =	simm.s32 @!p0 $0x1C03  }
0x5ad: {  	[timem:s3], [sflag:s2] =	dma.local @!p0 [hbm:s0], s1  }
0x5ae: {  	s0 =	simm.s32 @!p0 $0x3  }
0x5af: {  	_ =	swait.ge @!p0 [sflag:s0], s1  }
0x5b0: {  	s1 =	ssub.s32 @!p0 $0x0, s1;
	[sflag:s0] =	ssyncset.done @!p0 $0x0  }
0x5b1: {  	[sflag:s0] =	ssyncadd.s32 @!p0 s1  }
0x5b2: {  	[bflag:$0x3] =	sbarrier.arrive $0xFFFF  }
0x5b3: {  	_ =	shalt  }

</sc_bundles>
